<compile_context>
chip_gen: v7x
topology: tpu7x:2x2x1
jax: 0.10.2.dev20260603
libtpu: 0.0.44.dev20260713+nightly
codegen_flags: <defaults>
</compile_context>

<pallas_src>
import functools

import jax
import jax.numpy as jnp
from jax import lax
from jax.experimental import pallas as pl
from jax.experimental.pallas import tpu as pltpu
from jax.experimental.pallas import tpu_sc as plsc

_D = 50
_V = 100
_LANES = 128
_NC = 2
_NS = 16
_NW = _NC * _NS
_CR = 8


@functools.cache
def _build(rows):
    rows_per_w = rows // _NW
    nchunks = rows_per_w // _CR
    mesh = plsc.VectorSubcoreMesh(
        core_axis_name="c", subcore_axis_name="s",
        num_cores=_NC, num_subcores=_NS,
    )

    @functools.partial(
        pl.kernel,
        out_type=jax.ShapeDtypeStruct((_D, rows, _LANES), jnp.float32),
        mesh=mesh,
        scratch_types=[
            pltpu.VMEM((_D * _LANES,), jnp.float32),
            pltpu.VMEM((2, _CR, _LANES), jnp.int32),
            pltpu.VMEM((2, _D, _CR, _LANES), jnp.float32),
            pltpu.SemaphoreType.DMA((2,)),
            pltpu.SemaphoreType.DMA((2,)),
            pltpu.SemaphoreType.DMA,
        ],
        compiler_params=pltpu.CompilerParams(
            needs_layout_passes=False,
            disable_bounds_checks=True,
        ),
    )
    def emb(idx_hbm, table_hbm, out_hbm, table_v, idx_v, out_v,
            sem_i, sem_o, sem_t):
        wid = lax.axis_index("s") * _NC + lax.axis_index("c")
        row0 = wid * rows_per_w
        pltpu.async_copy(table_hbm, table_v, sem_t).wait()
        pltpu.async_copy(idx_hbm.at[pl.ds(row0, _CR)], idx_v.at[0],
                         sem_i.at[0])
        pltpu.async_copy(idx_hbm.at[pl.ds(row0 + _CR, _CR)], idx_v.at[1],
                         sem_i.at[1])

        def chunk_body(c, carry):
            s = c % 2
            r0 = row0 + c * _CR
            pltpu.make_async_copy(
                idx_hbm.at[pl.ds(row0, _CR)], idx_v.at[s], sem_i.at[s]
            ).wait()

            @pl.when(c >= 2)
            def _():
                pltpu.make_async_copy(
                    out_v.at[s], out_hbm.at[:, pl.ds(row0, _CR), :],
                    sem_o.at[s],
                ).wait()

            def row_body(r, carry2):
                idx_vecs = [idx_v[s, r, pl.ds(l * 16, 16)]
                            for l in range(_LANES // 16)]
                for l in range(_LANES // 16):
                    for d0 in range(0, _D, 10):
                        vals = [
                            plsc.load_gather(
                                table_v, [idx_vecs[l] + ((d0 + k) * _LANES)])
                            for k in range(10)
                        ]
                        for k in range(10):
                            out_v[s, d0 + k, r, pl.ds(l * 16, 16)] = vals[k]
                return carry2

            lax.fori_loop(0, _CR, row_body, 0)

            pltpu.async_copy(out_v.at[s], out_hbm.at[:, pl.ds(r0, _CR), :],
                             sem_o.at[s])
            cn = jnp.minimum(c + 2, nchunks - 1)
            pltpu.async_copy(
                idx_hbm.at[pl.ds(row0 + cn * _CR, _CR)], idx_v.at[s],
                sem_i.at[s])
            return carry

        lax.fori_loop(0, nchunks, chunk_body, 0)

        for s in range(2):
            pltpu.make_async_copy(
                out_v.at[s], out_hbm.at[:, pl.ds(row0, _CR), :], sem_o.at[s]
            ).wait()
            pltpu.make_async_copy(
                idx_hbm.at[pl.ds(row0, _CR)], idx_v.at[s], sem_i.at[s]
            ).wait()

    return emb


def kernel(indices, table):
    b, t = indices.shape
    rows = (b * t) // _LANES
    idx_t = indices.T.reshape(rows, _LANES)
    table_t = jnp.pad(table.T, ((0, 0), (0, _LANES - table.shape[0])))
    out3 = _build(rows)(idx_t, table_t.reshape(-1))
    return out3.reshape(_D, t, b).transpose(2, 1, 0)

# --- scband reference (transcript-rebuilt; emitter-appended) ---
"""Pipeline reference for scband-embedding-module-i32-86492051407043 (READ-ONLY COPY).

The authoritative reference and input builder live on the scoring server;
editing this copy changes nothing except your own understanding.
"""

import jax, jax.numpy as jnp
import numpy as np

NUM_EMBEDDINGS = 100
EMBED_DIM = 50
PADDING_IDX = 4

def setup_inputs(seed: int = 0) -> dict:
    key = jax.random.key(seed)
    k1, k2 = jax.random.split(key)
    indices = jax.random.randint(k1, (16384, 200), 0, NUM_EMBEDDINGS, dtype=jnp.int32)
    # Embedding table ~ N(0,1) like torch.nn.Embedding default init;
    # padding_idx row is zeroed as torch does.
    table = jax.random.normal(k2, (NUM_EMBEDDINGS, EMBED_DIM), dtype=jnp.float32)
    table = table.at[PADDING_IDX].set(0.0)
    return {"indices": indices, "table": table}

def reference(indices, table):
    # torch.nn.Embedding forward: pure gather of rows from the table.
    return jnp.take(table, indices, axis=0)

if __name__ == "__main__":
    import jax
    _d = setup_inputs()
    print(jax.jit(kernel)(*tuple(_d.values())))

</pallas_src>

<mosaic_0001>
#map = affine_map<(d0, d1) -> (0, 0)>
#map1 = affine_map<(d0, d1) -> (0)>
#map2 = affine_map<(d0, d1) -> (0, 0, 0)>
module attributes {stable_mosaic.version = 14 : i64} {
  func.func @emb(%arg0: i32, %arg1: i32, %arg2: memref<25600x128xi32, #tpu.memory_space<hbm>>, %arg3: memref<6400xf32, #tpu.memory_space<hbm>>, %arg4: memref<50x25600x128xf32, #tpu.memory_space<hbm>>, %arg5: memref<6400xf32, #tpu.memory_space<vmem>>, %arg6: memref<2x8x128xi32, #tpu.memory_space<vmem>>, %arg7: memref<2x50x8x128xf32, #tpu.memory_space<vmem>>, %arg8: memref<2x!tpu.dma_semaphore, #tpu.memory_space<semaphore_mem>>, %arg9: memref<2x!tpu.dma_semaphore, #tpu.memory_space<semaphore_mem>>, %arg10: memref<!tpu.dma_semaphore, #tpu.memory_space<semaphore_mem>>) attributes {dimension_semantics = [#tpu.dimension_semantics<core_parallel>, #tpu.dimension_semantics<subcore_parallel>], iteration_bounds = array<i64: 2, 16>, scalar_prefetch = 0 : i64, scratch_operands = 6 : i64, tpu.core_type = #tpu.core_type<sc_vector_subcore>, window_params = [{transform_indices = #map}, {transform_indices = #map1}, {transform_indices = #map2}]} {
    %mul3A = arith.constant 2 : i32
    %mul3A_0 = arith.muli %arg1, %mul3A : i32
    %add3A = arith.addi %mul3A_0, %arg0 : i32
    %mul3A_1 = arith.constant 800 : i32
    %mul3A_2 = arith.muli %add3A, %mul3A_1 : i32
    tpu.enqueue_dma source(%arg3 : memref<6400xf32, #tpu.memory_space<hbm>>) target(%arg5 : memref<6400xf32, #tpu.memory_space<vmem>>) target_semaphore(%arg10 : memref<!tpu.dma_semaphore, #tpu.memory_space<semaphore_mem>>)
    tpu.wait_dma2 semaphore(%arg10 : memref<!tpu.dma_semaphore, #tpu.memory_space<semaphore_mem>>) src(%arg3 : memref<6400xf32, #tpu.memory_space<hbm>>) dst(%arg5 : memref<6400xf32, #tpu.memory_space<vmem>>)
    %dma_start3A = arith.constant 0 : i32
    %dma_start3A_3 = arith.constant 0 : i32
    %dma_start3A_4 = arith.constant 0 : i32
    %dma_start3A_5 = arith.constant 0 : i32
    %dma_start3A_6 = tpu.memref_slice %arg6[%dma_start3A, %dma_start3A_4, %dma_start3A_5] : memref<2x8x128xi32, #tpu.memory_space<vmem>> -> memref<1x8x128xi32, #tpu.memory_space<vmem>>
    %dma_start3A_7 = tpu.memref_squeeze %dma_start3A_6 : memref<1x8x128xi32, #tpu.memory_space<vmem>> -> memref<8x128xi32, #tpu.memory_space<vmem>>
    %dma_start3A_8 = arith.constant 0 : i32
    %dma_start3A_9 = tpu.memref_slice %arg2[%mul3A_2, %dma_start3A_8] : memref<25600x128xi32, #tpu.memory_space<hbm>> -> memref<8x128xi32, #tpu.memory_space<hbm>>
    %dma_start3A_10 = tpu.memref_slice %arg8[%dma_start3A_3] : memref<2x!tpu.dma_semaphore, #tpu.memory_space<semaphore_mem>> -> memref<1x!tpu.dma_semaphore, #tpu.memory_space<semaphore_mem>>
    %dma_start3A_11 = tpu.memref_squeeze %dma_start3A_10 : memref<1x!tpu.dma_semaphore, #tpu.memory_space<semaphore_mem>> -> memref<!tpu.dma_semaphore, #tpu.memory_space<semaphore_mem>>
    %dma_start3A_12 = arith.constant 0 : i32
    %dma_start3A_13 = arith.constant 0 : i32
    %dma_start3A_14 = tpu.memref_slice %arg6[%dma_start3A, %dma_start3A_12, %dma_start3A_13] : memref<2x8x128xi32, #tpu.memory_space<vmem>> -> memref<1x8x128xi32, #tpu.memory_space<vmem>>
    %dma_start3A_15 = tpu.memref_squeeze %dma_start3A_14 : memref<1x8x128xi32, #tpu.memory_space<vmem>> -> memref<8x128xi32, #tpu.memory_space<vmem>>
    %dma_start3A_16 = arith.constant 0 : i32
    %dma_start3A_17 = tpu.memref_slice %arg2[%mul3A_2, %dma_start3A_16] : memref<25600x128xi32, #tpu.memory_space<hbm>> -> memref<8x128xi32, #tpu.memory_space<hbm>>
    tpu.enqueue_dma source(%dma_start3A_17 : memref<8x128xi32, #tpu.memory_space<hbm>>) target(%dma_start3A_15 : memref<8x128xi32, #tpu.memory_space<vmem>>) target_semaphore(%dma_start3A_11 : memref<!tpu.dma_semaphore, #tpu.memory_space<semaphore_mem>>)
    %add3A_18 = arith.constant 8 : i32
    %add3A_19 = arith.addi %mul3A_2, %add3A_18 : i32
    %dma_start3A_20 = arith.constant 1 : i32
    %dma_start3A_21 = arith.constant 1 : i32
    %dma_start3A_22 = arith.constant 0 : i32
    %dma_start3A_23 = arith.constant 0 : i32
    %dma_start3A_24 = tpu.memref_slice %arg6[%dma_start3A_20, %dma_start3A_22, %dma_start3A_23] : memref<2x8x128xi32, #tpu.memory_space<vmem>> -> memref<1x8x128xi32, #tpu.memory_space<vmem>>
    %dma_start3A_25 = tpu.memref_squeeze %dma_start3A_24 : memref<1x8x128xi32, #tpu.memory_space<vmem>> -> memref<8x128xi32, #tpu.memory_space<vmem>>
    %dma_start3A_26 = arith.constant 0 : i32
    %dma_start3A_27 = tpu.memref_slice %arg2[%add3A_19, %dma_start3A_26] : memref<25600x128xi32, #tpu.memory_space<hbm>> -> memref<8x128xi32, #tpu.memory_space<hbm>>
    %dma_start3A_28 = tpu.memref_slice %arg8[%dma_start3A_21] : memref<2x!tpu.dma_semaphore, #tpu.memory_space<semaphore_mem>> -> memref<1x!tpu.dma_semaphore, #tpu.memory_space<semaphore_mem>>
    %dma_start3A_29 = tpu.memref_squeeze %dma_start3A_28 : memref<1x!tpu.dma_semaphore, #tpu.memory_space<semaphore_mem>> -> memref<!tpu.dma_semaphore, #tpu.memory_space<semaphore_mem>>
    %dma_start3A_30 = arith.constant 0 : i32
    %dma_start3A_31 = arith.constant 0 : i32
    %dma_start3A_32 = tpu.memref_slice %arg6[%dma_start3A_20, %dma_start3A_30, %dma_start3A_31] : memref<2x8x128xi32, #tpu.memory_space<vmem>> -> memref<1x8x128xi32, #tpu.memory_space<vmem>>
    %dma_start3A_33 = tpu.memref_squeeze %dma_start3A_32 : memref<1x8x128xi32, #tpu.memory_space<vmem>> -> memref<8x128xi32, #tpu.memory_space<vmem>>
    %dma_start3A_34 = arith.constant 0 : i32
    %dma_start3A_35 = tpu.memref_slice %arg2[%add3A_19, %dma_start3A_34] : memref<25600x128xi32, #tpu.memory_space<hbm>> -> memref<8x128xi32, #tpu.memory_space<hbm>>
    tpu.enqueue_dma source(%dma_start3A_35 : memref<8x128xi32, #tpu.memory_space<hbm>>) target(%dma_start3A_33 : memref<8x128xi32, #tpu.memory_space<vmem>>) target_semaphore(%dma_start3A_29 : memref<!tpu.dma_semaphore, #tpu.memory_space<semaphore_mem>>)
    %scan3A = arith.constant 0 : i32
    %scan3A_36 = arith.constant 0 : i32
    %scan3A_37 = arith.constant 100 : i32
    %scan3A_38 = arith.addi %scan3A_36, %scan3A_37 : i32
    %scan3A_39 = arith.constant 1 : i32
    scf.for %scan3A_112 = %scan3A_36 to %scan3A_38 step %scan3A_39  : i32 {
      %jit3A = arith.constant 2 : i32
      %eq3A = arith.constant 0 : i32
      %eq3A_113 = arith.cmpi eq, %jit3A, %eq3A : i32
      %jit3A_114 = arith.constant 1 : i32
      %select_n3A = arith.select %eq3A_113, %jit3A_114, %jit3A : i32
      %rem3A = arith.remsi %scan3A_112, %select_n3A : i32
      %ne3A = arith.constant 0 : i32
      %ne3A_115 = arith.cmpi ne, %rem3A, %ne3A : i32
      %lt3A = arith.constant 0 : i32
      %lt3A_116 = arith.cmpi slt, %rem3A, %lt3A : i32
      %lt3A_117 = arith.constant 0 : i32
      %lt3A_118 = arith.cmpi slt, %select_n3A, %lt3A_117 : i32
      %ne3A_119 = arith.xori %lt3A_116, %lt3A_118 : i1
      %and3A = arith.andi %ne3A_119, %ne3A_115 : i1
      %add3A_120 = arith.addi %rem3A, %select_n3A : i32
      %select_n3A_121 = arith.select %and3A, %add3A_120, %rem3A : i32
      %mul3A_122 = arith.constant 8 : i32
      %mul3A_123 = arith.muli %scan3A_112, %mul3A_122 : i32
      %add3A_124 = arith.addi %mul3A_2, %mul3A_123 : i32
      %dma_wait3A_125 = arith.constant 0 : i32
      %dma_wait3A_126 = arith.constant 0 : i32
      %dma_wait3A_127 = tpu.memref_slice %arg6[%select_n3A_121, %dma_wait3A_125, %dma_wait3A_126] : memref<2x8x128xi32, #tpu.memory_space<vmem>> -> memref<1x8x128xi32, #tpu.memory_space<vmem>>
      %dma_wait3A_128 = tpu.memref_squeeze %dma_wait3A_127 : memref<1x8x128xi32, #tpu.memory_space<vmem>> -> memref<8x128xi32, #tpu.memory_space<vmem>>
      %dma_wait3A_129 = arith.constant 0 : i32
      %dma_wait3A_130 = tpu.memref_slice %arg2[%mul3A_2, %dma_wait3A_129] : memref<25600x128xi32, #tpu.memory_space<hbm>> -> memref<8x128xi32, #tpu.memory_space<hbm>>
      %dma_wait3A_131 = tpu.memref_slice %arg8[%select_n3A_121] : memref<2x!tpu.dma_semaphore, #tpu.memory_space<semaphore_mem>> -> memref<1x!tpu.dma_semaphore, #tpu.memory_space<semaphore_mem>>
      %dma_wait3A_132 = tpu.memref_squeeze %dma_wait3A_131 : memref<1x!tpu.dma_semaphore, #tpu.memory_space<semaphore_mem>> -> memref<!tpu.dma_semaphore, #tpu.memory_space<semaphore_mem>>
      %dma_wait3A_133 = arith.constant 0 : i32
      %dma_wait3A_134 = arith.constant 0 : i32
      %dma_wait3A_135 = tpu.memref_slice %arg6[%select_n3A_121, %dma_wait3A_133, %dma_wait3A_134] : memref<2x8x128xi32, #tpu.memory_space<vmem>> -> memref<1x8x128xi32, #tpu.memory_space<vmem>>
      %dma_wait3A_136 = tpu.memref_squeeze %dma_wait3A_135 : memref<1x8x128xi32, #tpu.memory_space<vmem>> -> memref<8x128xi32, #tpu.memory_space<vmem>>
      %dma_wait3A_137 = arith.constant 0 : i32
      %dma_wait3A_138 = tpu.memref_slice %arg2[%mul3A_2, %dma_wait3A_137] : memref<25600x128xi32, #tpu.memory_space<hbm>> -> memref<8x128xi32, #tpu.memory_space<hbm>>
      tpu.wait_dma2 semaphore(%dma_wait3A_132 : memref<!tpu.dma_semaphore, #tpu.memory_space<semaphore_mem>>) src(%dma_wait3A_138 : memref<8x128xi32, #tpu.memory_space<hbm>>) dst(%dma_wait3A_136 : memref<8x128xi32, #tpu.memory_space<vmem>>)
      %ge3A = arith.constant 2 : i32
      %ge3A_139 = arith.cmpi sge, %scan3A_112, %ge3A : i32
      %convert_element_type3A = arith.extui %ge3A_139 : i1 to i32
      %cond3A = arith.constant 0 : i32
      %cond3A_140 = arith.cmpi ne, %convert_element_type3A, %cond3A : i32
      scf.if %cond3A_140 {
        %dma_wait3A_185 = arith.constant 0 : i32
        %dma_wait3A_186 = arith.constant 0 : i32
        %dma_wait3A_187 = arith.constant 0 : i32
        %dma_wait3A_188 = tpu.memref_slice %arg7[%select_n3A_121, %dma_wait3A_185, %dma_wait3A_186, %dma_wait3A_187] : memref<2x50x8x128xf32, #tpu.memory_space<vmem>> -> memref<1x50x8x128xf32, #tpu.memory_space<vmem>>
        %dma_wait3A_189 = tpu.memref_squeeze %dma_wait3A_188 : memref<1x50x8x128xf32, #tpu.memory_space<vmem>> -> memref<50x8x128xf32, #tpu.memory_space<vmem>>
        %dma_wait3A_190 = arith.constant 0 : i32
        %dma_wait3A_191 = arith.constant 0 : i32
        %dma_wait3A_192 = tpu.memref_slice %arg4[%dma_wait3A_190, %mul3A_2, %dma_wait3A_191] : memref<50x25600x128xf32, #tpu.memory_space<hbm>> -> memref<50x8x128xf32, #tpu.memory_space<hbm>>
        %dma_wait3A_193 = tpu.memref_slice %arg9[%select_n3A_121] : memref<2x!tpu.dma_semaphore, #tpu.memory_space<semaphore_mem>> -> memref<1x!tpu.dma_semaphore, #tpu.memory_space<semaphore_mem>>
        %dma_wait3A_194 = tpu.memref_squeeze %dma_wait3A_193 : memref<1x!tpu.dma_semaphore, #tpu.memory_space<semaphore_mem>> -> memref<!tpu.dma_semaphore, #tpu.memory_space<semaphore_mem>>
        %dma_wait3A_195 = arith.constant 0 : i32
        %dma_wait3A_196 = arith.constant 0 : i32
        %dma_wait3A_197 = tpu.memref_slice %arg4[%dma_wait3A_195, %mul3A_2, %dma_wait3A_196] : memref<50x25600x128xf32, #tpu.memory_space<hbm>> -> memref<50x8x128xf32, #tpu.memory_space<hbm>>
        %dma_wait3A_198 = arith.constant 0 : i32
        %dma_wait3A_199 = arith.constant 0 : i32
        %dma_wait3A_200 = arith.constant 0 : i32
        %dma_wait3A_201 = tpu.memref_slice %arg7[%select_n3A_121, %dma_wait3A_198, %dma_wait3A_199, %dma_wait3A_200] : memref<2x50x8x128xf32, #tpu.memory_space<vmem>> -> memref<1x50x8x128xf32, #tpu.memory_space<vmem>>
        %dma_wait3A_202 = tpu.memref_squeeze %dma_wait3A_201 : memref<1x50x8x128xf32, #tpu.memory_space<vmem>> -> memref<50x8x128xf32, #tpu.memory_space<vmem>>
        tpu.wait_dma2 semaphore(%dma_wait3A_194 : memref<!tpu.dma_semaphore, #tpu.memory_space<semaphore_mem>>) src(%dma_wait3A_202 : memref<50x8x128xf32, #tpu.memory_space<vmem>>) dst(%dma_wait3A_197 : memref<50x8x128xf32, #tpu.memory_space<hbm>>)
      } else {
      }
      %scan3A_141 = arith.constant 0 : i32
      %scan3A_142 = arith.constant 0 : i32
      %scan3A_143 = arith.constant 8 : i32
      %scan3A_144 = arith.addi %scan3A_142, %scan3A_143 : i32
      %scan3A_145 = arith.constant 1 : i32
      scf.for %scan3A_185 = %scan3A_142 to %scan3A_144 step %scan3A_145  : i32 {
        %get3A = arith.index_cast %select_n3A_121 : i32 to index
        %get3A_186 = arith.index_cast %scan3A_185 : i32 to index
        %get3A_187 = arith.constant 0 : index
        %get3A_188 = tpu.vector_load %arg6[%get3A, %get3A_186, %get3A_187] {strides = array<i32>} : memref<2x8x128xi32, #tpu.memory_space<vmem>>, vector<16xi32>,
        %get3A_189 = arith.index_cast %select_n3A_121 : i32 to index
        %get3A_190 = arith.index_cast %scan3A_185 : i32 to index
        %get3A_191 = arith.constant 16 : index
        %get3A_192 = tpu.vector_load %arg6[%get3A_189, %get3A_190, %get3A_191] {strides = array<i32>} : memref<2x8x128xi32, #tpu.memory_space<vmem>>, vector<16xi32>,
        %get3A_193 = arith.index_cast %select_n3A_121 : i32 to index
        %get3A_194 = arith.index_cast %scan3A_185 : i32 to index
        %get3A_195 = arith.constant 32 : index
        %get3A_196 = tpu.vector_load %arg6[%get3A_193, %get3A_194, %get3A_195] {strides = array<i32>} : memref<2x8x128xi32, #tpu.memory_space<vmem>>, vector<16xi32>,
        %get3A_197 = arith.index_cast %select_n3A_121 : i32 to index
        %get3A_198 = arith.index_cast %scan3A_185 : i32 to index
        %get3A_199 = arith.constant 48 : index
        %get3A_200 = tpu.vector_load %arg6[%get3A_197, %get3A_198, %get3A_199] {strides = array<i32>} : memref<2x8x128xi32, #tpu.memory_space<vmem>>, vector<16xi32>,
        %get3A_201 = arith.index_cast %select_n3A_121 : i32 to index
        %get3A_202 = arith.index_cast %scan3A_185 : i32 to index
        %get3A_203 = arith.constant 64 : index
        %get3A_204 = tpu.vector_load %arg6[%get3A_201, %get3A_202, %get3A_203] {strides = array<i32>} : memref<2x8x128xi32, #tpu.memory_space<vmem>>, vector<16xi32>,
        %get3A_205 = arith.index_cast %select_n3A_121 : i32 to index
        %get3A_206 = arith.index_cast %scan3A_185 : i32 to index
        %get3A_207 = arith.constant 80 : index
        %get3A_208 = tpu.vector_load %arg6[%get3A_205, %get3A_206, %get3A_207] {strides = array<i32>} : memref<2x8x128xi32, #tpu.memory_space<vmem>>, vector<16xi32>,
        %get3A_209 = arith.index_cast %select_n3A_121 : i32 to index
        %get3A_210 = arith.index_cast %scan3A_185 : i32 to index
        %get3A_211 = arith.constant 96 : index
        %get3A_212 = tpu.vector_load %arg6[%get3A_209, %get3A_210, %get3A_211] {strides = array<i32>} : memref<2x8x128xi32, #tpu.memory_space<vmem>>, vector<16xi32>,
        %get3A_213 = arith.index_cast %select_n3A_121 : i32 to index
        %get3A_214 = arith.index_cast %scan3A_185 : i32 to index
        %get3A_215 = arith.constant 112 : index
        %get3A_216 = tpu.vector_load %arg6[%get3A_213, %get3A_214, %get3A_215] {strides = array<i32>} : memref<2x8x128xi32, #tpu.memory_space<vmem>>, vector<16xi32>,
        %add3A_217 = arith.constant 0 : i32
        %add3A_218 = vector.broadcast %add3A_217 : i32 to vector<16xi32>
        %add3A_219 = arith.addi %get3A_188, %add3A_218 : vector<16xi32>
        %gather3A = tpu.vector_load_idx %arg5[%add3A_219] : memref<6400xf32, #tpu.memory_space<vmem>>[vector<16xi32>], vector<16xf32>,
        %add3A_220 = arith.constant 128 : i32
        %add3A_221 = vector.broadcast %add3A_220 : i32 to vector<16xi32>
        %add3A_222 = arith.addi %get3A_188, %add3A_221 : vector<16xi32>
        %gather3A_223 = tpu.vector_load_idx %arg5[%add3A_222] : memref<6400xf32, #tpu.memory_space<vmem>>[vector<16xi32>], vector<16xf32>,
        %add3A_224 = arith.constant 256 : i32
        %add3A_225 = vector.broadcast %add3A_224 : i32 to vector<16xi32>
        %add3A_226 = arith.addi %get3A_188, %add3A_225 : vector<16xi32>
        %gather3A_227 = tpu.vector_load_idx %arg5[%add3A_226] : memref<6400xf32, #tpu.memory_space<vmem>>[vector<16xi32>], vector<16xf32>,
        %add3A_228 = arith.constant 384 : i32
        %add3A_229 = vector.broadcast %add3A_228 : i32 to vector<16xi32>
        %add3A_230 = arith.addi %get3A_188, %add3A_229 : vector<16xi32>
        %gather3A_231 = tpu.vector_load_idx %arg5[%add3A_230] : memref<6400xf32, #tpu.memory_space<vmem>>[vector<16xi32>], vector<16xf32>,
        %add3A_232 = arith.constant 512 : i32
        %add3A_233 = vector.broadcast %add3A_232 : i32 to vector<16xi32>
        %add3A_234 = arith.addi %get3A_188, %add3A_233 : vector<16xi32>
        %gather3A_235 = tpu.vector_load_idx %arg5[%add3A_234] : memref<6400xf32, #tpu.memory_space<vmem>>[vector<16xi32>], vector<16xf32>,
        %add3A_236 = arith.constant 640 : i32
        %add3A_237 = vector.broadcast %add3A_236 : i32 to vector<16xi32>
        %add3A_238 = arith.addi %get3A_188, %add3A_237 : vector<16xi32>
        %gather3A_239 = tpu.vector_load_idx %arg5[%add3A_238] : memref<6400xf32, #tpu.memory_space<vmem>>[vector<16xi32>], vector<16xf32>,
        %add3A_240 = arith.constant 768 : i32
        %add3A_241 = vector.broadcast %add3A_240 : i32 to vector<16xi32>
        %add3A_242 = arith.addi %get3A_188, %add3A_241 : vector<16xi32>
        %gather3A_243 = tpu.vector_load_idx %arg5[%add3A_242] : memref<6400xf32, #tpu.memory_space<vmem>>[vector<16xi32>], vector<16xf32>,
        %add3A_244 = arith.constant 896 : i32
        %add3A_245 = vector.broadcast %add3A_244 : i32 to vector<16xi32>
        %add3A_246 = arith.addi %get3A_188, %add3A_245 : vector<16xi32>
        %gather3A_247 = tpu.vector_load_idx %arg5[%add3A_246] : memref<6400xf32, #tpu.memory_space<vmem>>[vector<16xi32>], vector<16xf32>,
        %add3A_248 = arith.constant 1024 : i32
        %add3A_249 = vector.broadcast %add3A_248 : i32 to vector<16xi32>
        %add3A_250 = arith.addi %get3A_188, %add3A_249 : vector<16xi32>
        %gather3A_251 = tpu.vector_load_idx %arg5[%add3A_250] : memref<6400xf32, #tpu.memory_space<vmem>>[vector<16xi32>], vector<16xf32>,
        %add3A_252 = arith.constant 1152 : i32
        %add3A_253 = vector.broadcast %add3A_252 : i32 to vector<16xi32>
        %add3A_254 = arith.addi %get3A_188, %add3A_253 : vector<16xi32>
        %gather3A_255 = tpu.vector_load_idx %arg5[%add3A_254] : memref<6400xf32, #tpu.memory_space<vmem>>[vector<16xi32>], vector<16xf32>,
        %swap3A = arith.constant 0 : i32
        %swap3A_256 = arith.index_cast %select_n3A_121 : i32 to index
        %swap3A_257 = arith.index_cast %swap3A : i32 to index
        %swap3A_258 = arith.index_cast %scan3A_185 : i32 to index
        %swap3A_259 = arith.constant 0 : index
        %swap3A_260 = tpu.vector_load %arg7[%swap3A_256, %swap3A_257, %swap3A_258, %swap3A_259] {strides = array<i32>} : memref<2x50x8x128xf32, #tpu.memory_space<vmem>>, vector<16xf32>,
        tpu.vector_store %arg7[%swap3A_256, %swap3A_257, %swap3A_258, %swap3A_259], %gather3A {strides = array<i32>} : memref<2x50x8x128xf32, #tpu.memory_space<vmem>>, vector<16xf32>,
        %swap3A_261 = arith.constant 1 : i32
        %swap3A_262 = arith.index_cast %select_n3A_121 : i32 to index
        %swap3A_263 = arith.index_cast %swap3A_261 : i32 to index
        %swap3A_264 = arith.index_cast %scan3A_185 : i32 to index
        %swap3A_265 = arith.constant 0 : index
        %swap3A_266 = tpu.vector_load %arg7[%swap3A_262, %swap3A_263, %swap3A_264, %swap3A_265] {strides = array<i32>} : memref<2x50x8x128xf32, #tpu.memory_space<vmem>>, vector<16xf32>,
        tpu.vector_store %arg7[%swap3A_262, %swap3A_263, %swap3A_264, %swap3A_265], %gather3A_223 {strides = array<i32>} : memref<2x50x8x128xf32, #tpu.memory_space<vmem>>, vector<16xf32>,
        %swap3A_267 = arith.constant 2 : i32
        %swap3A_268 = arith.index_cast %select_n3A_121 : i32 to index
        %swap3A_269 = arith.index_cast %swap3A_267 : i32 to index
        %swap3A_270 = arith.index_cast %scan3A_185 : i32 to index
        %swap3A_271 = arith.constant 0 : index
        %swap3A_272 = tpu.vector_load %arg7[%swap3A_268, %swap3A_269, %swap3A_270, %swap3A_271] {strides = array<i32>} : memref<2x50x8x128xf32, #tpu.memory_space<vmem>>, vector<16xf32>,
        tpu.vector_store %arg7[%swap3A_268, %swap3A_269, %swap3A_270, %swap3A_271], %gather3A_227 {strides = array<i32>} : memref<2x50x8x128xf32, #tpu.memory_space<vmem>>, vector<16xf32>,
        %swap3A_273 = arith.constant 3 : i32
        %swap3A_274 = arith.index_cast %select_n3A_121 : i32 to index
        %swap3A_275 = arith.index_cast %swap3A_273 : i32 to index
        %swap3A_276 = arith.index_cast %scan3A_185 : i32 to index
        %swap3A_277 = arith.constant 0 : index
        %swap3A_278 = tpu.vector_load %arg7[%swap3A_274, %swap3A_275, %swap3A_276, %swap3A_277] {strides = array<i32>} : memref<2x50x8x128xf32, #tpu.memory_space<vmem>>, vector<16xf32>,
        tpu.vector_store %arg7[%swap3A_274, %swap3A_275, %swap3A_276, %swap3A_277], %gather3A_231 {strides = array<i32>} : memref<2x50x8x128xf32, #tpu.memory_space<vmem>>, vector<16xf32>,
        %swap3A_279 = arith.constant 4 : i32
        %swap3A_280 = arith.index_cast %select_n3A_121 : i32 to index
        %swap3A_281 = arith.index_cast %swap3A_279 : i32 to index
        %swap3A_282 = arith.index_cast %scan3A_185 : i32 to index
        %swap3A_283 = arith.constant 0 : index
        %swap3A_284 = tpu.vector_load %arg7[%swap3A_280, %swap3A_281, %swap3A_282, %swap3A_283] {strides = array<i32>} : memref<2x50x8x128xf32, #tpu.memory_space<vmem>>, vector<16xf32>,
        tpu.vector_store %arg7[%swap3A_280, %swap3A_281, %swap3A_282, %swap3A_283], %gather3A_235 {strides = array<i32>} : memref<2x50x8x128xf32, #tpu.memory_space<vmem>>, vector<16xf32>,
        %swap3A_285 = arith.constant 5 : i32
        %swap3A_286 = arith.index_cast %select_n3A_121 : i32 to index
        %swap3A_287 = arith.index_cast %swap3A_285 : i32 to index
        %swap3A_288 = arith.index_cast %scan3A_185 : i32 to index
        %swap3A_289 = arith.constant 0 : index
        %swap3A_290 = tpu.vector_load %arg7[%swap3A_286, %swap3A_287, %swap3A_288, %swap3A_289] {strides = array<i32>} : memref<2x50x8x128xf32, #tpu.memory_space<vmem>>, vector<16xf32>,
        tpu.vector_store %arg7[%swap3A_286, %swap3A_287, %swap3A_288, %swap3A_289], %gather3A_239 {strides = array<i32>} : memref<2x50x8x128xf32, #tpu.memory_space<vmem>>, vector<16xf32>,
        %swap3A_291 = arith.constant 6 : i32
        %swap3A_292 = arith.index_cast %select_n3A_121 : i32 to index
        %swap3A_293 = arith.index_cast %swap3A_291 : i32 to index
        %swap3A_294 = arith.index_cast %scan3A_185 : i32 to index
        %swap3A_295 = arith.constant 0 : index
        %swap3A_296 = tpu.vector_load %arg7[%swap3A_292, %swap3A_293, %swap3A_294, %swap3A_295] {strides = array<i32>} : memref<2x50x8x128xf32, #tpu.memory_space<vmem>>, vector<16xf32>,
        tpu.vector_store %arg7[%swap3A_292, %swap3A_293, %swap3A_294, %swap3A_295], %gather3A_243 {strides = array<i32>} : memref<2x50x8x128xf32, #tpu.memory_space<vmem>>, vector<16xf32>,
        %swap3A_297 = arith.constant 7 : i32
        %swap3A_298 = arith.index_cast %select_n3A_121 : i32 to index
        %swap3A_299 = arith.index_cast %swap3A_297 : i32 to index
        %swap3A_300 = arith.index_cast %scan3A_185 : i32 to index
        %swap3A_301 = arith.constant 0 : index
        %swap3A_302 = tpu.vector_load %arg7[%swap3A_298, %swap3A_299, %swap3A_300, %swap3A_301] {strides = array<i32>} : memref<2x50x8x128xf32, #tpu.memory_space<vmem>>, vector<16xf32>,
        tpu.vector_store %arg7[%swap3A_298, %swap3A_299, %swap3A_300, %swap3A_301], %gather3A_247 {strides = array<i32>} : memref<2x50x8x128xf32, #tpu.memory_space<vmem>>, vector<16xf32>,
        %swap3A_303 = arith.constant 8 : i32
        %swap3A_304 = arith.index_cast %select_n3A_121 : i32 to index
        %swap3A_305 = arith.index_cast %swap3A_303 : i32 to index
        %swap3A_306 = arith.index_cast %scan3A_185 : i32 to index
        %swap3A_307 = arith.constant 0 : index
        %swap3A_308 = tpu.vector_load %arg7[%swap3A_304, %swap3A_305, %swap3A_306, %swap3A_307] {strides = array<i32>} : memref<2x50x8x128xf32, #tpu.memory_space<vmem>>, vector<16xf32>,
        tpu.vector_store %arg7[%swap3A_304, %swap3A_305, %swap3A_306, %swap3A_307], %gather3A_251 {strides = array<i32>} : memref<2x50x8x128xf32, #tpu.memory_space<vmem>>, vector<16xf32>,
        %swap3A_309 = arith.constant 9 : i32
        %swap3A_310 = arith.index_cast %select_n3A_121 : i32 to index
        %swap3A_311 = arith.index_cast %swap3A_309 : i32 to index
        %swap3A_312 = arith.index_cast %scan3A_185 : i32 to index
        %swap3A_313 = arith.constant 0 : index
        %swap3A_314 = tpu.vector_load %arg7[%swap3A_310, %swap3A_311, %swap3A_312, %swap3A_313] {strides = array<i32>} : memref<2x50x8x128xf32, #tpu.memory_space<vmem>>, vector<16xf32>,
        tpu.vector_store %arg7[%swap3A_310, %swap3A_311, %swap3A_312, %swap3A_313], %gather3A_255 {strides = array<i32>} : memref<2x50x8x128xf32, #tpu.memory_space<vmem>>, vector<16xf32>,
        %add3A_315 = arith.constant 1280 : i32
        %add3A_316 = vector.broadcast %add3A_315 : i32 to vector<16xi32>
        %add3A_317 = arith.addi %get3A_188, %add3A_316 : vector<16xi32>
        %gather3A_318 = tpu.vector_load_idx %arg5[%add3A_317] : memref<6400xf32, #tpu.memory_space<vmem>>[vector<16xi32>], vector<16xf32>,
        %add3A_319 = arith.constant 1408 : i32
        %add3A_320 = vector.broadcast %add3A_319 : i32 to vector<16xi32>
        %add3A_321 = arith.addi %get3A_188, %add3A_320 : vector<16xi32>
        %gather3A_322 = tpu.vector_load_idx %arg5[%add3A_321] : memref<6400xf32, #tpu.memory_space<vmem>>[vector<16xi32>], vector<16xf32>,
        %add3A_323 = arith.constant 1536 : i32
        %add3A_324 = vector.broadcast %add3A_323 : i32 to vector<16xi32>
        %add3A_325 = arith.addi %get3A_188, %add3A_324 : vector<16xi32>
        %gather3A_326 = tpu.vector_load_idx %arg5[%add3A_325] : memref<6400xf32, #tpu.memory_space<vmem>>[vector<16xi32>], vector<16xf32>,
        %add3A_327 = arith.constant 1664 : i32
        %add3A_328 = vector.broadcast %add3A_327 : i32 to vector<16xi32>
        %add3A_329 = arith.addi %get3A_188, %add3A_328 : vector<16xi32>
        %gather3A_330 = tpu.vector_load_idx %arg5[%add3A_329] : memref<6400xf32, #tpu.memory_space<vmem>>[vector<16xi32>], vector<16xf32>,
        %add3A_331 = arith.constant 1792 : i32
        %add3A_332 = vector.broadcast %add3A_331 : i32 to vector<16xi32>
        %add3A_333 = arith.addi %get3A_188, %add3A_332 : vector<16xi32>
        %gather3A_334 = tpu.vector_load_idx %arg5[%add3A_333] : memref<6400xf32, #tpu.memory_space<vmem>>[vector<16xi32>], vector<16xf32>,
        %add3A_335 = arith.constant 1920 : i32
        %add3A_336 = vector.broadcast %add3A_335 : i32 to vector<16xi32>
        %add3A_337 = arith.addi %get3A_188, %add3A_336 : vector<16xi32>
        %gather3A_338 = tpu.vector_load_idx %arg5[%add3A_337] : memref<6400xf32, #tpu.memory_space<vmem>>[vector<16xi32>], vector<16xf32>,
        %add3A_339 = arith.constant 2048 : i32
        %add3A_340 = vector.broadcast %add3A_339 : i32 to vector<16xi32>
        %add3A_341 = arith.addi %get3A_188, %add3A_340 : vector<16xi32>
        %gather3A_342 = tpu.vector_load_idx %arg5[%add3A_341] : memref<6400xf32, #tpu.memory_space<vmem>>[vector<16xi32>], vector<16xf32>,
        %add3A_343 = arith.constant 2176 : i32
        %add3A_344 = vector.broadcast %add3A_343 : i32 to vector<16xi32>
        %add3A_345 = arith.addi %get3A_188, %add3A_344 : vector<16xi32>
        %gather3A_346 = tpu.vector_load_idx %arg5[%add3A_345] : memref<6400xf32, #tpu.memory_space<vmem>>[vector<16xi32>], vector<16xf32>,
        %add3A_347 = arith.constant 2304 : i32
        %add3A_348 = vector.broadcast %add3A_347 : i32 to vector<16xi32>
        %add3A_349 = arith.addi %get3A_188, %add3A_348 : vector<16xi32>
        %gather3A_350 = tpu.vector_load_idx %arg5[%add3A_349] : memref<6400xf32, #tpu.memory_space<vmem>>[vector<16xi32>], vector<16xf32>,
        %add3A_351 = arith.constant 2432 : i32
        %add3A_352 = vector.broadcast %add3A_351 : i32 to vector<16xi32>
        %add3A_353 = arith.addi %get3A_188, %add3A_352 : vector<16xi32>
        %gather3A_354 = tpu.vector_load_idx %arg5[%add3A_353] : memref<6400xf32, #tpu.memory_space<vmem>>[vector<16xi32>], vector<16xf32>,
        %swap3A_355 = arith.constant 10 : i32
        %swap3A_356 = arith.index_cast %select_n3A_121 : i32 to index
        %swap3A_357 = arith.index_cast %swap3A_355 : i32 to index
        %swap3A_358 = arith.index_cast %scan3A_185 : i32 to index
        %swap3A_359 = arith.constant 0 : index
        %swap3A_360 = tpu.vector_load %arg7[%swap3A_356, %swap3A_357, %swap3A_358, %swap3A_359] {strides = array<i32>} : memref<2x50x8x128xf32, #tpu.memory_space<vmem>>, vector<16xf32>,
        tpu.vector_store %arg7[%swap3A_356, %swap3A_357, %swap3A_358, %swap3A_359], %gather3A_318 {strides = array<i32>} : memref<2x50x8x128xf32, #tpu.memory_space<vmem>>, vector<16xf32>,
        %swap3A_361 = arith.constant 11 : i32
        %swap3A_362 = arith.index_cast %select_n3A_121 : i32 to index
        %swap3A_363 = arith.index_cast %swap3A_361 : i32 to index
        %swap3A_364 = arith.index_cast %scan3A_185 : i32 to index
        %swap3A_365 = arith.constant 0 : index
        %swap3A_366 = tpu.vector_load %arg7[%swap3A_362, %swap3A_363, %swap3A_364, %swap3A_365] {strides = array<i32>} : memref<2x50x8x128xf32, #tpu.memory_space<vmem>>, vector<16xf32>,
        tpu.vector_store %arg7[%swap3A_362, %swap3A_363, %swap3A_364, %swap3A_365], %gather3A_322 {strides = array<i32>} : memref<2x50x8x128xf32, #tpu.memory_space<vmem>>, vector<16xf32>,
        %swap3A_367 = arith.constant 12 : i32
        %swap3A_368 = arith.index_cast %select_n3A_121 : i32 to index
        %swap3A_369 = arith.index_cast %swap3A_367 : i32 to index
        %swap3A_370 = arith.index_cast %scan3A_185 : i32 to index
        %swap3A_371 = arith.constant 0 : index
        %swap3A_372 = tpu.vector_load %arg7[%swap3A_368, %swap3A_369, %swap3A_370, %swap3A_371] {strides = array<i32>} : memref<2x50x8x128xf32, #tpu.memory_space<vmem>>, vector<16xf32>,
        tpu.vector_store %arg7[%swap3A_368, %swap3A_369, %swap3A_370, %swap3A_371], %gather3A_326 {strides = array<i32>} : memref<2x50x8x128xf32, #tpu.memory_space<vmem>>, vector<16xf32>,
        %swap3A_373 = arith.constant 13 : i32
        %swap3A_374 = arith.index_cast %select_n3A_121 : i32 to index
        %swap3A_375 = arith.index_cast %swap3A_373 : i32 to index
        %swap3A_376 = arith.index_cast %scan3A_185 : i32 to index
        %swap3A_377 = arith.constant 0 : index
        %swap3A_378 = tpu.vector_load %arg7[%swap3A_374, %swap3A_375, %swap3A_376, %swap3A_377] {strides = array<i32>} : memref<2x50x8x128xf32, #tpu.memory_space<vmem>>, vector<16xf32>,
        tpu.vector_store %arg7[%swap3A_374, %swap3A_375, %swap3A_376, %swap3A_377], %gather3A_330 {strides = array<i32>} : memref<2x50x8x128xf32, #tpu.memory_space<vmem>>, vector<16xf32>,
        %swap3A_379 = arith.constant 14 : i32
        %swap3A_380 = arith.index_cast %select_n3A_121 : i32 to index
        %swap3A_381 = arith.index_cast %swap3A_379 : i32 to index
        %swap3A_382 = arith.index_cast %scan3A_185 : i32 to index
        %swap3A_383 = arith.constant 0 : index
        %swap3A_384 = tpu.vector_load %arg7[%swap3A_380, %swap3A_381, %swap3A_382, %swap3A_383] {strides = array<i32>} : memref<2x50x8x128xf32, #tpu.memory_space<vmem>>, vector<16xf32>,
        tpu.vector_store %arg7[%swap3A_380, %swap3A_381, %swap3A_382, %swap3A_383], %gather3A_334 {strides = array<i32>} : memref<2x50x8x128xf32, #tpu.memory_space<vmem>>, vector<16xf32>,
        %swap3A_385 = arith.constant 15 : i32
        %swap3A_386 = arith.index_cast %select_n3A_121 : i32 to index
        %swap3A_387 = arith.index_cast %swap3A_385 : i32 to index
        %swap3A_388 = arith.index_cast %scan3A_185 : i32 to index
        %swap3A_389 = arith.constant 0 : index
        %swap3A_390 = tpu.vector_load %arg7[%swap3A_386, %swap3A_387, %swap3A_388, %swap3A_389] {strides = array<i32>} : memref<2x50x8x128xf32, #tpu.memory_space<vmem>>, vector<16xf32>,
        tpu.vector_store %arg7[%swap3A_386, %swap3A_387, %swap3A_388, %swap3A_389], %gather3A_338 {strides = array<i32>} : memref<2x50x8x128xf32, #tpu.memory_space<vmem>>, vector<16xf32>,
        %swap3A_391 = arith.constant 16 : i32
        %swap3A_392 = arith.index_cast %select_n3A_121 : i32 to index
        %swap3A_393 = arith.index_cast %swap3A_391 : i32 to index
        %swap3A_394 = arith.index_cast %scan3A_185 : i32 to index
        %swap3A_395 = arith.constant 0 : index
        %swap3A_396 = tpu.vector_load %arg7[%swap3A_392, %swap3A_393, %swap3A_394, %swap3A_395] {strides = array<i32>} : memref<2x50x8x128xf32, #tpu.memory_space<vmem>>, vector<16xf32>,
        tpu.vector_store %arg7[%swap3A_392, %swap3A_393, %swap3A_394, %swap3A_395], %gather3A_342 {strides = array<i32>} : memref<2x50x8x128xf32, #tpu.memory_space<vmem>>, vector<16xf32>,
        %swap3A_397 = arith.constant 17 : i32
        %swap3A_398 = arith.index_cast %select_n3A_121 : i32 to index
        %swap3A_399 = arith.index_cast %swap3A_397 : i32 to index
        %swap3A_400 = arith.index_cast %scan3A_185 : i32 to index
        %swap3A_401 = arith.constant 0 : index
        %swap3A_402 = tpu.vector_load %arg7[%swap3A_398, %swap3A_399, %swap3A_400, %swap3A_401] {strides = array<i32>} : memref<2x50x8x128xf32, #tpu.memory_space<vmem>>, vector<16xf32>,
        tpu.vector_store %arg7[%swap3A_398, %swap3A_399, %swap3A_400, %swap3A_401], %gather3A_346 {strides = array<i32>} : memref<2x50x8x128xf32, #tpu.memory_space<vmem>>, vector<16xf32>,
        %swap3A_403 = arith.constant 18 : i32
        %swap3A_404 = arith.index_cast %select_n3A_121 : i32 to index
        %swap3A_405 = arith.index_cast %swap3A_403 : i32 to index
        %swap3A_406 = arith.index_cast %scan3A_185 : i32 to index
        %swap3A_407 = arith.constant 0 : index
        %swap3A_408 = tpu.vector_load %arg7[%swap3A_404, %swap3A_405, %swap3A_406, %swap3A_407] {strides = array<i32>} : memref<2x50x8x128xf32, #tpu.memory_space<vmem>>, vector<16xf32>,
        tpu.vector_store %arg7[%swap3A_404, %swap3A_405, %swap3A_406, %swap3A_407], %gather3A_350 {strides = array<i32>} : memref<2x50x8x128xf32, #tpu.memory_space<vmem>>, vector<16xf32>,
        %swap3A_409 = arith.constant 19 : i32
        %swap3A_410 = arith.index_cast %select_n3A_121 : i32 to index
        %swap3A_411 = arith.index_cast %swap3A_409 : i32 to index
        %swap3A_412 = arith.index_cast %scan3A_185 : i32 to index
        %swap3A_413 = arith.constant 0 : index
        %swap3A_414 = tpu.vector_load %arg7[%swap3A_410, %swap3A_411, %swap3A_412, %swap3A_413] {strides = array<i32>} : memref<2x50x8x128xf32, #tpu.memory_space<vmem>>, vector<16xf32>,
        tpu.vector_store %arg7[%swap3A_410, %swap3A_411, %swap3A_412, %swap3A_413], %gather3A_354 {strides = array<i32>} : memref<2x50x8x128xf32, #tpu.memory_space<vmem>>, vector<16xf32>,
        %add3A_415 = arith.constant 2560 : i32
        %add3A_416 = vector.broadcast %add3A_415 : i32 to vector<16xi32>
        %add3A_417 = arith.addi %get3A_188, %add3A_416 : vector<16xi32>
        %gather3A_418 = tpu.vector_load_idx %arg5[%add3A_417] : memref<6400xf32, #tpu.memory_space<vmem>>[vector<16xi32>], vector<16xf32>,
        %add3A_419 = arith.constant 2688 : i32
        %add3A_420 = vector.broadcast %add3A_419 : i32 to vector<16xi32>
        %add3A_421 = arith.addi %get3A_188, %add3A_420 : vector<16xi32>
        %gather3A_422 = tpu.vector_load_idx %arg5[%add3A_421] : memref<6400xf32, #tpu.memory_space<vmem>>[vector<16xi32>], vector<16xf32>,
        %add3A_423 = arith.constant 2816 : i32
        %add3A_424 = vector.broadcast %add3A_423 : i32 to vector<16xi32>
        %add3A_425 = arith.addi %get3A_188, %add3A_424 : vector<16xi32>
        %gather3A_426 = tpu.vector_load_idx %arg5[%add3A_425] : memref<6400xf32, #tpu.memory_space<vmem>>[vector<16xi32>], vector<16xf32>,
        %add3A_427 = arith.constant 2944 : i32
        %add3A_428 = vector.broadcast %add3A_427 : i32 to vector<16xi32>
        %add3A_429 = arith.addi %get3A_188, %add3A_428 : vector<16xi32>
        %gather3A_430 = tpu.vector_load_idx %arg5[%add3A_429] : memref<6400xf32, #tpu.memory_space<vmem>>[vector<16xi32>], vector<16xf32>,
        %add3A_431 = arith.constant 3072 : i32
        %add3A_432 = vector.broadcast %add3A_431 : i32 to vector<16xi32>
        %add3A_433 = arith.addi %get3A_188, %add3A_432 : vector<16xi32>
        %gather3A_434 = tpu.vector_load_idx %arg5[%add3A_433] : memref<6400xf32, #tpu.memory_space<vmem>>[vector<16xi32>], vector<16xf32>,
        %add3A_435 = arith.constant 3200 : i32
        %add3A_436 = vector.broadcast %add3A_435 : i32 to vector<16xi32>
        %add3A_437 = arith.addi %get3A_188, %add3A_436 : vector<16xi32>
        %gather3A_438 = tpu.vector_load_idx %arg5[%add3A_437] : memref<6400xf32, #tpu.memory_space<vmem>>[vector<16xi32>], vector<16xf32>,
        %add3A_439 = arith.constant 3328 : i32
        %add3A_440 = vector.broadcast %add3A_439 : i32 to vector<16xi32>
        %add3A_441 = arith.addi %get3A_188, %add3A_440 : vector<16xi32>
        %gather3A_442 = tpu.vector_load_idx %arg5[%add3A_441] : memref<6400xf32, #tpu.memory_space<vmem>>[vector<16xi32>], vector<16xf32>,
        %add3A_443 = arith.constant 3456 : i32
        %add3A_444 = vector.broadcast %add3A_443 : i32 to vector<16xi32>
        %add3A_445 = arith.addi %get3A_188, %add3A_444 : vector<16xi32>
        %gather3A_446 = tpu.vector_load_idx %arg5[%add3A_445] : memref<6400xf32, #tpu.memory_space<vmem>>[vector<16xi32>], vector<16xf32>,
        %add3A_447 = arith.constant 3584 : i32
        %add3A_448 = vector.broadcast %add3A_447 : i32 to vector<16xi32>
        %add3A_449 = arith.addi %get3A_188, %add3A_448 : vector<16xi32>
        %gather3A_450 = tpu.vector_load_idx %arg5[%add3A_449] : memref<6400xf32, #tpu.memory_space<vmem>>[vector<16xi32>], vector<16xf32>,
        %add3A_451 = arith.constant 3712 : i32
        %add3A_452 = vector.broadcast %add3A_451 : i32 to vector<16xi32>
        %add3A_453 = arith.addi %get3A_188, %add3A_452 : vector<16xi32>
        %gather3A_454 = tpu.vector_load_idx %arg5[%add3A_453] : memref<6400xf32, #tpu.memory_space<vmem>>[vector<16xi32>], vector<16xf32>,
        %swap3A_455 = arith.constant 20 : i32
        %swap3A_456 = arith.index_cast %select_n3A_121 : i32 to index
        %swap3A_457 = arith.index_cast %swap3A_455 : i32 to index
        %swap3A_458 = arith.index_cast %scan3A_185 : i32 to index
        %swap3A_459 = arith.constant 0 : index
        %swap3A_460 = tpu.vector_load %arg7[%swap3A_456, %swap3A_457, %swap3A_458, %swap3A_459] {strides = array<i32>} : memref<2x50x8x128xf32, #tpu.memory_space<vmem>>, vector<16xf32>,
        tpu.vector_store %arg7[%swap3A_456, %swap3A_457, %swap3A_458, %swap3A_459], %gather3A_418 {strides = array<i32>} : memref<2x50x8x128xf32, #tpu.memory_space<vmem>>, vector<16xf32>,
        %swap3A_461 = arith.constant 21 : i32
        %swap3A_462 = arith.index_cast %select_n3A_121 : i32 to index
        %swap3A_463 = arith.index_cast %swap3A_461 : i32 to index
        %swap3A_464 = arith.index_cast %scan3A_185 : i32 to index
        %swap3A_465 = arith.constant 0 : index
        %swap3A_466 = tpu.vector_load %arg7[%swap3A_462, %swap3A_463, %swap3A_464, %swap3A_465] {strides = array<i32>} : memref<2x50x8x128xf32, #tpu.memory_space<vmem>>, vector<16xf32>,
        tpu.vector_store %arg7[%swap3A_462, %swap3A_463, %swap3A_464, %swap3A_465], %gather3A_422 {strides = array<i32>} : memref<2x50x8x128xf32, #tpu.memory_space<vmem>>, vector<16xf32>,
        %swap3A_467 = arith.constant 22 : i32
        %swap3A_468 = arith.index_cast %select_n3A_121 : i32 to index
        %swap3A_469 = arith.index_cast %swap3A_467 : i32 to index
        %swap3A_470 = arith.index_cast %scan3A_185 : i32 to index
        %swap3A_471 = arith.constant 0 : index
        %swap3A_472 = tpu.vector_load %arg7[%swap3A_468, %swap3A_469, %swap3A_470, %swap3A_471] {strides = array<i32>} : memref<2x50x8x128xf32, #tpu.memory_space<vmem>>, vector<16xf32>,
        tpu.vector_store %arg7[%swap3A_468, %swap3A_469, %swap3A_470, %swap3A_471], %gather3A_426 {strides = array<i32>} : memref<2x50x8x128xf32, #tpu.memory_space<vmem>>, vector<16xf32>,
        %swap3A_473 = arith.constant 23 : i32
        %swap3A_474 = arith.index_cast %select_n3A_121 : i32 to index
        %swap3A_475 = arith.index_cast %swap3A_473 : i32 to index
        %swap3A_476 = arith.index_cast %scan3A_185 : i32 to index
        %swap3A_477 = arith.constant 0 : index
        %swap3A_478 = tpu.vector_load %arg7[%swap3A_474, %swap3A_475, %swap3A_476, %swap3A_477] {strides = array<i32>} : memref<2x50x8x128xf32, #tpu.memory_space<vmem>>, vector<16xf32>,
        tpu.vector_store %arg7[%swap3A_474, %swap3A_475, %swap3A_476, %swap3A_477], %gather3A_430 {strides = array<i32>} : memref<2x50x8x128xf32, #tpu.memory_space<vmem>>, vector<16xf32>,
        %swap3A_479 = arith.constant 24 : i32
        %swap3A_480 = arith.index_cast %select_n3A_121 : i32 to index
        %swap3A_481 = arith.index_cast %swap3A_479 : i32 to index
        %swap3A_482 = arith.index_cast %scan3A_185 : i32 to index
        %swap3A_483 = arith.constant 0 : index
        %swap3A_484 = tpu.vector_load %arg7[%swap3A_480, %swap3A_481, %swap3A_482, %swap3A_483] {strides = array<i32>} : memref<2x50x8x128xf32, #tpu.memory_space<vmem>>, vector<16xf32>,
        tpu.vector_store %arg7[%swap3A_480, %swap3A_481, %swap3A_482, %swap3A_483], %gather3A_434 {strides = array<i32>} : memref<2x50x8x128xf32, #tpu.memory_space<vmem>>, vector<16xf32>,
        %swap3A_485 = arith.constant 25 : i32
        %swap3A_486 = arith.index_cast %select_n3A_121 : i32 to index
        %swap3A_487 = arith.index_cast %swap3A_485 : i32 to index
        %swap3A_488 = arith.index_cast %scan3A_185 : i32 to index
        %swap3A_489 = arith.constant 0 : index
        %swap3A_490 = tpu.vector_load %arg7[%swap3A_486, %swap3A_487, %swap3A_488, %swap3A_489] {strides = array<i32>} : memref<2x50x8x128xf32, #tpu.memory_space<vmem>>, vector<16xf32>,
        tpu.vector_store %arg7[%swap3A_486, %swap3A_487, %swap3A_488, %swap3A_489], %gather3A_438 {strides = array<i32>} : memref<2x50x8x128xf32, #tpu.memory_space<vmem>>, vector<16xf32>,
        %swap3A_491 = arith.constant 26 : i32
        %swap3A_492 = arith.index_cast %select_n3A_121 : i32 to index
        %swap3A_493 = arith.index_cast %swap3A_491 : i32 to index
        %swap3A_494 = arith.index_cast %scan3A_185 : i32 to index
        %swap3A_495 = arith.constant 0 : index
        %swap3A_496 = tpu.vector_load %arg7[%swap3A_492, %swap3A_493, %swap3A_494, %swap3A_495] {strides = array<i32>} : memref<2x50x8x128xf32, #tpu.memory_space<vmem>>, vector<16xf32>,
        tpu.vector_store %arg7[%swap3A_492, %swap3A_493, %swap3A_494, %swap3A_495], %gather3A_442 {strides = array<i32>} : memref<2x50x8x128xf32, #tpu.memory_space<vmem>>, vector<16xf32>,
        %swap3A_497 = arith.constant 27 : i32
        %swap3A_498 = arith.index_cast %select_n3A_121 : i32 to index
        %swap3A_499 = arith.index_cast %swap3A_497 : i32 to index
        %swap3A_500 = arith.index_cast %scan3A_185 : i32 to index
        %swap3A_501 = arith.constant 0 : index
        %swap3A_502 = tpu.vector_load %arg7[%swap3A_498, %swap3A_499, %swap3A_500, %swap3A_501] {strides = array<i32>} : memref<2x50x8x128xf32, #tpu.memory_space<vmem>>, vector<16xf32>,
        tpu.vector_store %arg7[%swap3A_498, %swap3A_499, %swap3A_500, %swap3A_501], %gather3A_446 {strides = array<i32>} : memref<2x50x8x128xf32, #tpu.memory_space<vmem>>, vector<16xf32>,
        %swap3A_503 = arith.constant 28 : i32
        %swap3A_504 = arith.index_cast %select_n3A_121 : i32 to index
        %swap3A_505 = arith.index_cast %swap3A_503 : i32 to index
        %swap3A_506 = arith.index_cast %scan3A_185 : i32 to index
        %swap3A_507 = arith.constant 0 : index
        %swap3A_508 = tpu.vector_load %arg7[%swap3A_504, %swap3A_505, %swap3A_506, %swap3A_507] {strides = array<i32>} : memref<2x50x8x128xf32, #tpu.memory_space<vmem>>, vector<16xf32>,
        tpu.vector_store %arg7[%swap3A_504, %swap3A_505, %swap3A_506, %swap3A_507], %gather3A_450 {strides = array<i32>} : memref<2x50x8x128xf32, #tpu.memory_space<vmem>>, vector<16xf32>,
        %swap3A_509 = arith.constant 29 : i32
        %swap3A_510 = arith.index_cast %select_n3A_121 : i32 to index
        %swap3A_511 = arith.index_cast %swap3A_509 : i32 to index
        %swap3A_512 = arith.index_cast %scan3A_185 : i32 to index
        %swap3A_513 = arith.constant 0 : index
        %swap3A_514 = tpu.vector_load %arg7[%swap3A_510, %swap3A_511, %swap3A_512, %swap3A_513] {strides = array<i32>} : memref<2x50x8x128xf32, #tpu.memory_space<vmem>>, vector<16xf32>,
        tpu.vector_store %arg7[%swap3A_510, %swap3A_511, %swap3A_512, %swap3A_513], %gather3A_454 {strides = array<i32>} : memref<2x50x8x128xf32, #tpu.memory_space<vmem>>, vector<16xf32>,
        %add3A_515 = arith.constant 3840 : i32
        %add3A_516 = vector.broadcast %add3A_515 : i32 to vector<16xi32>
        %add3A_517 = arith.addi %get3A_188, %add3A_516 : vector<16xi32>
        %gather3A_518 = tpu.vector_load_idx %arg5[%add3A_517] : memref<6400xf32, #tpu.memory_space<vmem>>[vector<16xi32>], vector<16xf32>,
        %add3A_519 = arith.constant 3968 : i32
        %add3A_520 = vector.broadcast %add3A_519 : i32 to vector<16xi32>
        %add3A_521 = arith.addi %get3A_188, %add3A_520 : vector<16xi32>
        %gather3A_522 = tpu.vector_load_idx %arg5[%add3A_521] : memref<6400xf32, #tpu.memory_space<vmem>>[vector<16xi32>], vector<16xf32>,
        %add3A_523 = arith.constant 4096 : i32
        %add3A_524 = vector.broadcast %add3A_523 : i32 to vector<16xi32>
        %add3A_525 = arith.addi %get3A_188, %add3A_524 : vector<16xi32>
        %gather3A_526 = tpu.vector_load_idx %arg5[%add3A_525] : memref<6400xf32, #tpu.memory_space<vmem>>[vector<16xi32>], vector<16xf32>,
        %add3A_527 = arith.constant 4224 : i32
        %add3A_528 = vector.broadcast %add3A_527 : i32 to vector<16xi32>
        %add3A_529 = arith.addi %get3A_188, %add3A_528 : vector<16xi32>
        %gather3A_530 = tpu.vector_load_idx %arg5[%add3A_529] : memref<6400xf32, #tpu.memory_space<vmem>>[vector<16xi32>], vector<16xf32>,
        %add3A_531 = arith.constant 4352 : i32
        %add3A_532 = vector.broadcast %add3A_531 : i32 to vector<16xi32>
        %add3A_533 = arith.addi %get3A_188, %add3A_532 : vector<16xi32>
        %gather3A_534 = tpu.vector_load_idx %arg5[%add3A_533] : memref<6400xf32, #tpu.memory_space<vmem>>[vector<16xi32>], vector<16xf32>,
        %add3A_535 = arith.constant 4480 : i32
        %add3A_536 = vector.broadcast %add3A_535 : i32 to vector<16xi32>
        %add3A_537 = arith.addi %get3A_188, %add3A_536 : vector<16xi32>
        %gather3A_538 = tpu.vector_load_idx %arg5[%add3A_537] : memref<6400xf32, #tpu.memory_space<vmem>>[vector<16xi32>], vector<16xf32>,
        %add3A_539 = arith.constant 4608 : i32
        %add3A_540 = vector.broadcast %add3A_539 : i32 to vector<16xi32>
        %add3A_541 = arith.addi %get3A_188, %add3A_540 : vector<16xi32>
        %gather3A_542 = tpu.vector_load_idx %arg5[%add3A_541] : memref<6400xf32, #tpu.memory_space<vmem>>[vector<16xi32>], vector<16xf32>,
        %add3A_543 = arith.constant 4736 : i32
        %add3A_544 = vector.broadcast %add3A_543 : i32 to vector<16xi32>
        %add3A_545 = arith.addi %get3A_188, %add3A_544 : vector<16xi32>
        %gather3A_546 = tpu.vector_load_idx %arg5[%add3A_545] : memref<6400xf32, #tpu.memory_space<vmem>>[vector<16xi32>], vector<16xf32>,
        %add3A_547 = arith.constant 4864 : i32
        %add3A_548 = vector.broadcast %add3A_547 : i32 to vector<16xi32>
        %add3A_549 = arith.addi %get3A_188, %add3A_548 : vector<16xi32>
        %gather3A_550 = tpu.vector_load_idx %arg5[%add3A_549] : memref<6400xf32, #tpu.memory_space<vmem>>[vector<16xi32>], vector<16xf32>,
        %add3A_551 = arith.constant 4992 : i32
        %add3A_552 = vector.broadcast %add3A_551 : i32 to vector<16xi32>
        %add3A_553 = arith.addi %get3A_188, %add3A_552 : vector<16xi32>
        %gather3A_554 = tpu.vector_load_idx %arg5[%add3A_553] : memref<6400xf32, #tpu.memory_space<vmem>>[vector<16xi32>], vector<16xf32>,
        %swap3A_555 = arith.constant 30 : i32
        %swap3A_556 = arith.index_cast %select_n3A_121 : i32 to index
        %swap3A_557 = arith.index_cast %swap3A_555 : i32 to index
        %swap3A_558 = arith.index_cast %scan3A_185 : i32 to index
        %swap3A_559 = arith.constant 0 : index
        %swap3A_560 = tpu.vector_load %arg7[%swap3A_556, %swap3A_557, %swap3A_558, %swap3A_559] {strides = array<i32>} : memref<2x50x8x128xf32, #tpu.memory_space<vmem>>, vector<16xf32>,
        tpu.vector_store %arg7[%swap3A_556, %swap3A_557, %swap3A_558, %swap3A_559], %gather3A_518 {strides = array<i32>} : memref<2x50x8x128xf32, #tpu.memory_space<vmem>>, vector<16xf32>,
        %swap3A_561 = arith.constant 31 : i32
        %swap3A_562 = arith.index_cast %select_n3A_121 : i32 to index
        %swap3A_563 = arith.index_cast %swap3A_561 : i32 to index
        %swap3A_564 = arith.index_cast %scan3A_185 : i32 to index
        %swap3A_565 = arith.constant 0 : index
        %swap3A_566 = tpu.vector_load %arg7[%swap3A_562, %swap3A_563, %swap3A_564, %swap3A_565] {strides = array<i32>} : memref<2x50x8x128xf32, #tpu.memory_space<vmem>>, vector<16xf32>,
        tpu.vector_store %arg7[%swap3A_562, %swap3A_563, %swap3A_564, %swap3A_565], %gather3A_522 {strides = array<i32>} : memref<2x50x8x128xf32, #tpu.memory_space<vmem>>, vector<16xf32>,
        %swap3A_567 = arith.constant 32 : i32
        %swap3A_568 = arith.index_cast %select_n3A_121 : i32 to index
        %swap3A_569 = arith.index_cast %swap3A_567 : i32 to index
        %swap3A_570 = arith.index_cast %scan3A_185 : i32 to index
        %swap3A_571 = arith.constant 0 : index
        %swap3A_572 = tpu.vector_load %arg7[%swap3A_568, %swap3A_569, %swap3A_570, %swap3A_571] {strides = array<i32>} : memref<2x50x8x128xf32, #tpu.memory_space<vmem>>, vector<16xf32>,
        tpu.vector_store %arg7[%swap3A_568, %swap3A_569, %swap3A_570, %swap3A_571], %gather3A_526 {strides = array<i32>} : memref<2x50x8x128xf32, #tpu.memory_space<vmem>>, vector<16xf32>,
        %swap3A_573 = arith.constant 33 : i32
        %swap3A_574 = arith.index_cast %select_n3A_121 : i32 to index
        %swap3A_575 = arith.index_cast %swap3A_573 : i32 to index
        %swap3A_576 = arith.index_cast %scan3A_185 : i32 to index
        %swap3A_577 = arith.constant 0 : index
        %swap3A_578 = tpu.vector_load %arg7[%swap3A_574, %swap3A_575, %swap3A_576, %swap3A_577] {strides = array<i32>} : memref<2x50x8x128xf32, #tpu.memory_space<vmem>>, vector<16xf32>,
        tpu.vector_store %arg7[%swap3A_574, %swap3A_575, %swap3A_576, %swap3A_577], %gather3A_530 {strides = array<i32>} : memref<2x50x8x128xf32, #tpu.memory_space<vmem>>, vector<16xf32>,
        %swap3A_579 = arith.constant 34 : i32
        %swap3A_580 = arith.index_cast %select_n3A_121 : i32 to index
        %swap3A_581 = arith.index_cast %swap3A_579 : i32 to index
        %swap3A_582 = arith.index_cast %scan3A_185 : i32 to index
        %swap3A_583 = arith.constant 0 : index
        %swap3A_584 = tpu.vector_load %arg7[%swap3A_580, %swap3A_581, %swap3A_582, %swap3A_583] {strides = array<i32>} : memref<2x50x8x128xf32, #tpu.memory_space<vmem>>, vector<16xf32>,
        tpu.vector_store %arg7[%swap3A_580, %swap3A_581, %swap3A_582, %swap3A_583], %gather3A_534 {strides = array<i32>} : memref<2x50x8x128xf32, #tpu.memory_space<vmem>>, vector<16xf32>,
        %swap3A_585 = arith.constant 35 : i32
        %swap3A_586 = arith.index_cast %select_n3A_121 : i32 to index
        %swap3A_587 = arith.index_cast %swap3A_585 : i32 to index
        %swap3A_588 = arith.index_cast %scan3A_185 : i32 to index
        %swap3A_589 = arith.constant 0 : index
        %swap3A_590 = tpu.vector_load %arg7[%swap3A_586, %swap3A_587, %swap3A_588, %swap3A_589] {strides = array<i32>} : memref<2x50x8x128xf32, #tpu.memory_space<vmem>>, vector<16xf32>,
        tpu.vector_store %arg7[%swap3A_586, %swap3A_587, %swap3A_588, %swap3A_589], %gather3A_538 {strides = array<i32>} : memref<2x50x8x128xf32, #tpu.memory_space<vmem>>, vector<16xf32>,
        %swap3A_591 = arith.constant 36 : i32
        %swap3A_592 = arith.index_cast %select_n3A_121 : i32 to index
        %swap3A_593 = arith.index_cast %swap3A_591 : i32 to index
        %swap3A_594 = arith.index_cast %scan3A_185 : i32 to index
        %swap3A_595 = arith.constant 0 : index
        %swap3A_596 = tpu.vector_load %arg7[%swap3A_592, %swap3A_593, %swap3A_594, %swap3A_595] {strides = array<i32>} : memref<2x50x8x128xf32, #tpu.memory_space<vmem>>, vector<16xf32>,
        tpu.vector_store %arg7[%swap3A_592, %swap3A_593, %swap3A_594, %swap3A_595], %gather3A_542 {strides = array<i32>} : memref<2x50x8x128xf32, #tpu.memory_space<vmem>>, vector<16xf32>,
        %swap3A_597 = arith.constant 37 : i32
        %swap3A_598 = arith.index_cast %select_n3A_121 : i32 to index
        %swap3A_599 = arith.index_cast %swap3A_597 : i32 to index
        %swap3A_600 = arith.index_cast %scan3A_185 : i32 to index
        %swap3A_601 = arith.constant 0 : index
        %swap3A_602 = tpu.vector_load %arg7[%swap3A_598, %swap3A_599, %swap3A_600, %swap3A_601] {strides = array<i32>} : memref<2x50x8x128xf32, #tpu.memory_space<vmem>>, vector<16xf32>,
        tpu.vector_store %arg7[%swap3A_598, %swap3A_599, %swap3A_600, %swap3A_601], %gather3A_546 {strides = array<i32>} : memref<2x50x8x128xf32, #tpu.memory_space<vmem>>, vector<16xf32>,
        %swap3A_603 = arith.constant 38 : i32
        %swap3A_604 = arith.index_cast %select_n3A_121 : i32 to index
        %swap3A_605 = arith.index_cast %swap3A_603 : i32 to index
        %swap3A_606 = arith.index_cast %scan3A_185 : i32 to index
        %swap3A_607 = arith.constant 0 : index
        %swap3A_608 = tpu.vector_load %arg7[%swap3A_604, %swap3A_605, %swap3A_606, %swap3A_607] {strides = array<i32>} : memref<2x50x8x128xf32, #tpu.memory_space<vmem>>, vector<16xf32>,
        tpu.vector_store %arg7[%swap3A_604, %swap3A_605, %swap3A_606, %swap3A_607], %gather3A_550 {strides = array<i32>} : memref<2x50x8x128xf32, #tpu.memory_space<vmem>>, vector<16xf32>,
        %swap3A_609 = arith.constant 39 : i32
        %swap3A_610 = arith.index_cast %select_n3A_121 : i32 to index
        %swap3A_611 = arith.index_cast %swap3A_609 : i32 to index
        %swap3A_612 = arith.index_cast %scan3A_185 : i32 to index
        %swap3A_613 = arith.constant 0 : index
        %swap3A_614 = tpu.vector_load %arg7[%swap3A_610, %swap3A_611, %swap3A_612, %swap3A_613] {strides = array<i32>} : memref<2x50x8x128xf32, #tpu.memory_space<vmem>>, vector<16xf32>,
        tpu.vector_store %arg7[%swap3A_610, %swap3A_611, %swap3A_612, %swap3A_613], %gather3A_554 {strides = array<i32>} : memref<2x50x8x128xf32, #tpu.memory_space<vmem>>, vector<16xf32>,
        %add3A_615 = arith.constant 5120 : i32
        %add3A_616 = vector.broadcast %add3A_615 : i32 to vector<16xi32>
        %add3A_617 = arith.addi %get3A_188, %add3A_616 : vector<16xi32>
        %gather3A_618 = tpu.vector_load_idx %arg5[%add3A_617] : memref<6400xf32, #tpu.memory_space<vmem>>[vector<16xi32>], vector<16xf32>,
        %add3A_619 = arith.constant 5248 : i32
        %add3A_620 = vector.broadcast %add3A_619 : i32 to vector<16xi32>
        %add3A_621 = arith.addi %get3A_188, %add3A_620 : vector<16xi32>
        %gather3A_622 = tpu.vector_load_idx %arg5[%add3A_621] : memref<6400xf32, #tpu.memory_space<vmem>>[vector<16xi32>], vector<16xf32>,
        %add3A_623 = arith.constant 5376 : i32
        %add3A_624 = vector.broadcast %add3A_623 : i32 to vector<16xi32>
        %add3A_625 = arith.addi %get3A_188, %add3A_624 : vector<16xi32>
        %gather3A_626 = tpu.vector_load_idx %arg5[%add3A_625] : memref<6400xf32, #tpu.memory_space<vmem>>[vector<16xi32>], vector<16xf32>,
        %add3A_627 = arith.constant 5504 : i32
        %add3A_628 = vector.broadcast %add3A_627 : i32 to vector<16xi32>
        %add3A_629 = arith.addi %get3A_188, %add3A_628 : vector<16xi32>
        %gather3A_630 = tpu.vector_load_idx %arg5[%add3A_629] : memref<6400xf32, #tpu.memory_space<vmem>>[vector<16xi32>], vector<16xf32>,
        %add3A_631 = arith.constant 5632 : i32
        %add3A_632 = vector.broadcast %add3A_631 : i32 to vector<16xi32>
        %add3A_633 = arith.addi %get3A_188, %add3A_632 : vector<16xi32>
        %gather3A_634 = tpu.vector_load_idx %arg5[%add3A_633] : memref<6400xf32, #tpu.memory_space<vmem>>[vector<16xi32>], vector<16xf32>,
        %add3A_635 = arith.constant 5760 : i32
        %add3A_636 = vector.broadcast %add3A_635 : i32 to vector<16xi32>
        %add3A_637 = arith.addi %get3A_188, %add3A_636 : vector<16xi32>
        %gather3A_638 = tpu.vector_load_idx %arg5[%add3A_637] : memref<6400xf32, #tpu.memory_space<vmem>>[vector<16xi32>], vector<16xf32>,
        %add3A_639 = arith.constant 5888 : i32
        %add3A_640 = vector.broadcast %add3A_639 : i32 to vector<16xi32>
        %add3A_641 = arith.addi %get3A_188, %add3A_640 : vector<16xi32>
        %gather3A_642 = tpu.vector_load_idx %arg5[%add3A_641] : memref<6400xf32, #tpu.memory_space<vmem>>[vector<16xi32>], vector<16xf32>,
        %add3A_643 = arith.constant 6016 : i32
        %add3A_644 = vector.broadcast %add3A_643 : i32 to vector<16xi32>
        %add3A_645 = arith.addi %get3A_188, %add3A_644 : vector<16xi32>
        %gather3A_646 = tpu.vector_load_idx %arg5[%add3A_645] : memref<6400xf32, #tpu.memory_space<vmem>>[vector<16xi32>], vector<16xf32>,
        %add3A_647 = arith.constant 6144 : i32
        %add3A_648 = vector.broadcast %add3A_647 : i32 to vector<16xi32>
        %add3A_649 = arith.addi %get3A_188, %add3A_648 : vector<16xi32>
        %gather3A_650 = tpu.vector_load_idx %arg5[%add3A_649] : memref<6400xf32, #tpu.memory_space<vmem>>[vector<16xi32>], vector<16xf32>,
        %add3A_651 = arith.constant 6272 : i32
        %add3A_652 = vector.broadcast %add3A_651 : i32 to vector<16xi32>
        %add3A_653 = arith.addi %get3A_188, %add3A_652 : vector<16xi32>
        %gather3A_654 = tpu.vector_load_idx %arg5[%add3A_653] : memref<6400xf32, #tpu.memory_space<vmem>>[vector<16xi32>], vector<16xf32>,
        %swap3A_655 = arith.constant 40 : i32
        %swap3A_656 = arith.index_cast %select_n3A_121 : i32 to index
        %swap3A_657 = arith.index_cast %swap3A_655 : i32 to index
        %swap3A_658 = arith.index_cast %scan3A_185 : i32 to index
        %swap3A_659 = arith.constant 0 : index
        %swap3A_660 = tpu.vector_load %arg7[%swap3A_656, %swap3A_657, %swap3A_658, %swap3A_659] {strides = array<i32>} : memref<2x50x8x128xf32, #tpu.memory_space<vmem>>, vector<16xf32>,
        tpu.vector_store %arg7[%swap3A_656, %swap3A_657, %swap3A_658, %swap3A_659], %gather3A_618 {strides = array<i32>} : memref<2x50x8x128xf32, #tpu.memory_space<vmem>>, vector<16xf32>,
        %swap3A_661 = arith.constant 41 : i32
        %swap3A_662 = arith.index_cast %select_n3A_121 : i32 to index
        %swap3A_663 = arith.index_cast %swap3A_661 : i32 to index
        %swap3A_664 = arith.index_cast %scan3A_185 : i32 to index
        %swap3A_665 = arith.constant 0 : index
        %swap3A_666 = tpu.vector_load %arg7[%swap3A_662, %swap3A_663, %swap3A_664, %swap3A_665] {strides = array<i32>} : memref<2x50x8x128xf32, #tpu.memory_space<vmem>>, vector<16xf32>,
        tpu.vector_store %arg7[%swap3A_662, %swap3A_663, %swap3A_664, %swap3A_665], %gather3A_622 {strides = array<i32>} : memref<2x50x8x128xf32, #tpu.memory_space<vmem>>, vector<16xf32>,
        %swap3A_667 = arith.constant 42 : i32
        %swap3A_668 = arith.index_cast %select_n3A_121 : i32 to index
        %swap3A_669 = arith.index_cast %swap3A_667 : i32 to index
        %swap3A_670 = arith.index_cast %scan3A_185 : i32 to index
        %swap3A_671 = arith.constant 0 : index
        %swap3A_672 = tpu.vector_load %arg7[%swap3A_668, %swap3A_669, %swap3A_670, %swap3A_671] {strides = array<i32>} : memref<2x50x8x128xf32, #tpu.memory_space<vmem>>, vector<16xf32>,
        tpu.vector_store %arg7[%swap3A_668, %swap3A_669, %swap3A_670, %swap3A_671], %gather3A_626 {strides = array<i32>} : memref<2x50x8x128xf32, #tpu.memory_space<vmem>>, vector<16xf32>,
        %swap3A_673 = arith.constant 43 : i32
        %swap3A_674 = arith.index_cast %select_n3A_121 : i32 to index
        %swap3A_675 = arith.index_cast %swap3A_673 : i32 to index
        %swap3A_676 = arith.index_cast %scan3A_185 : i32 to index
        %swap3A_677 = arith.constant 0 : index
        %swap3A_678 = tpu.vector_load %arg7[%swap3A_674, %swap3A_675, %swap3A_676, %swap3A_677] {strides = array<i32>} : memref<2x50x8x128xf32, #tpu.memory_space<vmem>>, vector<16xf32>,
        tpu.vector_store %arg7[%swap3A_674, %swap3A_675, %swap3A_676, %swap3A_677], %gather3A_630 {strides = array<i32>} : memref<2x50x8x128xf32, #tpu.memory_space<vmem>>, vector<16xf32>,
        %swap3A_679 = arith.constant 44 : i32
        %swap3A_680 = arith.index_cast %select_n3A_121 : i32 to index
        %swap3A_681 = arith.index_cast %swap3A_679 : i32 to index
        %swap3A_682 = arith.index_cast %scan3A_185 : i32 to index
        %swap3A_683 = arith.constant 0 : index
        %swap3A_684 = tpu.vector_load %arg7[%swap3A_680, %swap3A_681, %swap3A_682, %swap3A_683] {strides = array<i32>} : memref<2x50x8x128xf32, #tpu.memory_space<vmem>>, vector<16xf32>,
        tpu.vector_store %arg7[%swap3A_680, %swap3A_681, %swap3A_682, %swap3A_683], %gather3A_634 {strides = array<i32>} : memref<2x50x8x128xf32, #tpu.memory_space<vmem>>, vector<16xf32>,
        %swap3A_685 = arith.constant 45 : i32
        %swap3A_686 = arith.index_cast %select_n3A_121 : i32 to index
        %swap3A_687 = arith.index_cast %swap3A_685 : i32 to index
        %swap3A_688 = arith.index_cast %scan3A_185 : i32 to index
        %swap3A_689 = arith.constant 0 : index
        %swap3A_690 = tpu.vector_load %arg7[%swap3A_686, %swap3A_687, %swap3A_688, %swap3A_689] {strides = array<i32>} : memref<2x50x8x128xf32, #tpu.memory_space<vmem>>, vector<16xf32>,
        tpu.vector_store %arg7[%swap3A_686, %swap3A_687, %swap3A_688, %swap3A_689], %gather3A_638 {strides = array<i32>} : memref<2x50x8x128xf32, #tpu.memory_space<vmem>>, vector<16xf32>,
        %swap3A_691 = arith.constant 46 : i32
        %swap3A_692 = arith.index_cast %select_n3A_121 : i32 to index
        %swap3A_693 = arith.index_cast %swap3A_691 : i32 to index
        %swap3A_694 = arith.index_cast %scan3A_185 : i32 to index
        %swap3A_695 = arith.constant 0 : index
        %swap3A_696 = tpu.vector_load %arg7[%swap3A_692, %swap3A_693, %swap3A_694, %swap3A_695] {strides = array<i32>} : memref<2x50x8x128xf32, #tpu.memory_space<vmem>>, vector<16xf32>,
        tpu.vector_store %arg7[%swap3A_692, %swap3A_693, %swap3A_694, %swap3A_695], %gather3A_642 {strides = array<i32>} : memref<2x50x8x128xf32, #tpu.memory_space<vmem>>, vector<16xf32>,
        %swap3A_697 = arith.constant 47 : i32
        %swap3A_698 = arith.index_cast %select_n3A_121 : i32 to index
        %swap3A_699 = arith.index_cast %swap3A_697 : i32 to index
        %swap3A_700 = arith.index_cast %scan3A_185 : i32 to index
        %swap3A_701 = arith.constant 0 : index
        %swap3A_702 = tpu.vector_load %arg7[%swap3A_698, %swap3A_699, %swap3A_700, %swap3A_701] {strides = array<i32>} : memref<2x50x8x128xf32, #tpu.memory_space<vmem>>, vector<16xf32>,
        tpu.vector_store %arg7[%swap3A_698, %swap3A_699, %swap3A_700, %swap3A_701], %gather3A_646 {strides = array<i32>} : memref<2x50x8x128xf32, #tpu.memory_space<vmem>>, vector<16xf32>,
        %swap3A_703 = arith.constant 48 : i32
        %swap3A_704 = arith.index_cast %select_n3A_121 : i32 to index
        %swap3A_705 = arith.index_cast %swap3A_703 : i32 to index
        %swap3A_706 = arith.index_cast %scan3A_185 : i32 to index
        %swap3A_707 = arith.constant 0 : index
        %swap3A_708 = tpu.vector_load %arg7[%swap3A_704, %swap3A_705, %swap3A_706, %swap3A_707] {strides = array<i32>} : memref<2x50x8x128xf32, #tpu.memory_space<vmem>>, vector<16xf32>,
        tpu.vector_store %arg7[%swap3A_704, %swap3A_705, %swap3A_706, %swap3A_707], %gather3A_650 {strides = array<i32>} : memref<2x50x8x128xf32, #tpu.memory_space<vmem>>, vector<16xf32>,
        %swap3A_709 = arith.constant 49 : i32
        %swap3A_710 = arith.index_cast %select_n3A_121 : i32 to index
        %swap3A_711 = arith.index_cast %swap3A_709 : i32 to index
        %swap3A_712 = arith.index_cast %scan3A_185 : i32 to index
        %swap3A_713 = arith.constant 0 : index
        %swap3A_714 = tpu.vector_load %arg7[%swap3A_710, %swap3A_711, %swap3A_712, %swap3A_713] {strides = array<i32>} : memref<2x50x8x128xf32, #tpu.memory_space<vmem>>, vector<16xf32>,
        tpu.vector_store %arg7[%swap3A_710, %swap3A_711, %swap3A_712, %swap3A_713], %gather3A_654 {strides = array<i32>} : memref<2x50x8x128xf32, #tpu.memory_space<vmem>>, vector<16xf32>,
        %add3A_715 = arith.constant 0 : i32
        %add3A_716 = vector.broadcast %add3A_715 : i32 to vector<16xi32>
        %add3A_717 = arith.addi %get3A_192, %add3A_716 : vector<16xi32>
        %gather3A_718 = tpu.vector_load_idx %arg5[%add3A_717] : memref<6400xf32, #tpu.memory_space<vmem>>[vector<16xi32>], vector<16xf32>,
        %add3A_719 = arith.constant 128 : i32
        %add3A_720 = vector.broadcast %add3A_719 : i32 to vector<16xi32>
        %add3A_721 = arith.addi %get3A_192, %add3A_720 : vector<16xi32>
        %gather3A_722 = tpu.vector_load_idx %arg5[%add3A_721] : memref<6400xf32, #tpu.memory_space<vmem>>[vector<16xi32>], vector<16xf32>,
        %add3A_723 = arith.constant 256 : i32
        %add3A_724 = vector.broadcast %add3A_723 : i32 to vector<16xi32>
        %add3A_725 = arith.addi %get3A_192, %add3A_724 : vector<16xi32>
        %gather3A_726 = tpu.vector_load_idx %arg5[%add3A_725] : memref<6400xf32, #tpu.memory_space<vmem>>[vector<16xi32>], vector<16xf32>,
        %add3A_727 = arith.constant 384 : i32
        %add3A_728 = vector.broadcast %add3A_727 : i32 to vector<16xi32>
        %add3A_729 = arith.addi %get3A_192, %add3A_728 : vector<16xi32>
        %gather3A_730 = tpu.vector_load_idx %arg5[%add3A_729] : memref<6400xf32, #tpu.memory_space<vmem>>[vector<16xi32>], vector<16xf32>,
        %add3A_731 = arith.constant 512 : i32
        %add3A_732 = vector.broadcast %add3A_731 : i32 to vector<16xi32>
        %add3A_733 = arith.addi %get3A_192, %add3A_732 : vector<16xi32>
        %gather3A_734 = tpu.vector_load_idx %arg5[%add3A_733] : memref<6400xf32, #tpu.memory_space<vmem>>[vector<16xi32>], vector<16xf32>,
        %add3A_735 = arith.constant 640 : i32
        %add3A_736 = vector.broadcast %add3A_735 : i32 to vector<16xi32>
        %add3A_737 = arith.addi %get3A_192, %add3A_736 : vector<16xi32>
        %gather3A_738 = tpu.vector_load_idx %arg5[%add3A_737] : memref<6400xf32, #tpu.memory_space<vmem>>[vector<16xi32>], vector<16xf32>,
        %add3A_739 = arith.constant 768 : i32
        %add3A_740 = vector.broadcast %add3A_739 : i32 to vector<16xi32>
        %add3A_741 = arith.addi %get3A_192, %add3A_740 : vector<16xi32>
        %gather3A_742 = tpu.vector_load_idx %arg5[%add3A_741] : memref<6400xf32, #tpu.memory_space<vmem>>[vector<16xi32>], vector<16xf32>,
        %add3A_743 = arith.constant 896 : i32
        %add3A_744 = vector.broadcast %add3A_743 : i32 to vector<16xi32>
        %add3A_745 = arith.addi %get3A_192, %add3A_744 : vector<16xi32>
        %gather3A_746 = tpu.vector_load_idx %arg5[%add3A_745] : memref<6400xf32, #tpu.memory_space<vmem>>[vector<16xi32>], vector<16xf32>,
        %add3A_747 = arith.constant 1024 : i32
        %add3A_748 = vector.broadcast %add3A_747 : i32 to vector<16xi32>
        %add3A_749 = arith.addi %get3A_192, %add3A_748 : vector<16xi32>
        %gather3A_750 = tpu.vector_load_idx %arg5[%add3A_749] : memref<6400xf32, #tpu.memory_space<vmem>>[vector<16xi32>], vector<16xf32>,
        %add3A_751 = arith.constant 1152 : i32
        %add3A_752 = vector.broadcast %add3A_751 : i32 to vector<16xi32>
        %add3A_753 = arith.addi %get3A_192, %add3A_752 : vector<16xi32>
        %gather3A_754 = tpu.vector_load_idx %arg5[%add3A_753] : memref<6400xf32, #tpu.memory_space<vmem>>[vector<16xi32>], vector<16xf32>,
        %swap3A_755 = arith.constant 0 : i32
        %swap3A_756 = arith.index_cast %select_n3A_121 : i32 to index
        %swap3A_757 = arith.index_cast %swap3A_755 : i32 to index
        %swap3A_758 = arith.index_cast %scan3A_185 : i32 to index
        %swap3A_759 = arith.constant 16 : index
        %swap3A_760 = tpu.vector_load %arg7[%swap3A_756, %swap3A_757, %swap3A_758, %swap3A_759] {strides = array<i32>} : memref<2x50x8x128xf32, #tpu.memory_space<vmem>>, vector<16xf32>,
        tpu.vector_store %arg7[%swap3A_756, %swap3A_757, %swap3A_758, %swap3A_759], %gather3A_718 {strides = array<i32>} : memref<2x50x8x128xf32, #tpu.memory_space<vmem>>, vector<16xf32>,
        %swap3A_761 = arith.constant 1 : i32
        %swap3A_762 = arith.index_cast %select_n3A_121 : i32 to index
        %swap3A_763 = arith.index_cast %swap3A_761 : i32 to index
        %swap3A_764 = arith.index_cast %scan3A_185 : i32 to index
        %swap3A_765 = arith.constant 16 : index
        %swap3A_766 = tpu.vector_load %arg7[%swap3A_762, %swap3A_763, %swap3A_764, %swap3A_765] {strides = array<i32>} : memref<2x50x8x128xf32, #tpu.memory_space<vmem>>, vector<16xf32>,
        tpu.vector_store %arg7[%swap3A_762, %swap3A_763, %swap3A_764, %swap3A_765], %gather3A_722 {strides = array<i32>} : memref<2x50x8x128xf32, #tpu.memory_space<vmem>>, vector<16xf32>,
        %swap3A_767 = arith.constant 2 : i32
        %swap3A_768 = arith.index_cast %select_n3A_121 : i32 to index
        %swap3A_769 = arith.index_cast %swap3A_767 : i32 to index
        %swap3A_770 = arith.index_cast %scan3A_185 : i32 to index
        %swap3A_771 = arith.constant 16 : index
        %swap3A_772 = tpu.vector_load %arg7[%swap3A_768, %swap3A_769, %swap3A_770, %swap3A_771] {strides = array<i32>} : memref<2x50x8x128xf32, #tpu.memory_space<vmem>>, vector<16xf32>,
        tpu.vector_store %arg7[%swap3A_768, %swap3A_769, %swap3A_770, %swap3A_771], %gather3A_726 {strides = array<i32>} : memref<2x50x8x128xf32, #tpu.memory_space<vmem>>, vector<16xf32>,
        %swap3A_773 = arith.constant 3 : i32
        %swap3A_774 = arith.index_cast %select_n3A_121 : i32 to index
        %swap3A_775 = arith.index_cast %swap3A_773 : i32 to index
        %swap3A_776 = arith.index_cast %scan3A_185 : i32 to index
        %swap3A_777 = arith.constant 16 : index
        %swap3A_778 = tpu.vector_load %arg7[%swap3A_774, %swap3A_775, %swap3A_776, %swap3A_777] {strides = array<i32>} : memref<2x50x8x128xf32, #tpu.memory_space<vmem>>, vector<16xf32>,
        tpu.vector_store %arg7[%swap3A_774, %swap3A_775, %swap3A_776, %swap3A_777], %gather3A_730 {strides = array<i32>} : memref<2x50x8x128xf32, #tpu.memory_space<vmem>>, vector<16xf32>,
        %swap3A_779 = arith.constant 4 : i32
        %swap3A_780 = arith.index_cast %select_n3A_121 : i32 to index
        %swap3A_781 = arith.index_cast %swap3A_779 : i32 to index
        %swap3A_782 = arith.index_cast %scan3A_185 : i32 to index
        %swap3A_783 = arith.constant 16 : index
        %swap3A_784 = tpu.vector_load %arg7[%swap3A_780, %swap3A_781, %swap3A_782, %swap3A_783] {strides = array<i32>} : memref<2x50x8x128xf32, #tpu.memory_space<vmem>>, vector<16xf32>,
        tpu.vector_store %arg7[%swap3A_780, %swap3A_781, %swap3A_782, %swap3A_783], %gather3A_734 {strides = array<i32>} : memref<2x50x8x128xf32, #tpu.memory_space<vmem>>, vector<16xf32>,
        %swap3A_785 = arith.constant 5 : i32
        %swap3A_786 = arith.index_cast %select_n3A_121 : i32 to index
        %swap3A_787 = arith.index_cast %swap3A_785 : i32 to index
        %swap3A_788 = arith.index_cast %scan3A_185 : i32 to index
        %swap3A_789 = arith.constant 16 : index
        %swap3A_790 = tpu.vector_load %arg7[%swap3A_786, %swap3A_787, %swap3A_788, %swap3A_789] {strides = array<i32>} : memref<2x50x8x128xf32, #tpu.memory_space<vmem>>, vector<16xf32>,
        tpu.vector_store %arg7[%swap3A_786, %swap3A_787, %swap3A_788, %swap3A_789], %gather3A_738 {strides = array<i32>} : memref<2x50x8x128xf32, #tpu.memory_space<vmem>>, vector<16xf32>,
        %swap3A_791 = arith.constant 6 : i32
        %swap3A_792 = arith.index_cast %select_n3A_121 : i32 to index
        %swap3A_793 = arith.index_cast %swap3A_791 : i32 to index
        %swap3A_794 = arith.index_cast %scan3A_185 : i32 to index
        %swap3A_795 = arith.constant 16 : index
        %swap3A_796 = tpu.vector_load %arg7[%swap3A_792, %swap3A_793, %swap3A_794, %swap3A_795] {strides = array<i32>} : memref<2x50x8x128xf32, #tpu.memory_space<vmem>>, vector<16xf32>,
        tpu.vector_store %arg7[%swap3A_792, %swap3A_793, %swap3A_794, %swap3A_795], %gather3A_742 {strides = array<i32>} : memref<2x50x8x128xf32, #tpu.memory_space<vmem>>, vector<16xf32>,
        %swap3A_797 = arith.constant 7 : i32
        %swap3A_798 = arith.index_cast %select_n3A_121 : i32 to index
        %swap3A_799 = arith.index_cast %swap3A_797 : i32 to index
        %swap3A_800 = arith.index_cast %scan3A_185 : i32 to index
        %swap3A_801 = arith.constant 16 : index
        %swap3A_802 = tpu.vector_load %arg7[%swap3A_798, %swap3A_799, %swap3A_800, %swap3A_801] {strides = array<i32>} : memref<2x50x8x128xf32, #tpu.memory_space<vmem>>, vector<16xf32>,
        tpu.vector_store %arg7[%swap3A_798, %swap3A_799, %swap3A_800, %swap3A_801], %gather3A_746 {strides = array<i32>} : memref<2x50x8x128xf32, #tpu.memory_space<vmem>>, vector<16xf32>,
        %swap3A_803 = arith.constant 8 : i32
        %swap3A_804 = arith.index_cast %select_n3A_121 : i32 to index
        %swap3A_805 = arith.index_cast %swap3A_803 : i32 to index
        %swap3A_806 = arith.index_cast %scan3A_185 : i32 to index
        %swap3A_807 = arith.constant 16 : index
        %swap3A_808 = tpu.vector_load %arg7[%swap3A_804, %swap3A_805, %swap3A_806, %swap3A_807] {strides = array<i32>} : memref<2x50x8x128xf32, #tpu.memory_space<vmem>>, vector<16xf32>,
        tpu.vector_store %arg7[%swap3A_804, %swap3A_805, %swap3A_806, %swap3A_807], %gather3A_750 {strides = array<i32>} : memref<2x50x8x128xf32, #tpu.memory_space<vmem>>, vector<16xf32>,
        %swap3A_809 = arith.constant 9 : i32
        %swap3A_810 = arith.index_cast %select_n3A_121 : i32 to index
        %swap3A_811 = arith.index_cast %swap3A_809 : i32 to index
        %swap3A_812 = arith.index_cast %scan3A_185 : i32 to index
        %swap3A_813 = arith.constant 16 : index
        %swap3A_814 = tpu.vector_load %arg7[%swap3A_810, %swap3A_811, %swap3A_812, %swap3A_813] {strides = array<i32>} : memref<2x50x8x128xf32, #tpu.memory_space<vmem>>, vector<16xf32>,
        tpu.vector_store %arg7[%swap3A_810, %swap3A_811, %swap3A_812, %swap3A_813], %gather3A_754 {strides = array<i32>} : memref<2x50x8x128xf32, #tpu.memory_space<vmem>>, vector<16xf32>,
        %add3A_815 = arith.constant 1280 : i32
        %add3A_816 = vector.broadcast %add3A_815 : i32 to vector<16xi32>
        %add3A_817 = arith.addi %get3A_192, %add3A_816 : vector<16xi32>
        %gather3A_818 = tpu.vector_load_idx %arg5[%add3A_817] : memref<6400xf32, #tpu.memory_space<vmem>>[vector<16xi32>], vector<16xf32>,
        %add3A_819 = arith.constant 1408 : i32
        %add3A_820 = vector.broadcast %add3A_819 : i32 to vector<16xi32>
        %add3A_821 = arith.addi %get3A_192, %add3A_820 : vector<16xi32>
        %gather3A_822 = tpu.vector_load_idx %arg5[%add3A_821] : memref<6400xf32, #tpu.memory_space<vmem>>[vector<16xi32>], vector<16xf32>,
        %add3A_823 = arith.constant 1536 : i32
        %add3A_824 = vector.broadcast %add3A_823 : i32 to vector<16xi32>
        %add3A_825 = arith.addi %get3A_192, %add3A_824 : vector<16xi32>
        %gather3A_826 = tpu.vector_load_idx %arg5[%add3A_825] : memref<6400xf32, #tpu.memory_space<vmem>>[vector<16xi32>], vector<16xf32>,
        %add3A_827 = arith.constant 1664 : i32
        %add3A_828 = vector.broadcast %add3A_827 : i32 to vector<16xi32>
        %add3A_829 = arith.addi %get3A_192, %add3A_828 : vector<16xi32>
        %gather3A_830 = tpu.vector_load_idx %arg5[%add3A_829] : memref<6400xf32, #tpu.memory_space<vmem>>[vector<16xi32>], vector<16xf32>,
        %add3A_831 = arith.constant 1792 : i32
        %add3A_832 = vector.broadcast %add3A_831 : i32 to vector<16xi32>
        %add3A_833 = arith.addi %get3A_192, %add3A_832 : vector<16xi32>
        %gather3A_834 = tpu.vector_load_idx %arg5[%add3A_833] : memref<6400xf32, #tpu.memory_space<vmem>>[vector<16xi32>], vector<16xf32>,
        %add3A_835 = arith.constant 1920 : i32
        %add3A_836 = vector.broadcast %add3A_835 : i32 to vector<16xi32>
        %add3A_837 = arith.addi %get3A_192, %add3A_836 : vector<16xi32>
        %gather3A_838 = tpu.vector_load_idx %arg5[%add3A_837] : memref<6400xf32, #tpu.memory_space<vmem>>[vector<16xi32>], vector<16xf32>,
        %add3A_839 = arith.constant 2048 : i32
        %add3A_840 = vector.broadcast %add3A_839 : i32 to vector<16xi32>
        %add3A_841 = arith.addi %get3A_192, %add3A_840 : vector<16xi32>
        %gather3A_842 = tpu.vector_load_idx %arg5[%add3A_841] : memref<6400xf32, #tpu.memory_space<vmem>>[vector<16xi32>], vector<16xf32>,
        %add3A_843 = arith.constant 2176 : i32
        %add3A_844 = vector.broadcast %add3A_843 : i32 to vector<16xi32>
        %add3A_845 = arith.addi %get3A_192, %add3A_844 : vector<16xi32>
        %gather3A_846 = tpu.vector_load_idx %arg5[%add3A_845] : memref<6400xf32, #tpu.memory_space<vmem>>[vector<16xi32>], vector<16xf32>,
        %add3A_847 = arith.constant 2304 : i32
        %add3A_848 = vector.broadcast %add3A_847 : i32 to vector<16xi32>
        %add3A_849 = arith.addi %get3A_192, %add3A_848 : vector<16xi32>
        %gather3A_850 = tpu.vector_load_idx %arg5[%add3A_849] : memref<6400xf32, #tpu.memory_space<vmem>>[vector<16xi32>], vector<16xf32>,
        %add3A_851 = arith.constant 2432 : i32
        %add3A_852 = vector.broadcast %add3A_851 : i32 to vector<16xi32>
        %add3A_853 = arith.addi %get3A_192, %add3A_852 : vector<16xi32>
        %gather3A_854 = tpu.vector_load_idx %arg5[%add3A_853] : memref<6400xf32, #tpu.memory_space<vmem>>[vector<16xi32>], vector<16xf32>,
        %swap3A_855 = arith.constant 10 : i32
        %swap3A_856 = arith.index_cast %select_n3A_121 : i32 to index
        %swap3A_857 = arith.index_cast %swap3A_855 : i32 to index
        %swap3A_858 = arith.index_cast %scan3A_185 : i32 to index
        %swap3A_859 = arith.constant 16 : index
        %swap3A_860 = tpu.vector_load %arg7[%swap3A_856, %swap3A_857, %swap3A_858, %swap3A_859] {strides = array<i32>} : memref<2x50x8x128xf32, #tpu.memory_space<vmem>>, vector<16xf32>,
        tpu.vector_store %arg7[%swap3A_856, %swap3A_857, %swap3A_858, %swap3A_859], %gather3A_818 {strides = array<i32>} : memref<2x50x8x128xf32, #tpu.memory_space<vmem>>, vector<16xf32>,
        %swap3A_861 = arith.constant 11 : i32
        %swap3A_862 = arith.index_cast %select_n3A_121 : i32 to index
        %swap3A_863 = arith.index_cast %swap3A_861 : i32 to index
        %swap3A_864 = arith.index_cast %scan3A_185 : i32 to index
        %swap3A_865 = arith.constant 16 : index
        %swap3A_866 = tpu.vector_load %arg7[%swap3A_862, %swap3A_863, %swap3A_864, %swap3A_865] {strides = array<i32>} : memref<2x50x8x128xf32, #tpu.memory_space<vmem>>, vector<16xf32>,
        tpu.vector_store %arg7[%swap3A_862, %swap3A_863, %swap3A_864, %swap3A_865], %gather3A_822 {strides = array<i32>} : memref<2x50x8x128xf32, #tpu.memory_space<vmem>>, vector<16xf32>,
        %swap3A_867 = arith.constant 12 : i32
        %swap3A_868 = arith.index_cast %select_n3A_121 : i32 to index
        %swap3A_869 = arith.index_cast %swap3A_867 : i32 to index
        %swap3A_870 = arith.index_cast %scan3A_185 : i32 to index
        %swap3A_871 = arith.constant 16 : index
        %swap3A_872 = tpu.vector_load %arg7[%swap3A_868, %swap3A_869, %swap3A_870, %swap3A_871] {strides = array<i32>} : memref<2x50x8x128xf32, #tpu.memory_space<vmem>>, vector<16xf32>,
        tpu.vector_store %arg7[%swap3A_868, %swap3A_869, %swap3A_870, %swap3A_871], %gather3A_826 {strides = array<i32>} : memref<2x50x8x128xf32, #tpu.memory_space<vmem>>, vector<16xf32>,
        %swap3A_873 = arith.constant 13 : i32
        %swap3A_874 = arith.index_cast %select_n3A_121 : i32 to index
        %swap3A_875 = arith.index_cast %swap3A_873 : i32 to index
        %swap3A_876 = arith.index_cast %scan3A_185 : i32 to index
        %swap3A_877 = arith.constant 16 : index
        %swap3A_878 = tpu.vector_load %arg7[%swap3A_874, %swap3A_875, %swap3A_876, %swap3A_877] {strides = array<i32>} : memref<2x50x8x128xf32, #tpu.memory_space<vmem>>, vector<16xf32>,
        tpu.vector_store %arg7[%swap3A_874, %swap3A_875, %swap3A_876, %swap3A_877], %gather3A_830 {strides = array<i32>} : memref<2x50x8x128xf32, #tpu.memory_space<vmem>>, vector<16xf32>,
        %swap3A_879 = arith.constant 14 : i32
        %swap3A_880 = arith.index_cast %select_n3A_121 : i32 to index
        %swap3A_881 = arith.index_cast %swap3A_879 : i32 to index
        %swap3A_882 = arith.index_cast %scan3A_185 : i32 to index
        %swap3A_883 = arith.constant 16 : index
        %swap3A_884 = tpu.vector_load %arg7[%swap3A_880, %swap3A_881, %swap3A_882, %swap3A_883] {strides = array<i32>} : memref<2x50x8x128xf32, #tpu.memory_space<vmem>>, vector<16xf32>,
        tpu.vector_store %arg7[%swap3A_880, %swap3A_881, %swap3A_882, %swap3A_883], %gather3A_834 {strides = array<i32>} : memref<2x50x8x128xf32, #tpu.memory_space<vmem>>, vector<16xf32>,
        %swap3A_885 = arith.constant 15 : i32
        %swap3A_886 = arith.index_cast %select_n3A_121 : i32 to index
        %swap3A_887 = arith.index_cast %swap3A_885 : i32 to index
        %swap3A_888 = arith.index_cast %scan3A_185 : i32 to index
        %swap3A_889 = arith.constant 16 : index
        %swap3A_890 = tpu.vector_load %arg7[%swap3A_886, %swap3A_887, %swap3A_888, %swap3A_889] {strides = array<i32>} : memref<2x50x8x128xf32, #tpu.memory_space<vmem>>, vector<16xf32>,
        tpu.vector_store %arg7[%swap3A_886, %swap3A_887, %swap3A_888, %swap3A_889], %gather3A_838 {strides = array<i32>} : memref<2x50x8x128xf32, #tpu.memory_space<vmem>>, vector<16xf32>,
        %swap3A_891 = arith.constant 16 : i32
        %swap3A_892 = arith.index_cast %select_n3A_121 : i32 to index
        %swap3A_893 = arith.index_cast %swap3A_891 : i32 to index
        %swap3A_894 = arith.index_cast %scan3A_185 : i32 to index
        %swap3A_895 = arith.constant 16 : index
        %swap3A_896 = tpu.vector_load %arg7[%swap3A_892, %swap3A_893, %swap3A_894, %swap3A_895] {strides = array<i32>} : memref<2x50x8x128xf32, #tpu.memory_space<vmem>>, vector<16xf32>,
        tpu.vector_store %arg7[%swap3A_892, %swap3A_893, %swap3A_894, %swap3A_895], %gather3A_842 {strides = array<i32>} : memref<2x50x8x128xf32, #tpu.memory_space<vmem>>, vector<16xf32>,
        %swap3A_897 = arith.constant 17 : i32
        %swap3A_898 = arith.index_cast %select_n3A_121 : i32 to index
        %swap3A_899 = arith.index_cast %swap3A_897 : i32 to index
        %swap3A_900 = arith.index_cast %scan3A_185 : i32 to index
        %swap3A_901 = arith.constant 16 : index
        %swap3A_902 = tpu.vector_load %arg7[%swap3A_898, %swap3A_899, %swap3A_900, %swap3A_901] {strides = array<i32>} : memref<2x50x8x128xf32, #tpu.memory_space<vmem>>, vector<16xf32>,
        tpu.vector_store %arg7[%swap3A_898, %swap3A_899, %swap3A_900, %swap3A_901], %gather3A_846 {strides = array<i32>} : memref<2x50x8x128xf32, #tpu.memory_space<vmem>>, vector<16xf32>,
        %swap3A_903 = arith.constant 18 : i32
        %swap3A_904 = arith.index_cast %select_n3A_121 : i32 to index
        %swap3A_905 = arith.index_cast %swap3A_903 : i32 to index
        %swap3A_906 = arith.index_cast %scan3A_185 : i32 to index
        %swap3A_907 = arith.constant 16 : index
        %swap3A_908 = tpu.vector_load %arg7[%swap3A_904, %swap3A_905, %swap3A_906, %swap3A_907] {strides = array<i32>} : memref<2x50x8x128xf32, #tpu.memory_space<vmem>>, vector<16xf32>,
        tpu.vector_store %arg7[%swap3A_904, %swap3A_905, %swap3A_906, %swap3A_907], %gather3A_850 {strides = array<i32>} : memref<2x50x8x128xf32, #tpu.memory_space<vmem>>, vector<16xf32>,
        %swap3A_909 = arith.constant 19 : i32
        %swap3A_910 = arith.index_cast %select_n3A_121 : i32 to index
        %swap3A_911 = arith.index_cast %swap3A_909 : i32 to index
        %swap3A_912 = arith.index_cast %scan3A_185 : i32 to index
        %swap3A_913 = arith.constant 16 : index
        %swap3A_914 = tpu.vector_load %arg7[%swap3A_910, %swap3A_911, %swap3A_912, %swap3A_913] {strides = array<i32>} : memref<2x50x8x128xf32, #tpu.memory_space<vmem>>, vector<16xf32>,
        tpu.vector_store %arg7[%swap3A_910, %swap3A_911, %swap3A_912, %swap3A_913], %gather3A_854 {strides = array<i32>} : memref<2x50x8x128xf32, #tpu.memory_space<vmem>>, vector<16xf32>,
        %add3A_915 = arith.constant 2560 : i32
        %add3A_916 = vector.broadcast %add3A_915 : i32 to vector<16xi32>
        %add3A_917 = arith.addi %get3A_192, %add3A_916 : vector<16xi32>
        %gather3A_918 = tpu.vector_load_idx %arg5[%add3A_917] : memref<6400xf32, #tpu.memory_space<vmem>>[vector<16xi32>], vector<16xf32>,
        %add3A_919 = arith.constant 2688 : i32
        %add3A_920 = vector.broadcast %add3A_919 : i32 to vector<16xi32>
        %add3A_921 = arith.addi %get3A_192, %add3A_920 : vector<16xi32>
        %gather3A_922 = tpu.vector_load_idx %arg5[%add3A_921] : memref<6400xf32, #tpu.memory_space<vmem>>[vector<16xi32>], vector<16xf32>,
        %add3A_923 = arith.constant 2816 : i32
        %add3A_924 = vector.broadcast %add3A_923 : i32 to vector<16xi32>
        %add3A_925 = arith.addi %get3A_192, %add3A_924 : vector<16xi32>
        %gather3A_926 = tpu.vector_load_idx %arg5[%add3A_925] : memref<6400xf32, #tpu.memory_space<vmem>>[vector<16xi32>], vector<16xf32>,
        %add3A_927 = arith.constant 2944 : i32
        %add3A_928 = vector.broadcast %add3A_927 : i32 to vector<16xi32>
        %add3A_929 = arith.addi %get3A_192, %add3A_928 : vector<16xi32>
        %gather3A_930 = tpu.vector_load_idx %arg5[%add3A_929] : memref<6400xf32, #tpu.memory_space<vmem>>[vector<16xi32>], vector<16xf32>,
        %add3A_931 = arith.constant 3072 : i32
        %add3A_932 = vector.broadcast %add3A_931 : i32 to vector<16xi32>
        %add3A_933 = arith.addi %get3A_192, %add3A_932 : vector<16xi32>
        %gather3A_934 = tpu.vector_load_idx %arg5[%add3A_933] : memref<6400xf32, #tpu.memory_space<vmem>>[vector<16xi32>], vector<16xf32>,
        %add3A_935 = arith.constant 3200 : i32
        %add3A_936 = vector.broadcast %add3A_935 : i32 to vector<16xi32>
        %add3A_937 = arith.addi %get3A_192, %add3A_936 : vector<16xi32>
        %gather3A_938 = tpu.vector_load_idx %arg5[%add3A_937] : memref<6400xf32, #tpu.memory_space<vmem>>[vector<16xi32>], vector<16xf32>,
        %add3A_939 = arith.constant 3328 : i32
        %add3A_940 = vector.broadcast %add3A_939 : i32 to vector<16xi32>
        %add3A_941 = arith.addi %get3A_192, %add3A_940 : vector<16xi32>
        %gather3A_942 = tpu.vector_load_idx %arg5[%add3A_941] : memref<6400xf32, #tpu.memory_space<vmem>>[vector<16xi32>], vector<16xf32>,
        %add3A_943 = arith.constant 3456 : i32
        %add3A_944 = vector.broadcast %add3A_943 : i32 to vector<16xi32>
        %add3A_945 = arith.addi %get3A_192, %add3A_944 : vector<16xi32>
        %gather3A_946 = tpu.vector_load_idx %arg5[%add3A_945] : memref<6400xf32, #tpu.memory_space<vmem>>[vector<16xi32>], vector<16xf32>,
        %add3A_947 = arith.constant 3584 : i32
        %add3A_948 = vector.broadcast %add3A_947 : i32 to vector<16xi32>
        %add3A_949 = arith.addi %get3A_192, %add3A_948 : vector<16xi32>
        %gather3A_950 = tpu.vector_load_idx %arg5[%add3A_949] : memref<6400xf32, #tpu.memory_space<vmem>>[vector<16xi32>], vector<16xf32>,
        %add3A_951 = arith.constant 3712 : i32
        %add3A_952 = vector.broadcast %add3A_951 : i32 to vector<16xi32>
        %add3A_953 = arith.addi %get3A_192, %add3A_952 : vector<16xi32>
        %gather3A_954 = tpu.vector_load_idx %arg5[%add3A_953] : memref<6400xf32, #tpu.memory_space<vmem>>[vector<16xi32>], vector<16xf32>,
        %swap3A_955 = arith.constant 20 : i32
        %swap3A_956 = arith.index_cast %select_n3A_121 : i32 to index
        %swap3A_957 = arith.index_cast %swap3A_955 : i32 to index
        %swap3A_958 = arith.index_cast %scan3A_185 : i32 to index
        %swap3A_959 = arith.constant 16 : index
        %swap3A_960 = tpu.vector_load %arg7[%swap3A_956, %swap3A_957, %swap3A_958, %swap3A_959] {strides = array<i32>} : memref<2x50x8x128xf32, #tpu.memory_space<vmem>>, vector<16xf32>,
        tpu.vector_store %arg7[%swap3A_956, %swap3A_957, %swap3A_958, %swap3A_959], %gather3A_918 {strides = array<i32>} : memref<2x50x8x128xf32, #tpu.memory_space<vmem>>, vector<16xf32>,
        %swap3A_961 = arith.constant 21 : i32
        %swap3A_962 = arith.index_cast %select_n3A_121 : i32 to index
        %swap3A_963 = arith.index_cast %swap3A_961 : i32 to index
        %swap3A_964 = arith.index_cast %scan3A_185 : i32 to index
        %swap3A_965 = arith.constant 16 : index
        %swap3A_966 = tpu.vector_load %arg7[%swap3A_962, %swap3A_963, %swap3A_964, %swap3A_965] {strides = array<i32>} : memref<2x50x8x128xf32, #tpu.memory_space<vmem>>, vector<16xf32>,
        tpu.vector_store %arg7[%swap3A_962, %swap3A_963, %swap3A_964, %swap3A_965], %gather3A_922 {strides = array<i32>} : memref<2x50x8x128xf32, #tpu.memory_space<vmem>>, vector<16xf32>,
        %swap3A_967 = arith.constant 22 : i32
        %swap3A_968 = arith.index_cast %select_n3A_121 : i32 to index
        %swap3A_969 = arith.index_cast %swap3A_967 : i32 to index
        %swap3A_970 = arith.index_cast %scan3A_185 : i32 to index
        %swap3A_971 = arith.constant 16 : index
        %swap3A_972 = tpu.vector_load %arg7[%swap3A_968, %swap3A_969, %swap3A_970, %swap3A_971] {strides = array<i32>} : memref<2x50x8x128xf32, #tpu.memory_space<vmem>>, vector<16xf32>,
        tpu.vector_store %arg7[%swap3A_968, %swap3A_969, %swap3A_970, %swap3A_971], %gather3A_926 {strides = array<i32>} : memref<2x50x8x128xf32, #tpu.memory_space<vmem>>, vector<16xf32>,
        %swap3A_973 = arith.constant 23 : i32
        %swap3A_974 = arith.index_cast %select_n3A_121 : i32 to index
        %swap3A_975 = arith.index_cast %swap3A_973 : i32 to index
        %swap3A_976 = arith.index_cast %scan3A_185 : i32 to index
        %swap3A_977 = arith.constant 16 : index
        %swap3A_978 = tpu.vector_load %arg7[%swap3A_974, %swap3A_975, %swap3A_976, %swap3A_977] {strides = array<i32>} : memref<2x50x8x128xf32, #tpu.memory_space<vmem>>, vector<16xf32>,
        tpu.vector_store %arg7[%swap3A_974, %swap3A_975, %swap3A_976, %swap3A_977], %gather3A_930 {strides = array<i32>} : memref<2x50x8x128xf32, #tpu.memory_space<vmem>>, vector<16xf32>,
        %swap3A_979 = arith.constant 24 : i32
        %swap3A_980 = arith.index_cast %select_n3A_121 : i32 to index
        %swap3A_981 = arith.index_cast %swap3A_979 : i32 to index
        %swap3A_982 = arith.index_cast %scan3A_185 : i32 to index
        %swap3A_983 = arith.constant 16 : index
        %swap3A_984 = tpu.vector_load %arg7[%swap3A_980, %swap3A_981, %swap3A_982, %swap3A_983] {strides = array<i32>} : memref<2x50x8x128xf32, #tpu.memory_space<vmem>>, vector<16xf32>,
        tpu.vector_store %arg7[%swap3A_980, %swap3A_981, %swap3A_982, %swap3A_983], %gather3A_934 {strides = array<i32>} : memref<2x50x8x128xf32, #tpu.memory_space<vmem>>, vector<16xf32>,
        %swap3A_985 = arith.constant 25 : i32
        %swap3A_986 = arith.index_cast %select_n3A_121 : i32 to index
        %swap3A_987 = arith.index_cast %swap3A_985 : i32 to index
        %swap3A_988 = arith.index_cast %scan3A_185 : i32 to index
        %swap3A_989 = arith.constant 16 : index
        %swap3A_990 = tpu.vector_load %arg7[%swap3A_986, %swap3A_987, %swap3A_988, %swap3A_989] {strides = array<i32>} : memref<2x50x8x128xf32, #tpu.memory_space<vmem>>, vector<16xf32>,
        tpu.vector_store %arg7[%swap3A_986, %swap3A_987, %swap3A_988, %swap3A_989], %gather3A_938 {strides = array<i32>} : memref<2x50x8x128xf32, #tpu.memory_space<vmem>>, vector<16xf32>,
        %swap3A_991 = arith.constant 26 : i32
        %swap3A_992 = arith.index_cast %select_n3A_121 : i32 to index
        %swap3A_993 = arith.index_cast %swap3A_991 : i32 to index
        %swap3A_994 = arith.index_cast %scan3A_185 : i32 to index
        %swap3A_995 = arith.constant 16 : index
        %swap3A_996 = tpu.vector_load %arg7[%swap3A_992, %swap3A_993, %swap3A_994, %swap3A_995] {strides = array<i32>} : memref<2x50x8x128xf32, #tpu.memory_space<vmem>>, vector<16xf32>,
        tpu.vector_store %arg7[%swap3A_992, %swap3A_993, %swap3A_994, %swap3A_995], %gather3A_942 {strides = array<i32>} : memref<2x50x8x128xf32, #tpu.memory_space<vmem>>, vector<16xf32>,
        %swap3A_997 = arith.constant 27 : i32
        %swap3A_998 = arith.index_cast %select_n3A_121 : i32 to index
        %swap3A_999 = arith.index_cast %swap3A_997 : i32 to index
        %swap3A_1000 = arith.index_cast %scan3A_185 : i32 to index
        %swap3A_1001 = arith.constant 16 : index
        %swap3A_1002 = tpu.vector_load %arg7[%swap3A_998, %swap3A_999, %swap3A_1000, %swap3A_1001] {strides = array<i32>} : memref<2x50x8x128xf32, #tpu.memory_space<vmem>>, vector<16xf32>,
        tpu.vector_store %arg7[%swap3A_998, %swap3A_999, %swap3A_1000, %swap3A_1001], %gather3A_946 {strides = array<i32>} : memref<2x50x8x128xf32, #tpu.memory_space<vmem>>, vector<16xf32>,
        %swap3A_1003 = arith.constant 28 : i32
        %swap3A_1004 = arith.index_cast %select_n3A_121 : i32 to index
        %swap3A_1005 = arith.index_cast %swap3A_1003 : i32 to index
        %swap3A_1006 = arith.index_cast %scan3A_185 : i32 to index
        %swap3A_1007 = arith.constant 16 : index
        %swap3A_1008 = tpu.vector_load %arg7[%swap3A_1004, %swap3A_1005, %swap3A_1006, %swap3A_1007] {strides = array<i32>} : memref<2x50x8x128xf32, #tpu.memory_space<vmem>>, vector<16xf32>,
        tpu.vector_store %arg7[%swap3A_1004, %swap3A_1005, %swap3A_1006, %swap3A_1007], %gather3A_950 {strides = array<i32>} : memref<2x50x8x128xf32, #tpu.memory_space<vmem>>, vector<16xf32>,
        %swap3A_1009 = arith.constant 29 : i32
        %swap3A_1010 = arith.index_cast %select_n3A_121 : i32 to index
        %swap3A_1011 = arith.index_cast %swap3A_1009 : i32 to index
        %swap3A_1012 = arith.index_cast %scan3A_185 : i32 to index
        %swap3A_1013 = arith.constant 16 : index
        %swap3A_1014 = tpu.vector_load %arg7[%swap3A_1010, %swap3A_1011, %swap3A_1012, %swap3A_1013] {strides = array<i32>} : memref<2x50x8x128xf32, #tpu.memory_space<vmem>>, vector<16xf32>,
        tpu.vector_store %arg7[%swap3A_1010, %swap3A_1011, %swap3A_1012, %swap3A_1013], %gather3A_954 {strides = array<i32>} : memref<2x50x8x128xf32, #tpu.memory_space<vmem>>, vector<16xf32>,
        %add3A_1015 = arith.constant 3840 : i32
        %add3A_1016 = vector.broadcast %add3A_1015 : i32 to vector<16xi32>
        %add3A_1017 = arith.addi %get3A_192, %add3A_1016 : vector<16xi32>
        %gather3A_1018 = tpu.vector_load_idx %arg5[%add3A_1017] : memref<6400xf32, #tpu.memory_space<vmem>>[vector<16xi32>], vector<16xf32>,
        %add3A_1019 = arith.constant 3968 : i32
        %add3A_1020 = vector.broadcast %add3A_1019 : i32 to vector<16xi32>
        %add3A_1021 = arith.addi %get3A_192, %add3A_1020 : vector<16xi32>
        %gather3A_1022 = tpu.vector_load_idx %arg5[%add3A_1021] : memref<6400xf32, #tpu.memory_space<vmem>>[vector<16xi32>], vector<16xf32>,
        %add3A_1023 = arith.constant 4096 : i32
        %add3A_1024 = vector.broadcast %add3A_1023 : i32 to vector<16xi32>
        %add3A_1025 = arith.addi %get3A_192, %add3A_1024 : vector<16xi32>
        %gather3A_1026 = tpu.vector_load_idx %arg5[%add3A_1025] : memref<6400xf32, #tpu.memory_space<vmem>>[vector<16xi32>], vector<16xf32>,
        %add3A_1027 = arith.constant 4224 : i32
        %add3A_1028 = vector.broadcast %add3A_1027 : i32 to vector<16xi32>
        %add3A_1029 = arith.addi %get3A_192, %add3A_1028 : vector<16xi32>
        %gather3A_1030 = tpu.vector_load_idx %arg5[%add3A_1029] : memref<6400xf32, #tpu.memory_space<vmem>>[vector<16xi32>], vector<16xf32>,
        %add3A_1031 = arith.constant 4352 : i32
        %add3A_1032 = vector.broadcast %add3A_1031 : i32 to vector<16xi32>
        %add3A_1033 = arith.addi %get3A_192, %add3A_1032 : vector<16xi32>
        %gather3A_1034 = tpu.vector_load_idx %arg5[%add3A_1033] : memref<6400xf32, #tpu.memory_space<vmem>>[vector<16xi32>], vector<16xf32>,
        %add3A_1035 = arith.constant 4480 : i32
        %add3A_1036 = vector.broadcast %add3A_1035 : i32 to vector<16xi32>
        %add3A_1037 = arith.addi %get3A_192, %add3A_1036 : vector<16xi32>
        %gather3A_1038 = tpu.vector_load_idx %arg5[%add3A_1037] : memref<6400xf32, #tpu.memory_space<vmem>>[vector<16xi32>], vector<16xf32>,
        %add3A_1039 = arith.constant 4608 : i32
        %add3A_1040 = vector.broadcast %add3A_1039 : i32 to vector<16xi32>
        %add3A_1041 = arith.addi %get3A_192, %add3A_1040 : vector<16xi32>
        %gather3A_1042 = tpu.vector_load_idx %arg5[%add3A_1041] : memref<6400xf32, #tpu.memory_space<vmem>>[vector<16xi32>], vector<16xf32>,
        %add3A_1043 = arith.constant 4736 : i32
        %add3A_1044 = vector.broadcast %add3A_1043 : i32 to vector<16xi32>
        %add3A_1045 = arith.addi %get3A_192, %add3A_1044 : vector<16xi32>
        %gather3A_1046 = tpu.vector_load_idx %arg5[%add3A_1045] : memref<6400xf32, #tpu.memory_space<vmem>>[vector<16xi32>], vector<16xf32>,
        %add3A_1047 = arith.constant 4864 : i32
        %add3A_1048 = vector.broadcast %add3A_1047 : i32 to vector<16xi32>
        %add3A_1049 = arith.addi %get3A_192, %add3A_1048 : vector<16xi32>
        %gather3A_1050 = tpu.vector_load_idx %arg5[%add3A_1049] : memref<6400xf32, #tpu.memory_space<vmem>>[vector<16xi32>], vector<16xf32>,
        %add3A_1051 = arith.constant 4992 : i32
        %add3A_1052 = vector.broadcast %add3A_1051 : i32 to vector<16xi32>
        %add3A_1053 = arith.addi %get3A_192, %add3A_1052 : vector<16xi32>
        %gather3A_1054 = tpu.vector_load_idx %arg5[%add3A_1053] : memref<6400xf32, #tpu.memory_space<vmem>>[vector<16xi32>], vector<16xf32>,
        %swap3A_1055 = arith.constant 30 : i32
        %swap3A_1056 = arith.index_cast %select_n3A_121 : i32 to index
        %swap3A_1057 = arith.index_cast %swap3A_1055 : i32 to index
        %swap3A_1058 = arith.index_cast %scan3A_185 : i32 to index
        %swap3A_1059 = arith.constant 16 : index
        %swap3A_1060 = tpu.vector_load %arg7[%swap3A_1056, %swap3A_1057, %swap3A_1058, %swap3A_1059] {strides = array<i32>} : memref<2x50x8x128xf32, #tpu.memory_space<vmem>>, vector<16xf32>,
        tpu.vector_store %arg7[%swap3A_1056, %swap3A_1057, %swap3A_1058, %swap3A_1059], %gather3A_1018 {strides = array<i32>} : memref<2x50x8x128xf32, #tpu.memory_space<vmem>>, vector<16xf32>,
        %swap3A_1061 = arith.constant 31 : i32
        %swap3A_1062 = arith.index_cast %select_n3A_121 : i32 to index
        %swap3A_1063 = arith.index_cast %swap3A_1061 : i32 to index
        %swap3A_1064 = arith.index_cast %scan3A_185 : i32 to index
        %swap3A_1065 = arith.constant 16 : index
        %swap3A_1066 = tpu.vector_load %arg7[%swap3A_1062, %swap3A_1063, %swap3A_1064, %swap3A_1065] {strides = array<i32>} : memref<2x50x8x128xf32, #tpu.memory_space<vmem>>, vector<16xf32>,
        tpu.vector_store %arg7[%swap3A_1062, %swap3A_1063, %swap3A_1064, %swap3A_1065], %gather3A_1022 {strides = array<i32>} : memref<2x50x8x128xf32, #tpu.memory_space<vmem>>, vector<16xf32>,
        %swap3A_1067 = arith.constant 32 : i32
        %swap3A_1068 = arith.index_cast %select_n3A_121 : i32 to index
        %swap3A_1069 = arith.index_cast %swap3A_1067 : i32 to index
        %swap3A_1070 = arith.index_cast %scan3A_185 : i32 to index
        %swap3A_1071 = arith.constant 16 : index
        %swap3A_1072 = tpu.vector_load %arg7[%swap3A_1068, %swap3A_1069, %swap3A_1070, %swap3A_1071] {strides = array<i32>} : memref<2x50x8x128xf32, #tpu.memory_space<vmem>>, vector<16xf32>,
        tpu.vector_store %arg7[%swap3A_1068, %swap3A_1069, %swap3A_1070, %swap3A_1071], %gather3A_1026 {strides = array<i32>} : memref<2x50x8x128xf32, #tpu.memory_space<vmem>>, vector<16xf32>,
        %swap3A_1073 = arith.constant 33 : i32
        %swap3A_1074 = arith.index_cast %select_n3A_121 : i32 to index
        %swap3A_1075 = arith.index_cast %swap3A_1073 : i32 to index
        %swap3A_1076 = arith.index_cast %scan3A_185 : i32 to index
        %swap3A_1077 = arith.constant 16 : index
        %swap3A_1078 = tpu.vector_load %arg7[%swap3A_1074, %swap3A_1075, %swap3A_1076, %swap3A_1077] {strides = array<i32>} : memref<2x50x8x128xf32, #tpu.memory_space<vmem>>, vector<16xf32>,
        tpu.vector_store %arg7[%swap3A_1074, %swap3A_1075, %swap3A_1076, %swap3A_1077], %gather3A_1030 {strides = array<i32>} : memref<2x50x8x128xf32, #tpu.memory_space<vmem>>, vector<16xf32>,
        %swap3A_1079 = arith.constant 34 : i32
        %swap3A_1080 = arith.index_cast %select_n3A_121 : i32 to index
        %swap3A_1081 = arith.index_cast %swap3A_1079 : i32 to index
        %swap3A_1082 = arith.index_cast %scan3A_185 : i32 to index
        %swap3A_1083 = arith.constant 16 : index
        %swap3A_1084 = tpu.vector_load %arg7[%swap3A_1080, %swap3A_1081, %swap3A_1082, %swap3A_1083] {strides = array<i32>} : memref<2x50x8x128xf32, #tpu.memory_space<vmem>>, vector<16xf32>,
        tpu.vector_store %arg7[%swap3A_1080, %swap3A_1081, %swap3A_1082, %swap3A_1083], %gather3A_1034 {strides = array<i32>} : memref<2x50x8x128xf32, #tpu.memory_space<vmem>>, vector<16xf32>,
        %swap3A_1085 = arith.constant 35 : i32
        %swap3A_1086 = arith.index_cast %select_n3A_121 : i32 to index
        %swap3A_1087 = arith.index_cast %swap3A_1085 : i32 to index
        %swap3A_1088 = arith.index_cast %scan3A_185 : i32 to index
        %swap3A_1089 = arith.constant 16 : index
        %swap3A_1090 = tpu.vector_load %arg7[%swap3A_1086, %swap3A_1087, %swap3A_1088, %swap3A_1089] {strides = array<i32>} : memref<2x50x8x128xf32, #tpu.memory_space<vmem>>, vector<16xf32>,
        tpu.vector_store %arg7[%swap3A_1086, %swap3A_1087, %swap3A_1088, %swap3A_1089], %gather3A_1038 {strides = array<i32>} : memref<2x50x8x128xf32, #tpu.memory_space<vmem>>, vector<16xf32>,
        %swap3A_1091 = arith.constant 36 : i32
        %swap3A_1092 = arith.index_cast %select_n3A_121 : i32 to index
        %swap3A_1093 = arith.index_cast %swap3A_1091 : i32 to index
        %swap3A_1094 = arith.index_cast %scan3A_185 : i32 to index
        %swap3A_1095 = arith.constant 16 : index
        %swap3A_1096 = tpu.vector_load %arg7[%swap3A_1092, %swap3A_1093, %swap3A_1094, %swap3A_1095] {strides = array<i32>} : memref<2x50x8x128xf32, #tpu.memory_space<vmem>>, vector<16xf32>,
        tpu.vector_store %arg7[%swap3A_1092, %swap3A_1093, %swap3A_1094, %swap3A_1095], %gather3A_1042 {strides = array<i32>} : memref<2x50x8x128xf32, #tpu.memory_space<vmem>>, vector<16xf32>,
        %swap3A_1097 = arith.constant 37 : i32
        %swap3A_1098 = arith.index_cast %select_n3A_121 : i32 to index
        %swap3A_1099 = arith.index_cast %swap3A_1097 : i32 to index
        %swap3A_1100 = arith.index_cast %scan3A_185 : i32 to index
        %swap3A_1101 = arith.constant 16 : index
        %swap3A_1102 = tpu.vector_load %arg7[%swap3A_1098, %swap3A_1099, %swap3A_1100, %swap3A_1101] {strides = array<i32>} : memref<2x50x8x128xf32, #tpu.memory_space<vmem>>, vector<16xf32>,
        tpu.vector_store %arg7[%swap3A_1098, %swap3A_1099, %swap3A_1100, %swap3A_1101], %gather3A_1046 {strides = array<i32>} : memref<2x50x8x128xf32, #tpu.memory_space<vmem>>, vector<16xf32>,
        %swap3A_1103 = arith.constant 38 : i32
        %swap3A_1104 = arith.index_cast %select_n3A_121 : i32 to index
        %swap3A_1105 = arith.index_cast %swap3A_1103 : i32 to index
        %swap3A_1106 = arith.index_cast %scan3A_185 : i32 to index
        %swap3A_1107 = arith.constant 16 : index
        %swap3A_1108 = tpu.vector_load %arg7[%swap3A_1104, %swap3A_1105, %swap3A_1106, %swap3A_1107] {strides = array<i32>} : memref<2x50x8x128xf32, #tpu.memory_space<vmem>>, vector<16xf32>,
        tpu.vector_store %arg7[%swap3A_1104, %swap3A_1105, %swap3A_1106, %swap3A_1107], %gather3A_1050 {strides = array<i32>} : memref<2x50x8x128xf32, #tpu.memory_space<vmem>>, vector<16xf32>,
        %swap3A_1109 = arith.constant 39 : i32
        %swap3A_1110 = arith.index_cast %select_n3A_121 : i32 to index
        %swap3A_1111 = arith.index_cast %swap3A_1109 : i32 to index
        %swap3A_1112 = arith.index_cast %scan3A_185 : i32 to index
        %swap3A_1113 = arith.constant 16 : index
        %swap3A_1114 = tpu.vector_load %arg7[%swap3A_1110, %swap3A_1111, %swap3A_1112, %swap3A_1113] {strides = array<i32>} : memref<2x50x8x128xf32, #tpu.memory_space<vmem>>, vector<16xf32>,
        tpu.vector_store %arg7[%swap3A_1110, %swap3A_1111, %swap3A_1112, %swap3A_1113], %gather3A_1054 {strides = array<i32>} : memref<2x50x8x128xf32, #tpu.memory_space<vmem>>, vector<16xf32>,
        %add3A_1115 = arith.constant 5120 : i32
        %add3A_1116 = vector.broadcast %add3A_1115 : i32 to vector<16xi32>
        %add3A_1117 = arith.addi %get3A_192, %add3A_1116 : vector<16xi32>
        %gather3A_1118 = tpu.vector_load_idx %arg5[%add3A_1117] : memref<6400xf32, #tpu.memory_space<vmem>>[vector<16xi32>], vector<16xf32>,
        %add3A_1119 = arith.constant 5248 : i32
        %add3A_1120 = vector.broadcast %add3A_1119 : i32 to vector<16xi32>
        %add3A_1121 = arith.addi %get3A_192, %add3A_1120 : vector<16xi32>
        %gather3A_1122 = tpu.vector_load_idx %arg5[%add3A_1121] : memref<6400xf32, #tpu.memory_space<vmem>>[vector<16xi32>], vector<16xf32>,
        %add3A_1123 = arith.constant 5376 : i32
        %add3A_1124 = vector.broadcast %add3A_1123 : i32 to vector<16xi32>
        %add3A_1125 = arith.addi %get3A_192, %add3A_1124 : vector<16xi32>
        %gather3A_1126 = tpu.vector_load_idx %arg5[%add3A_1125] : memref<6400xf32, #tpu.memory_space<vmem>>[vector<16xi32>], vector<16xf32>,
        %add3A_1127 = arith.constant 5504 : i32
        %add3A_1128 = vector.broadcast %add3A_1127 : i32 to vector<16xi32>
        %add3A_1129 = arith.addi %get3A_192, %add3A_1128 : vector<16xi32>
        %gather3A_1130 = tpu.vector_load_idx %arg5[%add3A_1129] : memref<6400xf32, #tpu.memory_space<vmem>>[vector<16xi32>], vector<16xf32>,
        %add3A_1131 = arith.constant 5632 : i32
        %add3A_1132 = vector.broadcast %add3A_1131 : i32 to vector<16xi32>
        %add3A_1133 = arith.addi %get3A_192, %add3A_1132 : vector<16xi32>
        %gather3A_1134 = tpu.vector_load_idx %arg5[%add3A_1133] : memref<6400xf32, #tpu.memory_space<vmem>>[vector<16xi32>], vector<16xf32>,
        %add3A_1135 = arith.constant 5760 : i32
        %add3A_1136 = vector.broadcast %add3A_1135 : i32 to vector<16xi32>
        %add3A_1137 = arith.addi %get3A_192, %add3A_1136 : vector<16xi32>
        %gather3A_1138 = tpu.vector_load_idx %arg5[%add3A_1137] : memref<6400xf32, #tpu.memory_space<vmem>>[vector<16xi32>], vector<16xf32>,
        %add3A_1139 = arith.constant 5888 : i32
        %add3A_1140 = vector.broadcast %add3A_1139 : i32 to vector<16xi32>
        %add3A_1141 = arith.addi %get3A_192, %add3A_1140 : vector<16xi32>
        %gather3A_1142 = tpu.vector_load_idx %arg5[%add3A_1141] : memref<6400xf32, #tpu.memory_space<vmem>>[vector<16xi32>], vector<16xf32>,
        %add3A_1143 = arith.constant 6016 : i32
        %add3A_1144 = vector.broadcast %add3A_1143 : i32 to vector<16xi32>
        %add3A_1145 = arith.addi %get3A_192, %add3A_1144 : vector<16xi32>
        %gather3A_1146 = tpu.vector_load_idx %arg5[%add3A_1145] : memref<6400xf32, #tpu.memory_space<vmem>>[vector<16xi32>], vector<16xf32>,
        %add3A_1147 = arith.constant 6144 : i32
        %add3A_1148 = vector.broadcast %add3A_1147 : i32 to vector<16xi32>
        %add3A_1149 = arith.addi %get3A_192, %add3A_1148 : vector<16xi32>
        %gather3A_1150 = tpu.vector_load_idx %arg5[%add3A_1149] : memref<6400xf32, #tpu.memory_space<vmem>>[vector<16xi32>], vector<16xf32>,
        %add3A_1151 = arith.constant 6272 : i32
        %add3A_1152 = vector.broadcast %add3A_1151 : i32 to vector<16xi32>
        %add3A_1153 = arith.addi %get3A_192, %add3A_1152 : vector<16xi32>
        %gather3A_1154 = tpu.vector_load_idx %arg5[%add3A_1153] : memref<6400xf32, #tpu.memory_space<vmem>>[vector<16xi32>], vector<16xf32>,
        %swap3A_1155 = arith.constant 40 : i32
        %swap3A_1156 = arith.index_cast %select_n3A_121 : i32 to index
        %swap3A_1157 = arith.index_cast %swap3A_1155 : i32 to index
        %swap3A_1158 = arith.index_cast %scan3A_185 : i32 to index
        %swap3A_1159 = arith.constant 16 : index
        %swap3A_1160 = tpu.vector_load %arg7[%swap3A_1156, %swap3A_1157, %swap3A_1158, %swap3A_1159] {strides = array<i32>} : memref<2x50x8x128xf32, #tpu.memory_space<vmem>>, vector<16xf32>,
        tpu.vector_store %arg7[%swap3A_1156, %swap3A_1157, %swap3A_1158, %swap3A_1159], %gather3A_1118 {strides = array<i32>} : memref<2x50x8x128xf32, #tpu.memory_space<vmem>>, vector<16xf32>,
        %swap3A_1161 = arith.constant 41 : i32
        %swap3A_1162 = arith.index_cast %select_n3A_121 : i32 to index
        %swap3A_1163 = arith.index_cast %swap3A_1161 : i32 to index
        %swap3A_1164 = arith.index_cast %scan3A_185 : i32 to index
        %swap3A_1165 = arith.constant 16 : index
        %swap3A_1166 = tpu.vector_load %arg7[%swap3A_1162, %swap3A_1163, %swap3A_1164, %swap3A_1165] {strides = array<i32>} : memref<2x50x8x128xf32, #tpu.memory_space<vmem>>, vector<16xf32>,
        tpu.vector_store %arg7[%swap3A_1162, %swap3A_1163, %swap3A_1164, %swap3A_1165], %gather3A_1122 {strides = array<i32>} : memref<2x50x8x128xf32, #tpu.memory_space<vmem>>, vector<16xf32>,
        %swap3A_1167 = arith.constant 42 : i32
        %swap3A_1168 = arith.index_cast %select_n3A_121 : i32 to index
        %swap3A_1169 = arith.index_cast %swap3A_1167 : i32 to index
        %swap3A_1170 = arith.index_cast %scan3A_185 : i32 to index
        %swap3A_1171 = arith.constant 16 : index
        %swap3A_1172 = tpu.vector_load %arg7[%swap3A_1168, %swap3A_1169, %swap3A_1170, %swap3A_1171] {strides = array<i32>} : memref<2x50x8x128xf32, #tpu.memory_space<vmem>>, vector<16xf32>,
        tpu.vector_store %arg7[%swap3A_1168, %swap3A_1169, %swap3A_1170, %swap3A_1171], %gather3A_1126 {strides = array<i32>} : memref<2x50x8x128xf32, #tpu.memory_space<vmem>>, vector<16xf32>,
        %swap3A_1173 = arith.constant 43 : i32
        %swap3A_1174 = arith.index_cast %select_n3A_121 : i32 to index
        %swap3A_1175 = arith.index_cast %swap3A_1173 : i32 to index
        %swap3A_1176 = arith.index_cast %scan3A_185 : i32 to index
        %swap3A_1177 = arith.constant 16 : index
        %swap3A_1178 = tpu.vector_load %arg7[%swap3A_1174, %swap3A_1175, %swap3A_1176, %swap3A_1177] {strides = array<i32>} : memref<2x50x8x128xf32, #tpu.memory_space<vmem>>, vector<16xf32>,
        tpu.vector_store %arg7[%swap3A_1174, %swap3A_1175, %swap3A_1176, %swap3A_1177], %gather3A_1130 {strides = array<i32>} : memref<2x50x8x128xf32, #tpu.memory_space<vmem>>, vector<16xf32>,
        %swap3A_1179 = arith.constant 44 : i32
        %swap3A_1180 = arith.index_cast %select_n3A_121 : i32 to index
        %swap3A_1181 = arith.index_cast %swap3A_1179 : i32 to index
        %swap3A_1182 = arith.index_cast %scan3A_185 : i32 to index
        %swap3A_1183 = arith.constant 16 : index
        %swap3A_1184 = tpu.vector_load %arg7[%swap3A_1180, %swap3A_1181, %swap3A_1182, %swap3A_1183] {strides = array<i32>} : memref<2x50x8x128xf32, #tpu.memory_space<vmem>>, vector<16xf32>,
        tpu.vector_store %arg7[%swap3A_1180, %swap3A_1181, %swap3A_1182, %swap3A_1183], %gather3A_1134 {strides = array<i32>} : memref<2x50x8x128xf32, #tpu.memory_space<vmem>>, vector<16xf32>,
        %swap3A_1185 = arith.constant 45 : i32
        %swap3A_1186 = arith.index_cast %select_n3A_121 : i32 to index
        %swap3A_1187 = arith.index_cast %swap3A_1185 : i32 to index
        %swap3A_1188 = arith.index_cast %scan3A_185 : i32 to index
        %swap3A_1189 = arith.constant 16 : index
        %swap3A_1190 = tpu.vector_load %arg7[%swap3A_1186, %swap3A_1187, %swap3A_1188, %swap3A_1189] {strides = array<i32>} : memref<2x50x8x128xf32, #tpu.memory_space<vmem>>, vector<16xf32>,
        tpu.vector_store %arg7[%swap3A_1186, %swap3A_1187, %swap3A_1188, %swap3A_1189], %gather3A_1138 {strides = array<i32>} : memref<2x50x8x128xf32, #tpu.memory_space<vmem>>, vector<16xf32>,
        %swap3A_1191 = arith.constant 46 : i32
        %swap3A_1192 = arith.index_cast %select_n3A_121 : i32 to index
        %swap3A_1193 = arith.index_cast %swap3A_1191 : i32 to index
        %swap3A_1194 = arith.index_cast %scan3A_185 : i32 to index
        %swap3A_1195 = arith.constant 16 : index
        %swap3A_1196 = tpu.vector_load %arg7[%swap3A_1192, %swap3A_1193, %swap3A_1194, %swap3A_1195] {strides = array<i32>} : memref<2x50x8x128xf32, #tpu.memory_space<vmem>>, vector<16xf32>,
        tpu.vector_store %arg7[%swap3A_1192, %swap3A_1193, %swap3A_1194, %swap3A_1195], %gather3A_1142 {strides = array<i32>} : memref<2x50x8x128xf32, #tpu.memory_space<vmem>>, vector<16xf32>,
        %swap3A_1197 = arith.constant 47 : i32
        %swap3A_1198 = arith.index_cast %select_n3A_121 : i32 to index
        %swap3A_1199 = arith.index_cast %swap3A_1197 : i32 to index
        %swap3A_1200 = arith.index_cast %scan3A_185 : i32 to index
        %swap3A_1201 = arith.constant 16 : index
        %swap3A_1202 = tpu.vector_load %arg7[%swap3A_1198, %swap3A_1199, %swap3A_1200, %swap3A_1201] {strides = array<i32>} : memref<2x50x8x128xf32, #tpu.memory_space<vmem>>, vector<16xf32>,
        tpu.vector_store %arg7[%swap3A_1198, %swap3A_1199, %swap3A_1200, %swap3A_1201], %gather3A_1146 {strides = array<i32>} : memref<2x50x8x128xf32, #tpu.memory_space<vmem>>, vector<16xf32>,
        %swap3A_1203 = arith.constant 48 : i32
        %swap3A_1204 = arith.index_cast %select_n3A_121 : i32 to index
        %swap3A_1205 = arith.index_cast %swap3A_1203 : i32 to index
        %swap3A_1206 = arith.index_cast %scan3A_185 : i32 to index
        %swap3A_1207 = arith.constant 16 : index
        %swap3A_1208 = tpu.vector_load %arg7[%swap3A_1204, %swap3A_1205, %swap3A_1206, %swap3A_1207] {strides = array<i32>} : memref<2x50x8x128xf32, #tpu.memory_space<vmem>>, vector<16xf32>,
        tpu.vector_store %arg7[%swap3A_1204, %swap3A_1205, %swap3A_1206, %swap3A_1207], %gather3A_1150 {strides = array<i32>} : memref<2x50x8x128xf32, #tpu.memory_space<vmem>>, vector<16xf32>,
        %swap3A_1209 = arith.constant 49 : i32
        %swap3A_1210 = arith.index_cast %select_n3A_121 : i32 to index
        %swap3A_1211 = arith.index_cast %swap3A_1209 : i32 to index
        %swap3A_1212 = arith.index_cast %scan3A_185 : i32 to index
        %swap3A_1213 = arith.constant 16 : index
        %swap3A_1214 = tpu.vector_load %arg7[%swap3A_1210, %swap3A_1211, %swap3A_1212, %swap3A_1213] {strides = array<i32>} : memref<2x50x8x128xf32, #tpu.memory_space<vmem>>, vector<16xf32>,
        tpu.vector_store %arg7[%swap3A_1210, %swap3A_1211, %swap3A_1212, %swap3A_1213], %gather3A_1154 {strides = array<i32>} : memref<2x50x8x128xf32, #tpu.memory_space<vmem>>, vector<16xf32>,
        %add3A_1215 = arith.constant 0 : i32
        %add3A_1216 = vector.broadcast %add3A_1215 : i32 to vector<16xi32>
        %add3A_1217 = arith.addi %get3A_196, %add3A_1216 : vector<16xi32>
        %gather3A_1218 = tpu.vector_load_idx %arg5[%add3A_1217] : memref<6400xf32, #tpu.memory_space<vmem>>[vector<16xi32>], vector<16xf32>,
        %add3A_1219 = arith.constant 128 : i32
        %add3A_1220 = vector.broadcast %add3A_1219 : i32 to vector<16xi32>
        %add3A_1221 = arith.addi %get3A_196, %add3A_1220 : vector<16xi32>
        %gather3A_1222 = tpu.vector_load_idx %arg5[%add3A_1221] : memref<6400xf32, #tpu.memory_space<vmem>>[vector<16xi32>], vector<16xf32>,
        %add3A_1223 = arith.constant 256 : i32
        %add3A_1224 = vector.broadcast %add3A_1223 : i32 to vector<16xi32>
        %add3A_1225 = arith.addi %get3A_196, %add3A_1224 : vector<16xi32>
        %gather3A_1226 = tpu.vector_load_idx %arg5[%add3A_1225] : memref<6400xf32, #tpu.memory_space<vmem>>[vector<16xi32>], vector<16xf32>,
        %add3A_1227 = arith.constant 384 : i32
        %add3A_1228 = vector.broadcast %add3A_1227 : i32 to vector<16xi32>
        %add3A_1229 = arith.addi %get3A_196, %add3A_1228 : vector<16xi32>
        %gather3A_1230 = tpu.vector_load_idx %arg5[%add3A_1229] : memref<6400xf32, #tpu.memory_space<vmem>>[vector<16xi32>], vector<16xf32>,
        %add3A_1231 = arith.constant 512 : i32
        %add3A_1232 = vector.broadcast %add3A_1231 : i32 to vector<16xi32>
        %add3A_1233 = arith.addi %get3A_196, %add3A_1232 : vector<16xi32>
        %gather3A_1234 = tpu.vector_load_idx %arg5[%add3A_1233] : memref<6400xf32, #tpu.memory_space<vmem>>[vector<16xi32>], vector<16xf32>,
        %add3A_1235 = arith.constant 640 : i32
        %add3A_1236 = vector.broadcast %add3A_1235 : i32 to vector<16xi32>
        %add3A_1237 = arith.addi %get3A_196, %add3A_1236 : vector<16xi32>
        %gather3A_1238 = tpu.vector_load_idx %arg5[%add3A_1237] : memref<6400xf32, #tpu.memory_space<vmem>>[vector<16xi32>], vector<16xf32>,
        %add3A_1239 = arith.constant 768 : i32
        %add3A_1240 = vector.broadcast %add3A_1239 : i32 to vector<16xi32>
        %add3A_1241 = arith.addi %get3A_196, %add3A_1240 : vector<16xi32>
        %gather3A_1242 = tpu.vector_load_idx %arg5[%add3A_1241] : memref<6400xf32, #tpu.memory_space<vmem>>[vector<16xi32>], vector<16xf32>,
        %add3A_1243 = arith.constant 896 : i32
        %add3A_1244 = vector.broadcast %add3A_1243 : i32 to vector<16xi32>
        %add3A_1245 = arith.addi %get3A_196, %add3A_1244 : vector<16xi32>
        %gather3A_1246 = tpu.vector_load_idx %arg5[%add3A_1245] : memref<6400xf32, #tpu.memory_space<vmem>>[vector<16xi32>], vector<16xf32>,
        %add3A_1247 = arith.constant 1024 : i32
        %add3A_1248 = vector.broadcast %add3A_1247 : i32 to vector<16xi32>
        %add3A_1249 = arith.addi %get3A_196, %add3A_1248 : vector<16xi32>
        %gather3A_1250 = tpu.vector_load_idx %arg5[%add3A_1249] : memref<6400xf32, #tpu.memory_space<vmem>>[vector<16xi32>], vector<16xf32>,
        %add3A_1251 = arith.constant 1152 : i32
        %add3A_1252 = vector.broadcast %add3A_1251 : i32 to vector<16xi32>
        %add3A_1253 = arith.addi %get3A_196, %add3A_1252 : vector<16xi32>
        %gather3A_1254 = tpu.vector_load_idx %arg5[%add3A_1253] : memref<6400xf32, #tpu.memory_space<vmem>>[vector<16xi32>], vector<16xf32>,
        %swap3A_1255 = arith.constant 0 : i32
        %swap3A_1256 = arith.index_cast %select_n3A_121 : i32 to index
        %swap3A_1257 = arith.index_cast %swap3A_1255 : i32 to index
        %swap3A_1258 = arith.index_cast %scan3A_185 : i32 to index
        %swap3A_1259 = arith.constant 32 : index
        %swap3A_1260 = tpu.vector_load %arg7[%swap3A_1256, %swap3A_1257, %swap3A_1258, %swap3A_1259] {strides = array<i32>} : memref<2x50x8x128xf32, #tpu.memory_space<vmem>>, vector<16xf32>,
        tpu.vector_store %arg7[%swap3A_1256, %swap3A_1257, %swap3A_1258, %swap3A_1259], %gather3A_1218 {strides = array<i32>} : memref<2x50x8x128xf32, #tpu.memory_space<vmem>>, vector<16xf32>,
        %swap3A_1261 = arith.constant 1 : i32
        %swap3A_1262 = arith.index_cast %select_n3A_121 : i32 to index
        %swap3A_1263 = arith.index_cast %swap3A_1261 : i32 to index
        %swap3A_1264 = arith.index_cast %scan3A_185 : i32 to index
        %swap3A_1265 = arith.constant 32 : index
        %swap3A_1266 = tpu.vector_load %arg7[%swap3A_1262, %swap3A_1263, %swap3A_1264, %swap3A_1265] {strides = array<i32>} : memref<2x50x8x128xf32, #tpu.memory_space<vmem>>, vector<16xf32>,
        tpu.vector_store %arg7[%swap3A_1262, %swap3A_1263, %swap3A_1264, %swap3A_1265], %gather3A_1222 {strides = array<i32>} : memref<2x50x8x128xf32, #tpu.memory_space<vmem>>, vector<16xf32>,
        %swap3A_1267 = arith.constant 2 : i32
        %swap3A_1268 = arith.index_cast %select_n3A_121 : i32 to index
        %swap3A_1269 = arith.index_cast %swap3A_1267 : i32 to index
        %swap3A_1270 = arith.index_cast %scan3A_185 : i32 to index
        %swap3A_1271 = arith.constant 32 : index
        %swap3A_1272 = tpu.vector_load %arg7[%swap3A_1268, %swap3A_1269, %swap3A_1270, %swap3A_1271] {strides = array<i32>} : memref<2x50x8x128xf32, #tpu.memory_space<vmem>>, vector<16xf32>,
        tpu.vector_store %arg7[%swap3A_1268, %swap3A_1269, %swap3A_1270, %swap3A_1271], %gather3A_1226 {strides = array<i32>} : memref<2x50x8x128xf32, #tpu.memory_space<vmem>>, vector<16xf32>,
        %swap3A_1273 = arith.constant 3 : i32
        %swap3A_1274 = arith.index_cast %select_n3A_121 : i32 to index
        %swap3A_1275 = arith.index_cast %swap3A_1273 : i32 to index
        %swap3A_1276 = arith.index_cast %scan3A_185 : i32 to index
        %swap3A_1277 = arith.constant 32 : index
        %swap3A_1278 = tpu.vector_load %arg7[%swap3A_1274, %swap3A_1275, %swap3A_1276, %swap3A_1277] {strides = array<i32>} : memref<2x50x8x128xf32, #tpu.memory_space<vmem>>, vector<16xf32>,
        tpu.vector_store %arg7[%swap3A_1274, %swap3A_1275, %swap3A_1276, %swap3A_1277], %gather3A_1230 {strides = array<i32>} : memref<2x50x8x128xf32, #tpu.memory_space<vmem>>, vector<16xf32>,
        %swap3A_1279 = arith.constant 4 : i32
        %swap3A_1280 = arith.index_cast %select_n3A_121 : i32 to index
        %swap3A_1281 = arith.index_cast %swap3A_1279 : i32 to index
        %swap3A_1282 = arith.index_cast %scan3A_185 : i32 to index
        %swap3A_1283 = arith.constant 32 : index
        %swap3A_1284 = tpu.vector_load %arg7[%swap3A_1280, %swap3A_1281, %swap3A_1282, %swap3A_1283] {strides = array<i32>} : memref<2x50x8x128xf32, #tpu.memory_space<vmem>>, vector<16xf32>,
        tpu.vector_store %arg7[%swap3A_1280, %swap3A_1281, %swap3A_1282, %swap3A_1283], %gather3A_1234 {strides = array<i32>} : memref<2x50x8x128xf32, #tpu.memory_space<vmem>>, vector<16xf32>,
        %swap3A_1285 = arith.constant 5 : i32
        %swap3A_1286 = arith.index_cast %select_n3A_121 : i32 to index
        %swap3A_1287 = arith.index_cast %swap3A_1285 : i32 to index
        %swap3A_1288 = arith.index_cast %scan3A_185 : i32 to index
        %swap3A_1289 = arith.constant 32 : index
        %swap3A_1290 = tpu.vector_load %arg7[%swap3A_1286, %swap3A_1287, %swap3A_1288, %swap3A_1289] {strides = array<i32>} : memref<2x50x8x128xf32, #tpu.memory_space<vmem>>, vector<16xf32>,
        tpu.vector_store %arg7[%swap3A_1286, %swap3A_1287, %swap3A_1288, %swap3A_1289], %gather3A_1238 {strides = array<i32>} : memref<2x50x8x128xf32, #tpu.memory_space<vmem>>, vector<16xf32>,
        %swap3A_1291 = arith.constant 6 : i32
        %swap3A_1292 = arith.index_cast %select_n3A_121 : i32 to index
        %swap3A_1293 = arith.index_cast %swap3A_1291 : i32 to index
        %swap3A_1294 = arith.index_cast %scan3A_185 : i32 to index
        %swap3A_1295 = arith.constant 32 : index
        %swap3A_1296 = tpu.vector_load %arg7[%swap3A_1292, %swap3A_1293, %swap3A_1294, %swap3A_1295] {strides = array<i32>} : memref<2x50x8x128xf32, #tpu.memory_space<vmem>>, vector<16xf32>,
        tpu.vector_store %arg7[%swap3A_1292, %swap3A_1293, %swap3A_1294, %swap3A_1295], %gather3A_1242 {strides = array<i32>} : memref<2x50x8x128xf32, #tpu.memory_space<vmem>>, vector<16xf32>,
        %swap3A_1297 = arith.constant 7 : i32
        %swap3A_1298 = arith.index_cast %select_n3A_121 : i32 to index
        %swap3A_1299 = arith.index_cast %swap3A_1297 : i32 to index
        %swap3A_1300 = arith.index_cast %scan3A_185 : i32 to index
        %swap3A_1301 = arith.constant 32 : index
        %swap3A_1302 = tpu.vector_load %arg7[%swap3A_1298, %swap3A_1299, %swap3A_1300, %swap3A_1301] {strides = array<i32>} : memref<2x50x8x128xf32, #tpu.memory_space<vmem>>, vector<16xf32>,
        tpu.vector_store %arg7[%swap3A_1298, %swap3A_1299, %swap3A_1300, %swap3A_1301], %gather3A_1246 {strides = array<i32>} : memref<2x50x8x128xf32, #tpu.memory_space<vmem>>, vector<16xf32>,
        %swap3A_1303 = arith.constant 8 : i32
        %swap3A_1304 = arith.index_cast %select_n3A_121 : i32 to index
        %swap3A_1305 = arith.index_cast %swap3A_1303 : i32 to index
        %swap3A_1306 = arith.index_cast %scan3A_185 : i32 to index
        %swap3A_1307 = arith.constant 32 : index
        %swap3A_1308 = tpu.vector_load %arg7[%swap3A_1304, %swap3A_1305, %swap3A_1306, %swap3A_1307] {strides = array<i32>} : memref<2x50x8x128xf32, #tpu.memory_space<vmem>>, vector<16xf32>,
        tpu.vector_store %arg7[%swap3A_1304, %swap3A_1305, %swap3A_1306, %swap3A_1307], %gather3A_1250 {strides = array<i32>} : memref<2x50x8x128xf32, #tpu.memory_space<vmem>>, vector<16xf32>,
        %swap3A_1309 = arith.constant 9 : i32
        %swap3A_1310 = arith.index_cast %select_n3A_121 : i32 to index
        %swap3A_1311 = arith.index_cast %swap3A_1309 : i32 to index
        %swap3A_1312 = arith.index_cast %scan3A_185 : i32 to index
        %swap3A_1313 = arith.constant 32 : index
        %swap3A_1314 = tpu.vector_load %arg7[%swap3A_1310, %swap3A_1311, %swap3A_1312, %swap3A_1313] {strides = array<i32>} : memref<2x50x8x128xf32, #tpu.memory_space<vmem>>, vector<16xf32>,
        tpu.vector_store %arg7[%swap3A_1310, %swap3A_1311, %swap3A_1312, %swap3A_1313], %gather3A_1254 {strides = array<i32>} : memref<2x50x8x128xf32, #tpu.memory_space<vmem>>, vector<16xf32>,
        %add3A_1315 = arith.constant 1280 : i32
        %add3A_1316 = vector.broadcast %add3A_1315 : i32 to vector<16xi32>
        %add3A_1317 = arith.addi %get3A_196, %add3A_1316 : vector<16xi32>
        %gather3A_1318 = tpu.vector_load_idx %arg5[%add3A_1317] : memref<6400xf32, #tpu.memory_space<vmem>>[vector<16xi32>], vector<16xf32>,
        %add3A_1319 = arith.constant 1408 : i32
        %add3A_1320 = vector.broadcast %add3A_1319 : i32 to vector<16xi32>
        %add3A_1321 = arith.addi %get3A_196, %add3A_1320 : vector<16xi32>
        %gather3A_1322 = tpu.vector_load_idx %arg5[%add3A_1321] : memref<6400xf32, #tpu.memory_space<vmem>>[vector<16xi32>], vector<16xf32>,
        %add3A_1323 = arith.constant 1536 : i32
        %add3A_1324 = vector.broadcast %add3A_1323 : i32 to vector<16xi32>
        %add3A_1325 = arith.addi %get3A_196, %add3A_1324 : vector<16xi32>
        %gather3A_1326 = tpu.vector_load_idx %arg5[%add3A_1325] : memref<6400xf32, #tpu.memory_space<vmem>>[vector<16xi32>], vector<16xf32>,
        %add3A_1327 = arith.constant 1664 : i32
        %add3A_1328 = vector.broadcast %add3A_1327 : i32 to vector<16xi32>
        %add3A_1329 = arith.addi %get3A_196, %add3A_1328 : vector<16xi32>
        %gather3A_1330 = tpu.vector_load_idx %arg5[%add3A_1329] : memref<6400xf32, #tpu.memory_space<vmem>>[vector<16xi32>], vector<16xf32>,
        %add3A_1331 = arith.constant 1792 : i32
        %add3A_1332 = vector.broadcast %add3A_1331 : i32 to vector<16xi32>
        %add3A_1333 = arith.addi %get3A_196, %add3A_1332 : vector<16xi32>
        %gather3A_1334 = tpu.vector_load_idx %arg5[%add3A_1333] : memref<6400xf32, #tpu.memory_space<vmem>>[vector<16xi32>], vector<16xf32>,
        %add3A_1335 = arith.constant 1920 : i32
        %add3A_1336 = vector.broadcast %add3A_1335 : i32 to vector<16xi32>
        %add3A_1337 = arith.addi %get3A_196, %add3A_1336 : vector<16xi32>
        %gather3A_1338 = tpu.vector_load_idx %arg5[%add3A_1337] : memref<6400xf32, #tpu.memory_space<vmem>>[vector<16xi32>], vector<16xf32>,
        %add3A_1339 = arith.constant 2048 : i32
        %add3A_1340 = vector.broadcast %add3A_1339 : i32 to vector<16xi32>
        %add3A_1341 = arith.addi %get3A_196, %add3A_1340 : vector<16xi32>
        %gather3A_1342 = tpu.vector_load_idx %arg5[%add3A_1341] : memref<6400xf32, #tpu.memory_space<vmem>>[vector<16xi32>], vector<16xf32>,
        %add3A_1343 = arith.constant 2176 : i32
        %add3A_1344 = vector.broadcast %add3A_1343 : i32 to vector<16xi32>
        %add3A_1345 = arith.addi %get3A_196, %add3A_1344 : vector<16xi32>
        %gather3A_1346 = tpu.vector_load_idx %arg5[%add3A_1345] : memref<6400xf32, #tpu.memory_space<vmem>>[vector<16xi32>], vector<16xf32>,
        %add3A_1347 = arith.constant 2304 : i32
        %add3A_1348 = vector.broadcast %add3A_1347 : i32 to vector<16xi32>
        %add3A_1349 = arith.addi %get3A_196, %add3A_1348 : vector<16xi32>
        %gather3A_1350 = tpu.vector_load_idx %arg5[%add3A_1349] : memref<6400xf32, #tpu.memory_space<vmem>>[vector<16xi32>], vector<16xf32>,
        %add3A_1351 = arith.constant 2432 : i32
        %add3A_1352 = vector.broadcast %add3A_1351 : i32 to vector<16xi32>
        %add3A_1353 = arith.addi %get3A_196, %add3A_1352 : vector<16xi32>
        %gather3A_1354 = tpu.vector_load_idx %arg5[%add3A_1353] : memref<6400xf32, #tpu.memory_space<vmem>>[vector<16xi32>], vector<16xf32>,
        %swap3A_1355 = arith.constant 10 : i32
        %swap3A_1356 = arith.index_cast %select_n3A_121 : i32 to index
        %swap3A_1357 = arith.index_cast %swap3A_1355 : i32 to index
        %swap3A_1358 = arith.index_cast %scan3A_185 : i32 to index
        %swap3A_1359 = arith.constant 32 : index
        %swap3A_1360 = tpu.vector_load %arg7[%swap3A_1356, %swap3A_1357, %swap3A_1358, %swap3A_1359] {strides = array<i32>} : memref<2x50x8x128xf32, #tpu.memory_space<vmem>>, vector<16xf32>,
        tpu.vector_store %arg7[%swap3A_1356, %swap3A_1357, %swap3A_1358, %swap3A_1359], %gather3A_1318 {strides = array<i32>} : memref<2x50x8x128xf32, #tpu.memory_space<vmem>>, vector<16xf32>,
        %swap3A_1361 = arith.constant 11 : i32
        %swap3A_1362 = arith.index_cast %select_n3A_121 : i32 to index
        %swap3A_1363 = arith.index_cast %swap3A_1361 : i32 to index
        %swap3A_1364 = arith.index_cast %scan3A_185 : i32 to index
        %swap3A_1365 = arith.constant 32 : index
        %swap3A_1366 = tpu.vector_load %arg7[%swap3A_1362, %swap3A_1363, %swap3A_1364, %swap3A_1365] {strides = array<i32>} : memref<2x50x8x128xf32, #tpu.memory_space<vmem>>, vector<16xf32>,
        tpu.vector_store %arg7[%swap3A_1362, %swap3A_1363, %swap3A_1364, %swap3A_1365], %gather3A_1322 {strides = array<i32>} : memref<2x50x8x128xf32, #tpu.memory_space<vmem>>, vector<16xf32>,
        %swap3A_1367 = arith.constant 12 : i32
        %swap3A_1368 = arith.index_cast %select_n3A_121 : i32 to index
        %swap3A_1369 = arith.index_cast %swap3A_1367 : i32 to index
        %swap3A_1370 = arith.index_cast %scan3A_185 : i32 to index
        %swap3A_1371 = arith.constant 32 : index
        %swap3A_1372 = tpu.vector_load %arg7[%swap3A_1368, %swap3A_1369, %swap3A_1370, %swap3A_1371] {strides = array<i32>} : memref<2x50x8x128xf32, #tpu.memory_space<vmem>>, vector<16xf32>,
        tpu.vector_store %arg7[%swap3A_1368, %swap3A_1369, %swap3A_1370, %swap3A_1371], %gather3A_1326 {strides = array<i32>} : memref<2x50x8x128xf32, #tpu.memory_space<vmem>>, vector<16xf32>,
        %swap3A_1373 = arith.constant 13 : i32
        %swap3A_1374 = arith.index_cast %select_n3A_121 : i32 to index
        %swap3A_1375 = arith.index_cast %swap3A_1373 : i32 to index
        %swap3A_1376 = arith.index_cast %scan3A_185 : i32 to index
        %swap3A_1377 = arith.constant 32 : index
        %swap3A_1378 = tpu.vector_load %arg7[%swap3A_1374, %swap3A_1375, %swap3A_1376, %swap3A_1377] {strides = array<i32>} : memref<2x50x8x128xf32, #tpu.memory_space<vmem>>, vector<16xf32>,
        tpu.vector_store %arg7[%swap3A_1374, %swap3A_1375, %swap3A_1376, %swap3A_1377], %gather3A_1330 {strides = array<i32>} : memref<2x50x8x128xf32, #tpu.memory_space<vmem>>, vector<16xf32>,
        %swap3A_1379 = arith.constant 14 : i32
        %swap3A_1380 = arith.index_cast %select_n3A_121 : i32 to index
        %swap3A_1381 = arith.index_cast %swap3A_1379 : i32 to index
        %swap3A_1382 = arith.index_cast %scan3A_185 : i32 to index
        %swap3A_1383 = arith.constant 32 : index
        %swap3A_1384 = tpu.vector_load %arg7[%swap3A_1380, %swap3A_1381, %swap3A_1382, %swap3A_1383] {strides = array<i32>} : memref<2x50x8x128xf32, #tpu.memory_space<vmem>>, vector<16xf32>,
        tpu.vector_store %arg7[%swap3A_1380, %swap3A_1381, %swap3A_1382, %swap3A_1383], %gather3A_1334 {strides = array<i32>} : memref<2x50x8x128xf32, #tpu.memory_space<vmem>>, vector<16xf32>,
        %swap3A_1385 = arith.constant 15 : i32
        %swap3A_1386 = arith.index_cast %select_n3A_121 : i32 to index
        %swap3A_1387 = arith.index_cast %swap3A_1385 : i32 to index
        %swap3A_1388 = arith.index_cast %scan3A_185 : i32 to index
        %swap3A_1389 = arith.constant 32 : index
        %swap3A_1390 = tpu.vector_load %arg7[%swap3A_1386, %swap3A_1387, %swap3A_1388, %swap3A_1389] {strides = array<i32>} : memref<2x50x8x128xf32, #tpu.memory_space<vmem>>, vector<16xf32>,
        tpu.vector_store %arg7[%swap3A_1386, %swap3A_1387, %swap3A_1388, %swap3A_1389], %gather3A_1338 {strides = array<i32>} : memref<2x50x8x128xf32, #tpu.memory_space<vmem>>, vector<16xf32>,
        %swap3A_1391 = arith.constant 16 : i32
        %swap3A_1392 = arith.index_cast %select_n3A_121 : i32 to index
        %swap3A_1393 = arith.index_cast %swap3A_1391 : i32 to index
        %swap3A_1394 = arith.index_cast %scan3A_185 : i32 to index
        %swap3A_1395 = arith.constant 32 : index
        %swap3A_1396 = tpu.vector_load %arg7[%swap3A_1392, %swap3A_1393, %swap3A_1394, %swap3A_1395] {strides = array<i32>} : memref<2x50x8x128xf32, #tpu.memory_space<vmem>>, vector<16xf32>,
        tpu.vector_store %arg7[%swap3A_1392, %swap3A_1393, %swap3A_1394, %swap3A_1395], %gather3A_1342 {strides = array<i32>} : memref<2x50x8x128xf32, #tpu.memory_space<vmem>>, vector<16xf32>,
        %swap3A_1397 = arith.constant 17 : i32
        %swap3A_1398 = arith.index_cast %select_n3A_121 : i32 to index
        %swap3A_1399 = arith.index_cast %swap3A_1397 : i32 to index
        %swap3A_1400 = arith.index_cast %scan3A_185 : i32 to index
        %swap3A_1401 = arith.constant 32 : index
        %swap3A_1402 = tpu.vector_load %arg7[%swap3A_1398, %swap3A_1399, %swap3A_1400, %swap3A_1401] {strides = array<i32>} : memref<2x50x8x128xf32, #tpu.memory_space<vmem>>, vector<16xf32>,
        tpu.vector_store %arg7[%swap3A_1398, %swap3A_1399, %swap3A_1400, %swap3A_1401], %gather3A_1346 {strides = array<i32>} : memref<2x50x8x128xf32, #tpu.memory_space<vmem>>, vector<16xf32>,
        %swap3A_1403 = arith.constant 18 : i32
        %swap3A_1404 = arith.index_cast %select_n3A_121 : i32 to index
        %swap3A_1405 = arith.index_cast %swap3A_1403 : i32 to index
        %swap3A_1406 = arith.index_cast %scan3A_185 : i32 to index
        %swap3A_1407 = arith.constant 32 : index
        %swap3A_1408 = tpu.vector_load %arg7[%swap3A_1404, %swap3A_1405, %swap3A_1406, %swap3A_1407] {strides = array<i32>} : memref<2x50x8x128xf32, #tpu.memory_space<vmem>>, vector<16xf32>,
        tpu.vector_store %arg7[%swap3A_1404, %swap3A_1405, %swap3A_1406, %swap3A_1407], %gather3A_1350 {strides = array<i32>} : memref<2x50x8x128xf32, #tpu.memory_space<vmem>>, vector<16xf32>,
        %swap3A_1409 = arith.constant 19 : i32
        %swap3A_1410 = arith.index_cast %select_n3A_121 : i32 to index
        %swap3A_1411 = arith.index_cast %swap3A_1409 : i32 to index
        %swap3A_1412 = arith.index_cast %scan3A_185 : i32 to index
        %swap3A_1413 = arith.constant 32 : index
        %swap3A_1414 = tpu.vector_load %arg7[%swap3A_1410, %swap3A_1411, %swap3A_1412, %swap3A_1413] {strides = array<i32>} : memref<2x50x8x128xf32, #tpu.memory_space<vmem>>, vector<16xf32>,
        tpu.vector_store %arg7[%swap3A_1410, %swap3A_1411, %swap3A_1412, %swap3A_1413], %gather3A_1354 {strides = array<i32>} : memref<2x50x8x128xf32, #tpu.memory_space<vmem>>, vector<16xf32>,
        %add3A_1415 = arith.constant 2560 : i32
        %add3A_1416 = vector.broadcast %add3A_1415 : i32 to vector<16xi32>
        %add3A_1417 = arith.addi %get3A_196, %add3A_1416 : vector<16xi32>
        %gather3A_1418 = tpu.vector_load_idx %arg5[%add3A_1417] : memref<6400xf32, #tpu.memory_space<vmem>>[vector<16xi32>], vector<16xf32>,
        %add3A_1419 = arith.constant 2688 : i32
        %add3A_1420 = vector.broadcast %add3A_1419 : i32 to vector<16xi32>
        %add3A_1421 = arith.addi %get3A_196, %add3A_1420 : vector<16xi32>
        %gather3A_1422 = tpu.vector_load_idx %arg5[%add3A_1421] : memref<6400xf32, #tpu.memory_space<vmem>>[vector<16xi32>], vector<16xf32>,
        %add3A_1423 = arith.constant 2816 : i32
        %add3A_1424 = vector.broadcast %add3A_1423 : i32 to vector<16xi32>
        %add3A_1425 = arith.addi %get3A_196, %add3A_1424 : vector<16xi32>
        %gather3A_1426 = tpu.vector_load_idx %arg5[%add3A_1425] : memref<6400xf32, #tpu.memory_space<vmem>>[vector<16xi32>], vector<16xf32>,
        %add3A_1427 = arith.constant 2944 : i32
        %add3A_1428 = vector.broadcast %add3A_1427 : i32 to vector<16xi32>
        %add3A_1429 = arith.addi %get3A_196, %add3A_1428 : vector<16xi32>
        %gather3A_1430 = tpu.vector_load_idx %arg5[%add3A_1429] : memref<6400xf32, #tpu.memory_space<vmem>>[vector<16xi32>], vector<16xf32>,
        %add3A_1431 = arith.constant 3072 : i32
        %add3A_1432 = vector.broadcast %add3A_1431 : i32 to vector<16xi32>
        %add3A_1433 = arith.addi %get3A_196, %add3A_1432 : vector<16xi32>
        %gather3A_1434 = tpu.vector_load_idx %arg5[%add3A_1433] : memref<6400xf32, #tpu.memory_space<vmem>>[vector<16xi32>], vector<16xf32>,
        %add3A_1435 = arith.constant 3200 : i32
        %add3A_1436 = vector.broadcast %add3A_1435 : i32 to vector<16xi32>
        %add3A_1437 = arith.addi %get3A_196, %add3A_1436 : vector<16xi32>
        %gather3A_1438 = tpu.vector_load_idx %arg5[%add3A_1437] : memref<6400xf32, #tpu.memory_space<vmem>>[vector<16xi32>], vector<16xf32>,
        %add3A_1439 = arith.constant 3328 : i32
        %add3A_1440 = vector.broadcast %add3A_1439 : i32 to vector<16xi32>
        %add3A_1441 = arith.addi %get3A_196, %add3A_1440 : vector<16xi32>
        %gather3A_1442 = tpu.vector_load_idx %arg5[%add3A_1441] : memref<6400xf32, #tpu.memory_space<vmem>>[vector<16xi32>], vector<16xf32>,
        %add3A_1443 = arith.constant 3456 : i32
        %add3A_1444 = vector.broadcast %add3A_1443 : i32 to vector<16xi32>
        %add3A_1445 = arith.addi %get3A_196, %add3A_1444 : vector<16xi32>
        %gather3A_1446 = tpu.vector_load_idx %arg5[%add3A_1445] : memref<6400xf32, #tpu.memory_space<vmem>>[vector<16xi32>], vector<16xf32>,
        %add3A_1447 = arith.constant 3584 : i32
        %add3A_1448 = vector.broadcast %add3A_1447 : i32 to vector<16xi32>
        %add3A_1449 = arith.addi %get3A_196, %add3A_1448 : vector<16xi32>
        %gather3A_1450 = tpu.vector_load_idx %arg5[%add3A_1449] : memref<6400xf32, #tpu.memory_space<vmem>>[vector<16xi32>], vector<16xf32>,
        %add3A_1451 = arith.constant 3712 : i32
        %add3A_1452 = vector.broadcast %add3A_1451 : i32 to vector<16xi32>
        %add3A_1453 = arith.addi %get3A_196, %add3A_1452 : vector<16xi32>
        %gather3A_1454 = tpu.vector_load_idx %arg5[%add3A_1453] : memref<6400xf32, #tpu.memory_space<vmem>>[vector<16xi32>], vector<16xf32>,
        %swap3A_1455 = arith.constant 20 : i32
        %swap3A_1456 = arith.index_cast %select_n3A_121 : i32 to index
        %swap3A_1457 = arith.index_cast %swap3A_1455 : i32 to index
        %swap3A_1458 = arith.index_cast %scan3A_185 : i32 to index
        %swap3A_1459 = arith.constant 32 : index
        %swap3A_1460 = tpu.vector_load %arg7[%swap3A_1456, %swap3A_1457, %swap3A_1458, %swap3A_1459] {strides = array<i32>} : memref<2x50x8x128xf32, #tpu.memory_space<vmem>>, vector<16xf32>,
        tpu.vector_store %arg7[%swap3A_1456, %swap3A_1457, %swap3A_1458, %swap3A_1459], %gather3A_1418 {strides = array<i32>} : memref<2x50x8x128xf32, #tpu.memory_space<vmem>>, vector<16xf32>,
        %swap3A_1461 = arith.constant 21 : i32
        %swap3A_1462 = arith.index_cast %select_n3A_121 : i32 to index
        %swap3A_1463 = arith.index_cast %swap3A_1461 : i32 to index
        %swap3A_1464 = arith.index_cast %scan3A_185 : i32 to index
        %swap3A_1465 = arith.constant 32 : index
        %swap3A_1466 = tpu.vector_load %arg7[%swap3A_1462, %swap3A_1463, %swap3A_1464, %swap3A_1465] {strides = array<i32>} : memref<2x50x8x128xf32, #tpu.memory_space<vmem>>, vector<16xf32>,
        tpu.vector_store %arg7[%swap3A_1462, %swap3A_1463, %swap3A_1464, %swap3A_1465], %gather3A_1422 {strides = array<i32>} : memref<2x50x8x128xf32, #tpu.memory_space<vmem>>, vector<16xf32>,
        %swap3A_1467 = arith.constant 22 : i32
        %swap3A_1468 = arith.index_cast %select_n3A_121 : i32 to index
        %swap3A_1469 = arith.index_cast %swap3A_1467 : i32 to index
        %swap3A_1470 = arith.index_cast %scan3A_185 : i32 to index
        %swap3A_1471 = arith.constant 32 : index
        %swap3A_1472 = tpu.vector_load %arg7[%swap3A_1468, %swap3A_1469, %swap3A_1470, %swap3A_1471] {strides = array<i32>} : memref<2x50x8x128xf32, #tpu.memory_space<vmem>>, vector<16xf32>,
        tpu.vector_store %arg7[%swap3A_1468, %swap3A_1469, %swap3A_1470, %swap3A_1471], %gather3A_1426 {strides = array<i32>} : memref<2x50x8x128xf32, #tpu.memory_space<vmem>>, vector<16xf32>,
        %swap3A_1473 = arith.constant 23 : i32
        %swap3A_1474 = arith.index_cast %select_n3A_121 : i32 to index
        %swap3A_1475 = arith.index_cast %swap3A_1473 : i32 to index
        %swap3A_1476 = arith.index_cast %scan3A_185 : i32 to index
        %swap3A_1477 = arith.constant 32 : index
        %swap3A_1478 = tpu.vector_load %arg7[%swap3A_1474, %swap3A_1475, %swap3A_1476, %swap3A_1477] {strides = array<i32>} : memref<2x50x8x128xf32, #tpu.memory_space<vmem>>, vector<16xf32>,
        tpu.vector_store %arg7[%swap3A_1474, %swap3A_1475, %swap3A_1476, %swap3A_1477], %gather3A_1430 {strides = array<i32>} : memref<2x50x8x128xf32, #tpu.memory_space<vmem>>, vector<16xf32>,
        %swap3A_1479 = arith.constant 24 : i32
        %swap3A_1480 = arith.index_cast %select_n3A_121 : i32 to index
        %swap3A_1481 = arith.index_cast %swap3A_1479 : i32 to index
        %swap3A_1482 = arith.index_cast %scan3A_185 : i32 to index
        %swap3A_1483 = arith.constant 32 : index
        %swap3A_1484 = tpu.vector_load %arg7[%swap3A_1480, %swap3A_1481, %swap3A_1482, %swap3A_1483] {strides = array<i32>} : memref<2x50x8x128xf32, #tpu.memory_space<vmem>>, vector<16xf32>,
        tpu.vector_store %arg7[%swap3A_1480, %swap3A_1481, %swap3A_1482, %swap3A_1483], %gather3A_1434 {strides = array<i32>} : memref<2x50x8x128xf32, #tpu.memory_space<vmem>>, vector<16xf32>,
        %swap3A_1485 = arith.constant 25 : i32
        %swap3A_1486 = arith.index_cast %select_n3A_121 : i32 to index
        %swap3A_1487 = arith.index_cast %swap3A_1485 : i32 to index
        %swap3A_1488 = arith.index_cast %scan3A_185 : i32 to index
        %swap3A_1489 = arith.constant 32 : index
        %swap3A_1490 = tpu.vector_load %arg7[%swap3A_1486, %swap3A_1487, %swap3A_1488, %swap3A_1489] {strides = array<i32>} : memref<2x50x8x128xf32, #tpu.memory_space<vmem>>, vector<16xf32>,
        tpu.vector_store %arg7[%swap3A_1486, %swap3A_1487, %swap3A_1488, %swap3A_1489], %gather3A_1438 {strides = array<i32>} : memref<2x50x8x128xf32, #tpu.memory_space<vmem>>, vector<16xf32>,
        %swap3A_1491 = arith.constant 26 : i32
        %swap3A_1492 = arith.index_cast %select_n3A_121 : i32 to index
        %swap3A_1493 = arith.index_cast %swap3A_1491 : i32 to index
        %swap3A_1494 = arith.index_cast %scan3A_185 : i32 to index
        %swap3A_1495 = arith.constant 32 : index
        %swap3A_1496 = tpu.vector_load %arg7[%swap3A_1492, %swap3A_1493, %swap3A_1494, %swap3A_1495] {strides = array<i32>} : memref<2x50x8x128xf32, #tpu.memory_space<vmem>>, vector<16xf32>,
        tpu.vector_store %arg7[%swap3A_1492, %swap3A_1493, %swap3A_1494, %swap3A_1495], %gather3A_1442 {strides = array<i32>} : memref<2x50x8x128xf32, #tpu.memory_space<vmem>>, vector<16xf32>,
        %swap3A_1497 = arith.constant 27 : i32
        %swap3A_1498 = arith.index_cast %select_n3A_121 : i32 to index
        %swap3A_1499 = arith.index_cast %swap3A_1497 : i32 to index
        %swap3A_1500 = arith.index_cast %scan3A_185 : i32 to index
        %swap3A_1501 = arith.constant 32 : index
        %swap3A_1502 = tpu.vector_load %arg7[%swap3A_1498, %swap3A_1499, %swap3A_1500, %swap3A_1501] {strides = array<i32>} : memref<2x50x8x128xf32, #tpu.memory_space<vmem>>, vector<16xf32>,
        tpu.vector_store %arg7[%swap3A_1498, %swap3A_1499, %swap3A_1500, %swap3A_1501], %gather3A_1446 {strides = array<i32>} : memref<2x50x8x128xf32, #tpu.memory_space<vmem>>, vector<16xf32>,
        %swap3A_1503 = arith.constant 28 : i32
        %swap3A_1504 = arith.index_cast %select_n3A_121 : i32 to index
        %swap3A_1505 = arith.index_cast %swap3A_1503 : i32 to index
        %swap3A_1506 = arith.index_cast %scan3A_185 : i32 to index
        %swap3A_1507 = arith.constant 32 : index
        %swap3A_1508 = tpu.vector_load %arg7[%swap3A_1504, %swap3A_1505, %swap3A_1506, %swap3A_1507] {strides = array<i32>} : memref<2x50x8x128xf32, #tpu.memory_space<vmem>>, vector<16xf32>,
        tpu.vector_store %arg7[%swap3A_1504, %swap3A_1505, %swap3A_1506, %swap3A_1507], %gather3A_1450 {strides = array<i32>} : memref<2x50x8x128xf32, #tpu.memory_space<vmem>>, vector<16xf32>,
        %swap3A_1509 = arith.constant 29 : i32
        %swap3A_1510 = arith.index_cast %select_n3A_121 : i32 to index
        %swap3A_1511 = arith.index_cast %swap3A_1509 : i32 to index
        %swap3A_1512 = arith.index_cast %scan3A_185 : i32 to index
        %swap3A_1513 = arith.constant 32 : index
        %swap3A_1514 = tpu.vector_load %arg7[%swap3A_1510, %swap3A_1511, %swap3A_1512, %swap3A_1513] {strides = array<i32>} : memref<2x50x8x128xf32, #tpu.memory_space<vmem>>, vector<16xf32>,
        tpu.vector_store %arg7[%swap3A_1510, %swap3A_1511, %swap3A_1512, %swap3A_1513], %gather3A_1454 {strides = array<i32>} : memref<2x50x8x128xf32, #tpu.memory_space<vmem>>, vector<16xf32>,
        %add3A_1515 = arith.constant 3840 : i32
        %add3A_1516 = vector.broadcast %add3A_1515 : i32 to vector<16xi32>
        %add3A_1517 = arith.addi %get3A_196, %add3A_1516 : vector<16xi32>
        %gather3A_1518 = tpu.vector_load_idx %arg5[%add3A_1517] : memref<6400xf32, #tpu.memory_space<vmem>>[vector<16xi32>], vector<16xf32>,
        %add3A_1519 = arith.constant 3968 : i32
        %add3A_1520 = vector.broadcast %add3A_1519 : i32 to vector<16xi32>
        %add3A_1521 = arith.addi %get3A_196, %add3A_1520 : vector<16xi32>
        %gather3A_1522 = tpu.vector_load_idx %arg5[%add3A_1521] : memref<6400xf32, #tpu.memory_space<vmem>>[vector<16xi32>], vector<16xf32>,
        %add3A_1523 = arith.constant 4096 : i32
        %add3A_1524 = vector.broadcast %add3A_1523 : i32 to vector<16xi32>
        %add3A_1525 = arith.addi %get3A_196, %add3A_1524 : vector<16xi32>
        %gather3A_1526 = tpu.vector_load_idx %arg5[%add3A_1525] : memref<6400xf32, #tpu.memory_space<vmem>>[vector<16xi32>], vector<16xf32>,
        %add3A_1527 = arith.constant 4224 : i32
        %add3A_1528 = vector.broadcast %add3A_1527 : i32 to vector<16xi32>
        %add3A_1529 = arith.addi %get3A_196, %add3A_1528 : vector<16xi32>
        %gather3A_1530 = tpu.vector_load_idx %arg5[%add3A_1529] : memref<6400xf32, #tpu.memory_space<vmem>>[vector<16xi32>], vector<16xf32>,
        %add3A_1531 = arith.constant 4352 : i32
        %add3A_1532 = vector.broadcast %add3A_1531 : i32 to vector<16xi32>
        %add3A_1533 = arith.addi %get3A_196, %add3A_1532 : vector<16xi32>
        %gather3A_1534 = tpu.vector_load_idx %arg5[%add3A_1533] : memref<6400xf32, #tpu.memory_space<vmem>>[vector<16xi32>], vector<16xf32>,
        %add3A_1535 = arith.constant 4480 : i32
        %add3A_1536 = vector.broadcast %add3A_1535 : i32 to vector<16xi32>
        %add3A_1537 = arith.addi %get3A_196, %add3A_1536 : vector<16xi32>
        %gather3A_1538 = tpu.vector_load_idx %arg5[%add3A_1537] : memref<6400xf32, #tpu.memory_space<vmem>>[vector<16xi32>], vector<16xf32>,
        %add3A_1539 = arith.constant 4608 : i32
        %add3A_1540 = vector.broadcast %add3A_1539 : i32 to vector<16xi32>
        %add3A_1541 = arith.addi %get3A_196, %add3A_1540 : vector<16xi32>
        %gather3A_1542 = tpu.vector_load_idx %arg5[%add3A_1541] : memref<6400xf32, #tpu.memory_space<vmem>>[vector<16xi32>], vector<16xf32>,
        %add3A_1543 = arith.constant 4736 : i32
        %add3A_1544 = vector.broadcast %add3A_1543 : i32 to vector<16xi32>
        %add3A_1545 = arith.addi %get3A_196, %add3A_1544 : vector<16xi32>
        %gather3A_1546 = tpu.vector_load_idx %arg5[%add3A_1545] : memref<6400xf32, #tpu.memory_space<vmem>>[vector<16xi32>], vector<16xf32>,
        %add3A_1547 = arith.constant 4864 : i32
        %add3A_1548 = vector.broadcast %add3A_1547 : i32 to vector<16xi32>
        %add3A_1549 = arith.addi %get3A_196, %add3A_1548 : vector<16xi32>
        %gather3A_1550 = tpu.vector_load_idx %arg5[%add3A_1549] : memref<6400xf32, #tpu.memory_space<vmem>>[vector<16xi32>], vector<16xf32>,
        %add3A_1551 = arith.constant 4992 : i32
        %add3A_1552 = vector.broadcast %add3A_1551 : i32 to vector<16xi32>
        %add3A_1553 = arith.addi %get3A_196, %add3A_1552 : vector<16xi32>
        %gather3A_1554 = tpu.vector_load_idx %arg5[%add3A_1553] : memref<6400xf32, #tpu.memory_space<vmem>>[vector<16xi32>], vector<16xf32>,
        %swap3A_1555 = arith.constant 30 : i32
        %swap3A_1556 = arith.index_cast %select_n3A_121 : i32 to index
        %swap3A_1557 = arith.index_cast %swap3A_1555 : i32 to index
        %swap3A_1558 = arith.index_cast %scan3A_185 : i32 to index
        %swap3A_1559 = arith.constant 32 : index
        %swap3A_1560 = tpu.vector_load %arg7[%swap3A_1556, %swap3A_1557, %swap3A_1558, %swap3A_1559] {strides = array<i32>} : memref<2x50x8x128xf32, #tpu.memory_space<vmem>>, vector<16xf32>,
        tpu.vector_store %arg7[%swap3A_1556, %swap3A_1557, %swap3A_1558, %swap3A_1559], %gather3A_1518 {strides = array<i32>} : memref<2x50x8x128xf32, #tpu.memory_space<vmem>>, vector<16xf32>,
        %swap3A_1561 = arith.constant 31 : i32
        %swap3A_1562 = arith.index_cast %select_n3A_121 : i32 to index
        %swap3A_1563 = arith.index_cast %swap3A_1561 : i32 to index
        %swap3A_1564 = arith.index_cast %scan3A_185 : i32 to index
        %swap3A_1565 = arith.constant 32 : index
        %swap3A_1566 = tpu.vector_load %arg7[%swap3A_1562, %swap3A_1563, %swap3A_1564, %swap3A_1565] {strides = array<i32>} : memref<2x50x8x128xf32, #tpu.memory_space<vmem>>, vector<16xf32>,
        tpu.vector_store %arg7[%swap3A_1562, %swap3A_1563, %swap3A_1564, %swap3A_1565], %gather3A_1522 {strides = array<i32>} : memref<2x50x8x128xf32, #tpu.memory_space<vmem>>, vector<16xf32>,
        %swap3A_1567 = arith.constant 32 : i32
        %swap3A_1568 = arith.index_cast %select_n3A_121 : i32 to index
        %swap3A_1569 = arith.index_cast %swap3A_1567 : i32 to index
        %swap3A_1570 = arith.index_cast %scan3A_185 : i32 to index
        %swap3A_1571 = arith.constant 32 : index
        %swap3A_1572 = tpu.vector_load %arg7[%swap3A_1568, %swap3A_1569, %swap3A_1570, %swap3A_1571] {strides = array<i32>} : memref<2x50x8x128xf32, #tpu.memory_space<vmem>>, vector<16xf32>,
        tpu.vector_store %arg7[%swap3A_1568, %swap3A_1569, %swap3A_1570, %swap3A_1571], %gather3A_1526 {strides = array<i32>} : memref<2x50x8x128xf32, #tpu.memory_space<vmem>>, vector<16xf32>,
        %swap3A_1573 = arith.constant 33 : i32
        %swap3A_1574 = arith.index_cast %select_n3A_121 : i32 to index
        %swap3A_1575 = arith.index_cast %swap3A_1573 : i32 to index
        %swap3A_1576 = arith.index_cast %scan3A_185 : i32 to index
        %swap3A_1577 = arith.constant 32 : index
        %swap3A_1578 = tpu.vector_load %arg7[%swap3A_1574, %swap3A_1575, %swap3A_1576, %swap3A_1577] {strides = array<i32>} : memref<2x50x8x128xf32, #tpu.memory_space<vmem>>, vector<16xf32>,
        tpu.vector_store %arg7[%swap3A_1574, %swap3A_1575, %swap3A_1576, %swap3A_1577], %gather3A_1530 {strides = array<i32>} : memref<2x50x8x128xf32, #tpu.memory_space<vmem>>, vector<16xf32>,
        %swap3A_1579 = arith.constant 34 : i32
        %swap3A_1580 = arith.index_cast %select_n3A_121 : i32 to index
        %swap3A_1581 = arith.index_cast %swap3A_1579 : i32 to index
        %swap3A_1582 = arith.index_cast %scan3A_185 : i32 to index
        %swap3A_1583 = arith.constant 32 : index
        %swap3A_1584 = tpu.vector_load %arg7[%swap3A_1580, %swap3A_1581, %swap3A_1582, %swap3A_1583] {strides = array<i32>} : memref<2x50x8x128xf32, #tpu.memory_space<vmem>>, vector<16xf32>,
        tpu.vector_store %arg7[%swap3A_1580, %swap3A_1581, %swap3A_1582, %swap3A_1583], %gather3A_1534 {strides = array<i32>} : memref<2x50x8x128xf32, #tpu.memory_space<vmem>>, vector<16xf32>,
        %swap3A_1585 = arith.constant 35 : i32
        %swap3A_1586 = arith.index_cast %select_n3A_121 : i32 to index
        %swap3A_1587 = arith.index_cast %swap3A_1585 : i32 to index
        %swap3A_1588 = arith.index_cast %scan3A_185 : i32 to index
        %swap3A_1589 = arith.constant 32 : index
        %swap3A_1590 = tpu.vector_load %arg7[%swap3A_1586, %swap3A_1587, %swap3A_1588, %swap3A_1589] {strides = array<i32>} : memref<2x50x8x128xf32, #tpu.memory_space<vmem>>, vector<16xf32>,
        tpu.vector_store %arg7[%swap3A_1586, %swap3A_1587, %swap3A_1588, %swap3A_1589], %gather3A_1538 {strides = array<i32>} : memref<2x50x8x128xf32, #tpu.memory_space<vmem>>, vector<16xf32>,
        %swap3A_1591 = arith.constant 36 : i32
        %swap3A_1592 = arith.index_cast %select_n3A_121 : i32 to index
        %swap3A_1593 = arith.index_cast %swap3A_1591 : i32 to index
        %swap3A_1594 = arith.index_cast %scan3A_185 : i32 to index
        %swap3A_1595 = arith.constant 32 : index
        %swap3A_1596 = tpu.vector_load %arg7[%swap3A_1592, %swap3A_1593, %swap3A_1594, %swap3A_1595] {strides = array<i32>} : memref<2x50x8x128xf32, #tpu.memory_space<vmem>>, vector<16xf32>,
        tpu.vector_store %arg7[%swap3A_1592, %swap3A_1593, %swap3A_1594, %swap3A_1595], %gather3A_1542 {strides = array<i32>} : memref<2x50x8x128xf32, #tpu.memory_space<vmem>>, vector<16xf32>,
        %swap3A_1597 = arith.constant 37 : i32
        %swap3A_1598 = arith.index_cast %select_n3A_121 : i32 to index
        %swap3A_1599 = arith.index_cast %swap3A_1597 : i32 to index
        %swap3A_1600 = arith.index_cast %scan3A_185 : i32 to index
        %swap3A_1601 = arith.constant 32 : index
        %swap3A_1602 = tpu.vector_load %arg7[%swap3A_1598, %swap3A_1599, %swap3A_1600, %swap3A_1601] {strides = array<i32>} : memref<2x50x8x128xf32, #tpu.memory_space<vmem>>, vector<16xf32>,
        tpu.vector_store %arg7[%swap3A_1598, %swap3A_1599, %swap3A_1600, %swap3A_1601], %gather3A_1546 {strides = array<i32>} : memref<2x50x8x128xf32, #tpu.memory_space<vmem>>, vector<16xf32>,
        %swap3A_1603 = arith.constant 38 : i32
        %swap3A_1604 = arith.index_cast %select_n3A_121 : i32 to index
        %swap3A_1605 = arith.index_cast %swap3A_1603 : i32 to index
        %swap3A_1606 = arith.index_cast %scan3A_185 : i32 to index
        %swap3A_1607 = arith.constant 32 : index
        %swap3A_1608 = tpu.vector_load %arg7[%swap3A_1604, %swap3A_1605, %swap3A_1606, %swap3A_1607] {strides = array<i32>} : memref<2x50x8x128xf32, #tpu.memory_space<vmem>>, vector<16xf32>,
        tpu.vector_store %arg7[%swap3A_1604, %swap3A_1605, %swap3A_1606, %swap3A_1607], %gather3A_1550 {strides = array<i32>} : memref<2x50x8x128xf32, #tpu.memory_space<vmem>>, vector<16xf32>,
        %swap3A_1609 = arith.constant 39 : i32
        %swap3A_1610 = arith.index_cast %select_n3A_121 : i32 to index
        %swap3A_1611 = arith.index_cast %swap3A_1609 : i32 to index
        %swap3A_1612 = arith.index_cast %scan3A_185 : i32 to index
        %swap3A_1613 = arith.constant 32 : index
        %swap3A_1614 = tpu.vector_load %arg7[%swap3A_1610, %swap3A_1611, %swap3A_1612, %swap3A_1613] {strides = array<i32>} : memref<2x50x8x128xf32, #tpu.memory_space<vmem>>, vector<16xf32>,
        tpu.vector_store %arg7[%swap3A_1610, %swap3A_1611, %swap3A_1612, %swap3A_1613], %gather3A_1554 {strides = array<i32>} : memref<2x50x8x128xf32, #tpu.memory_space<vmem>>, vector<16xf32>,
        %add3A_1615 = arith.constant 5120 : i32
        %add3A_1616 = vector.broadcast %add3A_1615 : i32 to vector<16xi32>
        %add3A_1617 = arith.addi %get3A_196, %add3A_1616 : vector<16xi32>
        %gather3A_1618 = tpu.vector_load_idx %arg5[%add3A_1617] : memref<6400xf32, #tpu.memory_space<vmem>>[vector<16xi32>], vector<16xf32>,
        %add3A_1619 = arith.constant 5248 : i32
        %add3A_1620 = vector.broadcast %add3A_1619 : i32 to vector<16xi32>
        %add3A_1621 = arith.addi %get3A_196, %add3A_1620 : vector<16xi32>
        %gather3A_1622 = tpu.vector_load_idx %arg5[%add3A_1621] : memref<6400xf32, #tpu.memory_space<vmem>>[vector<16xi32>], vector<16xf32>,
        %add3A_1623 = arith.constant 5376 : i32
        %add3A_1624 = vector.broadcast %add3A_1623 : i32 to vector<16xi32>
        %add3A_1625 = arith.addi %get3A_196, %add3A_1624 : vector<16xi32>
        %gather3A_1626 = tpu.vector_load_idx %arg5[%add3A_1625] : memref<6400xf32, #tpu.memory_space<vmem>>[vector<16xi32>], vector<16xf32>,
        %add3A_1627 = arith.constant 5504 : i32
        %add3A_1628 = vector.broadcast %add3A_1627 : i32 to vector<16xi32>
        %add3A_1629 = arith.addi %get3A_196, %add3A_1628 : vector<16xi32>
        %gather3A_1630 = tpu.vector_load_idx %arg5[%add3A_1629] : memref<6400xf32, #tpu.memory_space<vmem>>[vector<16xi32>], vector<16xf32>,
        %add3A_1631 = arith.constant 5632 : i32
        %add3A_1632 = vector.broadcast %add3A_1631 : i32 to vector<16xi32>
        %add3A_1633 = arith.addi %get3A_196, %add3A_1632 : vector<16xi32>
        %gather3A_1634 = tpu.vector_load_idx %arg5[%add3A_1633] : memref<6400xf32, #tpu.memory_space<vmem>>[vector<16xi32>], vector<16xf32>,
        %add3A_1635 = arith.constant 5760 : i32
        %add3A_1636 = vector.broadcast %add3A_1635 : i32 to vector<16xi32>
        %add3A_1637 = arith.addi %get3A_196, %add3A_1636 : vector<16xi32>
        %gather3A_1638 = tpu.vector_load_idx %arg5[%add3A_1637] : memref<6400xf32, #tpu.memory_space<vmem>>[vector<16xi32>], vector<16xf32>,
        %add3A_1639 = arith.constant 5888 : i32
        %add3A_1640 = vector.broadcast %add3A_1639 : i32 to vector<16xi32>
        %add3A_1641 = arith.addi %get3A_196, %add3A_1640 : vector<16xi32>
        %gather3A_1642 = tpu.vector_load_idx %arg5[%add3A_1641] : memref<6400xf32, #tpu.memory_space<vmem>>[vector<16xi32>], vector<16xf32>,
        %add3A_1643 = arith.constant 6016 : i32
        %add3A_1644 = vector.broadcast %add3A_1643 : i32 to vector<16xi32>
        %add3A_1645 = arith.addi %get3A_196, %add3A_1644 : vector<16xi32>
        %gather3A_1646 = tpu.vector_load_idx %arg5[%add3A_1645] : memref<6400xf32, #tpu.memory_space<vmem>>[vector<16xi32>], vector<16xf32>,
        %add3A_1647 = arith.constant 6144 : i32
        %add3A_1648 = vector.broadcast %add3A_1647 : i32 to vector<16xi32>
        %add3A_1649 = arith.addi %get3A_196, %add3A_1648 : vector<16xi32>
        %gather3A_1650 = tpu.vector_load_idx %arg5[%add3A_1649] : memref<6400xf32, #tpu.memory_space<vmem>>[vector<16xi32>], vector<16xf32>,
        %add3A_1651 = arith.constant 6272 : i32
        %add3A_1652 = vector.broadcast %add3A_1651 : i32 to vector<16xi32>
        %add3A_1653 = arith.addi %get3A_196, %add3A_1652 : vector<16xi32>
        %gather3A_1654 = tpu.vector_load_idx %arg5[%add3A_1653] : memref<6400xf32, #tpu.memory_space<vmem>>[vector<16xi32>], vector<16xf32>,
        %swap3A_1655 = arith.constant 40 : i32
        %swap3A_1656 = arith.index_cast %select_n3A_121 : i32 to index
        %swap3A_1657 = arith.index_cast %swap3A_1655 : i32 to index
        %swap3A_1658 = arith.index_cast %scan3A_185 : i32 to index
        %swap3A_1659 = arith.constant 32 : index
        %swap3A_1660 = tpu.vector_load %arg7[%swap3A_1656, %swap3A_1657, %swap3A_1658, %swap3A_1659] {strides = array<i32>} : memref<2x50x8x128xf32, #tpu.memory_space<vmem>>, vector<16xf32>,
        tpu.vector_store %arg7[%swap3A_1656, %swap3A_1657, %swap3A_1658, %swap3A_1659], %gather3A_1618 {strides = array<i32>} : memref<2x50x8x128xf32, #tpu.memory_space<vmem>>, vector<16xf32>,
        %swap3A_1661 = arith.constant 41 : i32
        %swap3A_1662 = arith.index_cast %select_n3A_121 : i32 to index
        %swap3A_1663 = arith.index_cast %swap3A_1661 : i32 to index
        %swap3A_1664 = arith.index_cast %scan3A_185 : i32 to index
        %swap3A_1665 = arith.constant 32 : index
        %swap3A_1666 = tpu.vector_load %arg7[%swap3A_1662, %swap3A_1663, %swap3A_1664, %swap3A_1665] {strides = array<i32>} : memref<2x50x8x128xf32, #tpu.memory_space<vmem>>, vector<16xf32>,
        tpu.vector_store %arg7[%swap3A_1662, %swap3A_1663, %swap3A_1664, %swap3A_1665], %gather3A_1622 {strides = array<i32>} : memref<2x50x8x128xf32, #tpu.memory_space<vmem>>, vector<16xf32>,
        %swap3A_1667 = arith.constant 42 : i32
        %swap3A_1668 = arith.index_cast %select_n3A_121 : i32 to index
        %swap3A_1669 = arith.index_cast %swap3A_1667 : i32 to index
        %swap3A_1670 = arith.index_cast %scan3A_185 : i32 to index
        %swap3A_1671 = arith.constant 32 : index
        %swap3A_1672 = tpu.vector_load %arg7[%swap3A_1668, %swap3A_1669, %swap3A_1670, %swap3A_1671] {strides = array<i32>} : memref<2x50x8x128xf32, #tpu.memory_space<vmem>>, vector<16xf32>,
        tpu.vector_store %arg7[%swap3A_1668, %swap3A_1669, %swap3A_1670, %swap3A_1671], %gather3A_1626 {strides = array<i32>} : memref<2x50x8x128xf32, #tpu.memory_space<vmem>>, vector<16xf32>,
        %swap3A_1673 = arith.constant 43 : i32
        %swap3A_1674 = arith.index_cast %select_n3A_121 : i32 to index
        %swap3A_1675 = arith.index_cast %swap3A_1673 : i32 to index
        %swap3A_1676 = arith.index_cast %scan3A_185 : i32 to index
        %swap3A_1677 = arith.constant 32 : index
        %swap3A_1678 = tpu.vector_load %arg7[%swap3A_1674, %swap3A_1675, %swap3A_1676, %swap3A_1677] {strides = array<i32>} : memref<2x50x8x128xf32, #tpu.memory_space<vmem>>, vector<16xf32>,
        tpu.vector_store %arg7[%swap3A_1674, %swap3A_1675, %swap3A_1676, %swap3A_1677], %gather3A_1630 {strides = array<i32>} : memref<2x50x8x128xf32, #tpu.memory_space<vmem>>, vector<16xf32>,
        %swap3A_1679 = arith.constant 44 : i32
        %swap3A_1680 = arith.index_cast %select_n3A_121 : i32 to index
        %swap3A_1681 = arith.index_cast %swap3A_1679 : i32 to index
        %swap3A_1682 = arith.index_cast %scan3A_185 : i32 to index
        %swap3A_1683 = arith.constant 32 : index
        %swap3A_1684 = tpu.vector_load %arg7[%swap3A_1680, %swap3A_1681, %swap3A_1682, %swap3A_1683] {strides = array<i32>} : memref<2x50x8x128xf32, #tpu.memory_space<vmem>>, vector<16xf32>,
        tpu.vector_store %arg7[%swap3A_1680, %swap3A_1681, %swap3A_1682, %swap3A_1683], %gather3A_1634 {strides = array<i32>} : memref<2x50x8x128xf32, #tpu.memory_space<vmem>>, vector<16xf32>,
        %swap3A_1685 = arith.constant 45 : i32
        %swap3A_1686 = arith.index_cast %select_n3A_121 : i32 to index
        %swap3A_1687 = arith.index_cast %swap3A_1685 : i32 to index
        %swap3A_1688 = arith.index_cast %scan3A_185 : i32 to index
        %swap3A_1689 = arith.constant 32 : index
        %swap3A_1690 = tpu.vector_load %arg7[%swap3A_1686, %swap3A_1687, %swap3A_1688, %swap3A_1689] {strides = array<i32>} : memref<2x50x8x128xf32, #tpu.memory_space<vmem>>, vector<16xf32>,
        tpu.vector_store %arg7[%swap3A_1686, %swap3A_1687, %swap3A_1688, %swap3A_1689], %gather3A_1638 {strides = array<i32>} : memref<2x50x8x128xf32, #tpu.memory_space<vmem>>, vector<16xf32>,
        %swap3A_1691 = arith.constant 46 : i32
        %swap3A_1692 = arith.index_cast %select_n3A_121 : i32 to index
        %swap3A_1693 = arith.index_cast %swap3A_1691 : i32 to index
        %swap3A_1694 = arith.index_cast %scan3A_185 : i32 to index
        %swap3A_1695 = arith.constant 32 : index
        %swap3A_1696 = tpu.vector_load %arg7[%swap3A_1692, %swap3A_1693, %swap3A_1694, %swap3A_1695] {strides = array<i32>} : memref<2x50x8x128xf32, #tpu.memory_space<vmem>>, vector<16xf32>,
        tpu.vector_store %arg7[%swap3A_1692, %swap3A_1693, %swap3A_1694, %swap3A_1695], %gather3A_1642 {strides = array<i32>} : memref<2x50x8x128xf32, #tpu.memory_space<vmem>>, vector<16xf32>,
        %swap3A_1697 = arith.constant 47 : i32
        %swap3A_1698 = arith.index_cast %select_n3A_121 : i32 to index
        %swap3A_1699 = arith.index_cast %swap3A_1697 : i32 to index
        %swap3A_1700 = arith.index_cast %scan3A_185 : i32 to index
        %swap3A_1701 = arith.constant 32 : index
        %swap3A_1702 = tpu.vector_load %arg7[%swap3A_1698, %swap3A_1699, %swap3A_1700, %swap3A_1701] {strides = array<i32>} : memref<2x50x8x128xf32, #tpu.memory_space<vmem>>, vector<16xf32>,
        tpu.vector_store %arg7[%swap3A_1698, %swap3A_1699, %swap3A_1700, %swap3A_1701], %gather3A_1646 {strides = array<i32>} : memref<2x50x8x128xf32, #tpu.memory_space<vmem>>, vector<16xf32>,
        %swap3A_1703 = arith.constant 48 : i32
        %swap3A_1704 = arith.index_cast %select_n3A_121 : i32 to index
        %swap3A_1705 = arith.index_cast %swap3A_1703 : i32 to index
        %swap3A_1706 = arith.index_cast %scan3A_185 : i32 to index
        %swap3A_1707 = arith.constant 32 : index
        %swap3A_1708 = tpu.vector_load %arg7[%swap3A_1704, %swap3A_1705, %swap3A_1706, %swap3A_1707] {strides = array<i32>} : memref<2x50x8x128xf32, #tpu.memory_space<vmem>>, vector<16xf32>,
        tpu.vector_store %arg7[%swap3A_1704, %swap3A_1705, %swap3A_1706, %swap3A_1707], %gather3A_1650 {strides = array<i32>} : memref<2x50x8x128xf32, #tpu.memory_space<vmem>>, vector<16xf32>,
        %swap3A_1709 = arith.constant 49 : i32
        %swap3A_1710 = arith.index_cast %select_n3A_121 : i32 to index
        %swap3A_1711 = arith.index_cast %swap3A_1709 : i32 to index
        %swap3A_1712 = arith.index_cast %scan3A_185 : i32 to index
        %swap3A_1713 = arith.constant 32 : index
        %swap3A_1714 = tpu.vector_load %arg7[%swap3A_1710, %swap3A_1711, %swap3A_1712, %swap3A_1713] {strides = array<i32>} : memref<2x50x8x128xf32, #tpu.memory_space<vmem>>, vector<16xf32>,
        tpu.vector_store %arg7[%swap3A_1710, %swap3A_1711, %swap3A_1712, %swap3A_1713], %gather3A_1654 {strides = array<i32>} : memref<2x50x8x128xf32, #tpu.memory_space<vmem>>, vector<16xf32>,
        %add3A_1715 = arith.constant 0 : i32
        %add3A_1716 = vector.broadcast %add3A_1715 : i32 to vector<16xi32>
        %add3A_1717 = arith.addi %get3A_200, %add3A_1716 : vector<16xi32>
        %gather3A_1718 = tpu.vector_load_idx %arg5[%add3A_1717] : memref<6400xf32, #tpu.memory_space<vmem>>[vector<16xi32>], vector<16xf32>,
        %add3A_1719 = arith.constant 128 : i32
        %add3A_1720 = vector.broadcast %add3A_1719 : i32 to vector<16xi32>
        %add3A_1721 = arith.addi %get3A_200, %add3A_1720 : vector<16xi32>
        %gather3A_1722 = tpu.vector_load_idx %arg5[%add3A_1721] : memref<6400xf32, #tpu.memory_space<vmem>>[vector<16xi32>], vector<16xf32>,
        %add3A_1723 = arith.constant 256 : i32
        %add3A_1724 = vector.broadcast %add3A_1723 : i32 to vector<16xi32>
        %add3A_1725 = arith.addi %get3A_200, %add3A_1724 : vector<16xi32>
        %gather3A_1726 = tpu.vector_load_idx %arg5[%add3A_1725] : memref<6400xf32, #tpu.memory_space<vmem>>[vector<16xi32>], vector<16xf32>,
        %add3A_1727 = arith.constant 384 : i32
        %add3A_1728 = vector.broadcast %add3A_1727 : i32 to vector<16xi32>
        %add3A_1729 = arith.addi %get3A_200, %add3A_1728 : vector<16xi32>
        %gather3A_1730 = tpu.vector_load_idx %arg5[%add3A_1729] : memref<6400xf32, #tpu.memory_space<vmem>>[vector<16xi32>], vector<16xf32>,
        %add3A_1731 = arith.constant 512 : i32
        %add3A_1732 = vector.broadcast %add3A_1731 : i32 to vector<16xi32>
        %add3A_1733 = arith.addi %get3A_200, %add3A_1732 : vector<16xi32>
        %gather3A_1734 = tpu.vector_load_idx %arg5[%add3A_1733] : memref<6400xf32, #tpu.memory_space<vmem>>[vector<16xi32>], vector<16xf32>,
        %add3A_1735 = arith.constant 640 : i32
        %add3A_1736 = vector.broadcast %add3A_1735 : i32 to vector<16xi32>
        %add3A_1737 = arith.addi %get3A_200, %add3A_1736 : vector<16xi32>
        %gather3A_1738 = tpu.vector_load_idx %arg5[%add3A_1737] : memref<6400xf32, #tpu.memory_space<vmem>>[vector<16xi32>], vector<16xf32>,
        %add3A_1739 = arith.constant 768 : i32
        %add3A_1740 = vector.broadcast %add3A_1739 : i32 to vector<16xi32>
        %add3A_1741 = arith.addi %get3A_200, %add3A_1740 : vector<16xi32>
        %gather3A_1742 = tpu.vector_load_idx %arg5[%add3A_1741] : memref<6400xf32, #tpu.memory_space<vmem>>[vector<16xi32>], vector<16xf32>,
        %add3A_1743 = arith.constant 896 : i32
        %add3A_1744 = vector.broadcast %add3A_1743 : i32 to vector<16xi32>
        %add3A_1745 = arith.addi %get3A_200, %add3A_1744 : vector<16xi32>
        %gather3A_1746 = tpu.vector_load_idx %arg5[%add3A_1745] : memref<6400xf32, #tpu.memory_space<vmem>>[vector<16xi32>], vector<16xf32>,
        %add3A_1747 = arith.constant 1024 : i32
        %add3A_1748 = vector.broadcast %add3A_1747 : i32 to vector<16xi32>
        %add3A_1749 = arith.addi %get3A_200, %add3A_1748 : vector<16xi32>
        %gather3A_1750 = tpu.vector_load_idx %arg5[%add3A_1749] : memref<6400xf32, #tpu.memory_space<vmem>>[vector<16xi32>], vector<16xf32>,
        %add3A_1751 = arith.constant 1152 : i32
        %add3A_1752 = vector.broadcast %add3A_1751 : i32 to vector<16xi32>
        %add3A_1753 = arith.addi %get3A_200, %add3A_1752 : vector<16xi32>
        %gather3A_1754 = tpu.vector_load_idx %arg5[%add3A_1753] : memref<6400xf32, #tpu.memory_space<vmem>>[vector<16xi32>], vector<16xf32>,
        %swap3A_1755 = arith.constant 0 : i32
        %swap3A_1756 = arith.index_cast %select_n3A_121 : i32 to index
        %swap3A_1757 = arith.index_cast %swap3A_1755 : i32 to index
        %swap3A_1758 = arith.index_cast %scan3A_185 : i32 to index
        %swap3A_1759 = arith.constant 48 : index
        %swap3A_1760 = tpu.vector_load %arg7[%swap3A_1756, %swap3A_1757, %swap3A_1758, %swap3A_1759] {strides = array<i32>} : memref<2x50x8x128xf32, #tpu.memory_space<vmem>>, vector<16xf32>,
        tpu.vector_store %arg7[%swap3A_1756, %swap3A_1757, %swap3A_1758, %swap3A_1759], %gather3A_1718 {strides = array<i32>} : memref<2x50x8x128xf32, #tpu.memory_space<vmem>>, vector<16xf32>,
        %swap3A_1761 = arith.constant 1 : i32
        %swap3A_1762 = arith.index_cast %select_n3A_121 : i32 to index
        %swap3A_1763 = arith.index_cast %swap3A_1761 : i32 to index
        %swap3A_1764 = arith.index_cast %scan3A_185 : i32 to index
        %swap3A_1765 = arith.constant 48 : index
        %swap3A_1766 = tpu.vector_load %arg7[%swap3A_1762, %swap3A_1763, %swap3A_1764, %swap3A_1765] {strides = array<i32>} : memref<2x50x8x128xf32, #tpu.memory_space<vmem>>, vector<16xf32>,
        tpu.vector_store %arg7[%swap3A_1762, %swap3A_1763, %swap3A_1764, %swap3A_1765], %gather3A_1722 {strides = array<i32>} : memref<2x50x8x128xf32, #tpu.memory_space<vmem>>, vector<16xf32>,
        %swap3A_1767 = arith.constant 2 : i32
        %swap3A_1768 = arith.index_cast %select_n3A_121 : i32 to index
        %swap3A_1769 = arith.index_cast %swap3A_1767 : i32 to index
        %swap3A_1770 = arith.index_cast %scan3A_185 : i32 to index
        %swap3A_1771 = arith.constant 48 : index
        %swap3A_1772 = tpu.vector_load %arg7[%swap3A_1768, %swap3A_1769, %swap3A_1770, %swap3A_1771] {strides = array<i32>} : memref<2x50x8x128xf32, #tpu.memory_space<vmem>>, vector<16xf32>,
        tpu.vector_store %arg7[%swap3A_1768, %swap3A_1769, %swap3A_1770, %swap3A_1771], %gather3A_1726 {strides = array<i32>} : memref<2x50x8x128xf32, #tpu.memory_space<vmem>>, vector<16xf32>,
        %swap3A_1773 = arith.constant 3 : i32
        %swap3A_1774 = arith.index_cast %select_n3A_121 : i32 to index
        %swap3A_1775 = arith.index_cast %swap3A_1773 : i32 to index
        %swap3A_1776 = arith.index_cast %scan3A_185 : i32 to index
        %swap3A_1777 = arith.constant 48 : index
        %swap3A_1778 = tpu.vector_load %arg7[%swap3A_1774, %swap3A_1775, %swap3A_1776, %swap3A_1777] {strides = array<i32>} : memref<2x50x8x128xf32, #tpu.memory_space<vmem>>, vector<16xf32>,
        tpu.vector_store %arg7[%swap3A_1774, %swap3A_1775, %swap3A_1776, %swap3A_1777], %gather3A_1730 {strides = array<i32>} : memref<2x50x8x128xf32, #tpu.memory_space<vmem>>, vector<16xf32>,
        %swap3A_1779 = arith.constant 4 : i32
        %swap3A_1780 = arith.index_cast %select_n3A_121 : i32 to index
        %swap3A_1781 = arith.index_cast %swap3A_1779 : i32 to index
        %swap3A_1782 = arith.index_cast %scan3A_185 : i32 to index
        %swap3A_1783 = arith.constant 48 : index
        %swap3A_1784 = tpu.vector_load %arg7[%swap3A_1780, %swap3A_1781, %swap3A_1782, %swap3A_1783] {strides = array<i32>} : memref<2x50x8x128xf32, #tpu.memory_space<vmem>>, vector<16xf32>,
        tpu.vector_store %arg7[%swap3A_1780, %swap3A_1781, %swap3A_1782, %swap3A_1783], %gather3A_1734 {strides = array<i32>} : memref<2x50x8x128xf32, #tpu.memory_space<vmem>>, vector<16xf32>,
        %swap3A_1785 = arith.constant 5 : i32
        %swap3A_1786 = arith.index_cast %select_n3A_121 : i32 to index
        %swap3A_1787 = arith.index_cast %swap3A_1785 : i32 to index
        %swap3A_1788 = arith.index_cast %scan3A_185 : i32 to index
        %swap3A_1789 = arith.constant 48 : index
        %swap3A_1790 = tpu.vector_load %arg7[%swap3A_1786, %swap3A_1787, %swap3A_1788, %swap3A_1789] {strides = array<i32>} : memref<2x50x8x128xf32, #tpu.memory_space<vmem>>, vector<16xf32>,
        tpu.vector_store %arg7[%swap3A_1786, %swap3A_1787, %swap3A_1788, %swap3A_1789], %gather3A_1738 {strides = array<i32>} : memref<2x50x8x128xf32, #tpu.memory_space<vmem>>, vector<16xf32>,
        %swap3A_1791 = arith.constant 6 : i32
        %swap3A_1792 = arith.index_cast %select_n3A_121 : i32 to index
        %swap3A_1793 = arith.index_cast %swap3A_1791 : i32 to index
        %swap3A_1794 = arith.index_cast %scan3A_185 : i32 to index
        %swap3A_1795 = arith.constant 48 : index
        %swap3A_1796 = tpu.vector_load %arg7[%swap3A_1792, %swap3A_1793, %swap3A_1794, %swap3A_1795] {strides = array<i32>} : memref<2x50x8x128xf32, #tpu.memory_space<vmem>>, vector<16xf32>,
        tpu.vector_store %arg7[%swap3A_1792, %swap3A_1793, %swap3A_1794, %swap3A_1795], %gather3A_1742 {strides = array<i32>} : memref<2x50x8x128xf32, #tpu.memory_space<vmem>>, vector<16xf32>,
        %swap3A_1797 = arith.constant 7 : i32
        %swap3A_1798 = arith.index_cast %select_n3A_121 : i32 to index
        %swap3A_1799 = arith.index_cast %swap3A_1797 : i32 to index
        %swap3A_1800 = arith.index_cast %scan3A_185 : i32 to index
        %swap3A_1801 = arith.constant 48 : index
        %swap3A_1802 = tpu.vector_load %arg7[%swap3A_1798, %swap3A_1799, %swap3A_1800, %swap3A_1801] {strides = array<i32>} : memref<2x50x8x128xf32, #tpu.memory_space<vmem>>, vector<16xf32>,
        tpu.vector_store %arg7[%swap3A_1798, %swap3A_1799, %swap3A_1800, %swap3A_1801], %gather3A_1746 {strides = array<i32>} : memref<2x50x8x128xf32, #tpu.memory_space<vmem>>, vector<16xf32>,
        %swap3A_1803 = arith.constant 8 : i32
        %swap3A_1804 = arith.index_cast %select_n3A_121 : i32 to index
        %swap3A_1805 = arith.index_cast %swap3A_1803 : i32 to index
        %swap3A_1806 = arith.index_cast %scan3A_185 : i32 to index
        %swap3A_1807 = arith.constant 48 : index
        %swap3A_1808 = tpu.vector_load %arg7[%swap3A_1804, %swap3A_1805, %swap3A_1806, %swap3A_1807] {strides = array<i32>} : memref<2x50x8x128xf32, #tpu.memory_space<vmem>>, vector<16xf32>,
        tpu.vector_store %arg7[%swap3A_1804, %swap3A_1805, %swap3A_1806, %swap3A_1807], %gather3A_1750 {strides = array<i32>} : memref<2x50x8x128xf32, #tpu.memory_space<vmem>>, vector<16xf32>,
        %swap3A_1809 = arith.constant 9 : i32
        %swap3A_1810 = arith.index_cast %select_n3A_121 : i32 to index
        %swap3A_1811 = arith.index_cast %swap3A_1809 : i32 to index
        %swap3A_1812 = arith.index_cast %scan3A_185 : i32 to index
        %swap3A_1813 = arith.constant 48 : index
        %swap3A_1814 = tpu.vector_load %arg7[%swap3A_1810, %swap3A_1811, %swap3A_1812, %swap3A_1813] {strides = array<i32>} : memref<2x50x8x128xf32, #tpu.memory_space<vmem>>, vector<16xf32>,
        tpu.vector_store %arg7[%swap3A_1810, %swap3A_1811, %swap3A_1812, %swap3A_1813], %gather3A_1754 {strides = array<i32>} : memref<2x50x8x128xf32, #tpu.memory_space<vmem>>, vector<16xf32>,
        %add3A_1815 = arith.constant 1280 : i32
        %add3A_1816 = vector.broadcast %add3A_1815 : i32 to vector<16xi32>
        %add3A_1817 = arith.addi %get3A_200, %add3A_1816 : vector<16xi32>
        %gather3A_1818 = tpu.vector_load_idx %arg5[%add3A_1817] : memref<6400xf32, #tpu.memory_space<vmem>>[vector<16xi32>], vector<16xf32>,
        %add3A_1819 = arith.constant 1408 : i32
        %add3A_1820 = vector.broadcast %add3A_1819 : i32 to vector<16xi32>
        %add3A_1821 = arith.addi %get3A_200, %add3A_1820 : vector<16xi32>
        %gather3A_1822 = tpu.vector_load_idx %arg5[%add3A_1821] : memref<6400xf32, #tpu.memory_space<vmem>>[vector<16xi32>], vector<16xf32>,
        %add3A_1823 = arith.constant 1536 : i32
        %add3A_1824 = vector.broadcast %add3A_1823 : i32 to vector<16xi32>
        %add3A_1825 = arith.addi %get3A_200, %add3A_1824 : vector<16xi32>
        %gather3A_1826 = tpu.vector_load_idx %arg5[%add3A_1825] : memref<6400xf32, #tpu.memory_space<vmem>>[vector<16xi32>], vector<16xf32>,
        %add3A_1827 = arith.constant 1664 : i32
        %add3A_1828 = vector.broadcast %add3A_1827 : i32 to vector<16xi32>
        %add3A_1829 = arith.addi %get3A_200, %add3A_1828 : vector<16xi32>
        %gather3A_1830 = tpu.vector_load_idx %arg5[%add3A_1829] : memref<6400xf32, #tpu.memory_space<vmem>>[vector<16xi32>], vector<16xf32>,
        %add3A_1831 = arith.constant 1792 : i32
        %add3A_1832 = vector.broadcast %add3A_1831 : i32 to vector<16xi32>
        %add3A_1833 = arith.addi %get3A_200, %add3A_1832 : vector<16xi32>
        %gather3A_1834 = tpu.vector_load_idx %arg5[%add3A_1833] : memref<6400xf32, #tpu.memory_space<vmem>>[vector<16xi32>], vector<16xf32>,
        %add3A_1835 = arith.constant 1920 : i32
        %add3A_1836 = vector.broadcast %add3A_1835 : i32 to vector<16xi32>
        %add3A_1837 = arith.addi %get3A_200, %add3A_1836 : vector<16xi32>
        %gather3A_1838 = tpu.vector_load_idx %arg5[%add3A_1837] : memref<6400xf32, #tpu.memory_space<vmem>>[vector<16xi32>], vector<16xf32>,
        %add3A_1839 = arith.constant 2048 : i32
        %add3A_1840 = vector.broadcast %add3A_1839 : i32 to vector<16xi32>
        %add3A_1841 = arith.addi %get3A_200, %add3A_1840 : vector<16xi32>
        %gather3A_1842 = tpu.vector_load_idx %arg5[%add3A_1841] : memref<6400xf32, #tpu.memory_space<vmem>>[vector<16xi32>], vector<16xf32>,
        %add3A_1843 = arith.constant 2176 : i32
        %add3A_1844 = vector.broadcast %add3A_1843 : i32 to vector<16xi32>
        %add3A_1845 = arith.addi %get3A_200, %add3A_1844 : vector<16xi32>
        %gather3A_1846 = tpu.vector_load_idx %arg5[%add3A_1845] : memref<6400xf32, #tpu.memory_space<vmem>>[vector<16xi32>], vector<16xf32>,
        %add3A_1847 = arith.constant 2304 : i32
        %add3A_1848 = vector.broadcast %add3A_1847 : i32 to vector<16xi32>
        %add3A_1849 = arith.addi %get3A_200, %add3A_1848 : vector<16xi32>
        %gather3A_1850 = tpu.vector_load_idx %arg5[%add3A_1849] : memref<6400xf32, #tpu.memory_space<vmem>>[vector<16xi32>], vector<16xf32>,
        %add3A_1851 = arith.constant 2432 : i32
        %add3A_1852 = vector.broadcast %add3A_1851 : i32 to vector<16xi32>
        %add3A_1853 = arith.addi %get3A_200, %add3A_1852 : vector<16xi32>
        %gather3A_1854 = tpu.vector_load_idx %arg5[%add3A_1853] : memref<6400xf32, #tpu.memory_space<vmem>>[vector<16xi32>], vector<16xf32>,
        %swap3A_1855 = arith.constant 10 : i32
        %swap3A_1856 = arith.index_cast %select_n3A_121 : i32 to index
        %swap3A_1857 = arith.index_cast %swap3A_1855 : i32 to index
        %swap3A_1858 = arith.index_cast %scan3A_185 : i32 to index
        %swap3A_1859 = arith.constant 48 : index
        %swap3A_1860 = tpu.vector_load %arg7[%swap3A_1856, %swap3A_1857, %swap3A_1858, %swap3A_1859] {strides = array<i32>} : memref<2x50x8x128xf32, #tpu.memory_space<vmem>>, vector<16xf32>,
        tpu.vector_store %arg7[%swap3A_1856, %swap3A_1857, %swap3A_1858, %swap3A_1859], %gather3A_1818 {strides = array<i32>} : memref<2x50x8x128xf32, #tpu.memory_space<vmem>>, vector<16xf32>,
        %swap3A_1861 = arith.constant 11 : i32
        %swap3A_1862 = arith.index_cast %select_n3A_121 : i32 to index
        %swap3A_1863 = arith.index_cast %swap3A_1861 : i32 to index
        %swap3A_1864 = arith.index_cast %scan3A_185 : i32 to index
        %swap3A_1865 = arith.constant 48 : index
        %swap3A_1866 = tpu.vector_load %arg7[%swap3A_1862, %swap3A_1863, %swap3A_1864, %swap3A_1865] {strides = array<i32>} : memref<2x50x8x128xf32, #tpu.memory_space<vmem>>, vector<16xf32>,
        tpu.vector_store %arg7[%swap3A_1862, %swap3A_1863, %swap3A_1864, %swap3A_1865], %gather3A_1822 {strides = array<i32>} : memref<2x50x8x128xf32, #tpu.memory_space<vmem>>, vector<16xf32>,
        %swap3A_1867 = arith.constant 12 : i32
        %swap3A_1868 = arith.index_cast %select_n3A_121 : i32 to index
        %swap3A_1869 = arith.index_cast %swap3A_1867 : i32 to index
        %swap3A_1870 = arith.index_cast %scan3A_185 : i32 to index
        %swap3A_1871 = arith.constant 48 : index
        %swap3A_1872 = tpu.vector_load %arg7[%swap3A_1868, %swap3A_1869, %swap3A_1870, %swap3A_1871] {strides = array<i32>} : memref<2x50x8x128xf32, #tpu.memory_space<vmem>>, vector<16xf32>,
        tpu.vector_store %arg7[%swap3A_1868, %swap3A_1869, %swap3A_1870, %swap3A_1871], %gather3A_1826 {strides = array<i32>} : memref<2x50x8x128xf32, #tpu.memory_space<vmem>>, vector<16xf32>,
        %swap3A_1873 = arith.constant 13 : i32
        %swap3A_1874 = arith.index_cast %select_n3A_121 : i32 to index
        %swap3A_1875 = arith.index_cast %swap3A_1873 : i32 to index
        %swap3A_1876 = arith.index_cast %scan3A_185 : i32 to index
        %swap3A_1877 = arith.constant 48 : index
        %swap3A_1878 = tpu.vector_load %arg7[%swap3A_1874, %swap3A_1875, %swap3A_1876, %swap3A_1877] {strides = array<i32>} : memref<2x50x8x128xf32, #tpu.memory_space<vmem>>, vector<16xf32>,
        tpu.vector_store %arg7[%swap3A_1874, %swap3A_1875, %swap3A_1876, %swap3A_1877], %gather3A_1830 {strides = array<i32>} : memref<2x50x8x128xf32, #tpu.memory_space<vmem>>, vector<16xf32>,
        %swap3A_1879 = arith.constant 14 : i32
        %swap3A_1880 = arith.index_cast %select_n3A_121 : i32 to index
        %swap3A_1881 = arith.index_cast %swap3A_1879 : i32 to index
        %swap3A_1882 = arith.index_cast %scan3A_185 : i32 to index
        %swap3A_1883 = arith.constant 48 : index
        %swap3A_1884 = tpu.vector_load %arg7[%swap3A_1880, %swap3A_1881, %swap3A_1882, %swap3A_1883] {strides = array<i32>} : memref<2x50x8x128xf32, #tpu.memory_space<vmem>>, vector<16xf32>,
        tpu.vector_store %arg7[%swap3A_1880, %swap3A_1881, %swap3A_1882, %swap3A_1883], %gather3A_1834 {strides = array<i32>} : memref<2x50x8x128xf32, #tpu.memory_space<vmem>>, vector<16xf32>,
        %swap3A_1885 = arith.constant 15 : i32
        %swap3A_1886 = arith.index_cast %select_n3A_121 : i32 to index
        %swap3A_1887 = arith.index_cast %swap3A_1885 : i32 to index
        %swap3A_1888 = arith.index_cast %scan3A_185 : i32 to index
        %swap3A_1889 = arith.constant 48 : index
        %swap3A_1890 = tpu.vector_load %arg7[%swap3A_1886, %swap3A_1887, %swap3A_1888, %swap3A_1889] {strides = array<i32>} : memref<2x50x8x128xf32, #tpu.memory_space<vmem>>, vector<16xf32>,
        tpu.vector_store %arg7[%swap3A_1886, %swap3A_1887, %swap3A_1888, %swap3A_1889], %gather3A_1838 {strides = array<i32>} : memref<2x50x8x128xf32, #tpu.memory_space<vmem>>, vector<16xf32>,
        %swap3A_1891 = arith.constant 16 : i32
        %swap3A_1892 = arith.index_cast %select_n3A_121 : i32 to index
        %swap3A_1893 = arith.index_cast %swap3A_1891 : i32 to index
        %swap3A_1894 = arith.index_cast %scan3A_185 : i32 to index
        %swap3A_1895 = arith.constant 48 : index
        %swap3A_1896 = tpu.vector_load %arg7[%swap3A_1892, %swap3A_1893, %swap3A_1894, %swap3A_1895] {strides = array<i32>} : memref<2x50x8x128xf32, #tpu.memory_space<vmem>>, vector<16xf32>,
        tpu.vector_store %arg7[%swap3A_1892, %swap3A_1893, %swap3A_1894, %swap3A_1895], %gather3A_1842 {strides = array<i32>} : memref<2x50x8x128xf32, #tpu.memory_space<vmem>>, vector<16xf32>,
        %swap3A_1897 = arith.constant 17 : i32
        %swap3A_1898 = arith.index_cast %select_n3A_121 : i32 to index
        %swap3A_1899 = arith.index_cast %swap3A_1897 : i32 to index
        %swap3A_1900 = arith.index_cast %scan3A_185 : i32 to index
        %swap3A_1901 = arith.constant 48 : index
        %swap3A_1902 = tpu.vector_load %arg7[%swap3A_1898, %swap3A_1899, %swap3A_1900, %swap3A_1901] {strides = array<i32>} : memref<2x50x8x128xf32, #tpu.memory_space<vmem>>, vector<16xf32>,
        tpu.vector_store %arg7[%swap3A_1898, %swap3A_1899, %swap3A_1900, %swap3A_1901], %gather3A_1846 {strides = array<i32>} : memref<2x50x8x128xf32, #tpu.memory_space<vmem>>, vector<16xf32>,
        %swap3A_1903 = arith.constant 18 : i32
        %swap3A_1904 = arith.index_cast %select_n3A_121 : i32 to index
        %swap3A_1905 = arith.index_cast %swap3A_1903 : i32 to index
        %swap3A_1906 = arith.index_cast %scan3A_185 : i32 to index
        %swap3A_1907 = arith.constant 48 : index
        %swap3A_1908 = tpu.vector_load %arg7[%swap3A_1904, %swap3A_1905, %swap3A_1906, %swap3A_1907] {strides = array<i32>} : memref<2x50x8x128xf32, #tpu.memory_space<vmem>>, vector<16xf32>,
        tpu.vector_store %arg7[%swap3A_1904, %swap3A_1905, %swap3A_1906, %swap3A_1907], %gather3A_1850 {strides = array<i32>} : memref<2x50x8x128xf32, #tpu.memory_space<vmem>>, vector<16xf32>,
        %swap3A_1909 = arith.constant 19 : i32
        %swap3A_1910 = arith.index_cast %select_n3A_121 : i32 to index
        %swap3A_1911 = arith.index_cast %swap3A_1909 : i32 to index
        %swap3A_1912 = arith.index_cast %scan3A_185 : i32 to index
        %swap3A_1913 = arith.constant 48 : index
        %swap3A_1914 = tpu.vector_load %arg7[%swap3A_1910, %swap3A_1911, %swap3A_1912, %swap3A_1913] {strides = array<i32>} : memref<2x50x8x128xf32, #tpu.memory_space<vmem>>, vector<16xf32>,
        tpu.vector_store %arg7[%swap3A_1910, %swap3A_1911, %swap3A_1912, %swap3A_1913], %gather3A_1854 {strides = array<i32>} : memref<2x50x8x128xf32, #tpu.memory_space<vmem>>, vector<16xf32>,
        %add3A_1915 = arith.constant 2560 : i32
        %add3A_1916 = vector.broadcast %add3A_1915 : i32 to vector<16xi32>
        %add3A_1917 = arith.addi %get3A_200, %add3A_1916 : vector<16xi32>
        %gather3A_1918 = tpu.vector_load_idx %arg5[%add3A_1917] : memref<6400xf32, #tpu.memory_space<vmem>>[vector<16xi32>], vector<16xf32>,
        %add3A_1919 = arith.constant 2688 : i32
        %add3A_1920 = vector.broadcast %add3A_1919 : i32 to vector<16xi32>
        %add3A_1921 = arith.addi %get3A_200, %add3A_1920 : vector<16xi32>
        %gather3A_1922 = tpu.vector_load_idx %arg5[%add3A_1921] : memref<6400xf32, #tpu.memory_space<vmem>>[vector<16xi32>], vector<16xf32>,
        %add3A_1923 = arith.constant 2816 : i32
        %add3A_1924 = vector.broadcast %add3A_1923 : i32 to vector<16xi32>
        %add3A_1925 = arith.addi %get3A_200, %add3A_1924 : vector<16xi32>
        %gather3A_1926 = tpu.vector_load_idx %arg5[%add3A_1925] : memref<6400xf32, #tpu.memory_space<vmem>>[vector<16xi32>], vector<16xf32>,
        %add3A_1927 = arith.constant 2944 : i32
        %add3A_1928 = vector.broadcast %add3A_1927 : i32 to vector<16xi32>
        %add3A_1929 = arith.addi %get3A_200, %add3A_1928 : vector<16xi32>
        %gather3A_1930 = tpu.vector_load_idx %arg5[%add3A_1929] : memref<6400xf32, #tpu.memory_space<vmem>>[vector<16xi32>], vector<16xf32>,
        %add3A_1931 = arith.constant 3072 : i32
        %add3A_1932 = vector.broadcast %add3A_1931 : i32 to vector<16xi32>
        %add3A_1933 = arith.addi %get3A_200, %add3A_1932 : vector<16xi32>
        %gather3A_1934 = tpu.vector_load_idx %arg5[%add3A_1933] : memref<6400xf32, #tpu.memory_space<vmem>>[vector<16xi32>], vector<16xf32>,
        %add3A_1935 = arith.constant 3200 : i32
        %add3A_1936 = vector.broadcast %add3A_1935 : i32 to vector<16xi32>
        %add3A_1937 = arith.addi %get3A_200, %add3A_1936 : vector<16xi32>
        %gather3A_1938 = tpu.vector_load_idx %arg5[%add3A_1937] : memref<6400xf32, #tpu.memory_space<vmem>>[vector<16xi32>], vector<16xf32>,
        %add3A_1939 = arith.constant 3328 : i32
        %add3A_1940 = vector.broadcast %add3A_1939 : i32 to vector<16xi32>
        %add3A_1941 = arith.addi %get3A_200, %add3A_1940 : vector<16xi32>
        %gather3A_1942 = tpu.vector_load_idx %arg5[%add3A_1941] : memref<6400xf32, #tpu.memory_space<vmem>>[vector<16xi32>], vector<16xf32>,
        %add3A_1943 = arith.constant 3456 : i32
        %add3A_1944 = vector.broadcast %add3A_1943 : i32 to vector<16xi32>
        %add3A_1945 = arith.addi %get3A_200, %add3A_1944 : vector<16xi32>
        %gather3A_1946 = tpu.vector_load_idx %arg5[%add3A_1945] : memref<6400xf32, #tpu.memory_space<vmem>>[vector<16xi32>], vector<16xf32>,
        %add3A_1947 = arith.constant 3584 : i32
        %add3A_1948 = vector.broadcast %add3A_1947 : i32 to vector<16xi32>
        %add3A_1949 = arith.addi %get3A_200, %add3A_1948 : vector<16xi32>
        %gather3A_1950 = tpu.vector_load_idx %arg5[%add3A_1949] : memref<6400xf32, #tpu.memory_space<vmem>>[vector<16xi32>], vector<16xf32>,
        %add3A_1951 = arith.constant 3712 : i32
        %add3A_1952 = vector.broadcast %add3A_1951 : i32 to vector<16xi32>
        %add3A_1953 = arith.addi %get3A_200, %add3A_1952 : vector<16xi32>
        %gather3A_1954 = tpu.vector_load_idx %arg5[%add3A_1953] : memref<6400xf32, #tpu.memory_space<vmem>>[vector<16xi32>], vector<16xf32>,
        %swap3A_1955 = arith.constant 20 : i32
        %swap3A_1956 = arith.index_cast %select_n3A_121 : i32 to index
        %swap3A_1957 = arith.index_cast %swap3A_1955 : i32 to index
        %swap3A_1958 = arith.index_cast %scan3A_185 : i32 to index
        %swap3A_1959 = arith.constant 48 : index
        %swap3A_1960 = tpu.vector_load %arg7[%swap3A_1956, %swap3A_1957, %swap3A_1958, %swap3A_1959] {strides = array<i32>} : memref<2x50x8x128xf32, #tpu.memory_space<vmem>>, vector<16xf32>,
        tpu.vector_store %arg7[%swap3A_1956, %swap3A_1957, %swap3A_1958, %swap3A_1959], %gather3A_1918 {strides = array<i32>} : memref<2x50x8x128xf32, #tpu.memory_space<vmem>>, vector<16xf32>,
        %swap3A_1961 = arith.constant 21 : i32
        %swap3A_1962 = arith.index_cast %select_n3A_121 : i32 to index
        %swap3A_1963 = arith.index_cast %swap3A_1961 : i32 to index
        %swap3A_1964 = arith.index_cast %scan3A_185 : i32 to index
        %swap3A_1965 = arith.constant 48 : index
        %swap3A_1966 = tpu.vector_load %arg7[%swap3A_1962, %swap3A_1963, %swap3A_1964, %swap3A_1965] {strides = array<i32>} : memref<2x50x8x128xf32, #tpu.memory_space<vmem>>, vector<16xf32>,
        tpu.vector_store %arg7[%swap3A_1962, %swap3A_1963, %swap3A_1964, %swap3A_1965], %gather3A_1922 {strides = array<i32>} : memref<2x50x8x128xf32, #tpu.memory_space<vmem>>, vector<16xf32>,
        %swap3A_1967 = arith.constant 22 : i32
        %swap3A_1968 = arith.index_cast %select_n3A_121 : i32 to index
        %swap3A_1969 = arith.index_cast %swap3A_1967 : i32 to index
        %swap3A_1970 = arith.index_cast %scan3A_185 : i32 to index
        %swap3A_1971 = arith.constant 48 : index
        %swap3A_1972 = tpu.vector_load %arg7[%swap3A_1968, %swap3A_1969, %swap3A_1970, %swap3A_1971] {strides = array<i32>} : memref<2x50x8x128xf32, #tpu.memory_space<vmem>>, vector<16xf32>,
        tpu.vector_store %arg7[%swap3A_1968, %swap3A_1969, %swap3A_1970, %swap3A_1971], %gather3A_1926 {strides = array<i32>} : memref<2x50x8x128xf32, #tpu.memory_space<vmem>>, vector<16xf32>,
        %swap3A_1973 = arith.constant 23 : i32
        %swap3A_1974 = arith.index_cast %select_n3A_121 : i32 to index
        %swap3A_1975 = arith.index_cast %swap3A_1973 : i32 to index
        %swap3A_1976 = arith.index_cast %scan3A_185 : i32 to index
        %swap3A_1977 = arith.constant 48 : index
        %swap3A_1978 = tpu.vector_load %arg7[%swap3A_1974, %swap3A_1975, %swap3A_1976, %swap3A_1977] {strides = array<i32>} : memref<2x50x8x128xf32, #tpu.memory_space<vmem>>, vector<16xf32>,
        tpu.vector_store %arg7[%swap3A_1974, %swap3A_1975, %swap3A_1976, %swap3A_1977], %gather3A_1930 {strides = array<i32>} : memref<2x50x8x128xf32, #tpu.memory_space<vmem>>, vector<16xf32>,
        %swap3A_1979 = arith.constant 24 : i32
        %swap3A_1980 = arith.index_cast %select_n3A_121 : i32 to index
        %swap3A_1981 = arith.index_cast %swap3A_1979 : i32 to index
        %swap3A_1982 = arith.index_cast %scan3A_185 : i32 to index
        %swap3A_1983 = arith.constant 48 : index
        %swap3A_1984 = tpu.vector_load %arg7[%swap3A_1980, %swap3A_1981, %swap3A_1982, %swap3A_1983] {strides = array<i32>} : memref<2x50x8x128xf32, #tpu.memory_space<vmem>>, vector<16xf32>,
        tpu.vector_store %arg7[%swap3A_1980, %swap3A_1981, %swap3A_1982, %swap3A_1983], %gather3A_1934 {strides = array<i32>} : memref<2x50x8x128xf32, #tpu.memory_space<vmem>>, vector<16xf32>,
        %swap3A_1985 = arith.constant 25 : i32
        %swap3A_1986 = arith.index_cast %select_n3A_121 : i32 to index
        %swap3A_1987 = arith.index_cast %swap3A_1985 : i32 to index
        %swap3A_1988 = arith.index_cast %scan3A_185 : i32 to index
        %swap3A_1989 = arith.constant 48 : index
        %swap3A_1990 = tpu.vector_load %arg7[%swap3A_1986, %swap3A_1987, %swap3A_1988, %swap3A_1989] {strides = array<i32>} : memref<2x50x8x128xf32, #tpu.memory_space<vmem>>, vector<16xf32>,
        tpu.vector_store %arg7[%swap3A_1986, %swap3A_1987, %swap3A_1988, %swap3A_1989], %gather3A_1938 {strides = array<i32>} : memref<2x50x8x128xf32, #tpu.memory_space<vmem>>, vector<16xf32>,
        %swap3A_1991 = arith.constant 26 : i32
        %swap3A_1992 = arith.index_cast %select_n3A_121 : i32 to index
        %swap3A_1993 = arith.index_cast %swap3A_1991 : i32 to index
        %swap3A_1994 = arith.index_cast %scan3A_185 : i32 to index
        %swap3A_1995 = arith.constant 48 : index
        %swap3A_1996 = tpu.vector_load %arg7[%swap3A_1992, %swap3A_1993, %swap3A_1994, %swap3A_1995] {strides = array<i32>} : memref<2x50x8x128xf32, #tpu.memory_space<vmem>>, vector<16xf32>,
        tpu.vector_store %arg7[%swap3A_1992, %swap3A_1993, %swap3A_1994, %swap3A_1995], %gather3A_1942 {strides = array<i32>} : memref<2x50x8x128xf32, #tpu.memory_space<vmem>>, vector<16xf32>,
        %swap3A_1997 = arith.constant 27 : i32
        %swap3A_1998 = arith.index_cast %select_n3A_121 : i32 to index
        %swap3A_1999 = arith.index_cast %swap3A_1997 : i32 to index
        %swap3A_2000 = arith.index_cast %scan3A_185 : i32 to index
        %swap3A_2001 = arith.constant 48 : index
        %swap3A_2002 = tpu.vector_load %arg7[%swap3A_1998, %swap3A_1999, %swap3A_2000, %swap3A_2001] {strides = array<i32>} : memref<2x50x8x128xf32, #tpu.memory_space<vmem>>, vector<16xf32>,
        tpu.vector_store %arg7[%swap3A_1998, %swap3A_1999, %swap3A_2000, %swap3A_2001], %gather3A_1946 {strides = array<i32>} : memref<2x50x8x128xf32, #tpu.memory_space<vmem>>, vector<16xf32>,
        %swap3A_2003 = arith.constant 28 : i32
        %swap3A_2004 = arith.index_cast %select_n3A_121 : i32 to index
        %swap3A_2005 = arith.index_cast %swap3A_2003 : i32 to index
        %swap3A_2006 = arith.index_cast %scan3A_185 : i32 to index
        %swap3A_2007 = arith.constant 48 : index
        %swap3A_2008 = tpu.vector_load %arg7[%swap3A_2004, %swap3A_2005, %swap3A_2006, %swap3A_2007] {strides = array<i32>} : memref<2x50x8x128xf32, #tpu.memory_space<vmem>>, vector<16xf32>,
        tpu.vector_store %arg7[%swap3A_2004, %swap3A_2005, %swap3A_2006, %swap3A_2007], %gather3A_1950 {strides = array<i32>} : memref<2x50x8x128xf32, #tpu.memory_space<vmem>>, vector<16xf32>,
        %swap3A_2009 = arith.constant 29 : i32
        %swap3A_2010 = arith.index_cast %select_n3A_121 : i32 to index
        %swap3A_2011 = arith.index_cast %swap3A_2009 : i32 to index
        %swap3A_2012 = arith.index_cast %scan3A_185 : i32 to index
        %swap3A_2013 = arith.constant 48 : index
        %swap3A_2014 = tpu.vector_load %arg7[%swap3A_2010, %swap3A_2011, %swap3A_2012, %swap3A_2013] {strides = array<i32>} : memref<2x50x8x128xf32, #tpu.memory_space<vmem>>, vector<16xf32>,
        tpu.vector_store %arg7[%swap3A_2010, %swap3A_2011, %swap3A_2012, %swap3A_2013], %gather3A_1954 {strides = array<i32>} : memref<2x50x8x128xf32, #tpu.memory_space<vmem>>, vector<16xf32>,
        %add3A_2015 = arith.constant 3840 : i32
        %add3A_2016 = vector.broadcast %add3A_2015 : i32 to vector<16xi32>
        %add3A_2017 = arith.addi %get3A_200, %add3A_2016 : vector<16xi32>
        %gather3A_2018 = tpu.vector_load_idx %arg5[%add3A_2017] : memref<6400xf32, #tpu.memory_space<vmem>>[vector<16xi32>], vector<16xf32>,
        %add3A_2019 = arith.constant 3968 : i32
        %add3A_2020 = vector.broadcast %add3A_2019 : i32 to vector<16xi32>
        %add3A_2021 = arith.addi %get3A_200, %add3A_2020 : vector<16xi32>
        %gather3A_2022 = tpu.vector_load_idx %arg5[%add3A_2021] : memref<6400xf32, #tpu.memory_space<vmem>>[vector<16xi32>], vector<16xf32>,
        %add3A_2023 = arith.constant 4096 : i32
        %add3A_2024 = vector.broadcast %add3A_2023 : i32 to vector<16xi32>
        %add3A_2025 = arith.addi %get3A_200, %add3A_2024 : vector<16xi32>
        %gather3A_2026 = tpu.vector_load_idx %arg5[%add3A_2025] : memref<6400xf32, #tpu.memory_space<vmem>>[vector<16xi32>], vector<16xf32>,
        %add3A_2027 = arith.constant 4224 : i32
        %add3A_2028 = vector.broadcast %add3A_2027 : i32 to vector<16xi32>
        %add3A_2029 = arith.addi %get3A_200, %add3A_2028 : vector<16xi32>
        %gather3A_2030 = tpu.vector_load_idx %arg5[%add3A_2029] : memref<6400xf32, #tpu.memory_space<vmem>>[vector<16xi32>], vector<16xf32>,
        %add3A_2031 = arith.constant 4352 : i32
        %add3A_2032 = vector.broadcast %add3A_2031 : i32 to vector<16xi32>
        %add3A_2033 = arith.addi %get3A_200, %add3A_2032 : vector<16xi32>
        %gather3A_2034 = tpu.vector_load_idx %arg5[%add3A_2033] : memref<6400xf32, #tpu.memory_space<vmem>>[vector<16xi32>], vector<16xf32>,
        %add3A_2035 = arith.constant 4480 : i32
        %add3A_2036 = vector.broadcast %add3A_2035 : i32 to vector<16xi32>
        %add3A_2037 = arith.addi %get3A_200, %add3A_2036 : vector<16xi32>
        %gather3A_2038 = tpu.vector_load_idx %arg5[%add3A_2037] : memref<6400xf32, #tpu.memory_space<vmem>>[vector<16xi32>], vector<16xf32>,
        %add3A_2039 = arith.constant 4608 : i32
        %add3A_2040 = vector.broadcast %add3A_2039 : i32 to vector<16xi32>
        %add3A_2041 = arith.addi %get3A_200, %add3A_2040 : vector<16xi32>
        %gather3A_2042 = tpu.vector_load_idx %arg5[%add3A_2041] : memref<6400xf32, #tpu.memory_space<vmem>>[vector<16xi32>], vector<16xf32>,
        %add3A_2043 = arith.constant 4736 : i32
        %add3A_2044 = vector.broadcast %add3A_2043 : i32 to vector<16xi32>
        %add3A_2045 = arith.addi %get3A_200, %add3A_2044 : vector<16xi32>
        %gather3A_2046 = tpu.vector_load_idx %arg5[%add3A_2045] : memref<6400xf32, #tpu.memory_space<vmem>>[vector<16xi32>], vector<16xf32>,
        %add3A_2047 = arith.constant 4864 : i32
        %add3A_2048 = vector.broadcast %add3A_2047 : i32 to vector<16xi32>
        %add3A_2049 = arith.addi %get3A_200, %add3A_2048 : vector<16xi32>
        %gather3A_2050 = tpu.vector_load_idx %arg5[%add3A_2049] : memref<6400xf32, #tpu.memory_space<vmem>>[vector<16xi32>], vector<16xf32>,
        %add3A_2051 = arith.constant 4992 : i32
        %add3A_2052 = vector.broadcast %add3A_2051 : i32 to vector<16xi32>
        %add3A_2053 = arith.addi %get3A_200, %add3A_2052 : vector<16xi32>
        %gather3A_2054 = tpu.vector_load_idx %arg5[%add3A_2053] : memref<6400xf32, #tpu.memory_space<vmem>>[vector<16xi32>], vector<16xf32>,
        %swap3A_2055 = arith.constant 30 : i32
        %swap3A_2056 = arith.index_cast %select_n3A_121 : i32 to index
        %swap3A_2057 = arith.index_cast %swap3A_2055 : i32 to index
        %swap3A_2058 = arith.index_cast %scan3A_185 : i32 to index
        %swap3A_2059 = arith.constant 48 : index
        %swap3A_2060 = tpu.vector_load %arg7[%swap3A_2056, %swap3A_2057, %swap3A_2058, %swap3A_2059] {strides = array<i32>} : memref<2x50x8x128xf32, #tpu.memory_space<vmem>>, vector<16xf32>,
        tpu.vector_store %arg7[%swap3A_2056, %swap3A_2057, %swap3A_2058, %swap3A_2059], %gather3A_2018 {strides = array<i32>} : memref<2x50x8x128xf32, #tpu.memory_space<vmem>>, vector<16xf32>,
        %swap3A_2061 = arith.constant 31 : i32
        %swap3A_2062 = arith.index_cast %select_n3A_121 : i32 to index
        %swap3A_2063 = arith.index_cast %swap3A_2061 : i32 to index
        %swap3A_2064 = arith.index_cast %scan3A_185 : i32 to index
        %swap3A_2065 = arith.constant 48 : index
        %swap3A_2066 = tpu.vector_load %arg7[%swap3A_2062, %swap3A_2063, %swap3A_2064, %swap3A_2065] {strides = array<i32>} : memref<2x50x8x128xf32, #tpu.memory_space<vmem>>, vector<16xf32>,
        tpu.vector_store %arg7[%swap3A_2062, %swap3A_2063, %swap3A_2064, %swap3A_2065], %gather3A_2022 {strides = array<i32>} : memref<2x50x8x128xf32, #tpu.memory_space<vmem>>, vector<16xf32>,
        %swap3A_2067 = arith.constant 32 : i32
        %swap3A_2068 = arith.index_cast %select_n3A_121 : i32 to index
        %swap3A_2069 = arith.index_cast %swap3A_2067 : i32 to index
        %swap3A_2070 = arith.index_cast %scan3A_185 : i32 to index
        %swap3A_2071 = arith.constant 48 : index
        %swap3A_2072 = tpu.vector_load %arg7[%swap3A_2068, %swap3A_2069, %swap3A_2070, %swap3A_2071] {strides = array<i32>} : memref<2x50x8x128xf32, #tpu.memory_space<vmem>>, vector<16xf32>,
        tpu.vector_store %arg7[%swap3A_2068, %swap3A_2069, %swap3A_2070, %swap3A_2071], %gather3A_2026 {strides = array<i32>} : memref<2x50x8x128xf32, #tpu.memory_space<vmem>>, vector<16xf32>,
        %swap3A_2073 = arith.constant 33 : i32
        %swap3A_2074 = arith.index_cast %select_n3A_121 : i32 to index
        %swap3A_2075 = arith.index_cast %swap3A_2073 : i32 to index
        %swap3A_2076 = arith.index_cast %scan3A_185 : i32 to index
        %swap3A_2077 = arith.constant 48 : index
        %swap3A_2078 = tpu.vector_load %arg7[%swap3A_2074, %swap3A_2075, %swap3A_2076, %swap3A_2077] {strides = array<i32>} : memref<2x50x8x128xf32, #tpu.memory_space<vmem>>, vector<16xf32>,
        tpu.vector_store %arg7[%swap3A_2074, %swap3A_2075, %swap3A_2076, %swap3A_2077], %gather3A_2030 {strides = array<i32>} : memref<2x50x8x128xf32, #tpu.memory_space<vmem>>, vector<16xf32>,
        %swap3A_2079 = arith.constant 34 : i32
        %swap3A_2080 = arith.index_cast %select_n3A_121 : i32 to index
        %swap3A_2081 = arith.index_cast %swap3A_2079 : i32 to index
        %swap3A_2082 = arith.index_cast %scan3A_185 : i32 to index
        %swap3A_2083 = arith.constant 48 : index
        %swap3A_2084 = tpu.vector_load %arg7[%swap3A_2080, %swap3A_2081, %swap3A_2082, %swap3A_2083] {strides = array<i32>} : memref<2x50x8x128xf32, #tpu.memory_space<vmem>>, vector<16xf32>,
        tpu.vector_store %arg7[%swap3A_2080, %swap3A_2081, %swap3A_2082, %swap3A_2083], %gather3A_2034 {strides = array<i32>} : memref<2x50x8x128xf32, #tpu.memory_space<vmem>>, vector<16xf32>,
        %swap3A_2085 = arith.constant 35 : i32
        %swap3A_2086 = arith.index_cast %select_n3A_121 : i32 to index
        %swap3A_2087 = arith.index_cast %swap3A_2085 : i32 to index
        %swap3A_2088 = arith.index_cast %scan3A_185 : i32 to index
        %swap3A_2089 = arith.constant 48 : index
        %swap3A_2090 = tpu.vector_load %arg7[%swap3A_2086, %swap3A_2087, %swap3A_2088, %swap3A_2089] {strides = array<i32>} : memref<2x50x8x128xf32, #tpu.memory_space<vmem>>, vector<16xf32>,
        tpu.vector_store %arg7[%swap3A_2086, %swap3A_2087, %swap3A_2088, %swap3A_2089], %gather3A_2038 {strides = array<i32>} : memref<2x50x8x128xf32, #tpu.memory_space<vmem>>, vector<16xf32>,
        %swap3A_2091 = arith.constant 36 : i32
        %swap3A_2092 = arith.index_cast %select_n3A_121 : i32 to index
        %swap3A_2093 = arith.index_cast %swap3A_2091 : i32 to index
        %swap3A_2094 = arith.index_cast %scan3A_185 : i32 to index
        %swap3A_2095 = arith.constant 48 : index
        %swap3A_2096 = tpu.vector_load %arg7[%swap3A_2092, %swap3A_2093, %swap3A_2094, %swap3A_2095] {strides = array<i32>} : memref<2x50x8x128xf32, #tpu.memory_space<vmem>>, vector<16xf32>,
        tpu.vector_store %arg7[%swap3A_2092, %swap3A_2093, %swap3A_2094, %swap3A_2095], %gather3A_2042 {strides = array<i32>} : memref<2x50x8x128xf32, #tpu.memory_space<vmem>>, vector<16xf32>,
        %swap3A_2097 = arith.constant 37 : i32
        %swap3A_2098 = arith.index_cast %select_n3A_121 : i32 to index
        %swap3A_2099 = arith.index_cast %swap3A_2097 : i32 to index
        %swap3A_2100 = arith.index_cast %scan3A_185 : i32 to index
        %swap3A_2101 = arith.constant 48 : index
        %swap3A_2102 = tpu.vector_load %arg7[%swap3A_2098, %swap3A_2099, %swap3A_2100, %swap3A_2101] {strides = array<i32>} : memref<2x50x8x128xf32, #tpu.memory_space<vmem>>, vector<16xf32>,
        tpu.vector_store %arg7[%swap3A_2098, %swap3A_2099, %swap3A_2100, %swap3A_2101], %gather3A_2046 {strides = array<i32>} : memref<2x50x8x128xf32, #tpu.memory_space<vmem>>, vector<16xf32>,
        %swap3A_2103 = arith.constant 38 : i32
        %swap3A_2104 = arith.index_cast %select_n3A_121 : i32 to index
        %swap3A_2105 = arith.index_cast %swap3A_2103 : i32 to index
        %swap3A_2106 = arith.index_cast %scan3A_185 : i32 to index
        %swap3A_2107 = arith.constant 48 : index
        %swap3A_2108 = tpu.vector_load %arg7[%swap3A_2104, %swap3A_2105, %swap3A_2106, %swap3A_2107] {strides = array<i32>} : memref<2x50x8x128xf32, #tpu.memory_space<vmem>>, vector<16xf32>,
        tpu.vector_store %arg7[%swap3A_2104, %swap3A_2105, %swap3A_2106, %swap3A_2107], %gather3A_2050 {strides = array<i32>} : memref<2x50x8x128xf32, #tpu.memory_space<vmem>>, vector<16xf32>,
        %swap3A_2109 = arith.constant 39 : i32
        %swap3A_2110 = arith.index_cast %select_n3A_121 : i32 to index
        %swap3A_2111 = arith.index_cast %swap3A_2109 : i32 to index
        %swap3A_2112 = arith.index_cast %scan3A_185 : i32 to index
        %swap3A_2113 = arith.constant 48 : index
        %swap3A_2114 = tpu.vector_load %arg7[%swap3A_2110, %swap3A_2111, %swap3A_2112, %swap3A_2113] {strides = array<i32>} : memref<2x50x8x128xf32, #tpu.memory_space<vmem>>, vector<16xf32>,
        tpu.vector_store %arg7[%swap3A_2110, %swap3A_2111, %swap3A_2112, %swap3A_2113], %gather3A_2054 {strides = array<i32>} : memref<2x50x8x128xf32, #tpu.memory_space<vmem>>, vector<16xf32>,
        %add3A_2115 = arith.constant 5120 : i32
        %add3A_2116 = vector.broadcast %add3A_2115 : i32 to vector<16xi32>
        %add3A_2117 = arith.addi %get3A_200, %add3A_2116 : vector<16xi32>
        %gather3A_2118 = tpu.vector_load_idx %arg5[%add3A_2117] : memref<6400xf32, #tpu.memory_space<vmem>>[vector<16xi32>], vector<16xf32>,
        %add3A_2119 = arith.constant 5248 : i32
        %add3A_2120 = vector.broadcast %add3A_2119 : i32 to vector<16xi32>
        %add3A_2121 = arith.addi %get3A_200, %add3A_2120 : vector<16xi32>
        %gather3A_2122 = tpu.vector_load_idx %arg5[%add3A_2121] : memref<6400xf32, #tpu.memory_space<vmem>>[vector<16xi32>], vector<16xf32>,
        %add3A_2123 = arith.constant 5376 : i32
        %add3A_2124 = vector.broadcast %add3A_2123 : i32 to vector<16xi32>
        %add3A_2125 = arith.addi %get3A_200, %add3A_2124 : vector<16xi32>
        %gather3A_2126 = tpu.vector_load_idx %arg5[%add3A_2125] : memref<6400xf32, #tpu.memory_space<vmem>>[vector<16xi32>], vector<16xf32>,
        %add3A_2127 = arith.constant 5504 : i32
        %add3A_2128 = vector.broadcast %add3A_2127 : i32 to vector<16xi32>
        %add3A_2129 = arith.addi %get3A_200, %add3A_2128 : vector<16xi32>
        %gather3A_2130 = tpu.vector_load_idx %arg5[%add3A_2129] : memref<6400xf32, #tpu.memory_space<vmem>>[vector<16xi32>], vector<16xf32>,
        %add3A_2131 = arith.constant 5632 : i32
        %add3A_2132 = vector.broadcast %add3A_2131 : i32 to vector<16xi32>
        %add3A_2133 = arith.addi %get3A_200, %add3A_2132 : vector<16xi32>
        %gather3A_2134 = tpu.vector_load_idx %arg5[%add3A_2133] : memref<6400xf32, #tpu.memory_space<vmem>>[vector<16xi32>], vector<16xf32>,
        %add3A_2135 = arith.constant 5760 : i32
        %add3A_2136 = vector.broadcast %add3A_2135 : i32 to vector<16xi32>
        %add3A_2137 = arith.addi %get3A_200, %add3A_2136 : vector<16xi32>
        %gather3A_2138 = tpu.vector_load_idx %arg5[%add3A_2137] : memref<6400xf32, #tpu.memory_space<vmem>>[vector<16xi32>], vector<16xf32>,
        %add3A_2139 = arith.constant 5888 : i32
        %add3A_2140 = vector.broadcast %add3A_2139 : i32 to vector<16xi32>
        %add3A_2141 = arith.addi %get3A_200, %add3A_2140 : vector<16xi32>
        %gather3A_2142 = tpu.vector_load_idx %arg5[%add3A_2141] : memref<6400xf32, #tpu.memory_space<vmem>>[vector<16xi32>], vector<16xf32>,
        %add3A_2143 = arith.constant 6016 : i32
        %add3A_2144 = vector.broadcast %add3A_2143 : i32 to vector<16xi32>
        %add3A_2145 = arith.addi %get3A_200, %add3A_2144 : vector<16xi32>
        %gather3A_2146 = tpu.vector_load_idx %arg5[%add3A_2145] : memref<6400xf32, #tpu.memory_space<vmem>>[vector<16xi32>], vector<16xf32>,
        %add3A_2147 = arith.constant 6144 : i32
        %add3A_2148 = vector.broadcast %add3A_2147 : i32 to vector<16xi32>
        %add3A_2149 = arith.addi %get3A_200, %add3A_2148 : vector<16xi32>
        %gather3A_2150 = tpu.vector_load_idx %arg5[%add3A_2149] : memref<6400xf32, #tpu.memory_space<vmem>>[vector<16xi32>], vector<16xf32>,
        %add3A_2151 = arith.constant 6272 : i32
        %add3A_2152 = vector.broadcast %add3A_2151 : i32 to vector<16xi32>
        %add3A_2153 = arith.addi %get3A_200, %add3A_2152 : vector<16xi32>
        %gather3A_2154 = tpu.vector_load_idx %arg5[%add3A_2153] : memref<6400xf32, #tpu.memory_space<vmem>>[vector<16xi32>], vector<16xf32>,
        %swap3A_2155 = arith.constant 40 : i32
        %swap3A_2156 = arith.index_cast %select_n3A_121 : i32 to index
        %swap3A_2157 = arith.index_cast %swap3A_2155 : i32 to index
        %swap3A_2158 = arith.index_cast %scan3A_185 : i32 to index
        %swap3A_2159 = arith.constant 48 : index
        %swap3A_2160 = tpu.vector_load %arg7[%swap3A_2156, %swap3A_2157, %swap3A_2158, %swap3A_2159] {strides = array<i32>} : memref<2x50x8x128xf32, #tpu.memory_space<vmem>>, vector<16xf32>,
        tpu.vector_store %arg7[%swap3A_2156, %swap3A_2157, %swap3A_2158, %swap3A_2159], %gather3A_2118 {strides = array<i32>} : memref<2x50x8x128xf32, #tpu.memory_space<vmem>>, vector<16xf32>,
        %swap3A_2161 = arith.constant 41 : i32
        %swap3A_2162 = arith.index_cast %select_n3A_121 : i32 to index
        %swap3A_2163 = arith.index_cast %swap3A_2161 : i32 to index
        %swap3A_2164 = arith.index_cast %scan3A_185 : i32 to index
        %swap3A_2165 = arith.constant 48 : index
        %swap3A_2166 = tpu.vector_load %arg7[%swap3A_2162, %swap3A_2163, %swap3A_2164, %swap3A_2165] {strides = array<i32>} : memref<2x50x8x128xf32, #tpu.memory_space<vmem>>, vector<16xf32>,
        tpu.vector_store %arg7[%swap3A_2162, %swap3A_2163, %swap3A_2164, %swap3A_2165], %gather3A_2122 {strides = array<i32>} : memref<2x50x8x128xf32, #tpu.memory_space<vmem>>, vector<16xf32>,
        %swap3A_2167 = arith.constant 42 : i32
        %swap3A_2168 = arith.index_cast %select_n3A_121 : i32 to index
        %swap3A_2169 = arith.index_cast %swap3A_2167 : i32 to index
        %swap3A_2170 = arith.index_cast %scan3A_185 : i32 to index
        %swap3A_2171 = arith.constant 48 : index
        %swap3A_2172 = tpu.vector_load %arg7[%swap3A_2168, %swap3A_2169, %swap3A_2170, %swap3A_2171] {strides = array<i32>} : memref<2x50x8x128xf32, #tpu.memory_space<vmem>>, vector<16xf32>,
        tpu.vector_store %arg7[%swap3A_2168, %swap3A_2169, %swap3A_2170, %swap3A_2171], %gather3A_2126 {strides = array<i32>} : memref<2x50x8x128xf32, #tpu.memory_space<vmem>>, vector<16xf32>,
        %swap3A_2173 = arith.constant 43 : i32
        %swap3A_2174 = arith.index_cast %select_n3A_121 : i32 to index
        %swap3A_2175 = arith.index_cast %swap3A_2173 : i32 to index
        %swap3A_2176 = arith.index_cast %scan3A_185 : i32 to index
        %swap3A_2177 = arith.constant 48 : index
        %swap3A_2178 = tpu.vector_load %arg7[%swap3A_2174, %swap3A_2175, %swap3A_2176, %swap3A_2177] {strides = array<i32>} : memref<2x50x8x128xf32, #tpu.memory_space<vmem>>, vector<16xf32>,
        tpu.vector_store %arg7[%swap3A_2174, %swap3A_2175, %swap3A_2176, %swap3A_2177], %gather3A_2130 {strides = array<i32>} : memref<2x50x8x128xf32, #tpu.memory_space<vmem>>, vector<16xf32>,
        %swap3A_2179 = arith.constant 44 : i32
        %swap3A_2180 = arith.index_cast %select_n3A_121 : i32 to index
        %swap3A_2181 = arith.index_cast %swap3A_2179 : i32 to index
        %swap3A_2182 = arith.index_cast %scan3A_185 : i32 to index
        %swap3A_2183 = arith.constant 48 : index
        %swap3A_2184 = tpu.vector_load %arg7[%swap3A_2180, %swap3A_2181, %swap3A_2182, %swap3A_2183] {strides = array<i32>} : memref<2x50x8x128xf32, #tpu.memory_space<vmem>>, vector<16xf32>,
        tpu.vector_store %arg7[%swap3A_2180, %swap3A_2181, %swap3A_2182, %swap3A_2183], %gather3A_2134 {strides = array<i32>} : memref<2x50x8x128xf32, #tpu.memory_space<vmem>>, vector<16xf32>,
        %swap3A_2185 = arith.constant 45 : i32
        %swap3A_2186 = arith.index_cast %select_n3A_121 : i32 to index
        %swap3A_2187 = arith.index_cast %swap3A_2185 : i32 to index
        %swap3A_2188 = arith.index_cast %scan3A_185 : i32 to index
        %swap3A_2189 = arith.constant 48 : index
        %swap3A_2190 = tpu.vector_load %arg7[%swap3A_2186, %swap3A_2187, %swap3A_2188, %swap3A_2189] {strides = array<i32>} : memref<2x50x8x128xf32, #tpu.memory_space<vmem>>, vector<16xf32>,
        tpu.vector_store %arg7[%swap3A_2186, %swap3A_2187, %swap3A_2188, %swap3A_2189], %gather3A_2138 {strides = array<i32>} : memref<2x50x8x128xf32, #tpu.memory_space<vmem>>, vector<16xf32>,
        %swap3A_2191 = arith.constant 46 : i32
        %swap3A_2192 = arith.index_cast %select_n3A_121 : i32 to index
        %swap3A_2193 = arith.index_cast %swap3A_2191 : i32 to index
        %swap3A_2194 = arith.index_cast %scan3A_185 : i32 to index
        %swap3A_2195 = arith.constant 48 : index
        %swap3A_2196 = tpu.vector_load %arg7[%swap3A_2192, %swap3A_2193, %swap3A_2194, %swap3A_2195] {strides = array<i32>} : memref<2x50x8x128xf32, #tpu.memory_space<vmem>>, vector<16xf32>,
        tpu.vector_store %arg7[%swap3A_2192, %swap3A_2193, %swap3A_2194, %swap3A_2195], %gather3A_2142 {strides = array<i32>} : memref<2x50x8x128xf32, #tpu.memory_space<vmem>>, vector<16xf32>,
        %swap3A_2197 = arith.constant 47 : i32
        %swap3A_2198 = arith.index_cast %select_n3A_121 : i32 to index
        %swap3A_2199 = arith.index_cast %swap3A_2197 : i32 to index
        %swap3A_2200 = arith.index_cast %scan3A_185 : i32 to index
        %swap3A_2201 = arith.constant 48 : index
        %swap3A_2202 = tpu.vector_load %arg7[%swap3A_2198, %swap3A_2199, %swap3A_2200, %swap3A_2201] {strides = array<i32>} : memref<2x50x8x128xf32, #tpu.memory_space<vmem>>, vector<16xf32>,
        tpu.vector_store %arg7[%swap3A_2198, %swap3A_2199, %swap3A_2200, %swap3A_2201], %gather3A_2146 {strides = array<i32>} : memref<2x50x8x128xf32, #tpu.memory_space<vmem>>, vector<16xf32>,
        %swap3A_2203 = arith.constant 48 : i32
        %swap3A_2204 = arith.index_cast %select_n3A_121 : i32 to index
        %swap3A_2205 = arith.index_cast %swap3A_2203 : i32 to index
        %swap3A_2206 = arith.index_cast %scan3A_185 : i32 to index
        %swap3A_2207 = arith.constant 48 : index
        %swap3A_2208 = tpu.vector_load %arg7[%swap3A_2204, %swap3A_2205, %swap3A_2206, %swap3A_2207] {strides = array<i32>} : memref<2x50x8x128xf32, #tpu.memory_space<vmem>>, vector<16xf32>,
        tpu.vector_store %arg7[%swap3A_2204, %swap3A_2205, %swap3A_2206, %swap3A_2207], %gather3A_2150 {strides = array<i32>} : memref<2x50x8x128xf32, #tpu.memory_space<vmem>>, vector<16xf32>,
        %swap3A_2209 = arith.constant 49 : i32
        %swap3A_2210 = arith.index_cast %select_n3A_121 : i32 to index
        %swap3A_2211 = arith.index_cast %swap3A_2209 : i32 to index
        %swap3A_2212 = arith.index_cast %scan3A_185 : i32 to index
        %swap3A_2213 = arith.constant 48 : index
        %swap3A_2214 = tpu.vector_load %arg7[%swap3A_2210, %swap3A_2211, %swap3A_2212, %swap3A_2213] {strides = array<i32>} : memref<2x50x8x128xf32, #tpu.memory_space<vmem>>, vector<16xf32>,
        tpu.vector_store %arg7[%swap3A_2210, %swap3A_2211, %swap3A_2212, %swap3A_2213], %gather3A_2154 {strides = array<i32>} : memref<2x50x8x128xf32, #tpu.memory_space<vmem>>, vector<16xf32>,
        %add3A_2215 = arith.constant 0 : i32
        %add3A_2216 = vector.broadcast %add3A_2215 : i32 to vector<16xi32>
        %add3A_2217 = arith.addi %get3A_204, %add3A_2216 : vector<16xi32>
        %gather3A_2218 = tpu.vector_load_idx %arg5[%add3A_2217] : memref<6400xf32, #tpu.memory_space<vmem>>[vector<16xi32>], vector<16xf32>,
        %add3A_2219 = arith.constant 128 : i32
        %add3A_2220 = vector.broadcast %add3A_2219 : i32 to vector<16xi32>
        %add3A_2221 = arith.addi %get3A_204, %add3A_2220 : vector<16xi32>
        %gather3A_2222 = tpu.vector_load_idx %arg5[%add3A_2221] : memref<6400xf32, #tpu.memory_space<vmem>>[vector<16xi32>], vector<16xf32>,
        %add3A_2223 = arith.constant 256 : i32
        %add3A_2224 = vector.broadcast %add3A_2223 : i32 to vector<16xi32>
        %add3A_2225 = arith.addi %get3A_204, %add3A_2224 : vector<16xi32>
        %gather3A_2226 = tpu.vector_load_idx %arg5[%add3A_2225] : memref<6400xf32, #tpu.memory_space<vmem>>[vector<16xi32>], vector<16xf32>,
        %add3A_2227 = arith.constant 384 : i32
        %add3A_2228 = vector.broadcast %add3A_2227 : i32 to vector<16xi32>
        %add3A_2229 = arith.addi %get3A_204, %add3A_2228 : vector<16xi32>
        %gather3A_2230 = tpu.vector_load_idx %arg5[%add3A_2229] : memref<6400xf32, #tpu.memory_space<vmem>>[vector<16xi32>], vector<16xf32>,
        %add3A_2231 = arith.constant 512 : i32
        %add3A_2232 = vector.broadcast %add3A_2231 : i32 to vector<16xi32>
        %add3A_2233 = arith.addi %get3A_204, %add3A_2232 : vector<16xi32>
        %gather3A_2234 = tpu.vector_load_idx %arg5[%add3A_2233] : memref<6400xf32, #tpu.memory_space<vmem>>[vector<16xi32>], vector<16xf32>,
        %add3A_2235 = arith.constant 640 : i32
        %add3A_2236 = vector.broadcast %add3A_2235 : i32 to vector<16xi32>
        %add3A_2237 = arith.addi %get3A_204, %add3A_2236 : vector<16xi32>
        %gather3A_2238 = tpu.vector_load_idx %arg5[%add3A_2237] : memref<6400xf32, #tpu.memory_space<vmem>>[vector<16xi32>], vector<16xf32>,
        %add3A_2239 = arith.constant 768 : i32
        %add3A_2240 = vector.broadcast %add3A_2239 : i32 to vector<16xi32>
        %add3A_2241 = arith.addi %get3A_204, %add3A_2240 : vector<16xi32>
        %gather3A_2242 = tpu.vector_load_idx %arg5[%add3A_2241] : memref<6400xf32, #tpu.memory_space<vmem>>[vector<16xi32>], vector<16xf32>,
        %add3A_2243 = arith.constant 896 : i32
        %add3A_2244 = vector.broadcast %add3A_2243 : i32 to vector<16xi32>
        %add3A_2245 = arith.addi %get3A_204, %add3A_2244 : vector<16xi32>
        %gather3A_2246 = tpu.vector_load_idx %arg5[%add3A_2245] : memref<6400xf32, #tpu.memory_space<vmem>>[vector<16xi32>], vector<16xf32>,
        %add3A_2247 = arith.constant 1024 : i32
        %add3A_2248 = vector.broadcast %add3A_2247 : i32 to vector<16xi32>
        %add3A_2249 = arith.addi %get3A_204, %add3A_2248 : vector<16xi32>
        %gather3A_2250 = tpu.vector_load_idx %arg5[%add3A_2249] : memref<6400xf32, #tpu.memory_space<vmem>>[vector<16xi32>], vector<16xf32>,
        %add3A_2251 = arith.constant 1152 : i32
        %add3A_2252 = vector.broadcast %add3A_2251 : i32 to vector<16xi32>
        %add3A_2253 = arith.addi %get3A_204, %add3A_2252 : vector<16xi32>
        %gather3A_2254 = tpu.vector_load_idx %arg5[%add3A_2253] : memref<6400xf32, #tpu.memory_space<vmem>>[vector<16xi32>], vector<16xf32>,
        %swap3A_2255 = arith.constant 0 : i32
        %swap3A_2256 = arith.index_cast %select_n3A_121 : i32 to index
        %swap3A_2257 = arith.index_cast %swap3A_2255 : i32 to index
        %swap3A_2258 = arith.index_cast %scan3A_185 : i32 to index
        %swap3A_2259 = arith.constant 64 : index
        %swap3A_2260 = tpu.vector_load %arg7[%swap3A_2256, %swap3A_2257, %swap3A_2258, %swap3A_2259] {strides = array<i32>} : memref<2x50x8x128xf32, #tpu.memory_space<vmem>>, vector<16xf32>,
        tpu.vector_store %arg7[%swap3A_2256, %swap3A_2257, %swap3A_2258, %swap3A_2259], %gather3A_2218 {strides = array<i32>} : memref<2x50x8x128xf32, #tpu.memory_space<vmem>>, vector<16xf32>,
        %swap3A_2261 = arith.constant 1 : i32
        %swap3A_2262 = arith.index_cast %select_n3A_121 : i32 to index
        %swap3A_2263 = arith.index_cast %swap3A_2261 : i32 to index
        %swap3A_2264 = arith.index_cast %scan3A_185 : i32 to index
        %swap3A_2265 = arith.constant 64 : index
        %swap3A_2266 = tpu.vector_load %arg7[%swap3A_2262, %swap3A_2263, %swap3A_2264, %swap3A_2265] {strides = array<i32>} : memref<2x50x8x128xf32, #tpu.memory_space<vmem>>, vector<16xf32>,
        tpu.vector_store %arg7[%swap3A_2262, %swap3A_2263, %swap3A_2264, %swap3A_2265], %gather3A_2222 {strides = array<i32>} : memref<2x50x8x128xf32, #tpu.memory_space<vmem>>, vector<16xf32>,
        %swap3A_2267 = arith.constant 2 : i32
        %swap3A_2268 = arith.index_cast %select_n3A_121 : i32 to index
        %swap3A_2269 = arith.index_cast %swap3A_2267 : i32 to index
        %swap3A_2270 = arith.index_cast %scan3A_185 : i32 to index
        %swap3A_2271 = arith.constant 64 : index
        %swap3A_2272 = tpu.vector_load %arg7[%swap3A_2268, %swap3A_2269, %swap3A_2270, %swap3A_2271] {strides = array<i32>} : memref<2x50x8x128xf32, #tpu.memory_space<vmem>>, vector<16xf32>,
        tpu.vector_store %arg7[%swap3A_2268, %swap3A_2269, %swap3A_2270, %swap3A_2271], %gather3A_2226 {strides = array<i32>} : memref<2x50x8x128xf32, #tpu.memory_space<vmem>>, vector<16xf32>,
        %swap3A_2273 = arith.constant 3 : i32
        %swap3A_2274 = arith.index_cast %select_n3A_121 : i32 to index
        %swap3A_2275 = arith.index_cast %swap3A_2273 : i32 to index
        %swap3A_2276 = arith.index_cast %scan3A_185 : i32 to index
        %swap3A_2277 = arith.constant 64 : index
        %swap3A_2278 = tpu.vector_load %arg7[%swap3A_2274, %swap3A_2275, %swap3A_2276, %swap3A_2277] {strides = array<i32>} : memref<2x50x8x128xf32, #tpu.memory_space<vmem>>, vector<16xf32>,
        tpu.vector_store %arg7[%swap3A_2274, %swap3A_2275, %swap3A_2276, %swap3A_2277], %gather3A_2230 {strides = array<i32>} : memref<2x50x8x128xf32, #tpu.memory_space<vmem>>, vector<16xf32>,
        %swap3A_2279 = arith.constant 4 : i32
        %swap3A_2280 = arith.index_cast %select_n3A_121 : i32 to index
        %swap3A_2281 = arith.index_cast %swap3A_2279 : i32 to index
        %swap3A_2282 = arith.index_cast %scan3A_185 : i32 to index
        %swap3A_2283 = arith.constant 64 : index
        %swap3A_2284 = tpu.vector_load %arg7[%swap3A_2280, %swap3A_2281, %swap3A_2282, %swap3A_2283] {strides = array<i32>} : memref<2x50x8x128xf32, #tpu.memory_space<vmem>>, vector<16xf32>,
        tpu.vector_store %arg7[%swap3A_2280, %swap3A_2281, %swap3A_2282, %swap3A_2283], %gather3A_2234 {strides = array<i32>} : memref<2x50x8x128xf32, #tpu.memory_space<vmem>>, vector<16xf32>,
        %swap3A_2285 = arith.constant 5 : i32
        %swap3A_2286 = arith.index_cast %select_n3A_121 : i32 to index
        %swap3A_2287 = arith.index_cast %swap3A_2285 : i32 to index
        %swap3A_2288 = arith.index_cast %scan3A_185 : i32 to index
        %swap3A_2289 = arith.constant 64 : index
        %swap3A_2290 = tpu.vector_load %arg7[%swap3A_2286, %swap3A_2287, %swap3A_2288, %swap3A_2289] {strides = array<i32>} : memref<2x50x8x128xf32, #tpu.memory_space<vmem>>, vector<16xf32>,
        tpu.vector_store %arg7[%swap3A_2286, %swap3A_2287, %swap3A_2288, %swap3A_2289], %gather3A_2238 {strides = array<i32>} : memref<2x50x8x128xf32, #tpu.memory_space<vmem>>, vector<16xf32>,
        %swap3A_2291 = arith.constant 6 : i32
        %swap3A_2292 = arith.index_cast %select_n3A_121 : i32 to index
        %swap3A_2293 = arith.index_cast %swap3A_2291 : i32 to index
        %swap3A_2294 = arith.index_cast %scan3A_185 : i32 to index
        %swap3A_2295 = arith.constant 64 : index
        %swap3A_2296 = tpu.vector_load %arg7[%swap3A_2292, %swap3A_2293, %swap3A_2294, %swap3A_2295] {strides = array<i32>} : memref<2x50x8x128xf32, #tpu.memory_space<vmem>>, vector<16xf32>,
        tpu.vector_store %arg7[%swap3A_2292, %swap3A_2293, %swap3A_2294, %swap3A_2295], %gather3A_2242 {strides = array<i32>} : memref<2x50x8x128xf32, #tpu.memory_space<vmem>>, vector<16xf32>,
        %swap3A_2297 = arith.constant 7 : i32
        %swap3A_2298 = arith.index_cast %select_n3A_121 : i32 to index
        %swap3A_2299 = arith.index_cast %swap3A_2297 : i32 to index
        %swap3A_2300 = arith.index_cast %scan3A_185 : i32 to index
        %swap3A_2301 = arith.constant 64 : index
        %swap3A_2302 = tpu.vector_load %arg7[%swap3A_2298, %swap3A_2299, %swap3A_2300, %swap3A_2301] {strides = array<i32>} : memref<2x50x8x128xf32, #tpu.memory_space<vmem>>, vector<16xf32>,
        tpu.vector_store %arg7[%swap3A_2298, %swap3A_2299, %swap3A_2300, %swap3A_2301], %gather3A_2246 {strides = array<i32>} : memref<2x50x8x128xf32, #tpu.memory_space<vmem>>, vector<16xf32>,
        %swap3A_2303 = arith.constant 8 : i32
        %swap3A_2304 = arith.index_cast %select_n3A_121 : i32 to index
        %swap3A_2305 = arith.index_cast %swap3A_2303 : i32 to index
        %swap3A_2306 = arith.index_cast %scan3A_185 : i32 to index
        %swap3A_2307 = arith.constant 64 : index
        %swap3A_2308 = tpu.vector_load %arg7[%swap3A_2304, %swap3A_2305, %swap3A_2306, %swap3A_2307] {strides = array<i32>} : memref<2x50x8x128xf32, #tpu.memory_space<vmem>>, vector<16xf32>,
        tpu.vector_store %arg7[%swap3A_2304, %swap3A_2305, %swap3A_2306, %swap3A_2307], %gather3A_2250 {strides = array<i32>} : memref<2x50x8x128xf32, #tpu.memory_space<vmem>>, vector<16xf32>,
        %swap3A_2309 = arith.constant 9 : i32
        %swap3A_2310 = arith.index_cast %select_n3A_121 : i32 to index
        %swap3A_2311 = arith.index_cast %swap3A_2309 : i32 to index
        %swap3A_2312 = arith.index_cast %scan3A_185 : i32 to index
        %swap3A_2313 = arith.constant 64 : index
        %swap3A_2314 = tpu.vector_load %arg7[%swap3A_2310, %swap3A_2311, %swap3A_2312, %swap3A_2313] {strides = array<i32>} : memref<2x50x8x128xf32, #tpu.memory_space<vmem>>, vector<16xf32>,
        tpu.vector_store %arg7[%swap3A_2310, %swap3A_2311, %swap3A_2312, %swap3A_2313], %gather3A_2254 {strides = array<i32>} : memref<2x50x8x128xf32, #tpu.memory_space<vmem>>, vector<16xf32>,
        %add3A_2315 = arith.constant 1280 : i32
        %add3A_2316 = vector.broadcast %add3A_2315 : i32 to vector<16xi32>
        %add3A_2317 = arith.addi %get3A_204, %add3A_2316 : vector<16xi32>
        %gather3A_2318 = tpu.vector_load_idx %arg5[%add3A_2317] : memref<6400xf32, #tpu.memory_space<vmem>>[vector<16xi32>], vector<16xf32>,
        %add3A_2319 = arith.constant 1408 : i32
        %add3A_2320 = vector.broadcast %add3A_2319 : i32 to vector<16xi32>
        %add3A_2321 = arith.addi %get3A_204, %add3A_2320 : vector<16xi32>
        %gather3A_2322 = tpu.vector_load_idx %arg5[%add3A_2321] : memref<6400xf32, #tpu.memory_space<vmem>>[vector<16xi32>], vector<16xf32>,
        %add3A_2323 = arith.constant 1536 : i32
        %add3A_2324 = vector.broadcast %add3A_2323 : i32 to vector<16xi32>
        %add3A_2325 = arith.addi %get3A_204, %add3A_2324 : vector<16xi32>
        %gather3A_2326 = tpu.vector_load_idx %arg5[%add3A_2325] : memref<6400xf32, #tpu.memory_space<vmem>>[vector<16xi32>], vector<16xf32>,
        %add3A_2327 = arith.constant 1664 : i32
        %add3A_2328 = vector.broadcast %add3A_2327 : i32 to vector<16xi32>
        %add3A_2329 = arith.addi %get3A_204, %add3A_2328 : vector<16xi32>
        %gather3A_2330 = tpu.vector_load_idx %arg5[%add3A_2329] : memref<6400xf32, #tpu.memory_space<vmem>>[vector<16xi32>], vector<16xf32>,
        %add3A_2331 = arith.constant 1792 : i32
        %add3A_2332 = vector.broadcast %add3A_2331 : i32 to vector<16xi32>
        %add3A_2333 = arith.addi %get3A_204, %add3A_2332 : vector<16xi32>
        %gather3A_2334 = tpu.vector_load_idx %arg5[%add3A_2333] : memref<6400xf32, #tpu.memory_space<vmem>>[vector<16xi32>], vector<16xf32>,
        %add3A_2335 = arith.constant 1920 : i32
        %add3A_2336 = vector.broadcast %add3A_2335 : i32 to vector<16xi32>
        %add3A_2337 = arith.addi %get3A_204, %add3A_2336 : vector<16xi32>
        %gather3A_2338 = tpu.vector_load_idx %arg5[%add3A_2337] : memref<6400xf32, #tpu.memory_space<vmem>>[vector<16xi32>], vector<16xf32>,
        %add3A_2339 = arith.constant 2048 : i32
        %add3A_2340 = vector.broadcast %add3A_2339 : i32 to vector<16xi32>
        %add3A_2341 = arith.addi %get3A_204, %add3A_2340 : vector<16xi32>
        %gather3A_2342 = tpu.vector_load_idx %arg5[%add3A_2341] : memref<6400xf32, #tpu.memory_space<vmem>>[vector<16xi32>], vector<16xf32>,
        %add3A_2343 = arith.constant 2176 : i32
        %add3A_2344 = vector.broadcast %add3A_2343 : i32 to vector<16xi32>
        %add3A_2345 = arith.addi %get3A_204, %add3A_2344 : vector<16xi32>
        %gather3A_2346 = tpu.vector_load_idx %arg5[%add3A_2345] : memref<6400xf32, #tpu.memory_space<vmem>>[vector<16xi32>], vector<16xf32>,
        %add3A_2347 = arith.constant 2304 : i32
        %add3A_2348 = vector.broadcast %add3A_2347 : i32 to vector<16xi32>
        %add3A_2349 = arith.addi %get3A_204, %add3A_2348 : vector<16xi32>
        %gather3A_2350 = tpu.vector_load_idx %arg5[%add3A_2349] : memref<6400xf32, #tpu.memory_space<vmem>>[vector<16xi32>], vector<16xf32>,
        %add3A_2351 = arith.constant 2432 : i32
        %add3A_2352 = vector.broadcast %add3A_2351 : i32 to vector<16xi32>
        %add3A_2353 = arith.addi %get3A_204, %add3A_2352 : vector<16xi32>
        %gather3A_2354 = tpu.vector_load_idx %arg5[%add3A_2353] : memref<6400xf32, #tpu.memory_space<vmem>>[vector<16xi32>], vector<16xf32>,
        %swap3A_2355 = arith.constant 10 : i32
        %swap3A_2356 = arith.index_cast %select_n3A_121 : i32 to index
        %swap3A_2357 = arith.index_cast %swap3A_2355 : i32 to index
        %swap3A_2358 = arith.index_cast %scan3A_185 : i32 to index
        %swap3A_2359 = arith.constant 64 : index
        %swap3A_2360 = tpu.vector_load %arg7[%swap3A_2356, %swap3A_2357, %swap3A_2358, %swap3A_2359] {strides = array<i32>} : memref<2x50x8x128xf32, #tpu.memory_space<vmem>>, vector<16xf32>,
        tpu.vector_store %arg7[%swap3A_2356, %swap3A_2357, %swap3A_2358, %swap3A_2359], %gather3A_2318 {strides = array<i32>} : memref<2x50x8x128xf32, #tpu.memory_space<vmem>>, vector<16xf32>,
        %swap3A_2361 = arith.constant 11 : i32
        %swap3A_2362 = arith.index_cast %select_n3A_121 : i32 to index
        %swap3A_2363 = arith.index_cast %swap3A_2361 : i32 to index
        %swap3A_2364 = arith.index_cast %scan3A_185 : i32 to index
        %swap3A_2365 = arith.constant 64 : index
        %swap3A_2366 = tpu.vector_load %arg7[%swap3A_2362, %swap3A_2363, %swap3A_2364, %swap3A_2365] {strides = array<i32>} : memref<2x50x8x128xf32, #tpu.memory_space<vmem>>, vector<16xf32>,
        tpu.vector_store %arg7[%swap3A_2362, %swap3A_2363, %swap3A_2364, %swap3A_2365], %gather3A_2322 {strides = array<i32>} : memref<2x50x8x128xf32, #tpu.memory_space<vmem>>, vector<16xf32>,
        %swap3A_2367 = arith.constant 12 : i32
        %swap3A_2368 = arith.index_cast %select_n3A_121 : i32 to index
        %swap3A_2369 = arith.index_cast %swap3A_2367 : i32 to index
        %swap3A_2370 = arith.index_cast %scan3A_185 : i32 to index
        %swap3A_2371 = arith.constant 64 : index
        %swap3A_2372 = tpu.vector_load %arg7[%swap3A_2368, %swap3A_2369, %swap3A_2370, %swap3A_2371] {strides = array<i32>} : memref<2x50x8x128xf32, #tpu.memory_space<vmem>>, vector<16xf32>,
        tpu.vector_store %arg7[%swap3A_2368, %swap3A_2369, %swap3A_2370, %swap3A_2371], %gather3A_2326 {strides = array<i32>} : memref<2x50x8x128xf32, #tpu.memory_space<vmem>>, vector<16xf32>,
        %swap3A_2373 = arith.constant 13 : i32
        %swap3A_2374 = arith.index_cast %select_n3A_121 : i32 to index
        %swap3A_2375 = arith.index_cast %swap3A_2373 : i32 to index
        %swap3A_2376 = arith.index_cast %scan3A_185 : i32 to index
        %swap3A_2377 = arith.constant 64 : index
        %swap3A_2378 = tpu.vector_load %arg7[%swap3A_2374, %swap3A_2375, %swap3A_2376, %swap3A_2377] {strides = array<i32>} : memref<2x50x8x128xf32, #tpu.memory_space<vmem>>, vector<16xf32>,
        tpu.vector_store %arg7[%swap3A_2374, %swap3A_2375, %swap3A_2376, %swap3A_2377], %gather3A_2330 {strides = array<i32>} : memref<2x50x8x128xf32, #tpu.memory_space<vmem>>, vector<16xf32>,
        %swap3A_2379 = arith.constant 14 : i32
        %swap3A_2380 = arith.index_cast %select_n3A_121 : i32 to index
        %swap3A_2381 = arith.index_cast %swap3A_2379 : i32 to index
        %swap3A_2382 = arith.index_cast %scan3A_185 : i32 to index
        %swap3A_2383 = arith.constant 64 : index
        %swap3A_2384 = tpu.vector_load %arg7[%swap3A_2380, %swap3A_2381, %swap3A_2382, %swap3A_2383] {strides = array<i32>} : memref<2x50x8x128xf32, #tpu.memory_space<vmem>>, vector<16xf32>,
        tpu.vector_store %arg7[%swap3A_2380, %swap3A_2381, %swap3A_2382, %swap3A_2383], %gather3A_2334 {strides = array<i32>} : memref<2x50x8x128xf32, #tpu.memory_space<vmem>>, vector<16xf32>,
        %swap3A_2385 = arith.constant 15 : i32
        %swap3A_2386 = arith.index_cast %select_n3A_121 : i32 to index
        %swap3A_2387 = arith.index_cast %swap3A_2385 : i32 to index
        %swap3A_2388 = arith.index_cast %scan3A_185 : i32 to index
        %swap3A_2389 = arith.constant 64 : index
        %swap3A_2390 = tpu.vector_load %arg7[%swap3A_2386, %swap3A_2387, %swap3A_2388, %swap3A_2389] {strides = array<i32>} : memref<2x50x8x128xf32, #tpu.memory_space<vmem>>, vector<16xf32>,
        tpu.vector_store %arg7[%swap3A_2386, %swap3A_2387, %swap3A_2388, %swap3A_2389], %gather3A_2338 {strides = array<i32>} : memref<2x50x8x128xf32, #tpu.memory_space<vmem>>, vector<16xf32>,
        %swap3A_2391 = arith.constant 16 : i32
        %swap3A_2392 = arith.index_cast %select_n3A_121 : i32 to index
        %swap3A_2393 = arith.index_cast %swap3A_2391 : i32 to index
        %swap3A_2394 = arith.index_cast %scan3A_185 : i32 to index
        %swap3A_2395 = arith.constant 64 : index
        %swap3A_2396 = tpu.vector_load %arg7[%swap3A_2392, %swap3A_2393, %swap3A_2394, %swap3A_2395] {strides = array<i32>} : memref<2x50x8x128xf32, #tpu.memory_space<vmem>>, vector<16xf32>,
        tpu.vector_store %arg7[%swap3A_2392, %swap3A_2393, %swap3A_2394, %swap3A_2395], %gather3A_2342 {strides = array<i32>} : memref<2x50x8x128xf32, #tpu.memory_space<vmem>>, vector<16xf32>,
        %swap3A_2397 = arith.constant 17 : i32
        %swap3A_2398 = arith.index_cast %select_n3A_121 : i32 to index
        %swap3A_2399 = arith.index_cast %swap3A_2397 : i32 to index
        %swap3A_2400 = arith.index_cast %scan3A_185 : i32 to index
        %swap3A_2401 = arith.constant 64 : index
        %swap3A_2402 = tpu.vector_load %arg7[%swap3A_2398, %swap3A_2399, %swap3A_2400, %swap3A_2401] {strides = array<i32>} : memref<2x50x8x128xf32, #tpu.memory_space<vmem>>, vector<16xf32>,
        tpu.vector_store %arg7[%swap3A_2398, %swap3A_2399, %swap3A_2400, %swap3A_2401], %gather3A_2346 {strides = array<i32>} : memref<2x50x8x128xf32, #tpu.memory_space<vmem>>, vector<16xf32>,
        %swap3A_2403 = arith.constant 18 : i32
        %swap3A_2404 = arith.index_cast %select_n3A_121 : i32 to index
        %swap3A_2405 = arith.index_cast %swap3A_2403 : i32 to index
        %swap3A_2406 = arith.index_cast %scan3A_185 : i32 to index
        %swap3A_2407 = arith.constant 64 : index
        %swap3A_2408 = tpu.vector_load %arg7[%swap3A_2404, %swap3A_2405, %swap3A_2406, %swap3A_2407] {strides = array<i32>} : memref<2x50x8x128xf32, #tpu.memory_space<vmem>>, vector<16xf32>,
        tpu.vector_store %arg7[%swap3A_2404, %swap3A_2405, %swap3A_2406, %swap3A_2407], %gather3A_2350 {strides = array<i32>} : memref<2x50x8x128xf32, #tpu.memory_space<vmem>>, vector<16xf32>,
        %swap3A_2409 = arith.constant 19 : i32
        %swap3A_2410 = arith.index_cast %select_n3A_121 : i32 to index
        %swap3A_2411 = arith.index_cast %swap3A_2409 : i32 to index
        %swap3A_2412 = arith.index_cast %scan3A_185 : i32 to index
        %swap3A_2413 = arith.constant 64 : index
        %swap3A_2414 = tpu.vector_load %arg7[%swap3A_2410, %swap3A_2411, %swap3A_2412, %swap3A_2413] {strides = array<i32>} : memref<2x50x8x128xf32, #tpu.memory_space<vmem>>, vector<16xf32>,
        tpu.vector_store %arg7[%swap3A_2410, %swap3A_2411, %swap3A_2412, %swap3A_2413], %gather3A_2354 {strides = array<i32>} : memref<2x50x8x128xf32, #tpu.memory_space<vmem>>, vector<16xf32>,
        %add3A_2415 = arith.constant 2560 : i32
        %add3A_2416 = vector.broadcast %add3A_2415 : i32 to vector<16xi32>
        %add3A_2417 = arith.addi %get3A_204, %add3A_2416 : vector<16xi32>
        %gather3A_2418 = tpu.vector_load_idx %arg5[%add3A_2417] : memref<6400xf32, #tpu.memory_space<vmem>>[vector<16xi32>], vector<16xf32>,
        %add3A_2419 = arith.constant 2688 : i32
        %add3A_2420 = vector.broadcast %add3A_2419 : i32 to vector<16xi32>
        %add3A_2421 = arith.addi %get3A_204, %add3A_2420 : vector<16xi32>
        %gather3A_2422 = tpu.vector_load_idx %arg5[%add3A_2421] : memref<6400xf32, #tpu.memory_space<vmem>>[vector<16xi32>], vector<16xf32>,
        %add3A_2423 = arith.constant 2816 : i32
        %add3A_2424 = vector.broadcast %add3A_2423 : i32 to vector<16xi32>
        %add3A_2425 = arith.addi %get3A_204, %add3A_2424 : vector<16xi32>
        %gather3A_2426 = tpu.vector_load_idx %arg5[%add3A_2425] : memref<6400xf32, #tpu.memory_space<vmem>>[vector<16xi32>], vector<16xf32>,
        %add3A_2427 = arith.constant 2944 : i32
        %add3A_2428 = vector.broadcast %add3A_2427 : i32 to vector<16xi32>
        %add3A_2429 = arith.addi %get3A_204, %add3A_2428 : vector<16xi32>
        %gather3A_2430 = tpu.vector_load_idx %arg5[%add3A_2429] : memref<6400xf32, #tpu.memory_space<vmem>>[vector<16xi32>], vector<16xf32>,
        %add3A_2431 = arith.constant 3072 : i32
        %add3A_2432 = vector.broadcast %add3A_2431 : i32 to vector<16xi32>
        %add3A_2433 = arith.addi %get3A_204, %add3A_2432 : vector<16xi32>
        %gather3A_2434 = tpu.vector_load_idx %arg5[%add3A_2433] : memref<6400xf32, #tpu.memory_space<vmem>>[vector<16xi32>], vector<16xf32>,
        %add3A_2435 = arith.constant 3200 : i32
        %add3A_2436 = vector.broadcast %add3A_2435 : i32 to vector<16xi32>
        %add3A_2437 = arith.addi %get3A_204, %add3A_2436 : vector<16xi32>
        %gather3A_2438 = tpu.vector_load_idx %arg5[%add3A_2437] : memref<6400xf32, #tpu.memory_space<vmem>>[vector<16xi32>], vector<16xf32>,
        %add3A_2439 = arith.constant 3328 : i32
        %add3A_2440 = vector.broadcast %add3A_2439 : i32 to vector<16xi32>
        %add3A_2441 = arith.addi %get3A_204, %add3A_2440 : vector<16xi32>
        %gather3A_2442 = tpu.vector_load_idx %arg5[%add3A_2441] : memref<6400xf32, #tpu.memory_space<vmem>>[vector<16xi32>], vector<16xf32>,
        %add3A_2443 = arith.constant 3456 : i32
        %add3A_2444 = vector.broadcast %add3A_2443 : i32 to vector<16xi32>
        %add3A_2445 = arith.addi %get3A_204, %add3A_2444 : vector<16xi32>
        %gather3A_2446 = tpu.vector_load_idx %arg5[%add3A_2445] : memref<6400xf32, #tpu.memory_space<vmem>>[vector<16xi32>], vector<16xf32>,
        %add3A_2447 = arith.constant 3584 : i32
        %add3A_2448 = vector.broadcast %add3A_2447 : i32 to vector<16xi32>
        %add3A_2449 = arith.addi %get3A_204, %add3A_2448 : vector<16xi32>
        %gather3A_2450 = tpu.vector_load_idx %arg5[%add3A_2449] : memref<6400xf32, #tpu.memory_space<vmem>>[vector<16xi32>], vector<16xf32>,
        %add3A_2451 = arith.constant 3712 : i32
        %add3A_2452 = vector.broadcast %add3A_2451 : i32 to vector<16xi32>
        %add3A_2453 = arith.addi %get3A_204, %add3A_2452 : vector<16xi32>
        %gather3A_2454 = tpu.vector_load_idx %arg5[%add3A_2453] : memref<6400xf32, #tpu.memory_space<vmem>>[vector<16xi32>], vector<16xf32>,
        %swap3A_2455 = arith.constant 20 : i32
        %swap3A_2456 = arith.index_cast %select_n3A_121 : i32 to index
        %swap3A_2457 = arith.index_cast %swap3A_2455 : i32 to index
        %swap3A_2458 = arith.index_cast %scan3A_185 : i32 to index
        %swap3A_2459 = arith.constant 64 : index
        %swap3A_2460 = tpu.vector_load %arg7[%swap3A_2456, %swap3A_2457, %swap3A_2458, %swap3A_2459] {strides = array<i32>} : memref<2x50x8x128xf32, #tpu.memory_space<vmem>>, vector<16xf32>,
        tpu.vector_store %arg7[%swap3A_2456, %swap3A_2457, %swap3A_2458, %swap3A_2459], %gather3A_2418 {strides = array<i32>} : memref<2x50x8x128xf32, #tpu.memory_space<vmem>>, vector<16xf32>,
        %swap3A_2461 = arith.constant 21 : i32
        %swap3A_2462 = arith.index_cast %select_n3A_121 : i32 to index
        %swap3A_2463 = arith.index_cast %swap3A_2461 : i32 to index
        %swap3A_2464 = arith.index_cast %scan3A_185 : i32 to index
        %swap3A_2465 = arith.constant 64 : index
        %swap3A_2466 = tpu.vector_load %arg7[%swap3A_2462, %swap3A_2463, %swap3A_2464, %swap3A_2465] {strides = array<i32>} : memref<2x50x8x128xf32, #tpu.memory_space<vmem>>, vector<16xf32>,
        tpu.vector_store %arg7[%swap3A_2462, %swap3A_2463, %swap3A_2464, %swap3A_2465], %gather3A_2422 {strides = array<i32>} : memref<2x50x8x128xf32, #tpu.memory_space<vmem>>, vector<16xf32>,
        %swap3A_2467 = arith.constant 22 : i32
        %swap3A_2468 = arith.index_cast %select_n3A_121 : i32 to index
        %swap3A_2469 = arith.index_cast %swap3A_2467 : i32 to index
        %swap3A_2470 = arith.index_cast %scan3A_185 : i32 to index
        %swap3A_2471 = arith.constant 64 : index
        %swap3A_2472 = tpu.vector_load %arg7[%swap3A_2468, %swap3A_2469, %swap3A_2470, %swap3A_2471] {strides = array<i32>} : memref<2x50x8x128xf32, #tpu.memory_space<vmem>>, vector<16xf32>,
        tpu.vector_store %arg7[%swap3A_2468, %swap3A_2469, %swap3A_2470, %swap3A_2471], %gather3A_2426 {strides = array<i32>} : memref<2x50x8x128xf32, #tpu.memory_space<vmem>>, vector<16xf32>,
        %swap3A_2473 = arith.constant 23 : i32
        %swap3A_2474 = arith.index_cast %select_n3A_121 : i32 to index
        %swap3A_2475 = arith.index_cast %swap3A_2473 : i32 to index
        %swap3A_2476 = arith.index_cast %scan3A_185 : i32 to index
        %swap3A_2477 = arith.constant 64 : index
        %swap3A_2478 = tpu.vector_load %arg7[%swap3A_2474, %swap3A_2475, %swap3A_2476, %swap3A_2477] {strides = array<i32>} : memref<2x50x8x128xf32, #tpu.memory_space<vmem>>, vector<16xf32>,
        tpu.vector_store %arg7[%swap3A_2474, %swap3A_2475, %swap3A_2476, %swap3A_2477], %gather3A_2430 {strides = array<i32>} : memref<2x50x8x128xf32, #tpu.memory_space<vmem>>, vector<16xf32>,
        %swap3A_2479 = arith.constant 24 : i32
        %swap3A_2480 = arith.index_cast %select_n3A_121 : i32 to index
        %swap3A_2481 = arith.index_cast %swap3A_2479 : i32 to index
        %swap3A_2482 = arith.index_cast %scan3A_185 : i32 to index
        %swap3A_2483 = arith.constant 64 : index
        %swap3A_2484 = tpu.vector_load %arg7[%swap3A_2480, %swap3A_2481, %swap3A_2482, %swap3A_2483] {strides = array<i32>} : memref<2x50x8x128xf32, #tpu.memory_space<vmem>>, vector<16xf32>,
        tpu.vector_store %arg7[%swap3A_2480, %swap3A_2481, %swap3A_2482, %swap3A_2483], %gather3A_2434 {strides = array<i32>} : memref<2x50x8x128xf32, #tpu.memory_space<vmem>>, vector<16xf32>,
        %swap3A_2485 = arith.constant 25 : i32
        %swap3A_2486 = arith.index_cast %select_n3A_121 : i32 to index
        %swap3A_2487 = arith.index_cast %swap3A_2485 : i32 to index
        %swap3A_2488 = arith.index_cast %scan3A_185 : i32 to index
        %swap3A_2489 = arith.constant 64 : index
        %swap3A_2490 = tpu.vector_load %arg7[%swap3A_2486, %swap3A_2487, %swap3A_2488, %swap3A_2489] {strides = array<i32>} : memref<2x50x8x128xf32, #tpu.memory_space<vmem>>, vector<16xf32>,
        tpu.vector_store %arg7[%swap3A_2486, %swap3A_2487, %swap3A_2488, %swap3A_2489], %gather3A_2438 {strides = array<i32>} : memref<2x50x8x128xf32, #tpu.memory_space<vmem>>, vector<16xf32>,
        %swap3A_2491 = arith.constant 26 : i32
        %swap3A_2492 = arith.index_cast %select_n3A_121 : i32 to index
        %swap3A_2493 = arith.index_cast %swap3A_2491 : i32 to index
        %swap3A_2494 = arith.index_cast %scan3A_185 : i32 to index
        %swap3A_2495 = arith.constant 64 : index
        %swap3A_2496 = tpu.vector_load %arg7[%swap3A_2492, %swap3A_2493, %swap3A_2494, %swap3A_2495] {strides = array<i32>} : memref<2x50x8x128xf32, #tpu.memory_space<vmem>>, vector<16xf32>,
        tpu.vector_store %arg7[%swap3A_2492, %swap3A_2493, %swap3A_2494, %swap3A_2495], %gather3A_2442 {strides = array<i32>} : memref<2x50x8x128xf32, #tpu.memory_space<vmem>>, vector<16xf32>,
        %swap3A_2497 = arith.constant 27 : i32
        %swap3A_2498 = arith.index_cast %select_n3A_121 : i32 to index
        %swap3A_2499 = arith.index_cast %swap3A_2497 : i32 to index
        %swap3A_2500 = arith.index_cast %scan3A_185 : i32 to index
        %swap3A_2501 = arith.constant 64 : index
        %swap3A_2502 = tpu.vector_load %arg7[%swap3A_2498, %swap3A_2499, %swap3A_2500, %swap3A_2501] {strides = array<i32>} : memref<2x50x8x128xf32, #tpu.memory_space<vmem>>, vector<16xf32>,
        tpu.vector_store %arg7[%swap3A_2498, %swap3A_2499, %swap3A_2500, %swap3A_2501], %gather3A_2446 {strides = array<i32>} : memref<2x50x8x128xf32, #tpu.memory_space<vmem>>, vector<16xf32>,
        %swap3A_2503 = arith.constant 28 : i32
        %swap3A_2504 = arith.index_cast %select_n3A_121 : i32 to index
        %swap3A_2505 = arith.index_cast %swap3A_2503 : i32 to index
        %swap3A_2506 = arith.index_cast %scan3A_185 : i32 to index
        %swap3A_2507 = arith.constant 64 : index
        %swap3A_2508 = tpu.vector_load %arg7[%swap3A_2504, %swap3A_2505, %swap3A_2506, %swap3A_2507] {strides = array<i32>} : memref<2x50x8x128xf32, #tpu.memory_space<vmem>>, vector<16xf32>,
        tpu.vector_store %arg7[%swap3A_2504, %swap3A_2505, %swap3A_2506, %swap3A_2507], %gather3A_2450 {strides = array<i32>} : memref<2x50x8x128xf32, #tpu.memory_space<vmem>>, vector<16xf32>,
        %swap3A_2509 = arith.constant 29 : i32
        %swap3A_2510 = arith.index_cast %select_n3A_121 : i32 to index
        %swap3A_2511 = arith.index_cast %swap3A_2509 : i32 to index
        %swap3A_2512 = arith.index_cast %scan3A_185 : i32 to index
        %swap3A_2513 = arith.constant 64 : index
        %swap3A_2514 = tpu.vector_load %arg7[%swap3A_2510, %swap3A_2511, %swap3A_2512, %swap3A_2513] {strides = array<i32>} : memref<2x50x8x128xf32, #tpu.memory_space<vmem>>, vector<16xf32>,
        tpu.vector_store %arg7[%swap3A_2510, %swap3A_2511, %swap3A_2512, %swap3A_2513], %gather3A_2454 {strides = array<i32>} : memref<2x50x8x128xf32, #tpu.memory_space<vmem>>, vector<16xf32>,
        %add3A_2515 = arith.constant 3840 : i32
        %add3A_2516 = vector.broadcast %add3A_2515 : i32 to vector<16xi32>
        %add3A_2517 = arith.addi %get3A_204, %add3A_2516 : vector<16xi32>
        %gather3A_2518 = tpu.vector_load_idx %arg5[%add3A_2517] : memref<6400xf32, #tpu.memory_space<vmem>>[vector<16xi32>], vector<16xf32>,
        %add3A_2519 = arith.constant 3968 : i32
        %add3A_2520 = vector.broadcast %add3A_2519 : i32 to vector<16xi32>
        %add3A_2521 = arith.addi %get3A_204, %add3A_2520 : vector<16xi32>
        %gather3A_2522 = tpu.vector_load_idx %arg5[%add3A_2521] : memref<6400xf32, #tpu.memory_space<vmem>>[vector<16xi32>], vector<16xf32>,
        %add3A_2523 = arith.constant 4096 : i32
        %add3A_2524 = vector.broadcast %add3A_2523 : i32 to vector<16xi32>
        %add3A_2525 = arith.addi %get3A_204, %add3A_2524 : vector<16xi32>
        %gather3A_2526 = tpu.vector_load_idx %arg5[%add3A_2525] : memref<6400xf32, #tpu.memory_space<vmem>>[vector<16xi32>], vector<16xf32>,
        %add3A_2527 = arith.constant 4224 : i32
        %add3A_2528 = vector.broadcast %add3A_2527 : i32 to vector<16xi32>
        %add3A_2529 = arith.addi %get3A_204, %add3A_2528 : vector<16xi32>
        %gather3A_2530 = tpu.vector_load_idx %arg5[%add3A_2529] : memref<6400xf32, #tpu.memory_space<vmem>>[vector<16xi32>], vector<16xf32>,
        %add3A_2531 = arith.constant 4352 : i32
        %add3A_2532 = vector.broadcast %add3A_2531 : i32 to vector<16xi32>
        %add3A_2533 = arith.addi %get3A_204, %add3A_2532 : vector<16xi32>
        %gather3A_2534 = tpu.vector_load_idx %arg5[%add3A_2533] : memref<6400xf32, #tpu.memory_space<vmem>>[vector<16xi32>], vector<16xf32>,
        %add3A_2535 = arith.constant 4480 : i32
        %add3A_2536 = vector.broadcast %add3A_2535 : i32 to vector<16xi32>
        %add3A_2537 = arith.addi %get3A_204, %add3A_2536 : vector<16xi32>
        %gather3A_2538 = tpu.vector_load_idx %arg5[%add3A_2537] : memref<6400xf32, #tpu.memory_space<vmem>>[vector<16xi32>], vector<16xf32>,
        %add3A_2539 = arith.constant 4608 : i32
        %add3A_2540 = vector.broadcast %add3A_2539 : i32 to vector<16xi32>
        %add3A_2541 = arith.addi %get3A_204, %add3A_2540 : vector<16xi32>
        %gather3A_2542 = tpu.vector_load_idx %arg5[%add3A_2541] : memref<6400xf32, #tpu.memory_space<vmem>>[vector<16xi32>], vector<16xf32>,
        %add3A_2543 = arith.constant 4736 : i32
        %add3A_2544 = vector.broadcast %add3A_2543 : i32 to vector<16xi32>
        %add3A_2545 = arith.addi %get3A_204, %add3A_2544 : vector<16xi32>
        %gather3A_2546 = tpu.vector_load_idx %arg5[%add3A_2545] : memref<6400xf32, #tpu.memory_space<vmem>>[vector<16xi32>], vector<16xf32>,
        %add3A_2547 = arith.constant 4864 : i32
        %add3A_2548 = vector.broadcast %add3A_2547 : i32 to vector<16xi32>
        %add3A_2549 = arith.addi %get3A_204, %add3A_2548 : vector<16xi32>
        %gather3A_2550 = tpu.vector_load_idx %arg5[%add3A_2549] : memref<6400xf32, #tpu.memory_space<vmem>>[vector<16xi32>], vector<16xf32>,
        %add3A_2551 = arith.constant 4992 : i32
        %add3A_2552 = vector.broadcast %add3A_2551 : i32 to vector<16xi32>
        %add3A_2553 = arith.addi %get3A_204, %add3A_2552 : vector<16xi32>
        %gather3A_2554 = tpu.vector_load_idx %arg5[%add3A_2553] : memref<6400xf32, #tpu.memory_space<vmem>>[vector<16xi32>], vector<16xf32>,
        %swap3A_2555 = arith.constant 30 : i32
        %swap3A_2556 = arith.index_cast %select_n3A_121 : i32 to index
        %swap3A_2557 = arith.index_cast %swap3A_2555 : i32 to index
        %swap3A_2558 = arith.index_cast %scan3A_185 : i32 to index
        %swap3A_2559 = arith.constant 64 : index
        %swap3A_2560 = tpu.vector_load %arg7[%swap3A_2556, %swap3A_2557, %swap3A_2558, %swap3A_2559] {strides = array<i32>} : memref<2x50x8x128xf32, #tpu.memory_space<vmem>>, vector<16xf32>,
        tpu.vector_store %arg7[%swap3A_2556, %swap3A_2557, %swap3A_2558, %swap3A_2559], %gather3A_2518 {strides = array<i32>} : memref<2x50x8x128xf32, #tpu.memory_space<vmem>>, vector<16xf32>,
        %swap3A_2561 = arith.constant 31 : i32
        %swap3A_2562 = arith.index_cast %select_n3A_121 : i32 to index
        %swap3A_2563 = arith.index_cast %swap3A_2561 : i32 to index
        %swap3A_2564 = arith.index_cast %scan3A_185 : i32 to index
        %swap3A_2565 = arith.constant 64 : index
        %swap3A_2566 = tpu.vector_load %arg7[%swap3A_2562, %swap3A_2563, %swap3A_2564, %swap3A_2565] {strides = array<i32>} : memref<2x50x8x128xf32, #tpu.memory_space<vmem>>, vector<16xf32>,
        tpu.vector_store %arg7[%swap3A_2562, %swap3A_2563, %swap3A_2564, %swap3A_2565], %gather3A_2522 {strides = array<i32>} : memref<2x50x8x128xf32, #tpu.memory_space<vmem>>, vector<16xf32>,
        %swap3A_2567 = arith.constant 32 : i32
        %swap3A_2568 = arith.index_cast %select_n3A_121 : i32 to index
        %swap3A_2569 = arith.index_cast %swap3A_2567 : i32 to index
        %swap3A_2570 = arith.index_cast %scan3A_185 : i32 to index
        %swap3A_2571 = arith.constant 64 : index
        %swap3A_2572 = tpu.vector_load %arg7[%swap3A_2568, %swap3A_2569, %swap3A_2570, %swap3A_2571] {strides = array<i32>} : memref<2x50x8x128xf32, #tpu.memory_space<vmem>>, vector<16xf32>,
        tpu.vector_store %arg7[%swap3A_2568, %swap3A_2569, %swap3A_2570, %swap3A_2571], %gather3A_2526 {strides = array<i32>} : memref<2x50x8x128xf32, #tpu.memory_space<vmem>>, vector<16xf32>,
        %swap3A_2573 = arith.constant 33 : i32
        %swap3A_2574 = arith.index_cast %select_n3A_121 : i32 to index
        %swap3A_2575 = arith.index_cast %swap3A_2573 : i32 to index
        %swap3A_2576 = arith.index_cast %scan3A_185 : i32 to index
        %swap3A_2577 = arith.constant 64 : index
        %swap3A_2578 = tpu.vector_load %arg7[%swap3A_2574, %swap3A_2575, %swap3A_2576, %swap3A_2577] {strides = array<i32>} : memref<2x50x8x128xf32, #tpu.memory_space<vmem>>, vector<16xf32>,
        tpu.vector_store %arg7[%swap3A_2574, %swap3A_2575, %swap3A_2576, %swap3A_2577], %gather3A_2530 {strides = array<i32>} : memref<2x50x8x128xf32, #tpu.memory_space<vmem>>, vector<16xf32>,
        %swap3A_2579 = arith.constant 34 : i32
        %swap3A_2580 = arith.index_cast %select_n3A_121 : i32 to index
        %swap3A_2581 = arith.index_cast %swap3A_2579 : i32 to index
        %swap3A_2582 = arith.index_cast %scan3A_185 : i32 to index
        %swap3A_2583 = arith.constant 64 : index
        %swap3A_2584 = tpu.vector_load %arg7[%swap3A_2580, %swap3A_2581, %swap3A_2582, %swap3A_2583] {strides = array<i32>} : memref<2x50x8x128xf32, #tpu.memory_space<vmem>>, vector<16xf32>,
        tpu.vector_store %arg7[%swap3A_2580, %swap3A_2581, %swap3A_2582, %swap3A_2583], %gather3A_2534 {strides = array<i32>} : memref<2x50x8x128xf32, #tpu.memory_space<vmem>>, vector<16xf32>,
        %swap3A_2585 = arith.constant 35 : i32
        %swap3A_2586 = arith.index_cast %select_n3A_121 : i32 to index
        %swap3A_2587 = arith.index_cast %swap3A_2585 : i32 to index
        %swap3A_2588 = arith.index_cast %scan3A_185 : i32 to index
        %swap3A_2589 = arith.constant 64 : index
        %swap3A_2590 = tpu.vector_load %arg7[%swap3A_2586, %swap3A_2587, %swap3A_2588, %swap3A_2589] {strides = array<i32>} : memref<2x50x8x128xf32, #tpu.memory_space<vmem>>, vector<16xf32>,
        tpu.vector_store %arg7[%swap3A_2586, %swap3A_2587, %swap3A_2588, %swap3A_2589], %gather3A_2538 {strides = array<i32>} : memref<2x50x8x128xf32, #tpu.memory_space<vmem>>, vector<16xf32>,
        %swap3A_2591 = arith.constant 36 : i32
        %swap3A_2592 = arith.index_cast %select_n3A_121 : i32 to index
        %swap3A_2593 = arith.index_cast %swap3A_2591 : i32 to index
        %swap3A_2594 = arith.index_cast %scan3A_185 : i32 to index
        %swap3A_2595 = arith.constant 64 : index
        %swap3A_2596 = tpu.vector_load %arg7[%swap3A_2592, %swap3A_2593, %swap3A_2594, %swap3A_2595] {strides = array<i32>} : memref<2x50x8x128xf32, #tpu.memory_space<vmem>>, vector<16xf32>,
        tpu.vector_store %arg7[%swap3A_2592, %swap3A_2593, %swap3A_2594, %swap3A_2595], %gather3A_2542 {strides = array<i32>} : memref<2x50x8x128xf32, #tpu.memory_space<vmem>>, vector<16xf32>,
        %swap3A_2597 = arith.constant 37 : i32
        %swap3A_2598 = arith.index_cast %select_n3A_121 : i32 to index
        %swap3A_2599 = arith.index_cast %swap3A_2597 : i32 to index
        %swap3A_2600 = arith.index_cast %scan3A_185 : i32 to index
        %swap3A_2601 = arith.constant 64 : index
        %swap3A_2602 = tpu.vector_load %arg7[%swap3A_2598, %swap3A_2599, %swap3A_2600, %swap3A_2601] {strides = array<i32>} : memref<2x50x8x128xf32, #tpu.memory_space<vmem>>, vector<16xf32>,
        tpu.vector_store %arg7[%swap3A_2598, %swap3A_2599, %swap3A_2600, %swap3A_2601], %gather3A_2546 {strides = array<i32>} : memref<2x50x8x128xf32, #tpu.memory_space<vmem>>, vector<16xf32>,
        %swap3A_2603 = arith.constant 38 : i32
        %swap3A_2604 = arith.index_cast %select_n3A_121 : i32 to index
        %swap3A_2605 = arith.index_cast %swap3A_2603 : i32 to index
        %swap3A_2606 = arith.index_cast %scan3A_185 : i32 to index
        %swap3A_2607 = arith.constant 64 : index
        %swap3A_2608 = tpu.vector_load %arg7[%swap3A_2604, %swap3A_2605, %swap3A_2606, %swap3A_2607] {strides = array<i32>} : memref<2x50x8x128xf32, #tpu.memory_space<vmem>>, vector<16xf32>,
        tpu.vector_store %arg7[%swap3A_2604, %swap3A_2605, %swap3A_2606, %swap3A_2607], %gather3A_2550 {strides = array<i32>} : memref<2x50x8x128xf32, #tpu.memory_space<vmem>>, vector<16xf32>,
        %swap3A_2609 = arith.constant 39 : i32
        %swap3A_2610 = arith.index_cast %select_n3A_121 : i32 to index
        %swap3A_2611 = arith.index_cast %swap3A_2609 : i32 to index
        %swap3A_2612 = arith.index_cast %scan3A_185 : i32 to index
        %swap3A_2613 = arith.constant 64 : index
        %swap3A_2614 = tpu.vector_load %arg7[%swap3A_2610, %swap3A_2611, %swap3A_2612, %swap3A_2613] {strides = array<i32>} : memref<2x50x8x128xf32, #tpu.memory_space<vmem>>, vector<16xf32>,
        tpu.vector_store %arg7[%swap3A_2610, %swap3A_2611, %swap3A_2612, %swap3A_2613], %gather3A_2554 {strides = array<i32>} : memref<2x50x8x128xf32, #tpu.memory_space<vmem>>, vector<16xf32>,
        %add3A_2615 = arith.constant 5120 : i32
        %add3A_2616 = vector.broadcast %add3A_2615 : i32 to vector<16xi32>
        %add3A_2617 = arith.addi %get3A_204, %add3A_2616 : vector<16xi32>
        %gather3A_2618 = tpu.vector_load_idx %arg5[%add3A_2617] : memref<6400xf32, #tpu.memory_space<vmem>>[vector<16xi32>], vector<16xf32>,
        %add3A_2619 = arith.constant 5248 : i32
        %add3A_2620 = vector.broadcast %add3A_2619 : i32 to vector<16xi32>
        %add3A_2621 = arith.addi %get3A_204, %add3A_2620 : vector<16xi32>
        %gather3A_2622 = tpu.vector_load_idx %arg5[%add3A_2621] : memref<6400xf32, #tpu.memory_space<vmem>>[vector<16xi32>], vector<16xf32>,
        %add3A_2623 = arith.constant 5376 : i32
        %add3A_2624 = vector.broadcast %add3A_2623 : i32 to vector<16xi32>
        %add3A_2625 = arith.addi %get3A_204, %add3A_2624 : vector<16xi32>
        %gather3A_2626 = tpu.vector_load_idx %arg5[%add3A_2625] : memref<6400xf32, #tpu.memory_space<vmem>>[vector<16xi32>], vector<16xf32>,
        %add3A_2627 = arith.constant 5504 : i32
        %add3A_2628 = vector.broadcast %add3A_2627 : i32 to vector<16xi32>
        %add3A_2629 = arith.addi %get3A_204, %add3A_2628 : vector<16xi32>
        %gather3A_2630 = tpu.vector_load_idx %arg5[%add3A_2629] : memref<6400xf32, #tpu.memory_space<vmem>>[vector<16xi32>], vector<16xf32>,
        %add3A_2631 = arith.constant 5632 : i32
        %add3A_2632 = vector.broadcast %add3A_2631 : i32 to vector<16xi32>
        %add3A_2633 = arith.addi %get3A_204, %add3A_2632 : vector<16xi32>
        %gather3A_2634 = tpu.vector_load_idx %arg5[%add3A_2633] : memref<6400xf32, #tpu.memory_space<vmem>>[vector<16xi32>], vector<16xf32>,
        %add3A_2635 = arith.constant 5760 : i32
        %add3A_2636 = vector.broadcast %add3A_2635 : i32 to vector<16xi32>
        %add3A_2637 = arith.addi %get3A_204, %add3A_2636 : vector<16xi32>
        %gather3A_2638 = tpu.vector_load_idx %arg5[%add3A_2637] : memref<6400xf32, #tpu.memory_space<vmem>>[vector<16xi32>], vector<16xf32>,
        %add3A_2639 = arith.constant 5888 : i32
        %add3A_2640 = vector.broadcast %add3A_2639 : i32 to vector<16xi32>
        %add3A_2641 = arith.addi %get3A_204, %add3A_2640 : vector<16xi32>
        %gather3A_2642 = tpu.vector_load_idx %arg5[%add3A_2641] : memref<6400xf32, #tpu.memory_space<vmem>>[vector<16xi32>], vector<16xf32>,
        %add3A_2643 = arith.constant 6016 : i32
        %add3A_2644 = vector.broadcast %add3A_2643 : i32 to vector<16xi32>
        %add3A_2645 = arith.addi %get3A_204, %add3A_2644 : vector<16xi32>
        %gather3A_2646 = tpu.vector_load_idx %arg5[%add3A_2645] : memref<6400xf32, #tpu.memory_space<vmem>>[vector<16xi32>], vector<16xf32>,
        %add3A_2647 = arith.constant 6144 : i32
        %add3A_2648 = vector.broadcast %add3A_2647 : i32 to vector<16xi32>
        %add3A_2649 = arith.addi %get3A_204, %add3A_2648 : vector<16xi32>
        %gather3A_2650 = tpu.vector_load_idx %arg5[%add3A_2649] : memref<6400xf32, #tpu.memory_space<vmem>>[vector<16xi32>], vector<16xf32>,
        %add3A_2651 = arith.constant 6272 : i32
        %add3A_2652 = vector.broadcast %add3A_2651 : i32 to vector<16xi32>
        %add3A_2653 = arith.addi %get3A_204, %add3A_2652 : vector<16xi32>
        %gather3A_2654 = tpu.vector_load_idx %arg5[%add3A_2653] : memref<6400xf32, #tpu.memory_space<vmem>>[vector<16xi32>], vector<16xf32>,
        %swap3A_2655 = arith.constant 40 : i32
        %swap3A_2656 = arith.index_cast %select_n3A_121 : i32 to index
        %swap3A_2657 = arith.index_cast %swap3A_2655 : i32 to index
        %swap3A_2658 = arith.index_cast %scan3A_185 : i32 to index
        %swap3A_2659 = arith.constant 64 : index
        %swap3A_2660 = tpu.vector_load %arg7[%swap3A_2656, %swap3A_2657, %swap3A_2658, %swap3A_2659] {strides = array<i32>} : memref<2x50x8x128xf32, #tpu.memory_space<vmem>>, vector<16xf32>,
        tpu.vector_store %arg7[%swap3A_2656, %swap3A_2657, %swap3A_2658, %swap3A_2659], %gather3A_2618 {strides = array<i32>} : memref<2x50x8x128xf32, #tpu.memory_space<vmem>>, vector<16xf32>,
        %swap3A_2661 = arith.constant 41 : i32
        %swap3A_2662 = arith.index_cast %select_n3A_121 : i32 to index
        %swap3A_2663 = arith.index_cast %swap3A_2661 : i32 to index
        %swap3A_2664 = arith.index_cast %scan3A_185 : i32 to index
        %swap3A_2665 = arith.constant 64 : index
        %swap3A_2666 = tpu.vector_load %arg7[%swap3A_2662, %swap3A_2663, %swap3A_2664, %swap3A_2665] {strides = array<i32>} : memref<2x50x8x128xf32, #tpu.memory_space<vmem>>, vector<16xf32>,
        tpu.vector_store %arg7[%swap3A_2662, %swap3A_2663, %swap3A_2664, %swap3A_2665], %gather3A_2622 {strides = array<i32>} : memref<2x50x8x128xf32, #tpu.memory_space<vmem>>, vector<16xf32>,
        %swap3A_2667 = arith.constant 42 : i32
        %swap3A_2668 = arith.index_cast %select_n3A_121 : i32 to index
        %swap3A_2669 = arith.index_cast %swap3A_2667 : i32 to index
        %swap3A_2670 = arith.index_cast %scan3A_185 : i32 to index
        %swap3A_2671 = arith.constant 64 : index
        %swap3A_2672 = tpu.vector_load %arg7[%swap3A_2668, %swap3A_2669, %swap3A_2670, %swap3A_2671] {strides = array<i32>} : memref<2x50x8x128xf32, #tpu.memory_space<vmem>>, vector<16xf32>,
        tpu.vector_store %arg7[%swap3A_2668, %swap3A_2669, %swap3A_2670, %swap3A_2671], %gather3A_2626 {strides = array<i32>} : memref<2x50x8x128xf32, #tpu.memory_space<vmem>>, vector<16xf32>,
        %swap3A_2673 = arith.constant 43 : i32
        %swap3A_2674 = arith.index_cast %select_n3A_121 : i32 to index
        %swap3A_2675 = arith.index_cast %swap3A_2673 : i32 to index
        %swap3A_2676 = arith.index_cast %scan3A_185 : i32 to index
        %swap3A_2677 = arith.constant 64 : index
        %swap3A_2678 = tpu.vector_load %arg7[%swap3A_2674, %swap3A_2675, %swap3A_2676, %swap3A_2677] {strides = array<i32>} : memref<2x50x8x128xf32, #tpu.memory_space<vmem>>, vector<16xf32>,
        tpu.vector_store %arg7[%swap3A_2674, %swap3A_2675, %swap3A_2676, %swap3A_2677], %gather3A_2630 {strides = array<i32>} : memref<2x50x8x128xf32, #tpu.memory_space<vmem>>, vector<16xf32>,
        %swap3A_2679 = arith.constant 44 : i32
        %swap3A_2680 = arith.index_cast %select_n3A_121 : i32 to index
        %swap3A_2681 = arith.index_cast %swap3A_2679 : i32 to index
        %swap3A_2682 = arith.index_cast %scan3A_185 : i32 to index
        %swap3A_2683 = arith.constant 64 : index
        %swap3A_2684 = tpu.vector_load %arg7[%swap3A_2680, %swap3A_2681, %swap3A_2682, %swap3A_2683] {strides = array<i32>} : memref<2x50x8x128xf32, #tpu.memory_space<vmem>>, vector<16xf32>,
        tpu.vector_store %arg7[%swap3A_2680, %swap3A_2681, %swap3A_2682, %swap3A_2683], %gather3A_2634 {strides = array<i32>} : memref<2x50x8x128xf32, #tpu.memory_space<vmem>>, vector<16xf32>,
        %swap3A_2685 = arith.constant 45 : i32
        %swap3A_2686 = arith.index_cast %select_n3A_121 : i32 to index
        %swap3A_2687 = arith.index_cast %swap3A_2685 : i32 to index
        %swap3A_2688 = arith.index_cast %scan3A_185 : i32 to index
        %swap3A_2689 = arith.constant 64 : index
        %swap3A_2690 = tpu.vector_load %arg7[%swap3A_2686, %swap3A_2687, %swap3A_2688, %swap3A_2689] {strides = array<i32>} : memref<2x50x8x128xf32, #tpu.memory_space<vmem>>, vector<16xf32>,
        tpu.vector_store %arg7[%swap3A_2686, %swap3A_2687, %swap3A_2688, %swap3A_2689], %gather3A_2638 {strides = array<i32>} : memref<2x50x8x128xf32, #tpu.memory_space<vmem>>, vector<16xf32>,
        %swap3A_2691 = arith.constant 46 : i32
        %swap3A_2692 = arith.index_cast %select_n3A_121 : i32 to index
        %swap3A_2693 = arith.index_cast %swap3A_2691 : i32 to index
        %swap3A_2694 = arith.index_cast %scan3A_185 : i32 to index
        %swap3A_2695 = arith.constant 64 : index
        %swap3A_2696 = tpu.vector_load %arg7[%swap3A_2692, %swap3A_2693, %swap3A_2694, %swap3A_2695] {strides = array<i32>} : memref<2x50x8x128xf32, #tpu.memory_space<vmem>>, vector<16xf32>,
        tpu.vector_store %arg7[%swap3A_2692, %swap3A_2693, %swap3A_2694, %swap3A_2695], %gather3A_2642 {strides = array<i32>} : memref<2x50x8x128xf32, #tpu.memory_space<vmem>>, vector<16xf32>,
        %swap3A_2697 = arith.constant 47 : i32
        %swap3A_2698 = arith.index_cast %select_n3A_121 : i32 to index
        %swap3A_2699 = arith.index_cast %swap3A_2697 : i32 to index
        %swap3A_2700 = arith.index_cast %scan3A_185 : i32 to index
        %swap3A_2701 = arith.constant 64 : index
        %swap3A_2702 = tpu.vector_load %arg7[%swap3A_2698, %swap3A_2699, %swap3A_2700, %swap3A_2701] {strides = array<i32>} : memref<2x50x8x128xf32, #tpu.memory_space<vmem>>, vector<16xf32>,
        tpu.vector_store %arg7[%swap3A_2698, %swap3A_2699, %swap3A_2700, %swap3A_2701], %gather3A_2646 {strides = array<i32>} : memref<2x50x8x128xf32, #tpu.memory_space<vmem>>, vector<16xf32>,
        %swap3A_2703 = arith.constant 48 : i32
        %swap3A_2704 = arith.index_cast %select_n3A_121 : i32 to index
        %swap3A_2705 = arith.index_cast %swap3A_2703 : i32 to index
        %swap3A_2706 = arith.index_cast %scan3A_185 : i32 to index
        %swap3A_2707 = arith.constant 64 : index
        %swap3A_2708 = tpu.vector_load %arg7[%swap3A_2704, %swap3A_2705, %swap3A_2706, %swap3A_2707] {strides = array<i32>} : memref<2x50x8x128xf32, #tpu.memory_space<vmem>>, vector<16xf32>,
        tpu.vector_store %arg7[%swap3A_2704, %swap3A_2705, %swap3A_2706, %swap3A_2707], %gather3A_2650 {strides = array<i32>} : memref<2x50x8x128xf32, #tpu.memory_space<vmem>>, vector<16xf32>,
        %swap3A_2709 = arith.constant 49 : i32
        %swap3A_2710 = arith.index_cast %select_n3A_121 : i32 to index
        %swap3A_2711 = arith.index_cast %swap3A_2709 : i32 to index
        %swap3A_2712 = arith.index_cast %scan3A_185 : i32 to index
        %swap3A_2713 = arith.constant 64 : index
        %swap3A_2714 = tpu.vector_load %arg7[%swap3A_2710, %swap3A_2711, %swap3A_2712, %swap3A_2713] {strides = array<i32>} : memref<2x50x8x128xf32, #tpu.memory_space<vmem>>, vector<16xf32>,
        tpu.vector_store %arg7[%swap3A_2710, %swap3A_2711, %swap3A_2712, %swap3A_2713], %gather3A_2654 {strides = array<i32>} : memref<2x50x8x128xf32, #tpu.memory_space<vmem>>, vector<16xf32>,
        %add3A_2715 = arith.constant 0 : i32
        %add3A_2716 = vector.broadcast %add3A_2715 : i32 to vector<16xi32>
        %add3A_2717 = arith.addi %get3A_208, %add3A_2716 : vector<16xi32>
        %gather3A_2718 = tpu.vector_load_idx %arg5[%add3A_2717] : memref<6400xf32, #tpu.memory_space<vmem>>[vector<16xi32>], vector<16xf32>,
        %add3A_2719 = arith.constant 128 : i32
        %add3A_2720 = vector.broadcast %add3A_2719 : i32 to vector<16xi32>
        %add3A_2721 = arith.addi %get3A_208, %add3A_2720 : vector<16xi32>
        %gather3A_2722 = tpu.vector_load_idx %arg5[%add3A_2721] : memref<6400xf32, #tpu.memory_space<vmem>>[vector<16xi32>], vector<16xf32>,
        %add3A_2723 = arith.constant 256 : i32
        %add3A_2724 = vector.broadcast %add3A_2723 : i32 to vector<16xi32>
        %add3A_2725 = arith.addi %get3A_208, %add3A_2724 : vector<16xi32>
        %gather3A_2726 = tpu.vector_load_idx %arg5[%add3A_2725] : memref<6400xf32, #tpu.memory_space<vmem>>[vector<16xi32>], vector<16xf32>,
        %add3A_2727 = arith.constant 384 : i32
        %add3A_2728 = vector.broadcast %add3A_2727 : i32 to vector<16xi32>
        %add3A_2729 = arith.addi %get3A_208, %add3A_2728 : vector<16xi32>
        %gather3A_2730 = tpu.vector_load_idx %arg5[%add3A_2729] : memref<6400xf32, #tpu.memory_space<vmem>>[vector<16xi32>], vector<16xf32>,
        %add3A_2731 = arith.constant 512 : i32
        %add3A_2732 = vector.broadcast %add3A_2731 : i32 to vector<16xi32>
        %add3A_2733 = arith.addi %get3A_208, %add3A_2732 : vector<16xi32>
        %gather3A_2734 = tpu.vector_load_idx %arg5[%add3A_2733] : memref<6400xf32, #tpu.memory_space<vmem>>[vector<16xi32>], vector<16xf32>,
        %add3A_2735 = arith.constant 640 : i32
        %add3A_2736 = vector.broadcast %add3A_2735 : i32 to vector<16xi32>
        %add3A_2737 = arith.addi %get3A_208, %add3A_2736 : vector<16xi32>
        %gather3A_2738 = tpu.vector_load_idx %arg5[%add3A_2737] : memref<6400xf32, #tpu.memory_space<vmem>>[vector<16xi32>], vector<16xf32>,
        %add3A_2739 = arith.constant 768 : i32
        %add3A_2740 = vector.broadcast %add3A_2739 : i32 to vector<16xi32>
        %add3A_2741 = arith.addi %get3A_208, %add3A_2740 : vector<16xi32>
        %gather3A_2742 = tpu.vector_load_idx %arg5[%add3A_2741] : memref<6400xf32, #tpu.memory_space<vmem>>[vector<16xi32>], vector<16xf32>,
        %add3A_2743 = arith.constant 896 : i32
        %add3A_2744 = vector.broadcast %add3A_2743 : i32 to vector<16xi32>
        %add3A_2745 = arith.addi %get3A_208, %add3A_2744 : vector<16xi32>
        %gather3A_2746 = tpu.vector_load_idx %arg5[%add3A_2745] : memref<6400xf32, #tpu.memory_space<vmem>>[vector<16xi32>], vector<16xf32>,
        %add3A_2747 = arith.constant 1024 : i32
        %add3A_2748 = vector.broadcast %add3A_2747 : i32 to vector<16xi32>
        %add3A_2749 = arith.addi %get3A_208, %add3A_2748 : vector<16xi32>
        %gather3A_2750 = tpu.vector_load_idx %arg5[%add3A_2749] : memref<6400xf32, #tpu.memory_space<vmem>>[vector<16xi32>], vector<16xf32>,
        %add3A_2751 = arith.constant 1152 : i32
        %add3A_2752 = vector.broadcast %add3A_2751 : i32 to vector<16xi32>
        %add3A_2753 = arith.addi %get3A_208, %add3A_2752 : vector<16xi32>
        %gather3A_2754 = tpu.vector_load_idx %arg5[%add3A_2753] : memref<6400xf32, #tpu.memory_space<vmem>>[vector<16xi32>], vector<16xf32>,
        %swap3A_2755 = arith.constant 0 : i32
        %swap3A_2756 = arith.index_cast %select_n3A_121 : i32 to index
        %swap3A_2757 = arith.index_cast %swap3A_2755 : i32 to index
        %swap3A_2758 = arith.index_cast %scan3A_185 : i32 to index
        %swap3A_2759 = arith.constant 80 : index
        %swap3A_2760 = tpu.vector_load %arg7[%swap3A_2756, %swap3A_2757, %swap3A_2758, %swap3A_2759] {strides = array<i32>} : memref<2x50x8x128xf32, #tpu.memory_space<vmem>>, vector<16xf32>,
        tpu.vector_store %arg7[%swap3A_2756, %swap3A_2757, %swap3A_2758, %swap3A_2759], %gather3A_2718 {strides = array<i32>} : memref<2x50x8x128xf32, #tpu.memory_space<vmem>>, vector<16xf32>,
        %swap3A_2761 = arith.constant 1 : i32
        %swap3A_2762 = arith.index_cast %select_n3A_121 : i32 to index
        %swap3A_2763 = arith.index_cast %swap3A_2761 : i32 to index
        %swap3A_2764 = arith.index_cast %scan3A_185 : i32 to index
        %swap3A_2765 = arith.constant 80 : index
        %swap3A_2766 = tpu.vector_load %arg7[%swap3A_2762, %swap3A_2763, %swap3A_2764, %swap3A_2765] {strides = array<i32>} : memref<2x50x8x128xf32, #tpu.memory_space<vmem>>, vector<16xf32>,
        tpu.vector_store %arg7[%swap3A_2762, %swap3A_2763, %swap3A_2764, %swap3A_2765], %gather3A_2722 {strides = array<i32>} : memref<2x50x8x128xf32, #tpu.memory_space<vmem>>, vector<16xf32>,
        %swap3A_2767 = arith.constant 2 : i32
        %swap3A_2768 = arith.index_cast %select_n3A_121 : i32 to index
        %swap3A_2769 = arith.index_cast %swap3A_2767 : i32 to index
        %swap3A_2770 = arith.index_cast %scan3A_185 : i32 to index
        %swap3A_2771 = arith.constant 80 : index
        %swap3A_2772 = tpu.vector_load %arg7[%swap3A_2768, %swap3A_2769, %swap3A_2770, %swap3A_2771] {strides = array<i32>} : memref<2x50x8x128xf32, #tpu.memory_space<vmem>>, vector<16xf32>,
        tpu.vector_store %arg7[%swap3A_2768, %swap3A_2769, %swap3A_2770, %swap3A_2771], %gather3A_2726 {strides = array<i32>} : memref<2x50x8x128xf32, #tpu.memory_space<vmem>>, vector<16xf32>,
        %swap3A_2773 = arith.constant 3 : i32
        %swap3A_2774 = arith.index_cast %select_n3A_121 : i32 to index
        %swap3A_2775 = arith.index_cast %swap3A_2773 : i32 to index
        %swap3A_2776 = arith.index_cast %scan3A_185 : i32 to index
        %swap3A_2777 = arith.constant 80 : index
        %swap3A_2778 = tpu.vector_load %arg7[%swap3A_2774, %swap3A_2775, %swap3A_2776, %swap3A_2777] {strides = array<i32>} : memref<2x50x8x128xf32, #tpu.memory_space<vmem>>, vector<16xf32>,
        tpu.vector_store %arg7[%swap3A_2774, %swap3A_2775, %swap3A_2776, %swap3A_2777], %gather3A_2730 {strides = array<i32>} : memref<2x50x8x128xf32, #tpu.memory_space<vmem>>, vector<16xf32>,
        %swap3A_2779 = arith.constant 4 : i32
        %swap3A_2780 = arith.index_cast %select_n3A_121 : i32 to index
        %swap3A_2781 = arith.index_cast %swap3A_2779 : i32 to index
        %swap3A_2782 = arith.index_cast %scan3A_185 : i32 to index
        %swap3A_2783 = arith.constant 80 : index
        %swap3A_2784 = tpu.vector_load %arg7[%swap3A_2780, %swap3A_2781, %swap3A_2782, %swap3A_2783] {strides = array<i32>} : memref<2x50x8x128xf32, #tpu.memory_space<vmem>>, vector<16xf32>,
        tpu.vector_store %arg7[%swap3A_2780, %swap3A_2781, %swap3A_2782, %swap3A_2783], %gather3A_2734 {strides = array<i32>} : memref<2x50x8x128xf32, #tpu.memory_space<vmem>>, vector<16xf32>,
        %swap3A_2785 = arith.constant 5 : i32
        %swap3A_2786 = arith.index_cast %select_n3A_121 : i32 to index
        %swap3A_2787 = arith.index_cast %swap3A_2785 : i32 to index
        %swap3A_2788 = arith.index_cast %scan3A_185 : i32 to index
        %swap3A_2789 = arith.constant 80 : index
        %swap3A_2790 = tpu.vector_load %arg7[%swap3A_2786, %swap3A_2787, %swap3A_2788, %swap3A_2789] {strides = array<i32>} : memref<2x50x8x128xf32, #tpu.memory_space<vmem>>, vector<16xf32>,
        tpu.vector_store %arg7[%swap3A_2786, %swap3A_2787, %swap3A_2788, %swap3A_2789], %gather3A_2738 {strides = array<i32>} : memref<2x50x8x128xf32, #tpu.memory_space<vmem>>, vector<16xf32>,
        %swap3A_2791 = arith.constant 6 : i32
        %swap3A_2792 = arith.index_cast %select_n3A_121 : i32 to index
        %swap3A_2793 = arith.index_cast %swap3A_2791 : i32 to index
        %swap3A_2794 = arith.index_cast %scan3A_185 : i32 to index
        %swap3A_2795 = arith.constant 80 : index
        %swap3A_2796 = tpu.vector_load %arg7[%swap3A_2792, %swap3A_2793, %swap3A_2794, %swap3A_2795] {strides = array<i32>} : memref<2x50x8x128xf32, #tpu.memory_space<vmem>>, vector<16xf32>,
        tpu.vector_store %arg7[%swap3A_2792, %swap3A_2793, %swap3A_2794, %swap3A_2795], %gather3A_2742 {strides = array<i32>} : memref<2x50x8x128xf32, #tpu.memory_space<vmem>>, vector<16xf32>,
        %swap3A_2797 = arith.constant 7 : i32
        %swap3A_2798 = arith.index_cast %select_n3A_121 : i32 to index
        %swap3A_2799 = arith.index_cast %swap3A_2797 : i32 to index
        %swap3A_2800 = arith.index_cast %scan3A_185 : i32 to index
        %swap3A_2801 = arith.constant 80 : index
        %swap3A_2802 = tpu.vector_load %arg7[%swap3A_2798, %swap3A_2799, %swap3A_2800, %swap3A_2801] {strides = array<i32>} : memref<2x50x8x128xf32, #tpu.memory_space<vmem>>, vector<16xf32>,
        tpu.vector_store %arg7[%swap3A_2798, %swap3A_2799, %swap3A_2800, %swap3A_2801], %gather3A_2746 {strides = array<i32>} : memref<2x50x8x128xf32, #tpu.memory_space<vmem>>, vector<16xf32>,
        %swap3A_2803 = arith.constant 8 : i32
        %swap3A_2804 = arith.index_cast %select_n3A_121 : i32 to index
        %swap3A_2805 = arith.index_cast %swap3A_2803 : i32 to index
        %swap3A_2806 = arith.index_cast %scan3A_185 : i32 to index
        %swap3A_2807 = arith.constant 80 : index
        %swap3A_2808 = tpu.vector_load %arg7[%swap3A_2804, %swap3A_2805, %swap3A_2806, %swap3A_2807] {strides = array<i32>} : memref<2x50x8x128xf32, #tpu.memory_space<vmem>>, vector<16xf32>,
        tpu.vector_store %arg7[%swap3A_2804, %swap3A_2805, %swap3A_2806, %swap3A_2807], %gather3A_2750 {strides = array<i32>} : memref<2x50x8x128xf32, #tpu.memory_space<vmem>>, vector<16xf32>,
        %swap3A_2809 = arith.constant 9 : i32
        %swap3A_2810 = arith.index_cast %select_n3A_121 : i32 to index
        %swap3A_2811 = arith.index_cast %swap3A_2809 : i32 to index
        %swap3A_2812 = arith.index_cast %scan3A_185 : i32 to index
        %swap3A_2813 = arith.constant 80 : index
        %swap3A_2814 = tpu.vector_load %arg7[%swap3A_2810, %swap3A_2811, %swap3A_2812, %swap3A_2813] {strides = array<i32>} : memref<2x50x8x128xf32, #tpu.memory_space<vmem>>, vector<16xf32>,
        tpu.vector_store %arg7[%swap3A_2810, %swap3A_2811, %swap3A_2812, %swap3A_2813], %gather3A_2754 {strides = array<i32>} : memref<2x50x8x128xf32, #tpu.memory_space<vmem>>, vector<16xf32>,
        %add3A_2815 = arith.constant 1280 : i32
        %add3A_2816 = vector.broadcast %add3A_2815 : i32 to vector<16xi32>
        %add3A_2817 = arith.addi %get3A_208, %add3A_2816 : vector<16xi32>
        %gather3A_2818 = tpu.vector_load_idx %arg5[%add3A_2817] : memref<6400xf32, #tpu.memory_space<vmem>>[vector<16xi32>], vector<16xf32>,
        %add3A_2819 = arith.constant 1408 : i32
        %add3A_2820 = vector.broadcast %add3A_2819 : i32 to vector<16xi32>
        %add3A_2821 = arith.addi %get3A_208, %add3A_2820 : vector<16xi32>
        %gather3A_2822 = tpu.vector_load_idx %arg5[%add3A_2821] : memref<6400xf32, #tpu.memory_space<vmem>>[vector<16xi32>], vector<16xf32>,
        %add3A_2823 = arith.constant 1536 : i32
        %add3A_2824 = vector.broadcast %add3A_2823 : i32 to vector<16xi32>
        %add3A_2825 = arith.addi %get3A_208, %add3A_2824 : vector<16xi32>
        %gather3A_2826 = tpu.vector_load_idx %arg5[%add3A_2825] : memref<6400xf32, #tpu.memory_space<vmem>>[vector<16xi32>], vector<16xf32>,
        %add3A_2827 = arith.constant 1664 : i32
        %add3A_2828 = vector.broadcast %add3A_2827 : i32 to vector<16xi32>
        %add3A_2829 = arith.addi %get3A_208, %add3A_2828 : vector<16xi32>
        %gather3A_2830 = tpu.vector_load_idx %arg5[%add3A_2829] : memref<6400xf32, #tpu.memory_space<vmem>>[vector<16xi32>], vector<16xf32>,
        %add3A_2831 = arith.constant 1792 : i32
        %add3A_2832 = vector.broadcast %add3A_2831 : i32 to vector<16xi32>
        %add3A_2833 = arith.addi %get3A_208, %add3A_2832 : vector<16xi32>
        %gather3A_2834 = tpu.vector_load_idx %arg5[%add3A_2833] : memref<6400xf32, #tpu.memory_space<vmem>>[vector<16xi32>], vector<16xf32>,
        %add3A_2835 = arith.constant 1920 : i32
        %add3A_2836 = vector.broadcast %add3A_2835 : i32 to vector<16xi32>
        %add3A_2837 = arith.addi %get3A_208, %add3A_2836 : vector<16xi32>
        %gather3A_2838 = tpu.vector_load_idx %arg5[%add3A_2837] : memref<6400xf32, #tpu.memory_space<vmem>>[vector<16xi32>], vector<16xf32>,
        %add3A_2839 = arith.constant 2048 : i32
        %add3A_2840 = vector.broadcast %add3A_2839 : i32 to vector<16xi32>
        %add3A_2841 = arith.addi %get3A_208, %add3A_2840 : vector<16xi32>
        %gather3A_2842 = tpu.vector_load_idx %arg5[%add3A_2841] : memref<6400xf32, #tpu.memory_space<vmem>>[vector<16xi32>], vector<16xf32>,
        %add3A_2843 = arith.constant 2176 : i32
        %add3A_2844 = vector.broadcast %add3A_2843 : i32 to vector<16xi32>
        %add3A_2845 = arith.addi %get3A_208, %add3A_2844 : vector<16xi32>
        %gather3A_2846 = tpu.vector_load_idx %arg5[%add3A_2845] : memref<6400xf32, #tpu.memory_space<vmem>>[vector<16xi32>], vector<16xf32>,
        %add3A_2847 = arith.constant 2304 : i32
        %add3A_2848 = vector.broadcast %add3A_2847 : i32 to vector<16xi32>
        %add3A_2849 = arith.addi %get3A_208, %add3A_2848 : vector<16xi32>
        %gather3A_2850 = tpu.vector_load_idx %arg5[%add3A_2849] : memref<6400xf32, #tpu.memory_space<vmem>>[vector<16xi32>], vector<16xf32>,
        %add3A_2851 = arith.constant 2432 : i32
        %add3A_2852 = vector.broadcast %add3A_2851 : i32 to vector<16xi32>
        %add3A_2853 = arith.addi %get3A_208, %add3A_2852 : vector<16xi32>
        %gather3A_2854 = tpu.vector_load_idx %arg5[%add3A_2853] : memref<6400xf32, #tpu.memory_space<vmem>>[vector<16xi32>], vector<16xf32>,
        %swap3A_2855 = arith.constant 10 : i32
        %swap3A_2856 = arith.index_cast %select_n3A_121 : i32 to index
        %swap3A_2857 = arith.index_cast %swap3A_2855 : i32 to index
        %swap3A_2858 = arith.index_cast %scan3A_185 : i32 to index
        %swap3A_2859 = arith.constant 80 : index
        %swap3A_2860 = tpu.vector_load %arg7[%swap3A_2856, %swap3A_2857, %swap3A_2858, %swap3A_2859] {strides = array<i32>} : memref<2x50x8x128xf32, #tpu.memory_space<vmem>>, vector<16xf32>,
        tpu.vector_store %arg7[%swap3A_2856, %swap3A_2857, %swap3A_2858, %swap3A_2859], %gather3A_2818 {strides = array<i32>} : memref<2x50x8x128xf32, #tpu.memory_space<vmem>>, vector<16xf32>,
        %swap3A_2861 = arith.constant 11 : i32
        %swap3A_2862 = arith.index_cast %select_n3A_121 : i32 to index
        %swap3A_2863 = arith.index_cast %swap3A_2861 : i32 to index
        %swap3A_2864 = arith.index_cast %scan3A_185 : i32 to index
        %swap3A_2865 = arith.constant 80 : index
        %swap3A_2866 = tpu.vector_load %arg7[%swap3A_2862, %swap3A_2863, %swap3A_2864, %swap3A_2865] {strides = array<i32>} : memref<2x50x8x128xf32, #tpu.memory_space<vmem>>, vector<16xf32>,
        tpu.vector_store %arg7[%swap3A_2862, %swap3A_2863, %swap3A_2864, %swap3A_2865], %gather3A_2822 {strides = array<i32>} : memref<2x50x8x128xf32, #tpu.memory_space<vmem>>, vector<16xf32>,
        %swap3A_2867 = arith.constant 12 : i32
        %swap3A_2868 = arith.index_cast %select_n3A_121 : i32 to index
        %swap3A_2869 = arith.index_cast %swap3A_2867 : i32 to index
        %swap3A_2870 = arith.index_cast %scan3A_185 : i32 to index
        %swap3A_2871 = arith.constant 80 : index
        %swap3A_2872 = tpu.vector_load %arg7[%swap3A_2868, %swap3A_2869, %swap3A_2870, %swap3A_2871] {strides = array<i32>} : memref<2x50x8x128xf32, #tpu.memory_space<vmem>>, vector<16xf32>,
        tpu.vector_store %arg7[%swap3A_2868, %swap3A_2869, %swap3A_2870, %swap3A_2871], %gather3A_2826 {strides = array<i32>} : memref<2x50x8x128xf32, #tpu.memory_space<vmem>>, vector<16xf32>,
        %swap3A_2873 = arith.constant 13 : i32
        %swap3A_2874 = arith.index_cast %select_n3A_121 : i32 to index
        %swap3A_2875 = arith.index_cast %swap3A_2873 : i32 to index
        %swap3A_2876 = arith.index_cast %scan3A_185 : i32 to index
        %swap3A_2877 = arith.constant 80 : index
        %swap3A_2878 = tpu.vector_load %arg7[%swap3A_2874, %swap3A_2875, %swap3A_2876, %swap3A_2877] {strides = array<i32>} : memref<2x50x8x128xf32, #tpu.memory_space<vmem>>, vector<16xf32>,
        tpu.vector_store %arg7[%swap3A_2874, %swap3A_2875, %swap3A_2876, %swap3A_2877], %gather3A_2830 {strides = array<i32>} : memref<2x50x8x128xf32, #tpu.memory_space<vmem>>, vector<16xf32>,
        %swap3A_2879 = arith.constant 14 : i32
        %swap3A_2880 = arith.index_cast %select_n3A_121 : i32 to index
        %swap3A_2881 = arith.index_cast %swap3A_2879 : i32 to index
        %swap3A_2882 = arith.index_cast %scan3A_185 : i32 to index
        %swap3A_2883 = arith.constant 80 : index
        %swap3A_2884 = tpu.vector_load %arg7[%swap3A_2880, %swap3A_2881, %swap3A_2882, %swap3A_2883] {strides = array<i32>} : memref<2x50x8x128xf32, #tpu.memory_space<vmem>>, vector<16xf32>,
        tpu.vector_store %arg7[%swap3A_2880, %swap3A_2881, %swap3A_2882, %swap3A_2883], %gather3A_2834 {strides = array<i32>} : memref<2x50x8x128xf32, #tpu.memory_space<vmem>>, vector<16xf32>,
        %swap3A_2885 = arith.constant 15 : i32
        %swap3A_2886 = arith.index_cast %select_n3A_121 : i32 to index
        %swap3A_2887 = arith.index_cast %swap3A_2885 : i32 to index
        %swap3A_2888 = arith.index_cast %scan3A_185 : i32 to index
        %swap3A_2889 = arith.constant 80 : index
        %swap3A_2890 = tpu.vector_load %arg7[%swap3A_2886, %swap3A_2887, %swap3A_2888, %swap3A_2889] {strides = array<i32>} : memref<2x50x8x128xf32, #tpu.memory_space<vmem>>, vector<16xf32>,
        tpu.vector_store %arg7[%swap3A_2886, %swap3A_2887, %swap3A_2888, %swap3A_2889], %gather3A_2838 {strides = array<i32>} : memref<2x50x8x128xf32, #tpu.memory_space<vmem>>, vector<16xf32>,
        %swap3A_2891 = arith.constant 16 : i32
        %swap3A_2892 = arith.index_cast %select_n3A_121 : i32 to index
        %swap3A_2893 = arith.index_cast %swap3A_2891 : i32 to index
        %swap3A_2894 = arith.index_cast %scan3A_185 : i32 to index
        %swap3A_2895 = arith.constant 80 : index
        %swap3A_2896 = tpu.vector_load %arg7[%swap3A_2892, %swap3A_2893, %swap3A_2894, %swap3A_2895] {strides = array<i32>} : memref<2x50x8x128xf32, #tpu.memory_space<vmem>>, vector<16xf32>,
        tpu.vector_store %arg7[%swap3A_2892, %swap3A_2893, %swap3A_2894, %swap3A_2895], %gather3A_2842 {strides = array<i32>} : memref<2x50x8x128xf32, #tpu.memory_space<vmem>>, vector<16xf32>,
        %swap3A_2897 = arith.constant 17 : i32
        %swap3A_2898 = arith.index_cast %select_n3A_121 : i32 to index
        %swap3A_2899 = arith.index_cast %swap3A_2897 : i32 to index
        %swap3A_2900 = arith.index_cast %scan3A_185 : i32 to index
        %swap3A_2901 = arith.constant 80 : index
        %swap3A_2902 = tpu.vector_load %arg7[%swap3A_2898, %swap3A_2899, %swap3A_2900, %swap3A_2901] {strides = array<i32>} : memref<2x50x8x128xf32, #tpu.memory_space<vmem>>, vector<16xf32>,
        tpu.vector_store %arg7[%swap3A_2898, %swap3A_2899, %swap3A_2900, %swap3A_2901], %gather3A_2846 {strides = array<i32>} : memref<2x50x8x128xf32, #tpu.memory_space<vmem>>, vector<16xf32>,
        %swap3A_2903 = arith.constant 18 : i32
        %swap3A_2904 = arith.index_cast %select_n3A_121 : i32 to index
        %swap3A_2905 = arith.index_cast %swap3A_2903 : i32 to index
        %swap3A_2906 = arith.index_cast %scan3A_185 : i32 to index
        %swap3A_2907 = arith.constant 80 : index
        %swap3A_2908 = tpu.vector_load %arg7[%swap3A_2904, %swap3A_2905, %swap3A_2906, %swap3A_2907] {strides = array<i32>} : memref<2x50x8x128xf32, #tpu.memory_space<vmem>>, vector<16xf32>,
        tpu.vector_store %arg7[%swap3A_2904, %swap3A_2905, %swap3A_2906, %swap3A_2907], %gather3A_2850 {strides = array<i32>} : memref<2x50x8x128xf32, #tpu.memory_space<vmem>>, vector<16xf32>,
        %swap3A_2909 = arith.constant 19 : i32
        %swap3A_2910 = arith.index_cast %select_n3A_121 : i32 to index
        %swap3A_2911 = arith.index_cast %swap3A_2909 : i32 to index
        %swap3A_2912 = arith.index_cast %scan3A_185 : i32 to index
        %swap3A_2913 = arith.constant 80 : index
        %swap3A_2914 = tpu.vector_load %arg7[%swap3A_2910, %swap3A_2911, %swap3A_2912, %swap3A_2913] {strides = array<i32>} : memref<2x50x8x128xf32, #tpu.memory_space<vmem>>, vector<16xf32>,
        tpu.vector_store %arg7[%swap3A_2910, %swap3A_2911, %swap3A_2912, %swap3A_2913], %gather3A_2854 {strides = array<i32>} : memref<2x50x8x128xf32, #tpu.memory_space<vmem>>, vector<16xf32>,
        %add3A_2915 = arith.constant 2560 : i32
        %add3A_2916 = vector.broadcast %add3A_2915 : i32 to vector<16xi32>
        %add3A_2917 = arith.addi %get3A_208, %add3A_2916 : vector<16xi32>
        %gather3A_2918 = tpu.vector_load_idx %arg5[%add3A_2917] : memref<6400xf32, #tpu.memory_space<vmem>>[vector<16xi32>], vector<16xf32>,
        %add3A_2919 = arith.constant 2688 : i32
        %add3A_2920 = vector.broadcast %add3A_2919 : i32 to vector<16xi32>
        %add3A_2921 = arith.addi %get3A_208, %add3A_2920 : vector<16xi32>
        %gather3A_2922 = tpu.vector_load_idx %arg5[%add3A_2921] : memref<6400xf32, #tpu.memory_space<vmem>>[vector<16xi32>], vector<16xf32>,
        %add3A_2923 = arith.constant 2816 : i32
        %add3A_2924 = vector.broadcast %add3A_2923 : i32 to vector<16xi32>
        %add3A_2925 = arith.addi %get3A_208, %add3A_2924 : vector<16xi32>
        %gather3A_2926 = tpu.vector_load_idx %arg5[%add3A_2925] : memref<6400xf32, #tpu.memory_space<vmem>>[vector<16xi32>], vector<16xf32>,
        %add3A_2927 = arith.constant 2944 : i32
        %add3A_2928 = vector.broadcast %add3A_2927 : i32 to vector<16xi32>
        %add3A_2929 = arith.addi %get3A_208, %add3A_2928 : vector<16xi32>
        %gather3A_2930 = tpu.vector_load_idx %arg5[%add3A_2929] : memref<6400xf32, #tpu.memory_space<vmem>>[vector<16xi32>], vector<16xf32>,
        %add3A_2931 = arith.constant 3072 : i32
        %add3A_2932 = vector.broadcast %add3A_2931 : i32 to vector<16xi32>
        %add3A_2933 = arith.addi %get3A_208, %add3A_2932 : vector<16xi32>
        %gather3A_2934 = tpu.vector_load_idx %arg5[%add3A_2933] : memref<6400xf32, #tpu.memory_space<vmem>>[vector<16xi32>], vector<16xf32>,
        %add3A_2935 = arith.constant 3200 : i32
        %add3A_2936 = vector.broadcast %add3A_2935 : i32 to vector<16xi32>
        %add3A_2937 = arith.addi %get3A_208, %add3A_2936 : vector<16xi32>
        %gather3A_2938 = tpu.vector_load_idx %arg5[%add3A_2937] : memref<6400xf32, #tpu.memory_space<vmem>>[vector<16xi32>], vector<16xf32>,
        %add3A_2939 = arith.constant 3328 : i32
        %add3A_2940 = vector.broadcast %add3A_2939 : i32 to vector<16xi32>
        %add3A_2941 = arith.addi %get3A_208, %add3A_2940 : vector<16xi32>
        %gather3A_2942 = tpu.vector_load_idx %arg5[%add3A_2941] : memref<6400xf32, #tpu.memory_space<vmem>>[vector<16xi32>], vector<16xf32>,
        %add3A_2943 = arith.constant 3456 : i32
        %add3A_2944 = vector.broadcast %add3A_2943 : i32 to vector<16xi32>
        %add3A_2945 = arith.addi %get3A_208, %add3A_2944 : vector<16xi32>
        %gather3A_2946 = tpu.vector_load_idx %arg5[%add3A_2945] : memref<6400xf32, #tpu.memory_space<vmem>>[vector<16xi32>], vector<16xf32>,
        %add3A_2947 = arith.constant 3584 : i32
        %add3A_2948 = vector.broadcast %add3A_2947 : i32 to vector<16xi32>
        %add3A_2949 = arith.addi %get3A_208, %add3A_2948 : vector<16xi32>
        %gather3A_2950 = tpu.vector_load_idx %arg5[%add3A_2949] : memref<6400xf32, #tpu.memory_space<vmem>>[vector<16xi32>], vector<16xf32>,
        %add3A_2951 = arith.constant 3712 : i32
        %add3A_2952 = vector.broadcast %add3A_2951 : i32 to vector<16xi32>
        %add3A_2953 = arith.addi %get3A_208, %add3A_2952 : vector<16xi32>
        %gather3A_2954 = tpu.vector_load_idx %arg5[%add3A_2953] : memref<6400xf32, #tpu.memory_space<vmem>>[vector<16xi32>], vector<16xf32>,
        %swap3A_2955 = arith.constant 20 : i32
        %swap3A_2956 = arith.index_cast %select_n3A_121 : i32 to index
        %swap3A_2957 = arith.index_cast %swap3A_2955 : i32 to index
        %swap3A_2958 = arith.index_cast %scan3A_185 : i32 to index
        %swap3A_2959 = arith.constant 80 : index
        %swap3A_2960 = tpu.vector_load %arg7[%swap3A_2956, %swap3A_2957, %swap3A_2958, %swap3A_2959] {strides = array<i32>} : memref<2x50x8x128xf32, #tpu.memory_space<vmem>>, vector<16xf32>,
        tpu.vector_store %arg7[%swap3A_2956, %swap3A_2957, %swap3A_2958, %swap3A_2959], %gather3A_2918 {strides = array<i32>} : memref<2x50x8x128xf32, #tpu.memory_space<vmem>>, vector<16xf32>,
        %swap3A_2961 = arith.constant 21 : i32
        %swap3A_2962 = arith.index_cast %select_n3A_121 : i32 to index
        %swap3A_2963 = arith.index_cast %swap3A_2961 : i32 to index
        %swap3A_2964 = arith.index_cast %scan3A_185 : i32 to index
        %swap3A_2965 = arith.constant 80 : index
        %swap3A_2966 = tpu.vector_load %arg7[%swap3A_2962, %swap3A_2963, %swap3A_2964, %swap3A_2965] {strides = array<i32>} : memref<2x50x8x128xf32, #tpu.memory_space<vmem>>, vector<16xf32>,
        tpu.vector_store %arg7[%swap3A_2962, %swap3A_2963, %swap3A_2964, %swap3A_2965], %gather3A_2922 {strides = array<i32>} : memref<2x50x8x128xf32, #tpu.memory_space<vmem>>, vector<16xf32>,
        %swap3A_2967 = arith.constant 22 : i32
        %swap3A_2968 = arith.index_cast %select_n3A_121 : i32 to index
        %swap3A_2969 = arith.index_cast %swap3A_2967 : i32 to index
        %swap3A_2970 = arith.index_cast %scan3A_185 : i32 to index
        %swap3A_2971 = arith.constant 80 : index
        %swap3A_2972 = tpu.vector_load %arg7[%swap3A_2968, %swap3A_2969, %swap3A_2970, %swap3A_2971] {strides = array<i32>} : memref<2x50x8x128xf32, #tpu.memory_space<vmem>>, vector<16xf32>,
        tpu.vector_store %arg7[%swap3A_2968, %swap3A_2969, %swap3A_2970, %swap3A_2971], %gather3A_2926 {strides = array<i32>} : memref<2x50x8x128xf32, #tpu.memory_space<vmem>>, vector<16xf32>,
        %swap3A_2973 = arith.constant 23 : i32
        %swap3A_2974 = arith.index_cast %select_n3A_121 : i32 to index
        %swap3A_2975 = arith.index_cast %swap3A_2973 : i32 to index
        %swap3A_2976 = arith.index_cast %scan3A_185 : i32 to index
        %swap3A_2977 = arith.constant 80 : index
        %swap3A_2978 = tpu.vector_load %arg7[%swap3A_2974, %swap3A_2975, %swap3A_2976, %swap3A_2977] {strides = array<i32>} : memref<2x50x8x128xf32, #tpu.memory_space<vmem>>, vector<16xf32>,
        tpu.vector_store %arg7[%swap3A_2974, %swap3A_2975, %swap3A_2976, %swap3A_2977], %gather3A_2930 {strides = array<i32>} : memref<2x50x8x128xf32, #tpu.memory_space<vmem>>, vector<16xf32>,
        %swap3A_2979 = arith.constant 24 : i32
        %swap3A_2980 = arith.index_cast %select_n3A_121 : i32 to index
        %swap3A_2981 = arith.index_cast %swap3A_2979 : i32 to index
        %swap3A_2982 = arith.index_cast %scan3A_185 : i32 to index
        %swap3A_2983 = arith.constant 80 : index
        %swap3A_2984 = tpu.vector_load %arg7[%swap3A_2980, %swap3A_2981, %swap3A_2982, %swap3A_2983] {strides = array<i32>} : memref<2x50x8x128xf32, #tpu.memory_space<vmem>>, vector<16xf32>,
        tpu.vector_store %arg7[%swap3A_2980, %swap3A_2981, %swap3A_2982, %swap3A_2983], %gather3A_2934 {strides = array<i32>} : memref<2x50x8x128xf32, #tpu.memory_space<vmem>>, vector<16xf32>,
        %swap3A_2985 = arith.constant 25 : i32
        %swap3A_2986 = arith.index_cast %select_n3A_121 : i32 to index
        %swap3A_2987 = arith.index_cast %swap3A_2985 : i32 to index
        %swap3A_2988 = arith.index_cast %scan3A_185 : i32 to index
        %swap3A_2989 = arith.constant 80 : index
        %swap3A_2990 = tpu.vector_load %arg7[%swap3A_2986, %swap3A_2987, %swap3A_2988, %swap3A_2989] {strides = array<i32>} : memref<2x50x8x128xf32, #tpu.memory_space<vmem>>, vector<16xf32>,
        tpu.vector_store %arg7[%swap3A_2986, %swap3A_2987, %swap3A_2988, %swap3A_2989], %gather3A_2938 {strides = array<i32>} : memref<2x50x8x128xf32, #tpu.memory_space<vmem>>, vector<16xf32>,
        %swap3A_2991 = arith.constant 26 : i32
        %swap3A_2992 = arith.index_cast %select_n3A_121 : i32 to index
        %swap3A_2993 = arith.index_cast %swap3A_2991 : i32 to index
        %swap3A_2994 = arith.index_cast %scan3A_185 : i32 to index
        %swap3A_2995 = arith.constant 80 : index
        %swap3A_2996 = tpu.vector_load %arg7[%swap3A_2992, %swap3A_2993, %swap3A_2994, %swap3A_2995] {strides = array<i32>} : memref<2x50x8x128xf32, #tpu.memory_space<vmem>>, vector<16xf32>,
        tpu.vector_store %arg7[%swap3A_2992, %swap3A_2993, %swap3A_2994, %swap3A_2995], %gather3A_2942 {strides = array<i32>} : memref<2x50x8x128xf32, #tpu.memory_space<vmem>>, vector<16xf32>,
        %swap3A_2997 = arith.constant 27 : i32
        %swap3A_2998 = arith.index_cast %select_n3A_121 : i32 to index
        %swap3A_2999 = arith.index_cast %swap3A_2997 : i32 to index
        %swap3A_3000 = arith.index_cast %scan3A_185 : i32 to index
        %swap3A_3001 = arith.constant 80 : index
        %swap3A_3002 = tpu.vector_load %arg7[%swap3A_2998, %swap3A_2999, %swap3A_3000, %swap3A_3001] {strides = array<i32>} : memref<2x50x8x128xf32, #tpu.memory_space<vmem>>, vector<16xf32>,
        tpu.vector_store %arg7[%swap3A_2998, %swap3A_2999, %swap3A_3000, %swap3A_3001], %gather3A_2946 {strides = array<i32>} : memref<2x50x8x128xf32, #tpu.memory_space<vmem>>, vector<16xf32>,
        %swap3A_3003 = arith.constant 28 : i32
        %swap3A_3004 = arith.index_cast %select_n3A_121 : i32 to index
        %swap3A_3005 = arith.index_cast %swap3A_3003 : i32 to index
        %swap3A_3006 = arith.index_cast %scan3A_185 : i32 to index
        %swap3A_3007 = arith.constant 80 : index
        %swap3A_3008 = tpu.vector_load %arg7[%swap3A_3004, %swap3A_3005, %swap3A_3006, %swap3A_3007] {strides = array<i32>} : memref<2x50x8x128xf32, #tpu.memory_space<vmem>>, vector<16xf32>,
        tpu.vector_store %arg7[%swap3A_3004, %swap3A_3005, %swap3A_3006, %swap3A_3007], %gather3A_2950 {strides = array<i32>} : memref<2x50x8x128xf32, #tpu.memory_space<vmem>>, vector<16xf32>,
        %swap3A_3009 = arith.constant 29 : i32
        %swap3A_3010 = arith.index_cast %select_n3A_121 : i32 to index
        %swap3A_3011 = arith.index_cast %swap3A_3009 : i32 to index
        %swap3A_3012 = arith.index_cast %scan3A_185 : i32 to index
        %swap3A_3013 = arith.constant 80 : index
        %swap3A_3014 = tpu.vector_load %arg7[%swap3A_3010, %swap3A_3011, %swap3A_3012, %swap3A_3013] {strides = array<i32>} : memref<2x50x8x128xf32, #tpu.memory_space<vmem>>, vector<16xf32>,
        tpu.vector_store %arg7[%swap3A_3010, %swap3A_3011, %swap3A_3012, %swap3A_3013], %gather3A_2954 {strides = array<i32>} : memref<2x50x8x128xf32, #tpu.memory_space<vmem>>, vector<16xf32>,
        %add3A_3015 = arith.constant 3840 : i32
        %add3A_3016 = vector.broadcast %add3A_3015 : i32 to vector<16xi32>
        %add3A_3017 = arith.addi %get3A_208, %add3A_3016 : vector<16xi32>
        %gather3A_3018 = tpu.vector_load_idx %arg5[%add3A_3017] : memref<6400xf32, #tpu.memory_space<vmem>>[vector<16xi32>], vector<16xf32>,
        %add3A_3019 = arith.constant 3968 : i32
        %add3A_3020 = vector.broadcast %add3A_3019 : i32 to vector<16xi32>
        %add3A_3021 = arith.addi %get3A_208, %add3A_3020 : vector<16xi32>
        %gather3A_3022 = tpu.vector_load_idx %arg5[%add3A_3021] : memref<6400xf32, #tpu.memory_space<vmem>>[vector<16xi32>], vector<16xf32>,
        %add3A_3023 = arith.constant 4096 : i32
        %add3A_3024 = vector.broadcast %add3A_3023 : i32 to vector<16xi32>
        %add3A_3025 = arith.addi %get3A_208, %add3A_3024 : vector<16xi32>
        %gather3A_3026 = tpu.vector_load_idx %arg5[%add3A_3025] : memref<6400xf32, #tpu.memory_space<vmem>>[vector<16xi32>], vector<16xf32>,
        %add3A_3027 = arith.constant 4224 : i32
        %add3A_3028 = vector.broadcast %add3A_3027 : i32 to vector<16xi32>
        %add3A_3029 = arith.addi %get3A_208, %add3A_3028 : vector<16xi32>
        %gather3A_3030 = tpu.vector_load_idx %arg5[%add3A_3029] : memref<6400xf32, #tpu.memory_space<vmem>>[vector<16xi32>], vector<16xf32>,
        %add3A_3031 = arith.constant 4352 : i32
        %add3A_3032 = vector.broadcast %add3A_3031 : i32 to vector<16xi32>
        %add3A_3033 = arith.addi %get3A_208, %add3A_3032 : vector<16xi32>
        %gather3A_3034 = tpu.vector_load_idx %arg5[%add3A_3033] : memref<6400xf32, #tpu.memory_space<vmem>>[vector<16xi32>], vector<16xf32>,
        %add3A_3035 = arith.constant 4480 : i32
        %add3A_3036 = vector.broadcast %add3A_3035 : i32 to vector<16xi32>
        %add3A_3037 = arith.addi %get3A_208, %add3A_3036 : vector<16xi32>
        %gather3A_3038 = tpu.vector_load_idx %arg5[%add3A_3037] : memref<6400xf32, #tpu.memory_space<vmem>>[vector<16xi32>], vector<16xf32>,
        %add3A_3039 = arith.constant 4608 : i32
        %add3A_3040 = vector.broadcast %add3A_3039 : i32 to vector<16xi32>
        %add3A_3041 = arith.addi %get3A_208, %add3A_3040 : vector<16xi32>
        %gather3A_3042 = tpu.vector_load_idx %arg5[%add3A_3041] : memref<6400xf32, #tpu.memory_space<vmem>>[vector<16xi32>], vector<16xf32>,
        %add3A_3043 = arith.constant 4736 : i32
        %add3A_3044 = vector.broadcast %add3A_3043 : i32 to vector<16xi32>
        %add3A_3045 = arith.addi %get3A_208, %add3A_3044 : vector<16xi32>
        %gather3A_3046 = tpu.vector_load_idx %arg5[%add3A_3045] : memref<6400xf32, #tpu.memory_space<vmem>>[vector<16xi32>], vector<16xf32>,
        %add3A_3047 = arith.constant 4864 : i32
        %add3A_3048 = vector.broadcast %add3A_3047 : i32 to vector<16xi32>
        %add3A_3049 = arith.addi %get3A_208, %add3A_3048 : vector<16xi32>
        %gather3A_3050 = tpu.vector_load_idx %arg5[%add3A_3049] : memref<6400xf32, #tpu.memory_space<vmem>>[vector<16xi32>], vector<16xf32>,
        %add3A_3051 = arith.constant 4992 : i32
        %add3A_3052 = vector.broadcast %add3A_3051 : i32 to vector<16xi32>
        %add3A_3053 = arith.addi %get3A_208, %add3A_3052 : vector<16xi32>
        %gather3A_3054 = tpu.vector_load_idx %arg5[%add3A_3053] : memref<6400xf32, #tpu.memory_space<vmem>>[vector<16xi32>], vector<16xf32>,
        %swap3A_3055 = arith.constant 30 : i32
        %swap3A_3056 = arith.index_cast %select_n3A_121 : i32 to index
        %swap3A_3057 = arith.index_cast %swap3A_3055 : i32 to index
        %swap3A_3058 = arith.index_cast %scan3A_185 : i32 to index
        %swap3A_3059 = arith.constant 80 : index
        %swap3A_3060 = tpu.vector_load %arg7[%swap3A_3056, %swap3A_3057, %swap3A_3058, %swap3A_3059] {strides = array<i32>} : memref<2x50x8x128xf32, #tpu.memory_space<vmem>>, vector<16xf32>,
        tpu.vector_store %arg7[%swap3A_3056, %swap3A_3057, %swap3A_3058, %swap3A_3059], %gather3A_3018 {strides = array<i32>} : memref<2x50x8x128xf32, #tpu.memory_space<vmem>>, vector<16xf32>,
        %swap3A_3061 = arith.constant 31 : i32
        %swap3A_3062 = arith.index_cast %select_n3A_121 : i32 to index
        %swap3A_3063 = arith.index_cast %swap3A_3061 : i32 to index
        %swap3A_3064 = arith.index_cast %scan3A_185 : i32 to index
        %swap3A_3065 = arith.constant 80 : index
        %swap3A_3066 = tpu.vector_load %arg7[%swap3A_3062, %swap3A_3063, %swap3A_3064, %swap3A_3065] {strides = array<i32>} : memref<2x50x8x128xf32, #tpu.memory_space<vmem>>, vector<16xf32>,
        tpu.vector_store %arg7[%swap3A_3062, %swap3A_3063, %swap3A_3064, %swap3A_3065], %gather3A_3022 {strides = array<i32>} : memref<2x50x8x128xf32, #tpu.memory_space<vmem>>, vector<16xf32>,
        %swap3A_3067 = arith.constant 32 : i32
        %swap3A_3068 = arith.index_cast %select_n3A_121 : i32 to index
        %swap3A_3069 = arith.index_cast %swap3A_3067 : i32 to index
        %swap3A_3070 = arith.index_cast %scan3A_185 : i32 to index
        %swap3A_3071 = arith.constant 80 : index
        %swap3A_3072 = tpu.vector_load %arg7[%swap3A_3068, %swap3A_3069, %swap3A_3070, %swap3A_3071] {strides = array<i32>} : memref<2x50x8x128xf32, #tpu.memory_space<vmem>>, vector<16xf32>,
        tpu.vector_store %arg7[%swap3A_3068, %swap3A_3069, %swap3A_3070, %swap3A_3071], %gather3A_3026 {strides = array<i32>} : memref<2x50x8x128xf32, #tpu.memory_space<vmem>>, vector<16xf32>,
        %swap3A_3073 = arith.constant 33 : i32
        %swap3A_3074 = arith.index_cast %select_n3A_121 : i32 to index
        %swap3A_3075 = arith.index_cast %swap3A_3073 : i32 to index
        %swap3A_3076 = arith.index_cast %scan3A_185 : i32 to index
        %swap3A_3077 = arith.constant 80 : index
        %swap3A_3078 = tpu.vector_load %arg7[%swap3A_3074, %swap3A_3075, %swap3A_3076, %swap3A_3077] {strides = array<i32>} : memref<2x50x8x128xf32, #tpu.memory_space<vmem>>, vector<16xf32>,
        tpu.vector_store %arg7[%swap3A_3074, %swap3A_3075, %swap3A_3076, %swap3A_3077], %gather3A_3030 {strides = array<i32>} : memref<2x50x8x128xf32, #tpu.memory_space<vmem>>, vector<16xf32>,
        %swap3A_3079 = arith.constant 34 : i32
        %swap3A_3080 = arith.index_cast %select_n3A_121 : i32 to index
        %swap3A_3081 = arith.index_cast %swap3A_3079 : i32 to index
        %swap3A_3082 = arith.index_cast %scan3A_185 : i32 to index
        %swap3A_3083 = arith.constant 80 : index
        %swap3A_3084 = tpu.vector_load %arg7[%swap3A_3080, %swap3A_3081, %swap3A_3082, %swap3A_3083] {strides = array<i32>} : memref<2x50x8x128xf32, #tpu.memory_space<vmem>>, vector<16xf32>,
        tpu.vector_store %arg7[%swap3A_3080, %swap3A_3081, %swap3A_3082, %swap3A_3083], %gather3A_3034 {strides = array<i32>} : memref<2x50x8x128xf32, #tpu.memory_space<vmem>>, vector<16xf32>,
        %swap3A_3085 = arith.constant 35 : i32
        %swap3A_3086 = arith.index_cast %select_n3A_121 : i32 to index
        %swap3A_3087 = arith.index_cast %swap3A_3085 : i32 to index
        %swap3A_3088 = arith.index_cast %scan3A_185 : i32 to index
        %swap3A_3089 = arith.constant 80 : index
        %swap3A_3090 = tpu.vector_load %arg7[%swap3A_3086, %swap3A_3087, %swap3A_3088, %swap3A_3089] {strides = array<i32>} : memref<2x50x8x128xf32, #tpu.memory_space<vmem>>, vector<16xf32>,
        tpu.vector_store %arg7[%swap3A_3086, %swap3A_3087, %swap3A_3088, %swap3A_3089], %gather3A_3038 {strides = array<i32>} : memref<2x50x8x128xf32, #tpu.memory_space<vmem>>, vector<16xf32>,
        %swap3A_3091 = arith.constant 36 : i32
        %swap3A_3092 = arith.index_cast %select_n3A_121 : i32 to index
        %swap3A_3093 = arith.index_cast %swap3A_3091 : i32 to index
        %swap3A_3094 = arith.index_cast %scan3A_185 : i32 to index
        %swap3A_3095 = arith.constant 80 : index
        %swap3A_3096 = tpu.vector_load %arg7[%swap3A_3092, %swap3A_3093, %swap3A_3094, %swap3A_3095] {strides = array<i32>} : memref<2x50x8x128xf32, #tpu.memory_space<vmem>>, vector<16xf32>,
        tpu.vector_store %arg7[%swap3A_3092, %swap3A_3093, %swap3A_3094, %swap3A_3095], %gather3A_3042 {strides = array<i32>} : memref<2x50x8x128xf32, #tpu.memory_space<vmem>>, vector<16xf32>,
        %swap3A_3097 = arith.constant 37 : i32
        %swap3A_3098 = arith.index_cast %select_n3A_121 : i32 to index
        %swap3A_3099 = arith.index_cast %swap3A_3097 : i32 to index
        %swap3A_3100 = arith.index_cast %scan3A_185 : i32 to index
        %swap3A_3101 = arith.constant 80 : index
        %swap3A_3102 = tpu.vector_load %arg7[%swap3A_3098, %swap3A_3099, %swap3A_3100, %swap3A_3101] {strides = array<i32>} : memref<2x50x8x128xf32, #tpu.memory_space<vmem>>, vector<16xf32>,
        tpu.vector_store %arg7[%swap3A_3098, %swap3A_3099, %swap3A_3100, %swap3A_3101], %gather3A_3046 {strides = array<i32>} : memref<2x50x8x128xf32, #tpu.memory_space<vmem>>, vector<16xf32>,
        %swap3A_3103 = arith.constant 38 : i32
        %swap3A_3104 = arith.index_cast %select_n3A_121 : i32 to index
        %swap3A_3105 = arith.index_cast %swap3A_3103 : i32 to index
        %swap3A_3106 = arith.index_cast %scan3A_185 : i32 to index
        %swap3A_3107 = arith.constant 80 : index
        %swap3A_3108 = tpu.vector_load %arg7[%swap3A_3104, %swap3A_3105, %swap3A_3106, %swap3A_3107] {strides = array<i32>} : memref<2x50x8x128xf32, #tpu.memory_space<vmem>>, vector<16xf32>,
        tpu.vector_store %arg7[%swap3A_3104, %swap3A_3105, %swap3A_3106, %swap3A_3107], %gather3A_3050 {strides = array<i32>} : memref<2x50x8x128xf32, #tpu.memory_space<vmem>>, vector<16xf32>,
        %swap3A_3109 = arith.constant 39 : i32
        %swap3A_3110 = arith.index_cast %select_n3A_121 : i32 to index
        %swap3A_3111 = arith.index_cast %swap3A_3109 : i32 to index
        %swap3A_3112 = arith.index_cast %scan3A_185 : i32 to index
        %swap3A_3113 = arith.constant 80 : index
        %swap3A_3114 = tpu.vector_load %arg7[%swap3A_3110, %swap3A_3111, %swap3A_3112, %swap3A_3113] {strides = array<i32>} : memref<2x50x8x128xf32, #tpu.memory_space<vmem>>, vector<16xf32>,
        tpu.vector_store %arg7[%swap3A_3110, %swap3A_3111, %swap3A_3112, %swap3A_3113], %gather3A_3054 {strides = array<i32>} : memref<2x50x8x128xf32, #tpu.memory_space<vmem>>, vector<16xf32>,
        %add3A_3115 = arith.constant 5120 : i32
        %add3A_3116 = vector.broadcast %add3A_3115 : i32 to vector<16xi32>
        %add3A_3117 = arith.addi %get3A_208, %add3A_3116 : vector<16xi32>
        %gather3A_3118 = tpu.vector_load_idx %arg5[%add3A_3117] : memref<6400xf32, #tpu.memory_space<vmem>>[vector<16xi32>], vector<16xf32>,
        %add3A_3119 = arith.constant 5248 : i32
        %add3A_3120 = vector.broadcast %add3A_3119 : i32 to vector<16xi32>
        %add3A_3121 = arith.addi %get3A_208, %add3A_3120 : vector<16xi32>
        %gather3A_3122 = tpu.vector_load_idx %arg5[%add3A_3121] : memref<6400xf32, #tpu.memory_space<vmem>>[vector<16xi32>], vector<16xf32>,
        %add3A_3123 = arith.constant 5376 : i32
        %add3A_3124 = vector.broadcast %add3A_3123 : i32 to vector<16xi32>
        %add3A_3125 = arith.addi %get3A_208, %add3A_3124 : vector<16xi32>
        %gather3A_3126 = tpu.vector_load_idx %arg5[%add3A_3125] : memref<6400xf32, #tpu.memory_space<vmem>>[vector<16xi32>], vector<16xf32>,
        %add3A_3127 = arith.constant 5504 : i32
        %add3A_3128 = vector.broadcast %add3A_3127 : i32 to vector<16xi32>
        %add3A_3129 = arith.addi %get3A_208, %add3A_3128 : vector<16xi32>
        %gather3A_3130 = tpu.vector_load_idx %arg5[%add3A_3129] : memref<6400xf32, #tpu.memory_space<vmem>>[vector<16xi32>], vector<16xf32>,
        %add3A_3131 = arith.constant 5632 : i32
        %add3A_3132 = vector.broadcast %add3A_3131 : i32 to vector<16xi32>
        %add3A_3133 = arith.addi %get3A_208, %add3A_3132 : vector<16xi32>
        %gather3A_3134 = tpu.vector_load_idx %arg5[%add3A_3133] : memref<6400xf32, #tpu.memory_space<vmem>>[vector<16xi32>], vector<16xf32>,
        %add3A_3135 = arith.constant 5760 : i32
        %add3A_3136 = vector.broadcast %add3A_3135 : i32 to vector<16xi32>
        %add3A_3137 = arith.addi %get3A_208, %add3A_3136 : vector<16xi32>
        %gather3A_3138 = tpu.vector_load_idx %arg5[%add3A_3137] : memref<6400xf32, #tpu.memory_space<vmem>>[vector<16xi32>], vector<16xf32>,
        %add3A_3139 = arith.constant 5888 : i32
        %add3A_3140 = vector.broadcast %add3A_3139 : i32 to vector<16xi32>
        %add3A_3141 = arith.addi %get3A_208, %add3A_3140 : vector<16xi32>
        %gather3A_3142 = tpu.vector_load_idx %arg5[%add3A_3141] : memref<6400xf32, #tpu.memory_space<vmem>>[vector<16xi32>], vector<16xf32>,
        %add3A_3143 = arith.constant 6016 : i32
        %add3A_3144 = vector.broadcast %add3A_3143 : i32 to vector<16xi32>
        %add3A_3145 = arith.addi %get3A_208, %add3A_3144 : vector<16xi32>
        %gather3A_3146 = tpu.vector_load_idx %arg5[%add3A_3145] : memref<6400xf32, #tpu.memory_space<vmem>>[vector<16xi32>], vector<16xf32>,
        %add3A_3147 = arith.constant 6144 : i32
        %add3A_3148 = vector.broadcast %add3A_3147 : i32 to vector<16xi32>
        %add3A_3149 = arith.addi %get3A_208, %add3A_3148 : vector<16xi32>
        %gather3A_3150 = tpu.vector_load_idx %arg5[%add3A_3149] : memref<6400xf32, #tpu.memory_space<vmem>>[vector<16xi32>], vector<16xf32>,
        %add3A_3151 = arith.constant 6272 : i32
        %add3A_3152 = vector.broadcast %add3A_3151 : i32 to vector<16xi32>
        %add3A_3153 = arith.addi %get3A_208, %add3A_3152 : vector<16xi32>
        %gather3A_3154 = tpu.vector_load_idx %arg5[%add3A_3153] : memref<6400xf32, #tpu.memory_space<vmem>>[vector<16xi32>], vector<16xf32>,
        %swap3A_3155 = arith.constant 40 : i32
        %swap3A_3156 = arith.index_cast %select_n3A_121 : i32 to index
        %swap3A_3157 = arith.index_cast %swap3A_3155 : i32 to index
        %swap3A_3158 = arith.index_cast %scan3A_185 : i32 to index
        %swap3A_3159 = arith.constant 80 : index
        %swap3A_3160 = tpu.vector_load %arg7[%swap3A_3156, %swap3A_3157, %swap3A_3158, %swap3A_3159] {strides = array<i32>} : memref<2x50x8x128xf32, #tpu.memory_space<vmem>>, vector<16xf32>,
        tpu.vector_store %arg7[%swap3A_3156, %swap3A_3157, %swap3A_3158, %swap3A_3159], %gather3A_3118 {strides = array<i32>} : memref<2x50x8x128xf32, #tpu.memory_space<vmem>>, vector<16xf32>,
        %swap3A_3161 = arith.constant 41 : i32
        %swap3A_3162 = arith.index_cast %select_n3A_121 : i32 to index
        %swap3A_3163 = arith.index_cast %swap3A_3161 : i32 to index
        %swap3A_3164 = arith.index_cast %scan3A_185 : i32 to index
        %swap3A_3165 = arith.constant 80 : index
        %swap3A_3166 = tpu.vector_load %arg7[%swap3A_3162, %swap3A_3163, %swap3A_3164, %swap3A_3165] {strides = array<i32>} : memref<2x50x8x128xf32, #tpu.memory_space<vmem>>, vector<16xf32>,
        tpu.vector_store %arg7[%swap3A_3162, %swap3A_3163, %swap3A_3164, %swap3A_3165], %gather3A_3122 {strides = array<i32>} : memref<2x50x8x128xf32, #tpu.memory_space<vmem>>, vector<16xf32>,
        %swap3A_3167 = arith.constant 42 : i32
        %swap3A_3168 = arith.index_cast %select_n3A_121 : i32 to index
        %swap3A_3169 = arith.index_cast %swap3A_3167 : i32 to index
        %swap3A_3170 = arith.index_cast %scan3A_185 : i32 to index
        %swap3A_3171 = arith.constant 80 : index
        %swap3A_3172 = tpu.vector_load %arg7[%swap3A_3168, %swap3A_3169, %swap3A_3170, %swap3A_3171] {strides = array<i32>} : memref<2x50x8x128xf32, #tpu.memory_space<vmem>>, vector<16xf32>,
        tpu.vector_store %arg7[%swap3A_3168, %swap3A_3169, %swap3A_3170, %swap3A_3171], %gather3A_3126 {strides = array<i32>} : memref<2x50x8x128xf32, #tpu.memory_space<vmem>>, vector<16xf32>,
        %swap3A_3173 = arith.constant 43 : i32
        %swap3A_3174 = arith.index_cast %select_n3A_121 : i32 to index
        %swap3A_3175 = arith.index_cast %swap3A_3173 : i32 to index
        %swap3A_3176 = arith.index_cast %scan3A_185 : i32 to index
        %swap3A_3177 = arith.constant 80 : index
        %swap3A_3178 = tpu.vector_load %arg7[%swap3A_3174, %swap3A_3175, %swap3A_3176, %swap3A_3177] {strides = array<i32>} : memref<2x50x8x128xf32, #tpu.memory_space<vmem>>, vector<16xf32>,
        tpu.vector_store %arg7[%swap3A_3174, %swap3A_3175, %swap3A_3176, %swap3A_3177], %gather3A_3130 {strides = array<i32>} : memref<2x50x8x128xf32, #tpu.memory_space<vmem>>, vector<16xf32>,
        %swap3A_3179 = arith.constant 44 : i32
        %swap3A_3180 = arith.index_cast %select_n3A_121 : i32 to index
        %swap3A_3181 = arith.index_cast %swap3A_3179 : i32 to index
        %swap3A_3182 = arith.index_cast %scan3A_185 : i32 to index
        %swap3A_3183 = arith.constant 80 : index
        %swap3A_3184 = tpu.vector_load %arg7[%swap3A_3180, %swap3A_3181, %swap3A_3182, %swap3A_3183] {strides = array<i32>} : memref<2x50x8x128xf32, #tpu.memory_space<vmem>>, vector<16xf32>,
        tpu.vector_store %arg7[%swap3A_3180, %swap3A_3181, %swap3A_3182, %swap3A_3183], %gather3A_3134 {strides = array<i32>} : memref<2x50x8x128xf32, #tpu.memory_space<vmem>>, vector<16xf32>,
        %swap3A_3185 = arith.constant 45 : i32
        %swap3A_3186 = arith.index_cast %select_n3A_121 : i32 to index
        %swap3A_3187 = arith.index_cast %swap3A_3185 : i32 to index
        %swap3A_3188 = arith.index_cast %scan3A_185 : i32 to index
        %swap3A_3189 = arith.constant 80 : index
        %swap3A_3190 = tpu.vector_load %arg7[%swap3A_3186, %swap3A_3187, %swap3A_3188, %swap3A_3189] {strides = array<i32>} : memref<2x50x8x128xf32, #tpu.memory_space<vmem>>, vector<16xf32>,
        tpu.vector_store %arg7[%swap3A_3186, %swap3A_3187, %swap3A_3188, %swap3A_3189], %gather3A_3138 {strides = array<i32>} : memref<2x50x8x128xf32, #tpu.memory_space<vmem>>, vector<16xf32>,
        %swap3A_3191 = arith.constant 46 : i32
        %swap3A_3192 = arith.index_cast %select_n3A_121 : i32 to index
        %swap3A_3193 = arith.index_cast %swap3A_3191 : i32 to index
        %swap3A_3194 = arith.index_cast %scan3A_185 : i32 to index
        %swap3A_3195 = arith.constant 80 : index
        %swap3A_3196 = tpu.vector_load %arg7[%swap3A_3192, %swap3A_3193, %swap3A_3194, %swap3A_3195] {strides = array<i32>} : memref<2x50x8x128xf32, #tpu.memory_space<vmem>>, vector<16xf32>,
        tpu.vector_store %arg7[%swap3A_3192, %swap3A_3193, %swap3A_3194, %swap3A_3195], %gather3A_3142 {strides = array<i32>} : memref<2x50x8x128xf32, #tpu.memory_space<vmem>>, vector<16xf32>,
        %swap3A_3197 = arith.constant 47 : i32
        %swap3A_3198 = arith.index_cast %select_n3A_121 : i32 to index
        %swap3A_3199 = arith.index_cast %swap3A_3197 : i32 to index
        %swap3A_3200 = arith.index_cast %scan3A_185 : i32 to index
        %swap3A_3201 = arith.constant 80 : index
        %swap3A_3202 = tpu.vector_load %arg7[%swap3A_3198, %swap3A_3199, %swap3A_3200, %swap3A_3201] {strides = array<i32>} : memref<2x50x8x128xf32, #tpu.memory_space<vmem>>, vector<16xf32>,
        tpu.vector_store %arg7[%swap3A_3198, %swap3A_3199, %swap3A_3200, %swap3A_3201], %gather3A_3146 {strides = array<i32>} : memref<2x50x8x128xf32, #tpu.memory_space<vmem>>, vector<16xf32>,
        %swap3A_3203 = arith.constant 48 : i32
        %swap3A_3204 = arith.index_cast %select_n3A_121 : i32 to index
        %swap3A_3205 = arith.index_cast %swap3A_3203 : i32 to index
        %swap3A_3206 = arith.index_cast %scan3A_185 : i32 to index
        %swap3A_3207 = arith.constant 80 : index
        %swap3A_3208 = tpu.vector_load %arg7[%swap3A_3204, %swap3A_3205, %swap3A_3206, %swap3A_3207] {strides = array<i32>} : memref<2x50x8x128xf32, #tpu.memory_space<vmem>>, vector<16xf32>,
        tpu.vector_store %arg7[%swap3A_3204, %swap3A_3205, %swap3A_3206, %swap3A_3207], %gather3A_3150 {strides = array<i32>} : memref<2x50x8x128xf32, #tpu.memory_space<vmem>>, vector<16xf32>,
        %swap3A_3209 = arith.constant 49 : i32
        %swap3A_3210 = arith.index_cast %select_n3A_121 : i32 to index
        %swap3A_3211 = arith.index_cast %swap3A_3209 : i32 to index
        %swap3A_3212 = arith.index_cast %scan3A_185 : i32 to index
        %swap3A_3213 = arith.constant 80 : index
        %swap3A_3214 = tpu.vector_load %arg7[%swap3A_3210, %swap3A_3211, %swap3A_3212, %swap3A_3213] {strides = array<i32>} : memref<2x50x8x128xf32, #tpu.memory_space<vmem>>, vector<16xf32>,
        tpu.vector_store %arg7[%swap3A_3210, %swap3A_3211, %swap3A_3212, %swap3A_3213], %gather3A_3154 {strides = array<i32>} : memref<2x50x8x128xf32, #tpu.memory_space<vmem>>, vector<16xf32>,
        %add3A_3215 = arith.constant 0 : i32
        %add3A_3216 = vector.broadcast %add3A_3215 : i32 to vector<16xi32>
        %add3A_3217 = arith.addi %get3A_212, %add3A_3216 : vector<16xi32>
        %gather3A_3218 = tpu.vector_load_idx %arg5[%add3A_3217] : memref<6400xf32, #tpu.memory_space<vmem>>[vector<16xi32>], vector<16xf32>,
        %add3A_3219 = arith.constant 128 : i32
        %add3A_3220 = vector.broadcast %add3A_3219 : i32 to vector<16xi32>
        %add3A_3221 = arith.addi %get3A_212, %add3A_3220 : vector<16xi32>
        %gather3A_3222 = tpu.vector_load_idx %arg5[%add3A_3221] : memref<6400xf32, #tpu.memory_space<vmem>>[vector<16xi32>], vector<16xf32>,
        %add3A_3223 = arith.constant 256 : i32
        %add3A_3224 = vector.broadcast %add3A_3223 : i32 to vector<16xi32>
        %add3A_3225 = arith.addi %get3A_212, %add3A_3224 : vector<16xi32>
        %gather3A_3226 = tpu.vector_load_idx %arg5[%add3A_3225] : memref<6400xf32, #tpu.memory_space<vmem>>[vector<16xi32>], vector<16xf32>,
        %add3A_3227 = arith.constant 384 : i32
        %add3A_3228 = vector.broadcast %add3A_3227 : i32 to vector<16xi32>
        %add3A_3229 = arith.addi %get3A_212, %add3A_3228 : vector<16xi32>
        %gather3A_3230 = tpu.vector_load_idx %arg5[%add3A_3229] : memref<6400xf32, #tpu.memory_space<vmem>>[vector<16xi32>], vector<16xf32>,
        %add3A_3231 = arith.constant 512 : i32
        %add3A_3232 = vector.broadcast %add3A_3231 : i32 to vector<16xi32>
        %add3A_3233 = arith.addi %get3A_212, %add3A_3232 : vector<16xi32>
        %gather3A_3234 = tpu.vector_load_idx %arg5[%add3A_3233] : memref<6400xf32, #tpu.memory_space<vmem>>[vector<16xi32>], vector<16xf32>,
        %add3A_3235 = arith.constant 640 : i32
        %add3A_3236 = vector.broadcast %add3A_3235 : i32 to vector<16xi32>
        %add3A_3237 = arith.addi %get3A_212, %add3A_3236 : vector<16xi32>
        %gather3A_3238 = tpu.vector_load_idx %arg5[%add3A_3237] : memref<6400xf32, #tpu.memory_space<vmem>>[vector<16xi32>], vector<16xf32>,
        %add3A_3239 = arith.constant 768 : i32
        %add3A_3240 = vector.broadcast %add3A_3239 : i32 to vector<16xi32>
        %add3A_3241 = arith.addi %get3A_212, %add3A_3240 : vector<16xi32>
        %gather3A_3242 = tpu.vector_load_idx %arg5[%add3A_3241] : memref<6400xf32, #tpu.memory_space<vmem>>[vector<16xi32>], vector<16xf32>,
        %add3A_3243 = arith.constant 896 : i32
        %add3A_3244 = vector.broadcast %add3A_3243 : i32 to vector<16xi32>
        %add3A_3245 = arith.addi %get3A_212, %add3A_3244 : vector<16xi32>
        %gather3A_3246 = tpu.vector_load_idx %arg5[%add3A_3245] : memref<6400xf32, #tpu.memory_space<vmem>>[vector<16xi32>], vector<16xf32>,
        %add3A_3247 = arith.constant 1024 : i32
        %add3A_3248 = vector.broadcast %add3A_3247 : i32 to vector<16xi32>
        %add3A_3249 = arith.addi %get3A_212, %add3A_3248 : vector<16xi32>
        %gather3A_3250 = tpu.vector_load_idx %arg5[%add3A_3249] : memref<6400xf32, #tpu.memory_space<vmem>>[vector<16xi32>], vector<16xf32>,
        %add3A_3251 = arith.constant 1152 : i32
        %add3A_3252 = vector.broadcast %add3A_3251 : i32 to vector<16xi32>
        %add3A_3253 = arith.addi %get3A_212, %add3A_3252 : vector<16xi32>
        %gather3A_3254 = tpu.vector_load_idx %arg5[%add3A_3253] : memref<6400xf32, #tpu.memory_space<vmem>>[vector<16xi32>], vector<16xf32>,
        %swap3A_3255 = arith.constant 0 : i32
        %swap3A_3256 = arith.index_cast %select_n3A_121 : i32 to index
        %swap3A_3257 = arith.index_cast %swap3A_3255 : i32 to index
        %swap3A_3258 = arith.index_cast %scan3A_185 : i32 to index
        %swap3A_3259 = arith.constant 96 : index
        %swap3A_3260 = tpu.vector_load %arg7[%swap3A_3256, %swap3A_3257, %swap3A_3258, %swap3A_3259] {strides = array<i32>} : memref<2x50x8x128xf32, #tpu.memory_space<vmem>>, vector<16xf32>,
        tpu.vector_store %arg7[%swap3A_3256, %swap3A_3257, %swap3A_3258, %swap3A_3259], %gather3A_3218 {strides = array<i32>} : memref<2x50x8x128xf32, #tpu.memory_space<vmem>>, vector<16xf32>,
        %swap3A_3261 = arith.constant 1 : i32
        %swap3A_3262 = arith.index_cast %select_n3A_121 : i32 to index
        %swap3A_3263 = arith.index_cast %swap3A_3261 : i32 to index
        %swap3A_3264 = arith.index_cast %scan3A_185 : i32 to index
        %swap3A_3265 = arith.constant 96 : index
        %swap3A_3266 = tpu.vector_load %arg7[%swap3A_3262, %swap3A_3263, %swap3A_3264, %swap3A_3265] {strides = array<i32>} : memref<2x50x8x128xf32, #tpu.memory_space<vmem>>, vector<16xf32>,
        tpu.vector_store %arg7[%swap3A_3262, %swap3A_3263, %swap3A_3264, %swap3A_3265], %gather3A_3222 {strides = array<i32>} : memref<2x50x8x128xf32, #tpu.memory_space<vmem>>, vector<16xf32>,
        %swap3A_3267 = arith.constant 2 : i32
        %swap3A_3268 = arith.index_cast %select_n3A_121 : i32 to index
        %swap3A_3269 = arith.index_cast %swap3A_3267 : i32 to index
        %swap3A_3270 = arith.index_cast %scan3A_185 : i32 to index
        %swap3A_3271 = arith.constant 96 : index
        %swap3A_3272 = tpu.vector_load %arg7[%swap3A_3268, %swap3A_3269, %swap3A_3270, %swap3A_3271] {strides = array<i32>} : memref<2x50x8x128xf32, #tpu.memory_space<vmem>>, vector<16xf32>,
        tpu.vector_store %arg7[%swap3A_3268, %swap3A_3269, %swap3A_3270, %swap3A_3271], %gather3A_3226 {strides = array<i32>} : memref<2x50x8x128xf32, #tpu.memory_space<vmem>>, vector<16xf32>,
        %swap3A_3273 = arith.constant 3 : i32
        %swap3A_3274 = arith.index_cast %select_n3A_121 : i32 to index
        %swap3A_3275 = arith.index_cast %swap3A_3273 : i32 to index
        %swap3A_3276 = arith.index_cast %scan3A_185 : i32 to index
        %swap3A_3277 = arith.constant 96 : index
        %swap3A_3278 = tpu.vector_load %arg7[%swap3A_3274, %swap3A_3275, %swap3A_3276, %swap3A_3277] {strides = array<i32>} : memref<2x50x8x128xf32, #tpu.memory_space<vmem>>, vector<16xf32>,
        tpu.vector_store %arg7[%swap3A_3274, %swap3A_3275, %swap3A_3276, %swap3A_3277], %gather3A_3230 {strides = array<i32>} : memref<2x50x8x128xf32, #tpu.memory_space<vmem>>, vector<16xf32>,
        %swap3A_3279 = arith.constant 4 : i32
        %swap3A_3280 = arith.index_cast %select_n3A_121 : i32 to index
        %swap3A_3281 = arith.index_cast %swap3A_3279 : i32 to index
        %swap3A_3282 = arith.index_cast %scan3A_185 : i32 to index
        %swap3A_3283 = arith.constant 96 : index
        %swap3A_3284 = tpu.vector_load %arg7[%swap3A_3280, %swap3A_3281, %swap3A_3282, %swap3A_3283] {strides = array<i32>} : memref<2x50x8x128xf32, #tpu.memory_space<vmem>>, vector<16xf32>,
        tpu.vector_store %arg7[%swap3A_3280, %swap3A_3281, %swap3A_3282, %swap3A_3283], %gather3A_3234 {strides = array<i32>} : memref<2x50x8x128xf32, #tpu.memory_space<vmem>>, vector<16xf32>,
        %swap3A_3285 = arith.constant 5 : i32
        %swap3A_3286 = arith.index_cast %select_n3A_121 : i32 to index
        %swap3A_3287 = arith.index_cast %swap3A_3285 : i32 to index
        %swap3A_3288 = arith.index_cast %scan3A_185 : i32 to index
        %swap3A_3289 = arith.constant 96 : index
        %swap3A_3290 = tpu.vector_load %arg7[%swap3A_3286, %swap3A_3287, %swap3A_3288, %swap3A_3289] {strides = array<i32>} : memref<2x50x8x128xf32, #tpu.memory_space<vmem>>, vector<16xf32>,
        tpu.vector_store %arg7[%swap3A_3286, %swap3A_3287, %swap3A_3288, %swap3A_3289], %gather3A_3238 {strides = array<i32>} : memref<2x50x8x128xf32, #tpu.memory_space<vmem>>, vector<16xf32>,
        %swap3A_3291 = arith.constant 6 : i32
        %swap3A_3292 = arith.index_cast %select_n3A_121 : i32 to index
        %swap3A_3293 = arith.index_cast %swap3A_3291 : i32 to index
        %swap3A_3294 = arith.index_cast %scan3A_185 : i32 to index
        %swap3A_3295 = arith.constant 96 : index
        %swap3A_3296 = tpu.vector_load %arg7[%swap3A_3292, %swap3A_3293, %swap3A_3294, %swap3A_3295] {strides = array<i32>} : memref<2x50x8x128xf32, #tpu.memory_space<vmem>>, vector<16xf32>,
        tpu.vector_store %arg7[%swap3A_3292, %swap3A_3293, %swap3A_3294, %swap3A_3295], %gather3A_3242 {strides = array<i32>} : memref<2x50x8x128xf32, #tpu.memory_space<vmem>>, vector<16xf32>,
        %swap3A_3297 = arith.constant 7 : i32
        %swap3A_3298 = arith.index_cast %select_n3A_121 : i32 to index
        %swap3A_3299 = arith.index_cast %swap3A_3297 : i32 to index
        %swap3A_3300 = arith.index_cast %scan3A_185 : i32 to index
        %swap3A_3301 = arith.constant 96 : index
        %swap3A_3302 = tpu.vector_load %arg7[%swap3A_3298, %swap3A_3299, %swap3A_3300, %swap3A_3301] {strides = array<i32>} : memref<2x50x8x128xf32, #tpu.memory_space<vmem>>, vector<16xf32>,
        tpu.vector_store %arg7[%swap3A_3298, %swap3A_3299, %swap3A_3300, %swap3A_3301], %gather3A_3246 {strides = array<i32>} : memref<2x50x8x128xf32, #tpu.memory_space<vmem>>, vector<16xf32>,
        %swap3A_3303 = arith.constant 8 : i32
        %swap3A_3304 = arith.index_cast %select_n3A_121 : i32 to index
        %swap3A_3305 = arith.index_cast %swap3A_3303 : i32 to index
        %swap3A_3306 = arith.index_cast %scan3A_185 : i32 to index
        %swap3A_3307 = arith.constant 96 : index
        %swap3A_3308 = tpu.vector_load %arg7[%swap3A_3304, %swap3A_3305, %swap3A_3306, %swap3A_3307] {strides = array<i32>} : memref<2x50x8x128xf32, #tpu.memory_space<vmem>>, vector<16xf32>,
        tpu.vector_store %arg7[%swap3A_3304, %swap3A_3305, %swap3A_3306, %swap3A_3307], %gather3A_3250 {strides = array<i32>} : memref<2x50x8x128xf32, #tpu.memory_space<vmem>>, vector<16xf32>,
        %swap3A_3309 = arith.constant 9 : i32
        %swap3A_3310 = arith.index_cast %select_n3A_121 : i32 to index
        %swap3A_3311 = arith.index_cast %swap3A_3309 : i32 to index
        %swap3A_3312 = arith.index_cast %scan3A_185 : i32 to index
        %swap3A_3313 = arith.constant 96 : index
        %swap3A_3314 = tpu.vector_load %arg7[%swap3A_3310, %swap3A_3311, %swap3A_3312, %swap3A_3313] {strides = array<i32>} : memref<2x50x8x128xf32, #tpu.memory_space<vmem>>, vector<16xf32>,
        tpu.vector_store %arg7[%swap3A_3310, %swap3A_3311, %swap3A_3312, %swap3A_3313], %gather3A_3254 {strides = array<i32>} : memref<2x50x8x128xf32, #tpu.memory_space<vmem>>, vector<16xf32>,
        %add3A_3315 = arith.constant 1280 : i32
        %add3A_3316 = vector.broadcast %add3A_3315 : i32 to vector<16xi32>
        %add3A_3317 = arith.addi %get3A_212, %add3A_3316 : vector<16xi32>
        %gather3A_3318 = tpu.vector_load_idx %arg5[%add3A_3317] : memref<6400xf32, #tpu.memory_space<vmem>>[vector<16xi32>], vector<16xf32>,
        %add3A_3319 = arith.constant 1408 : i32
        %add3A_3320 = vector.broadcast %add3A_3319 : i32 to vector<16xi32>
        %add3A_3321 = arith.addi %get3A_212, %add3A_3320 : vector<16xi32>
        %gather3A_3322 = tpu.vector_load_idx %arg5[%add3A_3321] : memref<6400xf32, #tpu.memory_space<vmem>>[vector<16xi32>], vector<16xf32>,
        %add3A_3323 = arith.constant 1536 : i32
        %add3A_3324 = vector.broadcast %add3A_3323 : i32 to vector<16xi32>
        %add3A_3325 = arith.addi %get3A_212, %add3A_3324 : vector<16xi32>
        %gather3A_3326 = tpu.vector_load_idx %arg5[%add3A_3325] : memref<6400xf32, #tpu.memory_space<vmem>>[vector<16xi32>], vector<16xf32>,
        %add3A_3327 = arith.constant 1664 : i32
        %add3A_3328 = vector.broadcast %add3A_3327 : i32 to vector<16xi32>
        %add3A_3329 = arith.addi %get3A_212, %add3A_3328 : vector<16xi32>
        %gather3A_3330 = tpu.vector_load_idx %arg5[%add3A_3329] : memref<6400xf32, #tpu.memory_space<vmem>>[vector<16xi32>], vector<16xf32>,
        %add3A_3331 = arith.constant 1792 : i32
        %add3A_3332 = vector.broadcast %add3A_3331 : i32 to vector<16xi32>
        %add3A_3333 = arith.addi %get3A_212, %add3A_3332 : vector<16xi32>
        %gather3A_3334 = tpu.vector_load_idx %arg5[%add3A_3333] : memref<6400xf32, #tpu.memory_space<vmem>>[vector<16xi32>], vector<16xf32>,
        %add3A_3335 = arith.constant 1920 : i32
        %add3A_3336 = vector.broadcast %add3A_3335 : i32 to vector<16xi32>
        %add3A_3337 = arith.addi %get3A_212, %add3A_3336 : vector<16xi32>
        %gather3A_3338 = tpu.vector_load_idx %arg5[%add3A_3337] : memref<6400xf32, #tpu.memory_space<vmem>>[vector<16xi32>], vector<16xf32>,
        %add3A_3339 = arith.constant 2048 : i32
        %add3A_3340 = vector.broadcast %add3A_3339 : i32 to vector<16xi32>
        %add3A_3341 = arith.addi %get3A_212, %add3A_3340 : vector<16xi32>
        %gather3A_3342 = tpu.vector_load_idx %arg5[%add3A_3341] : memref<6400xf32, #tpu.memory_space<vmem>>[vector<16xi32>], vector<16xf32>,
        %add3A_3343 = arith.constant 2176 : i32
        %add3A_3344 = vector.broadcast %add3A_3343 : i32 to vector<16xi32>
        %add3A_3345 = arith.addi %get3A_212, %add3A_3344 : vector<16xi32>
        %gather3A_3346 = tpu.vector_load_idx %arg5[%add3A_3345] : memref<6400xf32, #tpu.memory_space<vmem>>[vector<16xi32>], vector<16xf32>,
        %add3A_3347 = arith.constant 2304 : i32
        %add3A_3348 = vector.broadcast %add3A_3347 : i32 to vector<16xi32>
        %add3A_3349 = arith.addi %get3A_212, %add3A_3348 : vector<16xi32>
        %gather3A_3350 = tpu.vector_load_idx %arg5[%add3A_3349] : memref<6400xf32, #tpu.memory_space<vmem>>[vector<16xi32>], vector<16xf32>,
        %add3A_3351 = arith.constant 2432 : i32
        %add3A_3352 = vector.broadcast %add3A_3351 : i32 to vector<16xi32>
        %add3A_3353 = arith.addi %get3A_212, %add3A_3352 : vector<16xi32>
        %gather3A_3354 = tpu.vector_load_idx %arg5[%add3A_3353] : memref<6400xf32, #tpu.memory_space<vmem>>[vector<16xi32>], vector<16xf32>,
        %swap3A_3355 = arith.constant 10 : i32
        %swap3A_3356 = arith.index_cast %select_n3A_121 : i32 to index
        %swap3A_3357 = arith.index_cast %swap3A_3355 : i32 to index
        %swap3A_3358 = arith.index_cast %scan3A_185 : i32 to index
        %swap3A_3359 = arith.constant 96 : index
        %swap3A_3360 = tpu.vector_load %arg7[%swap3A_3356, %swap3A_3357, %swap3A_3358, %swap3A_3359] {strides = array<i32>} : memref<2x50x8x128xf32, #tpu.memory_space<vmem>>, vector<16xf32>,
        tpu.vector_store %arg7[%swap3A_3356, %swap3A_3357, %swap3A_3358, %swap3A_3359], %gather3A_3318 {strides = array<i32>} : memref<2x50x8x128xf32, #tpu.memory_space<vmem>>, vector<16xf32>,
        %swap3A_3361 = arith.constant 11 : i32
        %swap3A_3362 = arith.index_cast %select_n3A_121 : i32 to index
        %swap3A_3363 = arith.index_cast %swap3A_3361 : i32 to index
        %swap3A_3364 = arith.index_cast %scan3A_185 : i32 to index
        %swap3A_3365 = arith.constant 96 : index
        %swap3A_3366 = tpu.vector_load %arg7[%swap3A_3362, %swap3A_3363, %swap3A_3364, %swap3A_3365] {strides = array<i32>} : memref<2x50x8x128xf32, #tpu.memory_space<vmem>>, vector<16xf32>,
        tpu.vector_store %arg7[%swap3A_3362, %swap3A_3363, %swap3A_3364, %swap3A_3365], %gather3A_3322 {strides = array<i32>} : memref<2x50x8x128xf32, #tpu.memory_space<vmem>>, vector<16xf32>,
        %swap3A_3367 = arith.constant 12 : i32
        %swap3A_3368 = arith.index_cast %select_n3A_121 : i32 to index
        %swap3A_3369 = arith.index_cast %swap3A_3367 : i32 to index
        %swap3A_3370 = arith.index_cast %scan3A_185 : i32 to index
        %swap3A_3371 = arith.constant 96 : index
        %swap3A_3372 = tpu.vector_load %arg7[%swap3A_3368, %swap3A_3369, %swap3A_3370, %swap3A_3371] {strides = array<i32>} : memref<2x50x8x128xf32, #tpu.memory_space<vmem>>, vector<16xf32>,
        tpu.vector_store %arg7[%swap3A_3368, %swap3A_3369, %swap3A_3370, %swap3A_3371], %gather3A_3326 {strides = array<i32>} : memref<2x50x8x128xf32, #tpu.memory_space<vmem>>, vector<16xf32>,
        %swap3A_3373 = arith.constant 13 : i32
        %swap3A_3374 = arith.index_cast %select_n3A_121 : i32 to index
        %swap3A_3375 = arith.index_cast %swap3A_3373 : i32 to index
        %swap3A_3376 = arith.index_cast %scan3A_185 : i32 to index
        %swap3A_3377 = arith.constant 96 : index
        %swap3A_3378 = tpu.vector_load %arg7[%swap3A_3374, %swap3A_3375, %swap3A_3376, %swap3A_3377] {strides = array<i32>} : memref<2x50x8x128xf32, #tpu.memory_space<vmem>>, vector<16xf32>,
        tpu.vector_store %arg7[%swap3A_3374, %swap3A_3375, %swap3A_3376, %swap3A_3377], %gather3A_3330 {strides = array<i32>} : memref<2x50x8x128xf32, #tpu.memory_space<vmem>>, vector<16xf32>,
        %swap3A_3379 = arith.constant 14 : i32
        %swap3A_3380 = arith.index_cast %select_n3A_121 : i32 to index
        %swap3A_3381 = arith.index_cast %swap3A_3379 : i32 to index
        %swap3A_3382 = arith.index_cast %scan3A_185 : i32 to index
        %swap3A_3383 = arith.constant 96 : index
        %swap3A_3384 = tpu.vector_load %arg7[%swap3A_3380, %swap3A_3381, %swap3A_3382, %swap3A_3383] {strides = array<i32>} : memref<2x50x8x128xf32, #tpu.memory_space<vmem>>, vector<16xf32>,
        tpu.vector_store %arg7[%swap3A_3380, %swap3A_3381, %swap3A_3382, %swap3A_3383], %gather3A_3334 {strides = array<i32>} : memref<2x50x8x128xf32, #tpu.memory_space<vmem>>, vector<16xf32>,
        %swap3A_3385 = arith.constant 15 : i32
        %swap3A_3386 = arith.index_cast %select_n3A_121 : i32 to index
        %swap3A_3387 = arith.index_cast %swap3A_3385 : i32 to index
        %swap3A_3388 = arith.index_cast %scan3A_185 : i32 to index
        %swap3A_3389 = arith.constant 96 : index
        %swap3A_3390 = tpu.vector_load %arg7[%swap3A_3386, %swap3A_3387, %swap3A_3388, %swap3A_3389] {strides = array<i32>} : memref<2x50x8x128xf32, #tpu.memory_space<vmem>>, vector<16xf32>,
        tpu.vector_store %arg7[%swap3A_3386, %swap3A_3387, %swap3A_3388, %swap3A_3389], %gather3A_3338 {strides = array<i32>} : memref<2x50x8x128xf32, #tpu.memory_space<vmem>>, vector<16xf32>,
        %swap3A_3391 = arith.constant 16 : i32
        %swap3A_3392 = arith.index_cast %select_n3A_121 : i32 to index
        %swap3A_3393 = arith.index_cast %swap3A_3391 : i32 to index
        %swap3A_3394 = arith.index_cast %scan3A_185 : i32 to index
        %swap3A_3395 = arith.constant 96 : index
        %swap3A_3396 = tpu.vector_load %arg7[%swap3A_3392, %swap3A_3393, %swap3A_3394, %swap3A_3395] {strides = array<i32>} : memref<2x50x8x128xf32, #tpu.memory_space<vmem>>, vector<16xf32>,
        tpu.vector_store %arg7[%swap3A_3392, %swap3A_3393, %swap3A_3394, %swap3A_3395], %gather3A_3342 {strides = array<i32>} : memref<2x50x8x128xf32, #tpu.memory_space<vmem>>, vector<16xf32>,
        %swap3A_3397 = arith.constant 17 : i32
        %swap3A_3398 = arith.index_cast %select_n3A_121 : i32 to index
        %swap3A_3399 = arith.index_cast %swap3A_3397 : i32 to index
        %swap3A_3400 = arith.index_cast %scan3A_185 : i32 to index
        %swap3A_3401 = arith.constant 96 : index
        %swap3A_3402 = tpu.vector_load %arg7[%swap3A_3398, %swap3A_3399, %swap3A_3400, %swap3A_3401] {strides = array<i32>} : memref<2x50x8x128xf32, #tpu.memory_space<vmem>>, vector<16xf32>,
        tpu.vector_store %arg7[%swap3A_3398, %swap3A_3399, %swap3A_3400, %swap3A_3401], %gather3A_3346 {strides = array<i32>} : memref<2x50x8x128xf32, #tpu.memory_space<vmem>>, vector<16xf32>,
        %swap3A_3403 = arith.constant 18 : i32
        %swap3A_3404 = arith.index_cast %select_n3A_121 : i32 to index
        %swap3A_3405 = arith.index_cast %swap3A_3403 : i32 to index
        %swap3A_3406 = arith.index_cast %scan3A_185 : i32 to index
        %swap3A_3407 = arith.constant 96 : index
        %swap3A_3408 = tpu.vector_load %arg7[%swap3A_3404, %swap3A_3405, %swap3A_3406, %swap3A_3407] {strides = array<i32>} : memref<2x50x8x128xf32, #tpu.memory_space<vmem>>, vector<16xf32>,
        tpu.vector_store %arg7[%swap3A_3404, %swap3A_3405, %swap3A_3406, %swap3A_3407], %gather3A_3350 {strides = array<i32>} : memref<2x50x8x128xf32, #tpu.memory_space<vmem>>, vector<16xf32>,
        %swap3A_3409 = arith.constant 19 : i32
        %swap3A_3410 = arith.index_cast %select_n3A_121 : i32 to index
        %swap3A_3411 = arith.index_cast %swap3A_3409 : i32 to index
        %swap3A_3412 = arith.index_cast %scan3A_185 : i32 to index
        %swap3A_3413 = arith.constant 96 : index
        %swap3A_3414 = tpu.vector_load %arg7[%swap3A_3410, %swap3A_3411, %swap3A_3412, %swap3A_3413] {strides = array<i32>} : memref<2x50x8x128xf32, #tpu.memory_space<vmem>>, vector<16xf32>,
        tpu.vector_store %arg7[%swap3A_3410, %swap3A_3411, %swap3A_3412, %swap3A_3413], %gather3A_3354 {strides = array<i32>} : memref<2x50x8x128xf32, #tpu.memory_space<vmem>>, vector<16xf32>,
        %add3A_3415 = arith.constant 2560 : i32
        %add3A_3416 = vector.broadcast %add3A_3415 : i32 to vector<16xi32>
        %add3A_3417 = arith.addi %get3A_212, %add3A_3416 : vector<16xi32>
        %gather3A_3418 = tpu.vector_load_idx %arg5[%add3A_3417] : memref<6400xf32, #tpu.memory_space<vmem>>[vector<16xi32>], vector<16xf32>,
        %add3A_3419 = arith.constant 2688 : i32
        %add3A_3420 = vector.broadcast %add3A_3419 : i32 to vector<16xi32>
        %add3A_3421 = arith.addi %get3A_212, %add3A_3420 : vector<16xi32>
        %gather3A_3422 = tpu.vector_load_idx %arg5[%add3A_3421] : memref<6400xf32, #tpu.memory_space<vmem>>[vector<16xi32>], vector<16xf32>,
        %add3A_3423 = arith.constant 2816 : i32
        %add3A_3424 = vector.broadcast %add3A_3423 : i32 to vector<16xi32>
        %add3A_3425 = arith.addi %get3A_212, %add3A_3424 : vector<16xi32>
        %gather3A_3426 = tpu.vector_load_idx %arg5[%add3A_3425] : memref<6400xf32, #tpu.memory_space<vmem>>[vector<16xi32>], vector<16xf32>,
        %add3A_3427 = arith.constant 2944 : i32
        %add3A_3428 = vector.broadcast %add3A_3427 : i32 to vector<16xi32>
        %add3A_3429 = arith.addi %get3A_212, %add3A_3428 : vector<16xi32>
        %gather3A_3430 = tpu.vector_load_idx %arg5[%add3A_3429] : memref<6400xf32, #tpu.memory_space<vmem>>[vector<16xi32>], vector<16xf32>,
        %add3A_3431 = arith.constant 3072 : i32
        %add3A_3432 = vector.broadcast %add3A_3431 : i32 to vector<16xi32>
        %add3A_3433 = arith.addi %get3A_212, %add3A_3432 : vector<16xi32>
        %gather3A_3434 = tpu.vector_load_idx %arg5[%add3A_3433] : memref<6400xf32, #tpu.memory_space<vmem>>[vector<16xi32>], vector<16xf32>,
        %add3A_3435 = arith.constant 3200 : i32
        %add3A_3436 = vector.broadcast %add3A_3435 : i32 to vector<16xi32>
        %add3A_3437 = arith.addi %get3A_212, %add3A_3436 : vector<16xi32>
        %gather3A_3438 = tpu.vector_load_idx %arg5[%add3A_3437] : memref<6400xf32, #tpu.memory_space<vmem>>[vector<16xi32>], vector<16xf32>,
        %add3A_3439 = arith.constant 3328 : i32
        %add3A_3440 = vector.broadcast %add3A_3439 : i32 to vector<16xi32>
        %add3A_3441 = arith.addi %get3A_212, %add3A_3440 : vector<16xi32>
        %gather3A_3442 = tpu.vector_load_idx %arg5[%add3A_3441] : memref<6400xf32, #tpu.memory_space<vmem>>[vector<16xi32>], vector<16xf32>,
        %add3A_3443 = arith.constant 3456 : i32
        %add3A_3444 = vector.broadcast %add3A_3443 : i32 to vector<16xi32>
        %add3A_3445 = arith.addi %get3A_212, %add3A_3444 : vector<16xi32>
        %gather3A_3446 = tpu.vector_load_idx %arg5[%add3A_3445] : memref<6400xf32, #tpu.memory_space<vmem>>[vector<16xi32>], vector<16xf32>,
        %add3A_3447 = arith.constant 3584 : i32
        %add3A_3448 = vector.broadcast %add3A_3447 : i32 to vector<16xi32>
        %add3A_3449 = arith.addi %get3A_212, %add3A_3448 : vector<16xi32>
        %gather3A_3450 = tpu.vector_load_idx %arg5[%add3A_3449] : memref<6400xf32, #tpu.memory_space<vmem>>[vector<16xi32>], vector<16xf32>,
        %add3A_3451 = arith.constant 3712 : i32
        %add3A_3452 = vector.broadcast %add3A_3451 : i32 to vector<16xi32>
        %add3A_3453 = arith.addi %get3A_212, %add3A_3452 : vector<16xi32>
        %gather3A_3454 = tpu.vector_load_idx %arg5[%add3A_3453] : memref<6400xf32, #tpu.memory_space<vmem>>[vector<16xi32>], vector<16xf32>,
        %swap3A_3455 = arith.constant 20 : i32
        %swap3A_3456 = arith.index_cast %select_n3A_121 : i32 to index
        %swap3A_3457 = arith.index_cast %swap3A_3455 : i32 to index
        %swap3A_3458 = arith.index_cast %scan3A_185 : i32 to index
        %swap3A_3459 = arith.constant 96 : index
        %swap3A_3460 = tpu.vector_load %arg7[%swap3A_3456, %swap3A_3457, %swap3A_3458, %swap3A_3459] {strides = array<i32>} : memref<2x50x8x128xf32, #tpu.memory_space<vmem>>, vector<16xf32>,
        tpu.vector_store %arg7[%swap3A_3456, %swap3A_3457, %swap3A_3458, %swap3A_3459], %gather3A_3418 {strides = array<i32>} : memref<2x50x8x128xf32, #tpu.memory_space<vmem>>, vector<16xf32>,
        %swap3A_3461 = arith.constant 21 : i32
        %swap3A_3462 = arith.index_cast %select_n3A_121 : i32 to index
        %swap3A_3463 = arith.index_cast %swap3A_3461 : i32 to index
        %swap3A_3464 = arith.index_cast %scan3A_185 : i32 to index
        %swap3A_3465 = arith.constant 96 : index
        %swap3A_3466 = tpu.vector_load %arg7[%swap3A_3462, %swap3A_3463, %swap3A_3464, %swap3A_3465] {strides = array<i32>} : memref<2x50x8x128xf32, #tpu.memory_space<vmem>>, vector<16xf32>,
        tpu.vector_store %arg7[%swap3A_3462, %swap3A_3463, %swap3A_3464, %swap3A_3465], %gather3A_3422 {strides = array<i32>} : memref<2x50x8x128xf32, #tpu.memory_space<vmem>>, vector<16xf32>,
        %swap3A_3467 = arith.constant 22 : i32
        %swap3A_3468 = arith.index_cast %select_n3A_121 : i32 to index
        %swap3A_3469 = arith.index_cast %swap3A_3467 : i32 to index
        %swap3A_3470 = arith.index_cast %scan3A_185 : i32 to index
        %swap3A_3471 = arith.constant 96 : index
        %swap3A_3472 = tpu.vector_load %arg7[%swap3A_3468, %swap3A_3469, %swap3A_3470, %swap3A_3471] {strides = array<i32>} : memref<2x50x8x128xf32, #tpu.memory_space<vmem>>, vector<16xf32>,
        tpu.vector_store %arg7[%swap3A_3468, %swap3A_3469, %swap3A_3470, %swap3A_3471], %gather3A_3426 {strides = array<i32>} : memref<2x50x8x128xf32, #tpu.memory_space<vmem>>, vector<16xf32>,
        %swap3A_3473 = arith.constant 23 : i32
        %swap3A_3474 = arith.index_cast %select_n3A_121 : i32 to index
        %swap3A_3475 = arith.index_cast %swap3A_3473 : i32 to index
        %swap3A_3476 = arith.index_cast %scan3A_185 : i32 to index
        %swap3A_3477 = arith.constant 96 : index
        %swap3A_3478 = tpu.vector_load %arg7[%swap3A_3474, %swap3A_3475, %swap3A_3476, %swap3A_3477] {strides = array<i32>} : memref<2x50x8x128xf32, #tpu.memory_space<vmem>>, vector<16xf32>,
        tpu.vector_store %arg7[%swap3A_3474, %swap3A_3475, %swap3A_3476, %swap3A_3477], %gather3A_3430 {strides = array<i32>} : memref<2x50x8x128xf32, #tpu.memory_space<vmem>>, vector<16xf32>,
        %swap3A_3479 = arith.constant 24 : i32
        %swap3A_3480 = arith.index_cast %select_n3A_121 : i32 to index
        %swap3A_3481 = arith.index_cast %swap3A_3479 : i32 to index
        %swap3A_3482 = arith.index_cast %scan3A_185 : i32 to index
        %swap3A_3483 = arith.constant 96 : index
        %swap3A_3484 = tpu.vector_load %arg7[%swap3A_3480, %swap3A_3481, %swap3A_3482, %swap3A_3483] {strides = array<i32>} : memref<2x50x8x128xf32, #tpu.memory_space<vmem>>, vector<16xf32>,
        tpu.vector_store %arg7[%swap3A_3480, %swap3A_3481, %swap3A_3482, %swap3A_3483], %gather3A_3434 {strides = array<i32>} : memref<2x50x8x128xf32, #tpu.memory_space<vmem>>, vector<16xf32>,
        %swap3A_3485 = arith.constant 25 : i32
        %swap3A_3486 = arith.index_cast %select_n3A_121 : i32 to index
        %swap3A_3487 = arith.index_cast %swap3A_3485 : i32 to index
        %swap3A_3488 = arith.index_cast %scan3A_185 : i32 to index
        %swap3A_3489 = arith.constant 96 : index
        %swap3A_3490 = tpu.vector_load %arg7[%swap3A_3486, %swap3A_3487, %swap3A_3488, %swap3A_3489] {strides = array<i32>} : memref<2x50x8x128xf32, #tpu.memory_space<vmem>>, vector<16xf32>,
        tpu.vector_store %arg7[%swap3A_3486, %swap3A_3487, %swap3A_3488, %swap3A_3489], %gather3A_3438 {strides = array<i32>} : memref<2x50x8x128xf32, #tpu.memory_space<vmem>>, vector<16xf32>,
        %swap3A_3491 = arith.constant 26 : i32
        %swap3A_3492 = arith.index_cast %select_n3A_121 : i32 to index
        %swap3A_3493 = arith.index_cast %swap3A_3491 : i32 to index
        %swap3A_3494 = arith.index_cast %scan3A_185 : i32 to index
        %swap3A_3495 = arith.constant 96 : index
        %swap3A_3496 = tpu.vector_load %arg7[%swap3A_3492, %swap3A_3493, %swap3A_3494, %swap3A_3495] {strides = array<i32>} : memref<2x50x8x128xf32, #tpu.memory_space<vmem>>, vector<16xf32>,
        tpu.vector_store %arg7[%swap3A_3492, %swap3A_3493, %swap3A_3494, %swap3A_3495], %gather3A_3442 {strides = array<i32>} : memref<2x50x8x128xf32, #tpu.memory_space<vmem>>, vector<16xf32>,
        %swap3A_3497 = arith.constant 27 : i32
        %swap3A_3498 = arith.index_cast %select_n3A_121 : i32 to index
        %swap3A_3499 = arith.index_cast %swap3A_3497 : i32 to index
        %swap3A_3500 = arith.index_cast %scan3A_185 : i32 to index
        %swap3A_3501 = arith.constant 96 : index
        %swap3A_3502 = tpu.vector_load %arg7[%swap3A_3498, %swap3A_3499, %swap3A_3500, %swap3A_3501] {strides = array<i32>} : memref<2x50x8x128xf32, #tpu.memory_space<vmem>>, vector<16xf32>,
        tpu.vector_store %arg7[%swap3A_3498, %swap3A_3499, %swap3A_3500, %swap3A_3501], %gather3A_3446 {strides = array<i32>} : memref<2x50x8x128xf32, #tpu.memory_space<vmem>>, vector<16xf32>,
        %swap3A_3503 = arith.constant 28 : i32
        %swap3A_3504 = arith.index_cast %select_n3A_121 : i32 to index
        %swap3A_3505 = arith.index_cast %swap3A_3503 : i32 to index
        %swap3A_3506 = arith.index_cast %scan3A_185 : i32 to index
        %swap3A_3507 = arith.constant 96 : index
        %swap3A_3508 = tpu.vector_load %arg7[%swap3A_3504, %swap3A_3505, %swap3A_3506, %swap3A_3507] {strides = array<i32>} : memref<2x50x8x128xf32, #tpu.memory_space<vmem>>, vector<16xf32>,
        tpu.vector_store %arg7[%swap3A_3504, %swap3A_3505, %swap3A_3506, %swap3A_3507], %gather3A_3450 {strides = array<i32>} : memref<2x50x8x128xf32, #tpu.memory_space<vmem>>, vector<16xf32>,
        %swap3A_3509 = arith.constant 29 : i32
        %swap3A_3510 = arith.index_cast %select_n3A_121 : i32 to index
        %swap3A_3511 = arith.index_cast %swap3A_3509 : i32 to index
        %swap3A_3512 = arith.index_cast %scan3A_185 : i32 to index
        %swap3A_3513 = arith.constant 96 : index
        %swap3A_3514 = tpu.vector_load %arg7[%swap3A_3510, %swap3A_3511, %swap3A_3512, %swap3A_3513] {strides = array<i32>} : memref<2x50x8x128xf32, #tpu.memory_space<vmem>>, vector<16xf32>,
        tpu.vector_store %arg7[%swap3A_3510, %swap3A_3511, %swap3A_3512, %swap3A_3513], %gather3A_3454 {strides = array<i32>} : memref<2x50x8x128xf32, #tpu.memory_space<vmem>>, vector<16xf32>,
        %add3A_3515 = arith.constant 3840 : i32
        %add3A_3516 = vector.broadcast %add3A_3515 : i32 to vector<16xi32>
        %add3A_3517 = arith.addi %get3A_212, %add3A_3516 : vector<16xi32>
        %gather3A_3518 = tpu.vector_load_idx %arg5[%add3A_3517] : memref<6400xf32, #tpu.memory_space<vmem>>[vector<16xi32>], vector<16xf32>,
        %add3A_3519 = arith.constant 3968 : i32
        %add3A_3520 = vector.broadcast %add3A_3519 : i32 to vector<16xi32>
        %add3A_3521 = arith.addi %get3A_212, %add3A_3520 : vector<16xi32>
        %gather3A_3522 = tpu.vector_load_idx %arg5[%add3A_3521] : memref<6400xf32, #tpu.memory_space<vmem>>[vector<16xi32>], vector<16xf32>,
        %add3A_3523 = arith.constant 4096 : i32
        %add3A_3524 = vector.broadcast %add3A_3523 : i32 to vector<16xi32>
        %add3A_3525 = arith.addi %get3A_212, %add3A_3524 : vector<16xi32>
        %gather3A_3526 = tpu.vector_load_idx %arg5[%add3A_3525] : memref<6400xf32, #tpu.memory_space<vmem>>[vector<16xi32>], vector<16xf32>,
        %add3A_3527 = arith.constant 4224 : i32
        %add3A_3528 = vector.broadcast %add3A_3527 : i32 to vector<16xi32>
        %add3A_3529 = arith.addi %get3A_212, %add3A_3528 : vector<16xi32>
        %gather3A_3530 = tpu.vector_load_idx %arg5[%add3A_3529] : memref<6400xf32, #tpu.memory_space<vmem>>[vector<16xi32>], vector<16xf32>,
        %add3A_3531 = arith.constant 4352 : i32
        %add3A_3532 = vector.broadcast %add3A_3531 : i32 to vector<16xi32>
        %add3A_3533 = arith.addi %get3A_212, %add3A_3532 : vector<16xi32>
        %gather3A_3534 = tpu.vector_load_idx %arg5[%add3A_3533] : memref<6400xf32, #tpu.memory_space<vmem>>[vector<16xi32>], vector<16xf32>,
        %add3A_3535 = arith.constant 4480 : i32
        %add3A_3536 = vector.broadcast %add3A_3535 : i32 to vector<16xi32>
        %add3A_3537 = arith.addi %get3A_212, %add3A_3536 : vector<16xi32>
        %gather3A_3538 = tpu.vector_load_idx %arg5[%add3A_3537] : memref<6400xf32, #tpu.memory_space<vmem>>[vector<16xi32>], vector<16xf32>,
        %add3A_3539 = arith.constant 4608 : i32
        %add3A_3540 = vector.broadcast %add3A_3539 : i32 to vector<16xi32>
        %add3A_3541 = arith.addi %get3A_212, %add3A_3540 : vector<16xi32>
        %gather3A_3542 = tpu.vector_load_idx %arg5[%add3A_3541] : memref<6400xf32, #tpu.memory_space<vmem>>[vector<16xi32>], vector<16xf32>,
        %add3A_3543 = arith.constant 4736 : i32
        %add3A_3544 = vector.broadcast %add3A_3543 : i32 to vector<16xi32>
        %add3A_3545 = arith.addi %get3A_212, %add3A_3544 : vector<16xi32>
        %gather3A_3546 = tpu.vector_load_idx %arg5[%add3A_3545] : memref<6400xf32, #tpu.memory_space<vmem>>[vector<16xi32>], vector<16xf32>,
        %add3A_3547 = arith.constant 4864 : i32
        %add3A_3548 = vector.broadcast %add3A_3547 : i32 to vector<16xi32>
        %add3A_3549 = arith.addi %get3A_212, %add3A_3548 : vector<16xi32>
        %gather3A_3550 = tpu.vector_load_idx %arg5[%add3A_3549] : memref<6400xf32, #tpu.memory_space<vmem>>[vector<16xi32>], vector<16xf32>,
        %add3A_3551 = arith.constant 4992 : i32
        %add3A_3552 = vector.broadcast %add3A_3551 : i32 to vector<16xi32>
        %add3A_3553 = arith.addi %get3A_212, %add3A_3552 : vector<16xi32>
        %gather3A_3554 = tpu.vector_load_idx %arg5[%add3A_3553] : memref<6400xf32, #tpu.memory_space<vmem>>[vector<16xi32>], vector<16xf32>,
        %swap3A_3555 = arith.constant 30 : i32
        %swap3A_3556 = arith.index_cast %select_n3A_121 : i32 to index
        %swap3A_3557 = arith.index_cast %swap3A_3555 : i32 to index
        %swap3A_3558 = arith.index_cast %scan3A_185 : i32 to index
        %swap3A_3559 = arith.constant 96 : index
        %swap3A_3560 = tpu.vector_load %arg7[%swap3A_3556, %swap3A_3557, %swap3A_3558, %swap3A_3559] {strides = array<i32>} : memref<2x50x8x128xf32, #tpu.memory_space<vmem>>, vector<16xf32>,
        tpu.vector_store %arg7[%swap3A_3556, %swap3A_3557, %swap3A_3558, %swap3A_3559], %gather3A_3518 {strides = array<i32>} : memref<2x50x8x128xf32, #tpu.memory_space<vmem>>, vector<16xf32>,
        %swap3A_3561 = arith.constant 31 : i32
        %swap3A_3562 = arith.index_cast %select_n3A_121 : i32 to index
        %swap3A_3563 = arith.index_cast %swap3A_3561 : i32 to index
        %swap3A_3564 = arith.index_cast %scan3A_185 : i32 to index
        %swap3A_3565 = arith.constant 96 : index
        %swap3A_3566 = tpu.vector_load %arg7[%swap3A_3562, %swap3A_3563, %swap3A_3564, %swap3A_3565] {strides = array<i32>} : memref<2x50x8x128xf32, #tpu.memory_space<vmem>>, vector<16xf32>,
        tpu.vector_store %arg7[%swap3A_3562, %swap3A_3563, %swap3A_3564, %swap3A_3565], %gather3A_3522 {strides = array<i32>} : memref<2x50x8x128xf32, #tpu.memory_space<vmem>>, vector<16xf32>,
        %swap3A_3567 = arith.constant 32 : i32
        %swap3A_3568 = arith.index_cast %select_n3A_121 : i32 to index
        %swap3A_3569 = arith.index_cast %swap3A_3567 : i32 to index
        %swap3A_3570 = arith.index_cast %scan3A_185 : i32 to index
        %swap3A_3571 = arith.constant 96 : index
        %swap3A_3572 = tpu.vector_load %arg7[%swap3A_3568, %swap3A_3569, %swap3A_3570, %swap3A_3571] {strides = array<i32>} : memref<2x50x8x128xf32, #tpu.memory_space<vmem>>, vector<16xf32>,
        tpu.vector_store %arg7[%swap3A_3568, %swap3A_3569, %swap3A_3570, %swap3A_3571], %gather3A_3526 {strides = array<i32>} : memref<2x50x8x128xf32, #tpu.memory_space<vmem>>, vector<16xf32>,
        %swap3A_3573 = arith.constant 33 : i32
        %swap3A_3574 = arith.index_cast %select_n3A_121 : i32 to index
        %swap3A_3575 = arith.index_cast %swap3A_3573 : i32 to index
        %swap3A_3576 = arith.index_cast %scan3A_185 : i32 to index
        %swap3A_3577 = arith.constant 96 : index
        %swap3A_3578 = tpu.vector_load %arg7[%swap3A_3574, %swap3A_3575, %swap3A_3576, %swap3A_3577] {strides = array<i32>} : memref<2x50x8x128xf32, #tpu.memory_space<vmem>>, vector<16xf32>,
        tpu.vector_store %arg7[%swap3A_3574, %swap3A_3575, %swap3A_3576, %swap3A_3577], %gather3A_3530 {strides = array<i32>} : memref<2x50x8x128xf32, #tpu.memory_space<vmem>>, vector<16xf32>,
        %swap3A_3579 = arith.constant 34 : i32
        %swap3A_3580 = arith.index_cast %select_n3A_121 : i32 to index
        %swap3A_3581 = arith.index_cast %swap3A_3579 : i32 to index
        %swap3A_3582 = arith.index_cast %scan3A_185 : i32 to index
        %swap3A_3583 = arith.constant 96 : index
        %swap3A_3584 = tpu.vector_load %arg7[%swap3A_3580, %swap3A_3581, %swap3A_3582, %swap3A_3583] {strides = array<i32>} : memref<2x50x8x128xf32, #tpu.memory_space<vmem>>, vector<16xf32>,
        tpu.vector_store %arg7[%swap3A_3580, %swap3A_3581, %swap3A_3582, %swap3A_3583], %gather3A_3534 {strides = array<i32>} : memref<2x50x8x128xf32, #tpu.memory_space<vmem>>, vector<16xf32>,
        %swap3A_3585 = arith.constant 35 : i32
        %swap3A_3586 = arith.index_cast %select_n3A_121 : i32 to index
        %swap3A_3587 = arith.index_cast %swap3A_3585 : i32 to index
        %swap3A_3588 = arith.index_cast %scan3A_185 : i32 to index
        %swap3A_3589 = arith.constant 96 : index
        %swap3A_3590 = tpu.vector_load %arg7[%swap3A_3586, %swap3A_3587, %swap3A_3588, %swap3A_3589] {strides = array<i32>} : memref<2x50x8x128xf32, #tpu.memory_space<vmem>>, vector<16xf32>,
        tpu.vector_store %arg7[%swap3A_3586, %swap3A_3587, %swap3A_3588, %swap3A_3589], %gather3A_3538 {strides = array<i32>} : memref<2x50x8x128xf32, #tpu.memory_space<vmem>>, vector<16xf32>,
        %swap3A_3591 = arith.constant 36 : i32
        %swap3A_3592 = arith.index_cast %select_n3A_121 : i32 to index
        %swap3A_3593 = arith.index_cast %swap3A_3591 : i32 to index
        %swap3A_3594 = arith.index_cast %scan3A_185 : i32 to index
        %swap3A_3595 = arith.constant 96 : index
        %swap3A_3596 = tpu.vector_load %arg7[%swap3A_3592, %swap3A_3593, %swap3A_3594, %swap3A_3595] {strides = array<i32>} : memref<2x50x8x128xf32, #tpu.memory_space<vmem>>, vector<16xf32>,
        tpu.vector_store %arg7[%swap3A_3592, %swap3A_3593, %swap3A_3594, %swap3A_3595], %gather3A_3542 {strides = array<i32>} : memref<2x50x8x128xf32, #tpu.memory_space<vmem>>, vector<16xf32>,
        %swap3A_3597 = arith.constant 37 : i32
        %swap3A_3598 = arith.index_cast %select_n3A_121 : i32 to index
        %swap3A_3599 = arith.index_cast %swap3A_3597 : i32 to index
        %swap3A_3600 = arith.index_cast %scan3A_185 : i32 to index
        %swap3A_3601 = arith.constant 96 : index
        %swap3A_3602 = tpu.vector_load %arg7[%swap3A_3598, %swap3A_3599, %swap3A_3600, %swap3A_3601] {strides = array<i32>} : memref<2x50x8x128xf32, #tpu.memory_space<vmem>>, vector<16xf32>,
        tpu.vector_store %arg7[%swap3A_3598, %swap3A_3599, %swap3A_3600, %swap3A_3601], %gather3A_3546 {strides = array<i32>} : memref<2x50x8x128xf32, #tpu.memory_space<vmem>>, vector<16xf32>,
        %swap3A_3603 = arith.constant 38 : i32
        %swap3A_3604 = arith.index_cast %select_n3A_121 : i32 to index
        %swap3A_3605 = arith.index_cast %swap3A_3603 : i32 to index
        %swap3A_3606 = arith.index_cast %scan3A_185 : i32 to index
        %swap3A_3607 = arith.constant 96 : index
        %swap3A_3608 = tpu.vector_load %arg7[%swap3A_3604, %swap3A_3605, %swap3A_3606, %swap3A_3607] {strides = array<i32>} : memref<2x50x8x128xf32, #tpu.memory_space<vmem>>, vector<16xf32>,
        tpu.vector_store %arg7[%swap3A_3604, %swap3A_3605, %swap3A_3606, %swap3A_3607], %gather3A_3550 {strides = array<i32>} : memref<2x50x8x128xf32, #tpu.memory_space<vmem>>, vector<16xf32>,
        %swap3A_3609 = arith.constant 39 : i32
        %swap3A_3610 = arith.index_cast %select_n3A_121 : i32 to index
        %swap3A_3611 = arith.index_cast %swap3A_3609 : i32 to index
        %swap3A_3612 = arith.index_cast %scan3A_185 : i32 to index
        %swap3A_3613 = arith.constant 96 : index
        %swap3A_3614 = tpu.vector_load %arg7[%swap3A_3610, %swap3A_3611, %swap3A_3612, %swap3A_3613] {strides = array<i32>} : memref<2x50x8x128xf32, #tpu.memory_space<vmem>>, vector<16xf32>,
        tpu.vector_store %arg7[%swap3A_3610, %swap3A_3611, %swap3A_3612, %swap3A_3613], %gather3A_3554 {strides = array<i32>} : memref<2x50x8x128xf32, #tpu.memory_space<vmem>>, vector<16xf32>,
        %add3A_3615 = arith.constant 5120 : i32
        %add3A_3616 = vector.broadcast %add3A_3615 : i32 to vector<16xi32>
        %add3A_3617 = arith.addi %get3A_212, %add3A_3616 : vector<16xi32>
        %gather3A_3618 = tpu.vector_load_idx %arg5[%add3A_3617] : memref<6400xf32, #tpu.memory_space<vmem>>[vector<16xi32>], vector<16xf32>,
        %add3A_3619 = arith.constant 5248 : i32
        %add3A_3620 = vector.broadcast %add3A_3619 : i32 to vector<16xi32>
        %add3A_3621 = arith.addi %get3A_212, %add3A_3620 : vector<16xi32>
        %gather3A_3622 = tpu.vector_load_idx %arg5[%add3A_3621] : memref<6400xf32, #tpu.memory_space<vmem>>[vector<16xi32>], vector<16xf32>,
        %add3A_3623 = arith.constant 5376 : i32
        %add3A_3624 = vector.broadcast %add3A_3623 : i32 to vector<16xi32>
        %add3A_3625 = arith.addi %get3A_212, %add3A_3624 : vector<16xi32>
        %gather3A_3626 = tpu.vector_load_idx %arg5[%add3A_3625] : memref<6400xf32, #tpu.memory_space<vmem>>[vector<16xi32>], vector<16xf32>,
        %add3A_3627 = arith.constant 5504 : i32
        %add3A_3628 = vector.broadcast %add3A_3627 : i32 to vector<16xi32>
        %add3A_3629 = arith.addi %get3A_212, %add3A_3628 : vector<16xi32>
        %gather3A_3630 = tpu.vector_load_idx %arg5[%add3A_3629] : memref<6400xf32, #tpu.memory_space<vmem>>[vector<16xi32>], vector<16xf32>,
        %add3A_3631 = arith.constant 5632 : i32
        %add3A_3632 = vector.broadcast %add3A_3631 : i32 to vector<16xi32>
        %add3A_3633 = arith.addi %get3A_212, %add3A_3632 : vector<16xi32>
        %gather3A_3634 = tpu.vector_load_idx %arg5[%add3A_3633] : memref<6400xf32, #tpu.memory_space<vmem>>[vector<16xi32>], vector<16xf32>,
        %add3A_3635 = arith.constant 5760 : i32
        %add3A_3636 = vector.broadcast %add3A_3635 : i32 to vector<16xi32>
        %add3A_3637 = arith.addi %get3A_212, %add3A_3636 : vector<16xi32>
        %gather3A_3638 = tpu.vector_load_idx %arg5[%add3A_3637] : memref<6400xf32, #tpu.memory_space<vmem>>[vector<16xi32>], vector<16xf32>,
        %add3A_3639 = arith.constant 5888 : i32
        %add3A_3640 = vector.broadcast %add3A_3639 : i32 to vector<16xi32>
        %add3A_3641 = arith.addi %get3A_212, %add3A_3640 : vector<16xi32>
        %gather3A_3642 = tpu.vector_load_idx %arg5[%add3A_3641] : memref<6400xf32, #tpu.memory_space<vmem>>[vector<16xi32>], vector<16xf32>,
        %add3A_3643 = arith.constant 6016 : i32
        %add3A_3644 = vector.broadcast %add3A_3643 : i32 to vector<16xi32>
        %add3A_3645 = arith.addi %get3A_212, %add3A_3644 : vector<16xi32>
        %gather3A_3646 = tpu.vector_load_idx %arg5[%add3A_3645] : memref<6400xf32, #tpu.memory_space<vmem>>[vector<16xi32>], vector<16xf32>,
        %add3A_3647 = arith.constant 6144 : i32
        %add3A_3648 = vector.broadcast %add3A_3647 : i32 to vector<16xi32>
        %add3A_3649 = arith.addi %get3A_212, %add3A_3648 : vector<16xi32>
        %gather3A_3650 = tpu.vector_load_idx %arg5[%add3A_3649] : memref<6400xf32, #tpu.memory_space<vmem>>[vector<16xi32>], vector<16xf32>,
        %add3A_3651 = arith.constant 6272 : i32
        %add3A_3652 = vector.broadcast %add3A_3651 : i32 to vector<16xi32>
        %add3A_3653 = arith.addi %get3A_212, %add3A_3652 : vector<16xi32>
        %gather3A_3654 = tpu.vector_load_idx %arg5[%add3A_3653] : memref<6400xf32, #tpu.memory_space<vmem>>[vector<16xi32>], vector<16xf32>,
        %swap3A_3655 = arith.constant 40 : i32
        %swap3A_3656 = arith.index_cast %select_n3A_121 : i32 to index
        %swap3A_3657 = arith.index_cast %swap3A_3655 : i32 to index
        %swap3A_3658 = arith.index_cast %scan3A_185 : i32 to index
        %swap3A_3659 = arith.constant 96 : index
        %swap3A_3660 = tpu.vector_load %arg7[%swap3A_3656, %swap3A_3657, %swap3A_3658, %swap3A_3659] {strides = array<i32>} : memref<2x50x8x128xf32, #tpu.memory_space<vmem>>, vector<16xf32>,
        tpu.vector_store %arg7[%swap3A_3656, %swap3A_3657, %swap3A_3658, %swap3A_3659], %gather3A_3618 {strides = array<i32>} : memref<2x50x8x128xf32, #tpu.memory_space<vmem>>, vector<16xf32>,
        %swap3A_3661 = arith.constant 41 : i32
        %swap3A_3662 = arith.index_cast %select_n3A_121 : i32 to index
        %swap3A_3663 = arith.index_cast %swap3A_3661 : i32 to index
        %swap3A_3664 = arith.index_cast %scan3A_185 : i32 to index
        %swap3A_3665 = arith.constant 96 : index
        %swap3A_3666 = tpu.vector_load %arg7[%swap3A_3662, %swap3A_3663, %swap3A_3664, %swap3A_3665] {strides = array<i32>} : memref<2x50x8x128xf32, #tpu.memory_space<vmem>>, vector<16xf32>,
        tpu.vector_store %arg7[%swap3A_3662, %swap3A_3663, %swap3A_3664, %swap3A_3665], %gather3A_3622 {strides = array<i32>} : memref<2x50x8x128xf32, #tpu.memory_space<vmem>>, vector<16xf32>,
        %swap3A_3667 = arith.constant 42 : i32
        %swap3A_3668 = arith.index_cast %select_n3A_121 : i32 to index
        %swap3A_3669 = arith.index_cast %swap3A_3667 : i32 to index
        %swap3A_3670 = arith.index_cast %scan3A_185 : i32 to index
        %swap3A_3671 = arith.constant 96 : index
        %swap3A_3672 = tpu.vector_load %arg7[%swap3A_3668, %swap3A_3669, %swap3A_3670, %swap3A_3671] {strides = array<i32>} : memref<2x50x8x128xf32, #tpu.memory_space<vmem>>, vector<16xf32>,
        tpu.vector_store %arg7[%swap3A_3668, %swap3A_3669, %swap3A_3670, %swap3A_3671], %gather3A_3626 {strides = array<i32>} : memref<2x50x8x128xf32, #tpu.memory_space<vmem>>, vector<16xf32>,
        %swap3A_3673 = arith.constant 43 : i32
        %swap3A_3674 = arith.index_cast %select_n3A_121 : i32 to index
        %swap3A_3675 = arith.index_cast %swap3A_3673 : i32 to index
        %swap3A_3676 = arith.index_cast %scan3A_185 : i32 to index
        %swap3A_3677 = arith.constant 96 : index
        %swap3A_3678 = tpu.vector_load %arg7[%swap3A_3674, %swap3A_3675, %swap3A_3676, %swap3A_3677] {strides = array<i32>} : memref<2x50x8x128xf32, #tpu.memory_space<vmem>>, vector<16xf32>,
        tpu.vector_store %arg7[%swap3A_3674, %swap3A_3675, %swap3A_3676, %swap3A_3677], %gather3A_3630 {strides = array<i32>} : memref<2x50x8x128xf32, #tpu.memory_space<vmem>>, vector<16xf32>,
        %swap3A_3679 = arith.constant 44 : i32
        %swap3A_3680 = arith.index_cast %select_n3A_121 : i32 to index
        %swap3A_3681 = arith.index_cast %swap3A_3679 : i32 to index
        %swap3A_3682 = arith.index_cast %scan3A_185 : i32 to index
        %swap3A_3683 = arith.constant 96 : index
        %swap3A_3684 = tpu.vector_load %arg7[%swap3A_3680, %swap3A_3681, %swap3A_3682, %swap3A_3683] {strides = array<i32>} : memref<2x50x8x128xf32, #tpu.memory_space<vmem>>, vector<16xf32>,
        tpu.vector_store %arg7[%swap3A_3680, %swap3A_3681, %swap3A_3682, %swap3A_3683], %gather3A_3634 {strides = array<i32>} : memref<2x50x8x128xf32, #tpu.memory_space<vmem>>, vector<16xf32>,
        %swap3A_3685 = arith.constant 45 : i32
        %swap3A_3686 = arith.index_cast %select_n3A_121 : i32 to index
        %swap3A_3687 = arith.index_cast %swap3A_3685 : i32 to index
        %swap3A_3688 = arith.index_cast %scan3A_185 : i32 to index
        %swap3A_3689 = arith.constant 96 : index
        %swap3A_3690 = tpu.vector_load %arg7[%swap3A_3686, %swap3A_3687, %swap3A_3688, %swap3A_3689] {strides = array<i32>} : memref<2x50x8x128xf32, #tpu.memory_space<vmem>>, vector<16xf32>,
        tpu.vector_store %arg7[%swap3A_3686, %swap3A_3687, %swap3A_3688, %swap3A_3689], %gather3A_3638 {strides = array<i32>} : memref<2x50x8x128xf32, #tpu.memory_space<vmem>>, vector<16xf32>,
        %swap3A_3691 = arith.constant 46 : i32
        %swap3A_3692 = arith.index_cast %select_n3A_121 : i32 to index
        %swap3A_3693 = arith.index_cast %swap3A_3691 : i32 to index
        %swap3A_3694 = arith.index_cast %scan3A_185 : i32 to index
        %swap3A_3695 = arith.constant 96 : index
        %swap3A_3696 = tpu.vector_load %arg7[%swap3A_3692, %swap3A_3693, %swap3A_3694, %swap3A_3695] {strides = array<i32>} : memref<2x50x8x128xf32, #tpu.memory_space<vmem>>, vector<16xf32>,
        tpu.vector_store %arg7[%swap3A_3692, %swap3A_3693, %swap3A_3694, %swap3A_3695], %gather3A_3642 {strides = array<i32>} : memref<2x50x8x128xf32, #tpu.memory_space<vmem>>, vector<16xf32>,
        %swap3A_3697 = arith.constant 47 : i32
        %swap3A_3698 = arith.index_cast %select_n3A_121 : i32 to index
        %swap3A_3699 = arith.index_cast %swap3A_3697 : i32 to index
        %swap3A_3700 = arith.index_cast %scan3A_185 : i32 to index
        %swap3A_3701 = arith.constant 96 : index
        %swap3A_3702 = tpu.vector_load %arg7[%swap3A_3698, %swap3A_3699, %swap3A_3700, %swap3A_3701] {strides = array<i32>} : memref<2x50x8x128xf32, #tpu.memory_space<vmem>>, vector<16xf32>,
        tpu.vector_store %arg7[%swap3A_3698, %swap3A_3699, %swap3A_3700, %swap3A_3701], %gather3A_3646 {strides = array<i32>} : memref<2x50x8x128xf32, #tpu.memory_space<vmem>>, vector<16xf32>,
        %swap3A_3703 = arith.constant 48 : i32
        %swap3A_3704 = arith.index_cast %select_n3A_121 : i32 to index
        %swap3A_3705 = arith.index_cast %swap3A_3703 : i32 to index
        %swap3A_3706 = arith.index_cast %scan3A_185 : i32 to index
        %swap3A_3707 = arith.constant 96 : index
        %swap3A_3708 = tpu.vector_load %arg7[%swap3A_3704, %swap3A_3705, %swap3A_3706, %swap3A_3707] {strides = array<i32>} : memref<2x50x8x128xf32, #tpu.memory_space<vmem>>, vector<16xf32>,
        tpu.vector_store %arg7[%swap3A_3704, %swap3A_3705, %swap3A_3706, %swap3A_3707], %gather3A_3650 {strides = array<i32>} : memref<2x50x8x128xf32, #tpu.memory_space<vmem>>, vector<16xf32>,
        %swap3A_3709 = arith.constant 49 : i32
        %swap3A_3710 = arith.index_cast %select_n3A_121 : i32 to index
        %swap3A_3711 = arith.index_cast %swap3A_3709 : i32 to index
        %swap3A_3712 = arith.index_cast %scan3A_185 : i32 to index
        %swap3A_3713 = arith.constant 96 : index
        %swap3A_3714 = tpu.vector_load %arg7[%swap3A_3710, %swap3A_3711, %swap3A_3712, %swap3A_3713] {strides = array<i32>} : memref<2x50x8x128xf32, #tpu.memory_space<vmem>>, vector<16xf32>,
        tpu.vector_store %arg7[%swap3A_3710, %swap3A_3711, %swap3A_3712, %swap3A_3713], %gather3A_3654 {strides = array<i32>} : memref<2x50x8x128xf32, #tpu.memory_space<vmem>>, vector<16xf32>,
        %add3A_3715 = arith.constant 0 : i32
        %add3A_3716 = vector.broadcast %add3A_3715 : i32 to vector<16xi32>
        %add3A_3717 = arith.addi %get3A_216, %add3A_3716 : vector<16xi32>
        %gather3A_3718 = tpu.vector_load_idx %arg5[%add3A_3717] : memref<6400xf32, #tpu.memory_space<vmem>>[vector<16xi32>], vector<16xf32>,
        %add3A_3719 = arith.constant 128 : i32
        %add3A_3720 = vector.broadcast %add3A_3719 : i32 to vector<16xi32>
        %add3A_3721 = arith.addi %get3A_216, %add3A_3720 : vector<16xi32>
        %gather3A_3722 = tpu.vector_load_idx %arg5[%add3A_3721] : memref<6400xf32, #tpu.memory_space<vmem>>[vector<16xi32>], vector<16xf32>,
        %add3A_3723 = arith.constant 256 : i32
        %add3A_3724 = vector.broadcast %add3A_3723 : i32 to vector<16xi32>
        %add3A_3725 = arith.addi %get3A_216, %add3A_3724 : vector<16xi32>
        %gather3A_3726 = tpu.vector_load_idx %arg5[%add3A_3725] : memref<6400xf32, #tpu.memory_space<vmem>>[vector<16xi32>], vector<16xf32>,
        %add3A_3727 = arith.constant 384 : i32
        %add3A_3728 = vector.broadcast %add3A_3727 : i32 to vector<16xi32>
        %add3A_3729 = arith.addi %get3A_216, %add3A_3728 : vector<16xi32>
        %gather3A_3730 = tpu.vector_load_idx %arg5[%add3A_3729] : memref<6400xf32, #tpu.memory_space<vmem>>[vector<16xi32>], vector<16xf32>,
        %add3A_3731 = arith.constant 512 : i32
        %add3A_3732 = vector.broadcast %add3A_3731 : i32 to vector<16xi32>
        %add3A_3733 = arith.addi %get3A_216, %add3A_3732 : vector<16xi32>
        %gather3A_3734 = tpu.vector_load_idx %arg5[%add3A_3733] : memref<6400xf32, #tpu.memory_space<vmem>>[vector<16xi32>], vector<16xf32>,
        %add3A_3735 = arith.constant 640 : i32
        %add3A_3736 = vector.broadcast %add3A_3735 : i32 to vector<16xi32>
        %add3A_3737 = arith.addi %get3A_216, %add3A_3736 : vector<16xi32>
        %gather3A_3738 = tpu.vector_load_idx %arg5[%add3A_3737] : memref<6400xf32, #tpu.memory_space<vmem>>[vector<16xi32>], vector<16xf32>,
        %add3A_3739 = arith.constant 768 : i32
        %add3A_3740 = vector.broadcast %add3A_3739 : i32 to vector<16xi32>
        %add3A_3741 = arith.addi %get3A_216, %add3A_3740 : vector<16xi32>
        %gather3A_3742 = tpu.vector_load_idx %arg5[%add3A_3741] : memref<6400xf32, #tpu.memory_space<vmem>>[vector<16xi32>], vector<16xf32>,
        %add3A_3743 = arith.constant 896 : i32
        %add3A_3744 = vector.broadcast %add3A_3743 : i32 to vector<16xi32>
        %add3A_3745 = arith.addi %get3A_216, %add3A_3744 : vector<16xi32>
        %gather3A_3746 = tpu.vector_load_idx %arg5[%add3A_3745] : memref<6400xf32, #tpu.memory_space<vmem>>[vector<16xi32>], vector<16xf32>,
        %add3A_3747 = arith.constant 1024 : i32
        %add3A_3748 = vector.broadcast %add3A_3747 : i32 to vector<16xi32>
        %add3A_3749 = arith.addi %get3A_216, %add3A_3748 : vector<16xi32>
        %gather3A_3750 = tpu.vector_load_idx %arg5[%add3A_3749] : memref<6400xf32, #tpu.memory_space<vmem>>[vector<16xi32>], vector<16xf32>,
        %add3A_3751 = arith.constant 1152 : i32
        %add3A_3752 = vector.broadcast %add3A_3751 : i32 to vector<16xi32>
        %add3A_3753 = arith.addi %get3A_216, %add3A_3752 : vector<16xi32>
        %gather3A_3754 = tpu.vector_load_idx %arg5[%add3A_3753] : memref<6400xf32, #tpu.memory_space<vmem>>[vector<16xi32>], vector<16xf32>,
        %swap3A_3755 = arith.constant 0 : i32
        %swap3A_3756 = arith.index_cast %select_n3A_121 : i32 to index
        %swap3A_3757 = arith.index_cast %swap3A_3755 : i32 to index
        %swap3A_3758 = arith.index_cast %scan3A_185 : i32 to index
        %swap3A_3759 = arith.constant 112 : index
        %swap3A_3760 = tpu.vector_load %arg7[%swap3A_3756, %swap3A_3757, %swap3A_3758, %swap3A_3759] {strides = array<i32>} : memref<2x50x8x128xf32, #tpu.memory_space<vmem>>, vector<16xf32>,
        tpu.vector_store %arg7[%swap3A_3756, %swap3A_3757, %swap3A_3758, %swap3A_3759], %gather3A_3718 {strides = array<i32>} : memref<2x50x8x128xf32, #tpu.memory_space<vmem>>, vector<16xf32>,
        %swap3A_3761 = arith.constant 1 : i32
        %swap3A_3762 = arith.index_cast %select_n3A_121 : i32 to index
        %swap3A_3763 = arith.index_cast %swap3A_3761 : i32 to index
        %swap3A_3764 = arith.index_cast %scan3A_185 : i32 to index
        %swap3A_3765 = arith.constant 112 : index
        %swap3A_3766 = tpu.vector_load %arg7[%swap3A_3762, %swap3A_3763, %swap3A_3764, %swap3A_3765] {strides = array<i32>} : memref<2x50x8x128xf32, #tpu.memory_space<vmem>>, vector<16xf32>,
        tpu.vector_store %arg7[%swap3A_3762, %swap3A_3763, %swap3A_3764, %swap3A_3765], %gather3A_3722 {strides = array<i32>} : memref<2x50x8x128xf32, #tpu.memory_space<vmem>>, vector<16xf32>,
        %swap3A_3767 = arith.constant 2 : i32
        %swap3A_3768 = arith.index_cast %select_n3A_121 : i32 to index
        %swap3A_3769 = arith.index_cast %swap3A_3767 : i32 to index
        %swap3A_3770 = arith.index_cast %scan3A_185 : i32 to index
        %swap3A_3771 = arith.constant 112 : index
        %swap3A_3772 = tpu.vector_load %arg7[%swap3A_3768, %swap3A_3769, %swap3A_3770, %swap3A_3771] {strides = array<i32>} : memref<2x50x8x128xf32, #tpu.memory_space<vmem>>, vector<16xf32>,
        tpu.vector_store %arg7[%swap3A_3768, %swap3A_3769, %swap3A_3770, %swap3A_3771], %gather3A_3726 {strides = array<i32>} : memref<2x50x8x128xf32, #tpu.memory_space<vmem>>, vector<16xf32>,
        %swap3A_3773 = arith.constant 3 : i32
        %swap3A_3774 = arith.index_cast %select_n3A_121 : i32 to index
        %swap3A_3775 = arith.index_cast %swap3A_3773 : i32 to index
        %swap3A_3776 = arith.index_cast %scan3A_185 : i32 to index
        %swap3A_3777 = arith.constant 112 : index
        %swap3A_3778 = tpu.vector_load %arg7[%swap3A_3774, %swap3A_3775, %swap3A_3776, %swap3A_3777] {strides = array<i32>} : memref<2x50x8x128xf32, #tpu.memory_space<vmem>>, vector<16xf32>,
        tpu.vector_store %arg7[%swap3A_3774, %swap3A_3775, %swap3A_3776, %swap3A_3777], %gather3A_3730 {strides = array<i32>} : memref<2x50x8x128xf32, #tpu.memory_space<vmem>>, vector<16xf32>,
        %swap3A_3779 = arith.constant 4 : i32
        %swap3A_3780 = arith.index_cast %select_n3A_121 : i32 to index
        %swap3A_3781 = arith.index_cast %swap3A_3779 : i32 to index
        %swap3A_3782 = arith.index_cast %scan3A_185 : i32 to index
        %swap3A_3783 = arith.constant 112 : index
        %swap3A_3784 = tpu.vector_load %arg7[%swap3A_3780, %swap3A_3781, %swap3A_3782, %swap3A_3783] {strides = array<i32>} : memref<2x50x8x128xf32, #tpu.memory_space<vmem>>, vector<16xf32>,
        tpu.vector_store %arg7[%swap3A_3780, %swap3A_3781, %swap3A_3782, %swap3A_3783], %gather3A_3734 {strides = array<i32>} : memref<2x50x8x128xf32, #tpu.memory_space<vmem>>, vector<16xf32>,
        %swap3A_3785 = arith.constant 5 : i32
        %swap3A_3786 = arith.index_cast %select_n3A_121 : i32 to index
        %swap3A_3787 = arith.index_cast %swap3A_3785 : i32 to index
        %swap3A_3788 = arith.index_cast %scan3A_185 : i32 to index
        %swap3A_3789 = arith.constant 112 : index
        %swap3A_3790 = tpu.vector_load %arg7[%swap3A_3786, %swap3A_3787, %swap3A_3788, %swap3A_3789] {strides = array<i32>} : memref<2x50x8x128xf32, #tpu.memory_space<vmem>>, vector<16xf32>,
        tpu.vector_store %arg7[%swap3A_3786, %swap3A_3787, %swap3A_3788, %swap3A_3789], %gather3A_3738 {strides = array<i32>} : memref<2x50x8x128xf32, #tpu.memory_space<vmem>>, vector<16xf32>,
        %swap3A_3791 = arith.constant 6 : i32
        %swap3A_3792 = arith.index_cast %select_n3A_121 : i32 to index
        %swap3A_3793 = arith.index_cast %swap3A_3791 : i32 to index
        %swap3A_3794 = arith.index_cast %scan3A_185 : i32 to index
        %swap3A_3795 = arith.constant 112 : index
        %swap3A_3796 = tpu.vector_load %arg7[%swap3A_3792, %swap3A_3793, %swap3A_3794, %swap3A_3795] {strides = array<i32>} : memref<2x50x8x128xf32, #tpu.memory_space<vmem>>, vector<16xf32>,
        tpu.vector_store %arg7[%swap3A_3792, %swap3A_3793, %swap3A_3794, %swap3A_3795], %gather3A_3742 {strides = array<i32>} : memref<2x50x8x128xf32, #tpu.memory_space<vmem>>, vector<16xf32>,
        %swap3A_3797 = arith.constant 7 : i32
        %swap3A_3798 = arith.index_cast %select_n3A_121 : i32 to index
        %swap3A_3799 = arith.index_cast %swap3A_3797 : i32 to index
        %swap3A_3800 = arith.index_cast %scan3A_185 : i32 to index
        %swap3A_3801 = arith.constant 112 : index
        %swap3A_3802 = tpu.vector_load %arg7[%swap3A_3798, %swap3A_3799, %swap3A_3800, %swap3A_3801] {strides = array<i32>} : memref<2x50x8x128xf32, #tpu.memory_space<vmem>>, vector<16xf32>,
        tpu.vector_store %arg7[%swap3A_3798, %swap3A_3799, %swap3A_3800, %swap3A_3801], %gather3A_3746 {strides = array<i32>} : memref<2x50x8x128xf32, #tpu.memory_space<vmem>>, vector<16xf32>,
        %swap3A_3803 = arith.constant 8 : i32
        %swap3A_3804 = arith.index_cast %select_n3A_121 : i32 to index
        %swap3A_3805 = arith.index_cast %swap3A_3803 : i32 to index
        %swap3A_3806 = arith.index_cast %scan3A_185 : i32 to index
        %swap3A_3807 = arith.constant 112 : index
        %swap3A_3808 = tpu.vector_load %arg7[%swap3A_3804, %swap3A_3805, %swap3A_3806, %swap3A_3807] {strides = array<i32>} : memref<2x50x8x128xf32, #tpu.memory_space<vmem>>, vector<16xf32>,
        tpu.vector_store %arg7[%swap3A_3804, %swap3A_3805, %swap3A_3806, %swap3A_3807], %gather3A_3750 {strides = array<i32>} : memref<2x50x8x128xf32, #tpu.memory_space<vmem>>, vector<16xf32>,
        %swap3A_3809 = arith.constant 9 : i32
        %swap3A_3810 = arith.index_cast %select_n3A_121 : i32 to index
        %swap3A_3811 = arith.index_cast %swap3A_3809 : i32 to index
        %swap3A_3812 = arith.index_cast %scan3A_185 : i32 to index
        %swap3A_3813 = arith.constant 112 : index
        %swap3A_3814 = tpu.vector_load %arg7[%swap3A_3810, %swap3A_3811, %swap3A_3812, %swap3A_3813] {strides = array<i32>} : memref<2x50x8x128xf32, #tpu.memory_space<vmem>>, vector<16xf32>,
        tpu.vector_store %arg7[%swap3A_3810, %swap3A_3811, %swap3A_3812, %swap3A_3813], %gather3A_3754 {strides = array<i32>} : memref<2x50x8x128xf32, #tpu.memory_space<vmem>>, vector<16xf32>,
        %add3A_3815 = arith.constant 1280 : i32
        %add3A_3816 = vector.broadcast %add3A_3815 : i32 to vector<16xi32>
        %add3A_3817 = arith.addi %get3A_216, %add3A_3816 : vector<16xi32>
        %gather3A_3818 = tpu.vector_load_idx %arg5[%add3A_3817] : memref<6400xf32, #tpu.memory_space<vmem>>[vector<16xi32>], vector<16xf32>,
        %add3A_3819 = arith.constant 1408 : i32
        %add3A_3820 = vector.broadcast %add3A_3819 : i32 to vector<16xi32>
        %add3A_3821 = arith.addi %get3A_216, %add3A_3820 : vector<16xi32>
        %gather3A_3822 = tpu.vector_load_idx %arg5[%add3A_3821] : memref<6400xf32, #tpu.memory_space<vmem>>[vector<16xi32>], vector<16xf32>,
        %add3A_3823 = arith.constant 1536 : i32
        %add3A_3824 = vector.broadcast %add3A_3823 : i32 to vector<16xi32>
        %add3A_3825 = arith.addi %get3A_216, %add3A_3824 : vector<16xi32>
        %gather3A_3826 = tpu.vector_load_idx %arg5[%add3A_3825] : memref<6400xf32, #tpu.memory_space<vmem>>[vector<16xi32>], vector<16xf32>,
        %add3A_3827 = arith.constant 1664 : i32
        %add3A_3828 = vector.broadcast %add3A_3827 : i32 to vector<16xi32>
        %add3A_3829 = arith.addi %get3A_216, %add3A_3828 : vector<16xi32>
        %gather3A_3830 = tpu.vector_load_idx %arg5[%add3A_3829] : memref<6400xf32, #tpu.memory_space<vmem>>[vector<16xi32>], vector<16xf32>,
        %add3A_3831 = arith.constant 1792 : i32
        %add3A_3832 = vector.broadcast %add3A_3831 : i32 to vector<16xi32>
        %add3A_3833 = arith.addi %get3A_216, %add3A_3832 : vector<16xi32>
        %gather3A_3834 = tpu.vector_load_idx %arg5[%add3A_3833] : memref<6400xf32, #tpu.memory_space<vmem>>[vector<16xi32>], vector<16xf32>,
        %add3A_3835 = arith.constant 1920 : i32
        %add3A_3836 = vector.broadcast %add3A_3835 : i32 to vector<16xi32>
        %add3A_3837 = arith.addi %get3A_216, %add3A_3836 : vector<16xi32>
        %gather3A_3838 = tpu.vector_load_idx %arg5[%add3A_3837] : memref<6400xf32, #tpu.memory_space<vmem>>[vector<16xi32>], vector<16xf32>,
        %add3A_3839 = arith.constant 2048 : i32
        %add3A_3840 = vector.broadcast %add3A_3839 : i32 to vector<16xi32>
        %add3A_3841 = arith.addi %get3A_216, %add3A_3840 : vector<16xi32>
        %gather3A_3842 = tpu.vector_load_idx %arg5[%add3A_3841] : memref<6400xf32, #tpu.memory_space<vmem>>[vector<16xi32>], vector<16xf32>,
        %add3A_3843 = arith.constant 2176 : i32
        %add3A_3844 = vector.broadcast %add3A_3843 : i32 to vector<16xi32>
        %add3A_3845 = arith.addi %get3A_216, %add3A_3844 : vector<16xi32>
        %gather3A_3846 = tpu.vector_load_idx %arg5[%add3A_3845] : memref<6400xf32, #tpu.memory_space<vmem>>[vector<16xi32>], vector<16xf32>,
        %add3A_3847 = arith.constant 2304 : i32
        %add3A_3848 = vector.broadcast %add3A_3847 : i32 to vector<16xi32>
        %add3A_3849 = arith.addi %get3A_216, %add3A_3848 : vector<16xi32>
        %gather3A_3850 = tpu.vector_load_idx %arg5[%add3A_3849] : memref<6400xf32, #tpu.memory_space<vmem>>[vector<16xi32>], vector<16xf32>,
        %add3A_3851 = arith.constant 2432 : i32
        %add3A_3852 = vector.broadcast %add3A_3851 : i32 to vector<16xi32>
        %add3A_3853 = arith.addi %get3A_216, %add3A_3852 : vector<16xi32>
        %gather3A_3854 = tpu.vector_load_idx %arg5[%add3A_3853] : memref<6400xf32, #tpu.memory_space<vmem>>[vector<16xi32>], vector<16xf32>,
        %swap3A_3855 = arith.constant 10 : i32
        %swap3A_3856 = arith.index_cast %select_n3A_121 : i32 to index
        %swap3A_3857 = arith.index_cast %swap3A_3855 : i32 to index
        %swap3A_3858 = arith.index_cast %scan3A_185 : i32 to index
        %swap3A_3859 = arith.constant 112 : index
        %swap3A_3860 = tpu.vector_load %arg7[%swap3A_3856, %swap3A_3857, %swap3A_3858, %swap3A_3859] {strides = array<i32>} : memref<2x50x8x128xf32, #tpu.memory_space<vmem>>, vector<16xf32>,
        tpu.vector_store %arg7[%swap3A_3856, %swap3A_3857, %swap3A_3858, %swap3A_3859], %gather3A_3818 {strides = array<i32>} : memref<2x50x8x128xf32, #tpu.memory_space<vmem>>, vector<16xf32>,
        %swap3A_3861 = arith.constant 11 : i32
        %swap3A_3862 = arith.index_cast %select_n3A_121 : i32 to index
        %swap3A_3863 = arith.index_cast %swap3A_3861 : i32 to index
        %swap3A_3864 = arith.index_cast %scan3A_185 : i32 to index
        %swap3A_3865 = arith.constant 112 : index
        %swap3A_3866 = tpu.vector_load %arg7[%swap3A_3862, %swap3A_3863, %swap3A_3864, %swap3A_3865] {strides = array<i32>} : memref<2x50x8x128xf32, #tpu.memory_space<vmem>>, vector<16xf32>,
        tpu.vector_store %arg7[%swap3A_3862, %swap3A_3863, %swap3A_3864, %swap3A_3865], %gather3A_3822 {strides = array<i32>} : memref<2x50x8x128xf32, #tpu.memory_space<vmem>>, vector<16xf32>,
        %swap3A_3867 = arith.constant 12 : i32
        %swap3A_3868 = arith.index_cast %select_n3A_121 : i32 to index
        %swap3A_3869 = arith.index_cast %swap3A_3867 : i32 to index
        %swap3A_3870 = arith.index_cast %scan3A_185 : i32 to index
        %swap3A_3871 = arith.constant 112 : index
        %swap3A_3872 = tpu.vector_load %arg7[%swap3A_3868, %swap3A_3869, %swap3A_3870, %swap3A_3871] {strides = array<i32>} : memref<2x50x8x128xf32, #tpu.memory_space<vmem>>, vector<16xf32>,
        tpu.vector_store %arg7[%swap3A_3868, %swap3A_3869, %swap3A_3870, %swap3A_3871], %gather3A_3826 {strides = array<i32>} : memref<2x50x8x128xf32, #tpu.memory_space<vmem>>, vector<16xf32>,
        %swap3A_3873 = arith.constant 13 : i32
        %swap3A_3874 = arith.index_cast %select_n3A_121 : i32 to index
        %swap3A_3875 = arith.index_cast %swap3A_3873 : i32 to index
        %swap3A_3876 = arith.index_cast %scan3A_185 : i32 to index
        %swap3A_3877 = arith.constant 112 : index
        %swap3A_3878 = tpu.vector_load %arg7[%swap3A_3874, %swap3A_3875, %swap3A_3876, %swap3A_3877] {strides = array<i32>} : memref<2x50x8x128xf32, #tpu.memory_space<vmem>>, vector<16xf32>,
        tpu.vector_store %arg7[%swap3A_3874, %swap3A_3875, %swap3A_3876, %swap3A_3877], %gather3A_3830 {strides = array<i32>} : memref<2x50x8x128xf32, #tpu.memory_space<vmem>>, vector<16xf32>,
        %swap3A_3879 = arith.constant 14 : i32
        %swap3A_3880 = arith.index_cast %select_n3A_121 : i32 to index
        %swap3A_3881 = arith.index_cast %swap3A_3879 : i32 to index
        %swap3A_3882 = arith.index_cast %scan3A_185 : i32 to index
        %swap3A_3883 = arith.constant 112 : index
        %swap3A_3884 = tpu.vector_load %arg7[%swap3A_3880, %swap3A_3881, %swap3A_3882, %swap3A_3883] {strides = array<i32>} : memref<2x50x8x128xf32, #tpu.memory_space<vmem>>, vector<16xf32>,
        tpu.vector_store %arg7[%swap3A_3880, %swap3A_3881, %swap3A_3882, %swap3A_3883], %gather3A_3834 {strides = array<i32>} : memref<2x50x8x128xf32, #tpu.memory_space<vmem>>, vector<16xf32>,
        %swap3A_3885 = arith.constant 15 : i32
        %swap3A_3886 = arith.index_cast %select_n3A_121 : i32 to index
        %swap3A_3887 = arith.index_cast %swap3A_3885 : i32 to index
        %swap3A_3888 = arith.index_cast %scan3A_185 : i32 to index
        %swap3A_3889 = arith.constant 112 : index
        %swap3A_3890 = tpu.vector_load %arg7[%swap3A_3886, %swap3A_3887, %swap3A_3888, %swap3A_3889] {strides = array<i32>} : memref<2x50x8x128xf32, #tpu.memory_space<vmem>>, vector<16xf32>,
        tpu.vector_store %arg7[%swap3A_3886, %swap3A_3887, %swap3A_3888, %swap3A_3889], %gather3A_3838 {strides = array<i32>} : memref<2x50x8x128xf32, #tpu.memory_space<vmem>>, vector<16xf32>,
        %swap3A_3891 = arith.constant 16 : i32
        %swap3A_3892 = arith.index_cast %select_n3A_121 : i32 to index
        %swap3A_3893 = arith.index_cast %swap3A_3891 : i32 to index
        %swap3A_3894 = arith.index_cast %scan3A_185 : i32 to index
        %swap3A_3895 = arith.constant 112 : index
        %swap3A_3896 = tpu.vector_load %arg7[%swap3A_3892, %swap3A_3893, %swap3A_3894, %swap3A_3895] {strides = array<i32>} : memref<2x50x8x128xf32, #tpu.memory_space<vmem>>, vector<16xf32>,
        tpu.vector_store %arg7[%swap3A_3892, %swap3A_3893, %swap3A_3894, %swap3A_3895], %gather3A_3842 {strides = array<i32>} : memref<2x50x8x128xf32, #tpu.memory_space<vmem>>, vector<16xf32>,
        %swap3A_3897 = arith.constant 17 : i32
        %swap3A_3898 = arith.index_cast %select_n3A_121 : i32 to index
        %swap3A_3899 = arith.index_cast %swap3A_3897 : i32 to index
        %swap3A_3900 = arith.index_cast %scan3A_185 : i32 to index
        %swap3A_3901 = arith.constant 112 : index
        %swap3A_3902 = tpu.vector_load %arg7[%swap3A_3898, %swap3A_3899, %swap3A_3900, %swap3A_3901] {strides = array<i32>} : memref<2x50x8x128xf32, #tpu.memory_space<vmem>>, vector<16xf32>,
        tpu.vector_store %arg7[%swap3A_3898, %swap3A_3899, %swap3A_3900, %swap3A_3901], %gather3A_3846 {strides = array<i32>} : memref<2x50x8x128xf32, #tpu.memory_space<vmem>>, vector<16xf32>,
        %swap3A_3903 = arith.constant 18 : i32
        %swap3A_3904 = arith.index_cast %select_n3A_121 : i32 to index
        %swap3A_3905 = arith.index_cast %swap3A_3903 : i32 to index
        %swap3A_3906 = arith.index_cast %scan3A_185 : i32 to index
        %swap3A_3907 = arith.constant 112 : index
        %swap3A_3908 = tpu.vector_load %arg7[%swap3A_3904, %swap3A_3905, %swap3A_3906, %swap3A_3907] {strides = array<i32>} : memref<2x50x8x128xf32, #tpu.memory_space<vmem>>, vector<16xf32>,
        tpu.vector_store %arg7[%swap3A_3904, %swap3A_3905, %swap3A_3906, %swap3A_3907], %gather3A_3850 {strides = array<i32>} : memref<2x50x8x128xf32, #tpu.memory_space<vmem>>, vector<16xf32>,
        %swap3A_3909 = arith.constant 19 : i32
        %swap3A_3910 = arith.index_cast %select_n3A_121 : i32 to index
        %swap3A_3911 = arith.index_cast %swap3A_3909 : i32 to index
        %swap3A_3912 = arith.index_cast %scan3A_185 : i32 to index
        %swap3A_3913 = arith.constant 112 : index
        %swap3A_3914 = tpu.vector_load %arg7[%swap3A_3910, %swap3A_3911, %swap3A_3912, %swap3A_3913] {strides = array<i32>} : memref<2x50x8x128xf32, #tpu.memory_space<vmem>>, vector<16xf32>,
        tpu.vector_store %arg7[%swap3A_3910, %swap3A_3911, %swap3A_3912, %swap3A_3913], %gather3A_3854 {strides = array<i32>} : memref<2x50x8x128xf32, #tpu.memory_space<vmem>>, vector<16xf32>,
        %add3A_3915 = arith.constant 2560 : i32
        %add3A_3916 = vector.broadcast %add3A_3915 : i32 to vector<16xi32>
        %add3A_3917 = arith.addi %get3A_216, %add3A_3916 : vector<16xi32>
        %gather3A_3918 = tpu.vector_load_idx %arg5[%add3A_3917] : memref<6400xf32, #tpu.memory_space<vmem>>[vector<16xi32>], vector<16xf32>,
        %add3A_3919 = arith.constant 2688 : i32
        %add3A_3920 = vector.broadcast %add3A_3919 : i32 to vector<16xi32>
        %add3A_3921 = arith.addi %get3A_216, %add3A_3920 : vector<16xi32>
        %gather3A_3922 = tpu.vector_load_idx %arg5[%add3A_3921] : memref<6400xf32, #tpu.memory_space<vmem>>[vector<16xi32>], vector<16xf32>,
        %add3A_3923 = arith.constant 2816 : i32
        %add3A_3924 = vector.broadcast %add3A_3923 : i32 to vector<16xi32>
        %add3A_3925 = arith.addi %get3A_216, %add3A_3924 : vector<16xi32>
        %gather3A_3926 = tpu.vector_load_idx %arg5[%add3A_3925] : memref<6400xf32, #tpu.memory_space<vmem>>[vector<16xi32>], vector<16xf32>,
        %add3A_3927 = arith.constant 2944 : i32
        %add3A_3928 = vector.broadcast %add3A_3927 : i32 to vector<16xi32>
        %add3A_3929 = arith.addi %get3A_216, %add3A_3928 : vector<16xi32>
        %gather3A_3930 = tpu.vector_load_idx %arg5[%add3A_3929] : memref<6400xf32, #tpu.memory_space<vmem>>[vector<16xi32>], vector<16xf32>,
        %add3A_3931 = arith.constant 3072 : i32
        %add3A_3932 = vector.broadcast %add3A_3931 : i32 to vector<16xi32>
        %add3A_3933 = arith.addi %get3A_216, %add3A_3932 : vector<16xi32>
        %gather3A_3934 = tpu.vector_load_idx %arg5[%add3A_3933] : memref<6400xf32, #tpu.memory_space<vmem>>[vector<16xi32>], vector<16xf32>,
        %add3A_3935 = arith.constant 3200 : i32
        %add3A_3936 = vector.broadcast %add3A_3935 : i32 to vector<16xi32>
        %add3A_3937 = arith.addi %get3A_216, %add3A_3936 : vector<16xi32>
        %gather3A_3938 = tpu.vector_load_idx %arg5[%add3A_3937] : memref<6400xf32, #tpu.memory_space<vmem>>[vector<16xi32>], vector<16xf32>,
        %add3A_3939 = arith.constant 3328 : i32
        %add3A_3940 = vector.broadcast %add3A_3939 : i32 to vector<16xi32>
        %add3A_3941 = arith.addi %get3A_216, %add3A_3940 : vector<16xi32>
        %gather3A_3942 = tpu.vector_load_idx %arg5[%add3A_3941] : memref<6400xf32, #tpu.memory_space<vmem>>[vector<16xi32>], vector<16xf32>,
        %add3A_3943 = arith.constant 3456 : i32
        %add3A_3944 = vector.broadcast %add3A_3943 : i32 to vector<16xi32>
        %add3A_3945 = arith.addi %get3A_216, %add3A_3944 : vector<16xi32>
        %gather3A_3946 = tpu.vector_load_idx %arg5[%add3A_3945] : memref<6400xf32, #tpu.memory_space<vmem>>[vector<16xi32>], vector<16xf32>,
        %add3A_3947 = arith.constant 3584 : i32
        %add3A_3948 = vector.broadcast %add3A_3947 : i32 to vector<16xi32>
        %add3A_3949 = arith.addi %get3A_216, %add3A_3948 : vector<16xi32>
        %gather3A_3950 = tpu.vector_load_idx %arg5[%add3A_3949] : memref<6400xf32, #tpu.memory_space<vmem>>[vector<16xi32>], vector<16xf32>,
        %add3A_3951 = arith.constant 3712 : i32
        %add3A_3952 = vector.broadcast %add3A_3951 : i32 to vector<16xi32>
        %add3A_3953 = arith.addi %get3A_216, %add3A_3952 : vector<16xi32>
        %gather3A_3954 = tpu.vector_load_idx %arg5[%add3A_3953] : memref<6400xf32, #tpu.memory_space<vmem>>[vector<16xi32>], vector<16xf32>,
        %swap3A_3955 = arith.constant 20 : i32
        %swap3A_3956 = arith.index_cast %select_n3A_121 : i32 to index
        %swap3A_3957 = arith.index_cast %swap3A_3955 : i32 to index
        %swap3A_3958 = arith.index_cast %scan3A_185 : i32 to index
        %swap3A_3959 = arith.constant 112 : index
        %swap3A_3960 = tpu.vector_load %arg7[%swap3A_3956, %swap3A_3957, %swap3A_3958, %swap3A_3959] {strides = array<i32>} : memref<2x50x8x128xf32, #tpu.memory_space<vmem>>, vector<16xf32>,
        tpu.vector_store %arg7[%swap3A_3956, %swap3A_3957, %swap3A_3958, %swap3A_3959], %gather3A_3918 {strides = array<i32>} : memref<2x50x8x128xf32, #tpu.memory_space<vmem>>, vector<16xf32>,
        %swap3A_3961 = arith.constant 21 : i32
        %swap3A_3962 = arith.index_cast %select_n3A_121 : i32 to index
        %swap3A_3963 = arith.index_cast %swap3A_3961 : i32 to index
        %swap3A_3964 = arith.index_cast %scan3A_185 : i32 to index
        %swap3A_3965 = arith.constant 112 : index
        %swap3A_3966 = tpu.vector_load %arg7[%swap3A_3962, %swap3A_3963, %swap3A_3964, %swap3A_3965] {strides = array<i32>} : memref<2x50x8x128xf32, #tpu.memory_space<vmem>>, vector<16xf32>,
        tpu.vector_store %arg7[%swap3A_3962, %swap3A_3963, %swap3A_3964, %swap3A_3965], %gather3A_3922 {strides = array<i32>} : memref<2x50x8x128xf32, #tpu.memory_space<vmem>>, vector<16xf32>,
        %swap3A_3967 = arith.constant 22 : i32
        %swap3A_3968 = arith.index_cast %select_n3A_121 : i32 to index
        %swap3A_3969 = arith.index_cast %swap3A_3967 : i32 to index
        %swap3A_3970 = arith.index_cast %scan3A_185 : i32 to index
        %swap3A_3971 = arith.constant 112 : index
        %swap3A_3972 = tpu.vector_load %arg7[%swap3A_3968, %swap3A_3969, %swap3A_3970, %swap3A_3971] {strides = array<i32>} : memref<2x50x8x128xf32, #tpu.memory_space<vmem>>, vector<16xf32>,
        tpu.vector_store %arg7[%swap3A_3968, %swap3A_3969, %swap3A_3970, %swap3A_3971], %gather3A_3926 {strides = array<i32>} : memref<2x50x8x128xf32, #tpu.memory_space<vmem>>, vector<16xf32>,
        %swap3A_3973 = arith.constant 23 : i32
        %swap3A_3974 = arith.index_cast %select_n3A_121 : i32 to index
        %swap3A_3975 = arith.index_cast %swap3A_3973 : i32 to index
        %swap3A_3976 = arith.index_cast %scan3A_185 : i32 to index
        %swap3A_3977 = arith.constant 112 : index
        %swap3A_3978 = tpu.vector_load %arg7[%swap3A_3974, %swap3A_3975, %swap3A_3976, %swap3A_3977] {strides = array<i32>} : memref<2x50x8x128xf32, #tpu.memory_space<vmem>>, vector<16xf32>,
        tpu.vector_store %arg7[%swap3A_3974, %swap3A_3975, %swap3A_3976, %swap3A_3977], %gather3A_3930 {strides = array<i32>} : memref<2x50x8x128xf32, #tpu.memory_space<vmem>>, vector<16xf32>,
        %swap3A_3979 = arith.constant 24 : i32
        %swap3A_3980 = arith.index_cast %select_n3A_121 : i32 to index
        %swap3A_3981 = arith.index_cast %swap3A_3979 : i32 to index
        %swap3A_3982 = arith.index_cast %scan3A_185 : i32 to index
        %swap3A_3983 = arith.constant 112 : index
        %swap3A_3984 = tpu.vector_load %arg7[%swap3A_3980, %swap3A_3981, %swap3A_3982, %swap3A_3983] {strides = array<i32>} : memref<2x50x8x128xf32, #tpu.memory_space<vmem>>, vector<16xf32>,
        tpu.vector_store %arg7[%swap3A_3980, %swap3A_3981, %swap3A_3982, %swap3A_3983], %gather3A_3934 {strides = array<i32>} : memref<2x50x8x128xf32, #tpu.memory_space<vmem>>, vector<16xf32>,
        %swap3A_3985 = arith.constant 25 : i32
        %swap3A_3986 = arith.index_cast %select_n3A_121 : i32 to index
        %swap3A_3987 = arith.index_cast %swap3A_3985 : i32 to index
        %swap3A_3988 = arith.index_cast %scan3A_185 : i32 to index
        %swap3A_3989 = arith.constant 112 : index
        %swap3A_3990 = tpu.vector_load %arg7[%swap3A_3986, %swap3A_3987, %swap3A_3988, %swap3A_3989] {strides = array<i32>} : memref<2x50x8x128xf32, #tpu.memory_space<vmem>>, vector<16xf32>,
        tpu.vector_store %arg7[%swap3A_3986, %swap3A_3987, %swap3A_3988, %swap3A_3989], %gather3A_3938 {strides = array<i32>} : memref<2x50x8x128xf32, #tpu.memory_space<vmem>>, vector<16xf32>,
        %swap3A_3991 = arith.constant 26 : i32
        %swap3A_3992 = arith.index_cast %select_n3A_121 : i32 to index
        %swap3A_3993 = arith.index_cast %swap3A_3991 : i32 to index
        %swap3A_3994 = arith.index_cast %scan3A_185 : i32 to index
        %swap3A_3995 = arith.constant 112 : index
        %swap3A_3996 = tpu.vector_load %arg7[%swap3A_3992, %swap3A_3993, %swap3A_3994, %swap3A_3995] {strides = array<i32>} : memref<2x50x8x128xf32, #tpu.memory_space<vmem>>, vector<16xf32>,
        tpu.vector_store %arg7[%swap3A_3992, %swap3A_3993, %swap3A_3994, %swap3A_3995], %gather3A_3942 {strides = array<i32>} : memref<2x50x8x128xf32, #tpu.memory_space<vmem>>, vector<16xf32>,
        %swap3A_3997 = arith.constant 27 : i32
        %swap3A_3998 = arith.index_cast %select_n3A_121 : i32 to index
        %swap3A_3999 = arith.index_cast %swap3A_3997 : i32 to index
        %swap3A_4000 = arith.index_cast %scan3A_185 : i32 to index
        %swap3A_4001 = arith.constant 112 : index
        %swap3A_4002 = tpu.vector_load %arg7[%swap3A_3998, %swap3A_3999, %swap3A_4000, %swap3A_4001] {strides = array<i32>} : memref<2x50x8x128xf32, #tpu.memory_space<vmem>>, vector<16xf32>,
        tpu.vector_store %arg7[%swap3A_3998, %swap3A_3999, %swap3A_4000, %swap3A_4001], %gather3A_3946 {strides = array<i32>} : memref<2x50x8x128xf32, #tpu.memory_space<vmem>>, vector<16xf32>,
        %swap3A_4003 = arith.constant 28 : i32
        %swap3A_4004 = arith.index_cast %select_n3A_121 : i32 to index
        %swap3A_4005 = arith.index_cast %swap3A_4003 : i32 to index
        %swap3A_4006 = arith.index_cast %scan3A_185 : i32 to index
        %swap3A_4007 = arith.constant 112 : index
        %swap3A_4008 = tpu.vector_load %arg7[%swap3A_4004, %swap3A_4005, %swap3A_4006, %swap3A_4007] {strides = array<i32>} : memref<2x50x8x128xf32, #tpu.memory_space<vmem>>, vector<16xf32>,
        tpu.vector_store %arg7[%swap3A_4004, %swap3A_4005, %swap3A_4006, %swap3A_4007], %gather3A_3950 {strides = array<i32>} : memref<2x50x8x128xf32, #tpu.memory_space<vmem>>, vector<16xf32>,
        %swap3A_4009 = arith.constant 29 : i32
        %swap3A_4010 = arith.index_cast %select_n3A_121 : i32 to index
        %swap3A_4011 = arith.index_cast %swap3A_4009 : i32 to index
        %swap3A_4012 = arith.index_cast %scan3A_185 : i32 to index
        %swap3A_4013 = arith.constant 112 : index
        %swap3A_4014 = tpu.vector_load %arg7[%swap3A_4010, %swap3A_4011, %swap3A_4012, %swap3A_4013] {strides = array<i32>} : memref<2x50x8x128xf32, #tpu.memory_space<vmem>>, vector<16xf32>,
        tpu.vector_store %arg7[%swap3A_4010, %swap3A_4011, %swap3A_4012, %swap3A_4013], %gather3A_3954 {strides = array<i32>} : memref<2x50x8x128xf32, #tpu.memory_space<vmem>>, vector<16xf32>,
        %add3A_4015 = arith.constant 3840 : i32
        %add3A_4016 = vector.broadcast %add3A_4015 : i32 to vector<16xi32>
        %add3A_4017 = arith.addi %get3A_216, %add3A_4016 : vector<16xi32>
        %gather3A_4018 = tpu.vector_load_idx %arg5[%add3A_4017] : memref<6400xf32, #tpu.memory_space<vmem>>[vector<16xi32>], vector<16xf32>,
        %add3A_4019 = arith.constant 3968 : i32
        %add3A_4020 = vector.broadcast %add3A_4019 : i32 to vector<16xi32>
        %add3A_4021 = arith.addi %get3A_216, %add3A_4020 : vector<16xi32>
        %gather3A_4022 = tpu.vector_load_idx %arg5[%add3A_4021] : memref<6400xf32, #tpu.memory_space<vmem>>[vector<16xi32>], vector<16xf32>,
        %add3A_4023 = arith.constant 4096 : i32
        %add3A_4024 = vector.broadcast %add3A_4023 : i32 to vector<16xi32>
        %add3A_4025 = arith.addi %get3A_216, %add3A_4024 : vector<16xi32>
        %gather3A_4026 = tpu.vector_load_idx %arg5[%add3A_4025] : memref<6400xf32, #tpu.memory_space<vmem>>[vector<16xi32>], vector<16xf32>,
        %add3A_4027 = arith.constant 4224 : i32
        %add3A_4028 = vector.broadcast %add3A_4027 : i32 to vector<16xi32>
        %add3A_4029 = arith.addi %get3A_216, %add3A_4028 : vector<16xi32>
        %gather3A_4030 = tpu.vector_load_idx %arg5[%add3A_4029] : memref<6400xf32, #tpu.memory_space<vmem>>[vector<16xi32>], vector<16xf32>,
        %add3A_4031 = arith.constant 4352 : i32
        %add3A_4032 = vector.broadcast %add3A_4031 : i32 to vector<16xi32>
        %add3A_4033 = arith.addi %get3A_216, %add3A_4032 : vector<16xi32>
        %gather3A_4034 = tpu.vector_load_idx %arg5[%add3A_4033] : memref<6400xf32, #tpu.memory_space<vmem>>[vector<16xi32>], vector<16xf32>,
        %add3A_4035 = arith.constant 4480 : i32
        %add3A_4036 = vector.broadcast %add3A_4035 : i32 to vector<16xi32>
        %add3A_4037 = arith.addi %get3A_216, %add3A_4036 : vector<16xi32>
        %gather3A_4038 = tpu.vector_load_idx %arg5[%add3A_4037] : memref<6400xf32, #tpu.memory_space<vmem>>[vector<16xi32>], vector<16xf32>,
        %add3A_4039 = arith.constant 4608 : i32
        %add3A_4040 = vector.broadcast %add3A_4039 : i32 to vector<16xi32>
        %add3A_4041 = arith.addi %get3A_216, %add3A_4040 : vector<16xi32>
        %gather3A_4042 = tpu.vector_load_idx %arg5[%add3A_4041] : memref<6400xf32, #tpu.memory_space<vmem>>[vector<16xi32>], vector<16xf32>,
        %add3A_4043 = arith.constant 4736 : i32
        %add3A_4044 = vector.broadcast %add3A_4043 : i32 to vector<16xi32>
        %add3A_4045 = arith.addi %get3A_216, %add3A_4044 : vector<16xi32>
        %gather3A_4046 = tpu.vector_load_idx %arg5[%add3A_4045] : memref<6400xf32, #tpu.memory_space<vmem>>[vector<16xi32>], vector<16xf32>,
        %add3A_4047 = arith.constant 4864 : i32
        %add3A_4048 = vector.broadcast %add3A_4047 : i32 to vector<16xi32>
        %add3A_4049 = arith.addi %get3A_216, %add3A_4048 : vector<16xi32>
        %gather3A_4050 = tpu.vector_load_idx %arg5[%add3A_4049] : memref<6400xf32, #tpu.memory_space<vmem>>[vector<16xi32>], vector<16xf32>,
        %add3A_4051 = arith.constant 4992 : i32
        %add3A_4052 = vector.broadcast %add3A_4051 : i32 to vector<16xi32>
        %add3A_4053 = arith.addi %get3A_216, %add3A_4052 : vector<16xi32>
        %gather3A_4054 = tpu.vector_load_idx %arg5[%add3A_4053] : memref<6400xf32, #tpu.memory_space<vmem>>[vector<16xi32>], vector<16xf32>,
        %swap3A_4055 = arith.constant 30 : i32
        %swap3A_4056 = arith.index_cast %select_n3A_121 : i32 to index
        %swap3A_4057 = arith.index_cast %swap3A_4055 : i32 to index
        %swap3A_4058 = arith.index_cast %scan3A_185 : i32 to index
        %swap3A_4059 = arith.constant 112 : index
        %swap3A_4060 = tpu.vector_load %arg7[%swap3A_4056, %swap3A_4057, %swap3A_4058, %swap3A_4059] {strides = array<i32>} : memref<2x50x8x128xf32, #tpu.memory_space<vmem>>, vector<16xf32>,
        tpu.vector_store %arg7[%swap3A_4056, %swap3A_4057, %swap3A_4058, %swap3A_4059], %gather3A_4018 {strides = array<i32>} : memref<2x50x8x128xf32, #tpu.memory_space<vmem>>, vector<16xf32>,
        %swap3A_4061 = arith.constant 31 : i32
        %swap3A_4062 = arith.index_cast %select_n3A_121 : i32 to index
        %swap3A_4063 = arith.index_cast %swap3A_4061 : i32 to index
        %swap3A_4064 = arith.index_cast %scan3A_185 : i32 to index
        %swap3A_4065 = arith.constant 112 : index
        %swap3A_4066 = tpu.vector_load %arg7[%swap3A_4062, %swap3A_4063, %swap3A_4064, %swap3A_4065] {strides = array<i32>} : memref<2x50x8x128xf32, #tpu.memory_space<vmem>>, vector<16xf32>,
        tpu.vector_store %arg7[%swap3A_4062, %swap3A_4063, %swap3A_4064, %swap3A_4065], %gather3A_4022 {strides = array<i32>} : memref<2x50x8x128xf32, #tpu.memory_space<vmem>>, vector<16xf32>,
        %swap3A_4067 = arith.constant 32 : i32
        %swap3A_4068 = arith.index_cast %select_n3A_121 : i32 to index
        %swap3A_4069 = arith.index_cast %swap3A_4067 : i32 to index
        %swap3A_4070 = arith.index_cast %scan3A_185 : i32 to index
        %swap3A_4071 = arith.constant 112 : index
        %swap3A_4072 = tpu.vector_load %arg7[%swap3A_4068, %swap3A_4069, %swap3A_4070, %swap3A_4071] {strides = array<i32>} : memref<2x50x8x128xf32, #tpu.memory_space<vmem>>, vector<16xf32>,
        tpu.vector_store %arg7[%swap3A_4068, %swap3A_4069, %swap3A_4070, %swap3A_4071], %gather3A_4026 {strides = array<i32>} : memref<2x50x8x128xf32, #tpu.memory_space<vmem>>, vector<16xf32>,
        %swap3A_4073 = arith.constant 33 : i32
        %swap3A_4074 = arith.index_cast %select_n3A_121 : i32 to index
        %swap3A_4075 = arith.index_cast %swap3A_4073 : i32 to index
        %swap3A_4076 = arith.index_cast %scan3A_185 : i32 to index
        %swap3A_4077 = arith.constant 112 : index
        %swap3A_4078 = tpu.vector_load %arg7[%swap3A_4074, %swap3A_4075, %swap3A_4076, %swap3A_4077] {strides = array<i32>} : memref<2x50x8x128xf32, #tpu.memory_space<vmem>>, vector<16xf32>,
        tpu.vector_store %arg7[%swap3A_4074, %swap3A_4075, %swap3A_4076, %swap3A_4077], %gather3A_4030 {strides = array<i32>} : memref<2x50x8x128xf32, #tpu.memory_space<vmem>>, vector<16xf32>,
        %swap3A_4079 = arith.constant 34 : i32
        %swap3A_4080 = arith.index_cast %select_n3A_121 : i32 to index
        %swap3A_4081 = arith.index_cast %swap3A_4079 : i32 to index
        %swap3A_4082 = arith.index_cast %scan3A_185 : i32 to index
        %swap3A_4083 = arith.constant 112 : index
        %swap3A_4084 = tpu.vector_load %arg7[%swap3A_4080, %swap3A_4081, %swap3A_4082, %swap3A_4083] {strides = array<i32>} : memref<2x50x8x128xf32, #tpu.memory_space<vmem>>, vector<16xf32>,
        tpu.vector_store %arg7[%swap3A_4080, %swap3A_4081, %swap3A_4082, %swap3A_4083], %gather3A_4034 {strides = array<i32>} : memref<2x50x8x128xf32, #tpu.memory_space<vmem>>, vector<16xf32>,
        %swap3A_4085 = arith.constant 35 : i32
        %swap3A_4086 = arith.index_cast %select_n3A_121 : i32 to index
        %swap3A_4087 = arith.index_cast %swap3A_4085 : i32 to index
        %swap3A_4088 = arith.index_cast %scan3A_185 : i32 to index
        %swap3A_4089 = arith.constant 112 : index
        %swap3A_4090 = tpu.vector_load %arg7[%swap3A_4086, %swap3A_4087, %swap3A_4088, %swap3A_4089] {strides = array<i32>} : memref<2x50x8x128xf32, #tpu.memory_space<vmem>>, vector<16xf32>,
        tpu.vector_store %arg7[%swap3A_4086, %swap3A_4087, %swap3A_4088, %swap3A_4089], %gather3A_4038 {strides = array<i32>} : memref<2x50x8x128xf32, #tpu.memory_space<vmem>>, vector<16xf32>,
        %swap3A_4091 = arith.constant 36 : i32
        %swap3A_4092 = arith.index_cast %select_n3A_121 : i32 to index
        %swap3A_4093 = arith.index_cast %swap3A_4091 : i32 to index
        %swap3A_4094 = arith.index_cast %scan3A_185 : i32 to index
        %swap3A_4095 = arith.constant 112 : index
        %swap3A_4096 = tpu.vector_load %arg7[%swap3A_4092, %swap3A_4093, %swap3A_4094, %swap3A_4095] {strides = array<i32>} : memref<2x50x8x128xf32, #tpu.memory_space<vmem>>, vector<16xf32>,
        tpu.vector_store %arg7[%swap3A_4092, %swap3A_4093, %swap3A_4094, %swap3A_4095], %gather3A_4042 {strides = array<i32>} : memref<2x50x8x128xf32, #tpu.memory_space<vmem>>, vector<16xf32>,
        %swap3A_4097 = arith.constant 37 : i32
        %swap3A_4098 = arith.index_cast %select_n3A_121 : i32 to index
        %swap3A_4099 = arith.index_cast %swap3A_4097 : i32 to index
        %swap3A_4100 = arith.index_cast %scan3A_185 : i32 to index
        %swap3A_4101 = arith.constant 112 : index
        %swap3A_4102 = tpu.vector_load %arg7[%swap3A_4098, %swap3A_4099, %swap3A_4100, %swap3A_4101] {strides = array<i32>} : memref<2x50x8x128xf32, #tpu.memory_space<vmem>>, vector<16xf32>,
        tpu.vector_store %arg7[%swap3A_4098, %swap3A_4099, %swap3A_4100, %swap3A_4101], %gather3A_4046 {strides = array<i32>} : memref<2x50x8x128xf32, #tpu.memory_space<vmem>>, vector<16xf32>,
        %swap3A_4103 = arith.constant 38 : i32
        %swap3A_4104 = arith.index_cast %select_n3A_121 : i32 to index
        %swap3A_4105 = arith.index_cast %swap3A_4103 : i32 to index
        %swap3A_4106 = arith.index_cast %scan3A_185 : i32 to index
        %swap3A_4107 = arith.constant 112 : index
        %swap3A_4108 = tpu.vector_load %arg7[%swap3A_4104, %swap3A_4105, %swap3A_4106, %swap3A_4107] {strides = array<i32>} : memref<2x50x8x128xf32, #tpu.memory_space<vmem>>, vector<16xf32>,
        tpu.vector_store %arg7[%swap3A_4104, %swap3A_4105, %swap3A_4106, %swap3A_4107], %gather3A_4050 {strides = array<i32>} : memref<2x50x8x128xf32, #tpu.memory_space<vmem>>, vector<16xf32>,
        %swap3A_4109 = arith.constant 39 : i32
        %swap3A_4110 = arith.index_cast %select_n3A_121 : i32 to index
        %swap3A_4111 = arith.index_cast %swap3A_4109 : i32 to index
        %swap3A_4112 = arith.index_cast %scan3A_185 : i32 to index
        %swap3A_4113 = arith.constant 112 : index
        %swap3A_4114 = tpu.vector_load %arg7[%swap3A_4110, %swap3A_4111, %swap3A_4112, %swap3A_4113] {strides = array<i32>} : memref<2x50x8x128xf32, #tpu.memory_space<vmem>>, vector<16xf32>,
        tpu.vector_store %arg7[%swap3A_4110, %swap3A_4111, %swap3A_4112, %swap3A_4113], %gather3A_4054 {strides = array<i32>} : memref<2x50x8x128xf32, #tpu.memory_space<vmem>>, vector<16xf32>,
        %add3A_4115 = arith.constant 5120 : i32
        %add3A_4116 = vector.broadcast %add3A_4115 : i32 to vector<16xi32>
        %add3A_4117 = arith.addi %get3A_216, %add3A_4116 : vector<16xi32>
        %gather3A_4118 = tpu.vector_load_idx %arg5[%add3A_4117] : memref<6400xf32, #tpu.memory_space<vmem>>[vector<16xi32>], vector<16xf32>,
        %add3A_4119 = arith.constant 5248 : i32
        %add3A_4120 = vector.broadcast %add3A_4119 : i32 to vector<16xi32>
        %add3A_4121 = arith.addi %get3A_216, %add3A_4120 : vector<16xi32>
        %gather3A_4122 = tpu.vector_load_idx %arg5[%add3A_4121] : memref<6400xf32, #tpu.memory_space<vmem>>[vector<16xi32>], vector<16xf32>,
        %add3A_4123 = arith.constant 5376 : i32
        %add3A_4124 = vector.broadcast %add3A_4123 : i32 to vector<16xi32>
        %add3A_4125 = arith.addi %get3A_216, %add3A_4124 : vector<16xi32>
        %gather3A_4126 = tpu.vector_load_idx %arg5[%add3A_4125] : memref<6400xf32, #tpu.memory_space<vmem>>[vector<16xi32>], vector<16xf32>,
        %add3A_4127 = arith.constant 5504 : i32
        %add3A_4128 = vector.broadcast %add3A_4127 : i32 to vector<16xi32>
        %add3A_4129 = arith.addi %get3A_216, %add3A_4128 : vector<16xi32>
        %gather3A_4130 = tpu.vector_load_idx %arg5[%add3A_4129] : memref<6400xf32, #tpu.memory_space<vmem>>[vector<16xi32>], vector<16xf32>,
        %add3A_4131 = arith.constant 5632 : i32
        %add3A_4132 = vector.broadcast %add3A_4131 : i32 to vector<16xi32>
        %add3A_4133 = arith.addi %get3A_216, %add3A_4132 : vector<16xi32>
        %gather3A_4134 = tpu.vector_load_idx %arg5[%add3A_4133] : memref<6400xf32, #tpu.memory_space<vmem>>[vector<16xi32>], vector<16xf32>,
        %add3A_4135 = arith.constant 5760 : i32
        %add3A_4136 = vector.broadcast %add3A_4135 : i32 to vector<16xi32>
        %add3A_4137 = arith.addi %get3A_216, %add3A_4136 : vector<16xi32>
        %gather3A_4138 = tpu.vector_load_idx %arg5[%add3A_4137] : memref<6400xf32, #tpu.memory_space<vmem>>[vector<16xi32>], vector<16xf32>,
        %add3A_4139 = arith.constant 5888 : i32
        %add3A_4140 = vector.broadcast %add3A_4139 : i32 to vector<16xi32>
        %add3A_4141 = arith.addi %get3A_216, %add3A_4140 : vector<16xi32>
        %gather3A_4142 = tpu.vector_load_idx %arg5[%add3A_4141] : memref<6400xf32, #tpu.memory_space<vmem>>[vector<16xi32>], vector<16xf32>,
        %add3A_4143 = arith.constant 6016 : i32
        %add3A_4144 = vector.broadcast %add3A_4143 : i32 to vector<16xi32>
        %add3A_4145 = arith.addi %get3A_216, %add3A_4144 : vector<16xi32>
        %gather3A_4146 = tpu.vector_load_idx %arg5[%add3A_4145] : memref<6400xf32, #tpu.memory_space<vmem>>[vector<16xi32>], vector<16xf32>,
        %add3A_4147 = arith.constant 6144 : i32
        %add3A_4148 = vector.broadcast %add3A_4147 : i32 to vector<16xi32>
        %add3A_4149 = arith.addi %get3A_216, %add3A_4148 : vector<16xi32>
        %gather3A_4150 = tpu.vector_load_idx %arg5[%add3A_4149] : memref<6400xf32, #tpu.memory_space<vmem>>[vector<16xi32>], vector<16xf32>,
        %add3A_4151 = arith.constant 6272 : i32
        %add3A_4152 = vector.broadcast %add3A_4151 : i32 to vector<16xi32>
        %add3A_4153 = arith.addi %get3A_216, %add3A_4152 : vector<16xi32>
        %gather3A_4154 = tpu.vector_load_idx %arg5[%add3A_4153] : memref<6400xf32, #tpu.memory_space<vmem>>[vector<16xi32>], vector<16xf32>,
        %swap3A_4155 = arith.constant 40 : i32
        %swap3A_4156 = arith.index_cast %select_n3A_121 : i32 to index
        %swap3A_4157 = arith.index_cast %swap3A_4155 : i32 to index
        %swap3A_4158 = arith.index_cast %scan3A_185 : i32 to index
        %swap3A_4159 = arith.constant 112 : index
        %swap3A_4160 = tpu.vector_load %arg7[%swap3A_4156, %swap3A_4157, %swap3A_4158, %swap3A_4159] {strides = array<i32>} : memref<2x50x8x128xf32, #tpu.memory_space<vmem>>, vector<16xf32>,
        tpu.vector_store %arg7[%swap3A_4156, %swap3A_4157, %swap3A_4158, %swap3A_4159], %gather3A_4118 {strides = array<i32>} : memref<2x50x8x128xf32, #tpu.memory_space<vmem>>, vector<16xf32>,
        %swap3A_4161 = arith.constant 41 : i32
        %swap3A_4162 = arith.index_cast %select_n3A_121 : i32 to index
        %swap3A_4163 = arith.index_cast %swap3A_4161 : i32 to index
        %swap3A_4164 = arith.index_cast %scan3A_185 : i32 to index
        %swap3A_4165 = arith.constant 112 : index
        %swap3A_4166 = tpu.vector_load %arg7[%swap3A_4162, %swap3A_4163, %swap3A_4164, %swap3A_4165] {strides = array<i32>} : memref<2x50x8x128xf32, #tpu.memory_space<vmem>>, vector<16xf32>,
        tpu.vector_store %arg7[%swap3A_4162, %swap3A_4163, %swap3A_4164, %swap3A_4165], %gather3A_4122 {strides = array<i32>} : memref<2x50x8x128xf32, #tpu.memory_space<vmem>>, vector<16xf32>,
        %swap3A_4167 = arith.constant 42 : i32
        %swap3A_4168 = arith.index_cast %select_n3A_121 : i32 to index
        %swap3A_4169 = arith.index_cast %swap3A_4167 : i32 to index
        %swap3A_4170 = arith.index_cast %scan3A_185 : i32 to index
        %swap3A_4171 = arith.constant 112 : index
        %swap3A_4172 = tpu.vector_load %arg7[%swap3A_4168, %swap3A_4169, %swap3A_4170, %swap3A_4171] {strides = array<i32>} : memref<2x50x8x128xf32, #tpu.memory_space<vmem>>, vector<16xf32>,
        tpu.vector_store %arg7[%swap3A_4168, %swap3A_4169, %swap3A_4170, %swap3A_4171], %gather3A_4126 {strides = array<i32>} : memref<2x50x8x128xf32, #tpu.memory_space<vmem>>, vector<16xf32>,
        %swap3A_4173 = arith.constant 43 : i32
        %swap3A_4174 = arith.index_cast %select_n3A_121 : i32 to index
        %swap3A_4175 = arith.index_cast %swap3A_4173 : i32 to index
        %swap3A_4176 = arith.index_cast %scan3A_185 : i32 to index
        %swap3A_4177 = arith.constant 112 : index
        %swap3A_4178 = tpu.vector_load %arg7[%swap3A_4174, %swap3A_4175, %swap3A_4176, %swap3A_4177] {strides = array<i32>} : memref<2x50x8x128xf32, #tpu.memory_space<vmem>>, vector<16xf32>,
        tpu.vector_store %arg7[%swap3A_4174, %swap3A_4175, %swap3A_4176, %swap3A_4177], %gather3A_4130 {strides = array<i32>} : memref<2x50x8x128xf32, #tpu.memory_space<vmem>>, vector<16xf32>,
        %swap3A_4179 = arith.constant 44 : i32
        %swap3A_4180 = arith.index_cast %select_n3A_121 : i32 to index
        %swap3A_4181 = arith.index_cast %swap3A_4179 : i32 to index
        %swap3A_4182 = arith.index_cast %scan3A_185 : i32 to index
        %swap3A_4183 = arith.constant 112 : index
        %swap3A_4184 = tpu.vector_load %arg7[%swap3A_4180, %swap3A_4181, %swap3A_4182, %swap3A_4183] {strides = array<i32>} : memref<2x50x8x128xf32, #tpu.memory_space<vmem>>, vector<16xf32>,
        tpu.vector_store %arg7[%swap3A_4180, %swap3A_4181, %swap3A_4182, %swap3A_4183], %gather3A_4134 {strides = array<i32>} : memref<2x50x8x128xf32, #tpu.memory_space<vmem>>, vector<16xf32>,
        %swap3A_4185 = arith.constant 45 : i32
        %swap3A_4186 = arith.index_cast %select_n3A_121 : i32 to index
        %swap3A_4187 = arith.index_cast %swap3A_4185 : i32 to index
        %swap3A_4188 = arith.index_cast %scan3A_185 : i32 to index
        %swap3A_4189 = arith.constant 112 : index
        %swap3A_4190 = tpu.vector_load %arg7[%swap3A_4186, %swap3A_4187, %swap3A_4188, %swap3A_4189] {strides = array<i32>} : memref<2x50x8x128xf32, #tpu.memory_space<vmem>>, vector<16xf32>,
        tpu.vector_store %arg7[%swap3A_4186, %swap3A_4187, %swap3A_4188, %swap3A_4189], %gather3A_4138 {strides = array<i32>} : memref<2x50x8x128xf32, #tpu.memory_space<vmem>>, vector<16xf32>,
        %swap3A_4191 = arith.constant 46 : i32
        %swap3A_4192 = arith.index_cast %select_n3A_121 : i32 to index
        %swap3A_4193 = arith.index_cast %swap3A_4191 : i32 to index
        %swap3A_4194 = arith.index_cast %scan3A_185 : i32 to index
        %swap3A_4195 = arith.constant 112 : index
        %swap3A_4196 = tpu.vector_load %arg7[%swap3A_4192, %swap3A_4193, %swap3A_4194, %swap3A_4195] {strides = array<i32>} : memref<2x50x8x128xf32, #tpu.memory_space<vmem>>, vector<16xf32>,
        tpu.vector_store %arg7[%swap3A_4192, %swap3A_4193, %swap3A_4194, %swap3A_4195], %gather3A_4142 {strides = array<i32>} : memref<2x50x8x128xf32, #tpu.memory_space<vmem>>, vector<16xf32>,
        %swap3A_4197 = arith.constant 47 : i32
        %swap3A_4198 = arith.index_cast %select_n3A_121 : i32 to index
        %swap3A_4199 = arith.index_cast %swap3A_4197 : i32 to index
        %swap3A_4200 = arith.index_cast %scan3A_185 : i32 to index
        %swap3A_4201 = arith.constant 112 : index
        %swap3A_4202 = tpu.vector_load %arg7[%swap3A_4198, %swap3A_4199, %swap3A_4200, %swap3A_4201] {strides = array<i32>} : memref<2x50x8x128xf32, #tpu.memory_space<vmem>>, vector<16xf32>,
        tpu.vector_store %arg7[%swap3A_4198, %swap3A_4199, %swap3A_4200, %swap3A_4201], %gather3A_4146 {strides = array<i32>} : memref<2x50x8x128xf32, #tpu.memory_space<vmem>>, vector<16xf32>,
        %swap3A_4203 = arith.constant 48 : i32
        %swap3A_4204 = arith.index_cast %select_n3A_121 : i32 to index
        %swap3A_4205 = arith.index_cast %swap3A_4203 : i32 to index
        %swap3A_4206 = arith.index_cast %scan3A_185 : i32 to index
        %swap3A_4207 = arith.constant 112 : index
        %swap3A_4208 = tpu.vector_load %arg7[%swap3A_4204, %swap3A_4205, %swap3A_4206, %swap3A_4207] {strides = array<i32>} : memref<2x50x8x128xf32, #tpu.memory_space<vmem>>, vector<16xf32>,
        tpu.vector_store %arg7[%swap3A_4204, %swap3A_4205, %swap3A_4206, %swap3A_4207], %gather3A_4150 {strides = array<i32>} : memref<2x50x8x128xf32, #tpu.memory_space<vmem>>, vector<16xf32>,
        %swap3A_4209 = arith.constant 49 : i32
        %swap3A_4210 = arith.index_cast %select_n3A_121 : i32 to index
        %swap3A_4211 = arith.index_cast %swap3A_4209 : i32 to index
        %swap3A_4212 = arith.index_cast %scan3A_185 : i32 to index
        %swap3A_4213 = arith.constant 112 : index
        %swap3A_4214 = tpu.vector_load %arg7[%swap3A_4210, %swap3A_4211, %swap3A_4212, %swap3A_4213] {strides = array<i32>} : memref<2x50x8x128xf32, #tpu.memory_space<vmem>>, vector<16xf32>,
        tpu.vector_store %arg7[%swap3A_4210, %swap3A_4211, %swap3A_4212, %swap3A_4213], %gather3A_4154 {strides = array<i32>} : memref<2x50x8x128xf32, #tpu.memory_space<vmem>>, vector<16xf32>,
      }
      %scan3A_146 = arith.constant 8 : i32
      %dma_start3A_147 = arith.constant 0 : i32
      %dma_start3A_148 = arith.constant 0 : i32
      %dma_start3A_149 = arith.constant 0 : i32
      %dma_start3A_150 = tpu.memref_slice %arg7[%select_n3A_121, %dma_start3A_147, %dma_start3A_148, %dma_start3A_149] : memref<2x50x8x128xf32, #tpu.memory_space<vmem>> -> memref<1x50x8x128xf32, #tpu.memory_space<vmem>>
      %dma_start3A_151 = tpu.memref_squeeze %dma_start3A_150 : memref<1x50x8x128xf32, #tpu.memory_space<vmem>> -> memref<50x8x128xf32, #tpu.memory_space<vmem>>
      %dma_start3A_152 = arith.constant 0 : i32
      %dma_start3A_153 = arith.constant 0 : i32
      %dma_start3A_154 = tpu.memref_slice %arg4[%dma_start3A_152, %add3A_124, %dma_start3A_153] : memref<50x25600x128xf32, #tpu.memory_space<hbm>> -> memref<50x8x128xf32, #tpu.memory_space<hbm>>
      %dma_start3A_155 = tpu.memref_slice %arg9[%select_n3A_121] : memref<2x!tpu.dma_semaphore, #tpu.memory_space<semaphore_mem>> -> memref<1x!tpu.dma_semaphore, #tpu.memory_space<semaphore_mem>>
      %dma_start3A_156 = tpu.memref_squeeze %dma_start3A_155 : memref<1x!tpu.dma_semaphore, #tpu.memory_space<semaphore_mem>> -> memref<!tpu.dma_semaphore, #tpu.memory_space<semaphore_mem>>
      %dma_start3A_157 = arith.constant 0 : i32
      %dma_start3A_158 = arith.constant 0 : i32
      %dma_start3A_159 = tpu.memref_slice %arg4[%dma_start3A_157, %add3A_124, %dma_start3A_158] : memref<50x25600x128xf32, #tpu.memory_space<hbm>> -> memref<50x8x128xf32, #tpu.memory_space<hbm>>
      %dma_start3A_160 = arith.constant 0 : i32
      %dma_start3A_161 = arith.constant 0 : i32
      %dma_start3A_162 = arith.constant 0 : i32
      %dma_start3A_163 = tpu.memref_slice %arg7[%select_n3A_121, %dma_start3A_160, %dma_start3A_161, %dma_start3A_162] : memref<2x50x8x128xf32, #tpu.memory_space<vmem>> -> memref<1x50x8x128xf32, #tpu.memory_space<vmem>>
      %dma_start3A_164 = tpu.memref_squeeze %dma_start3A_163 : memref<1x50x8x128xf32, #tpu.memory_space<vmem>> -> memref<50x8x128xf32, #tpu.memory_space<vmem>>
      tpu.enqueue_dma source(%dma_start3A_164 : memref<50x8x128xf32, #tpu.memory_space<vmem>>) target(%dma_start3A_159 : memref<50x8x128xf32, #tpu.memory_space<hbm>>) target_semaphore(%dma_start3A_156 : memref<!tpu.dma_semaphore, #tpu.memory_space<semaphore_mem>>)
      %add3A_165 = arith.constant 2 : i32
      %add3A_166 = arith.addi %scan3A_112, %add3A_165 : i32
      %min3A = arith.constant 99 : i32
      %min3A_167 = arith.minsi %add3A_166, %min3A : i32
      %mul3A_168 = arith.constant 8 : i32
      %mul3A_169 = arith.muli %min3A_167, %mul3A_168 : i32
      %add3A_170 = arith.addi %mul3A_2, %mul3A_169 : i32
      %dma_start3A_171 = arith.constant 0 : i32
      %dma_start3A_172 = arith.constant 0 : i32
      %dma_start3A_173 = tpu.memref_slice %arg6[%select_n3A_121, %dma_start3A_171, %dma_start3A_172] : memref<2x8x128xi32, #tpu.memory_space<vmem>> -> memref<1x8x128xi32, #tpu.memory_space<vmem>>
      %dma_start3A_174 = tpu.memref_squeeze %dma_start3A_173 : memref<1x8x128xi32, #tpu.memory_space<vmem>> -> memref<8x128xi32, #tpu.memory_space<vmem>>
      %dma_start3A_175 = arith.constant 0 : i32
      %dma_start3A_176 = tpu.memref_slice %arg2[%add3A_170, %dma_start3A_175] : memref<25600x128xi32, #tpu.memory_space<hbm>> -> memref<8x128xi32, #tpu.memory_space<hbm>>
      %dma_start3A_177 = tpu.memref_slice %arg8[%select_n3A_121] : memref<2x!tpu.dma_semaphore, #tpu.memory_space<semaphore_mem>> -> memref<1x!tpu.dma_semaphore, #tpu.memory_space<semaphore_mem>>
      %dma_start3A_178 = tpu.memref_squeeze %dma_start3A_177 : memref<1x!tpu.dma_semaphore, #tpu.memory_space<semaphore_mem>> -> memref<!tpu.dma_semaphore, #tpu.memory_space<semaphore_mem>>
      %dma_start3A_179 = arith.constant 0 : i32
      %dma_start3A_180 = arith.constant 0 : i32
      %dma_start3A_181 = tpu.memref_slice %arg6[%select_n3A_121, %dma_start3A_179, %dma_start3A_180] : memref<2x8x128xi32, #tpu.memory_space<vmem>> -> memref<1x8x128xi32, #tpu.memory_space<vmem>>
      %dma_start3A_182 = tpu.memref_squeeze %dma_start3A_181 : memref<1x8x128xi32, #tpu.memory_space<vmem>> -> memref<8x128xi32, #tpu.memory_space<vmem>>
      %dma_start3A_183 = arith.constant 0 : i32
      %dma_start3A_184 = tpu.memref_slice %arg2[%add3A_170, %dma_start3A_183] : memref<25600x128xi32, #tpu.memory_space<hbm>> -> memref<8x128xi32, #tpu.memory_space<hbm>>
      tpu.enqueue_dma source(%dma_start3A_184 : memref<8x128xi32, #tpu.memory_space<hbm>>) target(%dma_start3A_182 : memref<8x128xi32, #tpu.memory_space<vmem>>) target_semaphore(%dma_start3A_178 : memref<!tpu.dma_semaphore, #tpu.memory_space<semaphore_mem>>)
    }
    %scan3A_40 = arith.constant 100 : i32
    %dma_wait3A = arith.constant 0 : i32
    %dma_wait3A_41 = arith.constant 0 : i32
    %dma_wait3A_42 = arith.constant 0 : i32
    %dma_wait3A_43 = arith.constant 0 : i32
    %dma_wait3A_44 = arith.constant 0 : i32
    %dma_wait3A_45 = tpu.memref_slice %arg7[%dma_wait3A, %dma_wait3A_42, %dma_wait3A_43, %dma_wait3A_44] : memref<2x50x8x128xf32, #tpu.memory_space<vmem>> -> memref<1x50x8x128xf32, #tpu.memory_space<vmem>>
    %dma_wait3A_46 = tpu.memref_squeeze %dma_wait3A_45 : memref<1x50x8x128xf32, #tpu.memory_space<vmem>> -> memref<50x8x128xf32, #tpu.memory_space<vmem>>
    %dma_wait3A_47 = arith.constant 0 : i32
    %dma_wait3A_48 = arith.constant 0 : i32
    %dma_wait3A_49 = tpu.memref_slice %arg4[%dma_wait3A_47, %mul3A_2, %dma_wait3A_48] : memref<50x25600x128xf32, #tpu.memory_space<hbm>> -> memref<50x8x128xf32, #tpu.memory_space<hbm>>
    %dma_wait3A_50 = tpu.memref_slice %arg9[%dma_wait3A_41] : memref<2x!tpu.dma_semaphore, #tpu.memory_space<semaphore_mem>> -> memref<1x!tpu.dma_semaphore, #tpu.memory_space<semaphore_mem>>
    %dma_wait3A_51 = tpu.memref_squeeze %dma_wait3A_50 : memref<1x!tpu.dma_semaphore, #tpu.memory_space<semaphore_mem>> -> memref<!tpu.dma_semaphore, #tpu.memory_space<semaphore_mem>>
    %dma_wait3A_52 = arith.constant 0 : i32
    %dma_wait3A_53 = arith.constant 0 : i32
    %dma_wait3A_54 = tpu.memref_slice %arg4[%dma_wait3A_52, %mul3A_2, %dma_wait3A_53] : memref<50x25600x128xf32, #tpu.memory_space<hbm>> -> memref<50x8x128xf32, #tpu.memory_space<hbm>>
    %dma_wait3A_55 = arith.constant 0 : i32
    %dma_wait3A_56 = arith.constant 0 : i32
    %dma_wait3A_57 = arith.constant 0 : i32
    %dma_wait3A_58 = tpu.memref_slice %arg7[%dma_wait3A, %dma_wait3A_55, %dma_wait3A_56, %dma_wait3A_57] : memref<2x50x8x128xf32, #tpu.memory_space<vmem>> -> memref<1x50x8x128xf32, #tpu.memory_space<vmem>>
    %dma_wait3A_59 = tpu.memref_squeeze %dma_wait3A_58 : memref<1x50x8x128xf32, #tpu.memory_space<vmem>> -> memref<50x8x128xf32, #tpu.memory_space<vmem>>
    tpu.wait_dma2 semaphore(%dma_wait3A_51 : memref<!tpu.dma_semaphore, #tpu.memory_space<semaphore_mem>>) src(%dma_wait3A_59 : memref<50x8x128xf32, #tpu.memory_space<vmem>>) dst(%dma_wait3A_54 : memref<50x8x128xf32, #tpu.memory_space<hbm>>)
    %dma_wait3A_60 = arith.constant 0 : i32
    %dma_wait3A_61 = arith.constant 0 : i32
    %dma_wait3A_62 = arith.constant 0 : i32
    %dma_wait3A_63 = arith.constant 0 : i32
    %dma_wait3A_64 = tpu.memref_slice %arg6[%dma_wait3A_60, %dma_wait3A_62, %dma_wait3A_63] : memref<2x8x128xi32, #tpu.memory_space<vmem>> -> memref<1x8x128xi32, #tpu.memory_space<vmem>>
    %dma_wait3A_65 = tpu.memref_squeeze %dma_wait3A_64 : memref<1x8x128xi32, #tpu.memory_space<vmem>> -> memref<8x128xi32, #tpu.memory_space<vmem>>
    %dma_wait3A_66 = arith.constant 0 : i32
    %dma_wait3A_67 = tpu.memref_slice %arg2[%mul3A_2, %dma_wait3A_66] : memref<25600x128xi32, #tpu.memory_space<hbm>> -> memref<8x128xi32, #tpu.memory_space<hbm>>
    %dma_wait3A_68 = tpu.memref_slice %arg8[%dma_wait3A_61] : memref<2x!tpu.dma_semaphore, #tpu.memory_space<semaphore_mem>> -> memref<1x!tpu.dma_semaphore, #tpu.memory_space<semaphore_mem>>
    %dma_wait3A_69 = tpu.memref_squeeze %dma_wait3A_68 : memref<1x!tpu.dma_semaphore, #tpu.memory_space<semaphore_mem>> -> memref<!tpu.dma_semaphore, #tpu.memory_space<semaphore_mem>>
    %dma_wait3A_70 = arith.constant 0 : i32
    %dma_wait3A_71 = arith.constant 0 : i32
    %dma_wait3A_72 = tpu.memref_slice %arg6[%dma_wait3A_60, %dma_wait3A_70, %dma_wait3A_71] : memref<2x8x128xi32, #tpu.memory_space<vmem>> -> memref<1x8x128xi32, #tpu.memory_space<vmem>>
    %dma_wait3A_73 = tpu.memref_squeeze %dma_wait3A_72 : memref<1x8x128xi32, #tpu.memory_space<vmem>> -> memref<8x128xi32, #tpu.memory_space<vmem>>
    %dma_wait3A_74 = arith.constant 0 : i32
    %dma_wait3A_75 = tpu.memref_slice %arg2[%mul3A_2, %dma_wait3A_74] : memref<25600x128xi32, #tpu.memory_space<hbm>> -> memref<8x128xi32, #tpu.memory_space<hbm>>
    tpu.wait_dma2 semaphore(%dma_wait3A_69 : memref<!tpu.dma_semaphore, #tpu.memory_space<semaphore_mem>>) src(%dma_wait3A_75 : memref<8x128xi32, #tpu.memory_space<hbm>>) dst(%dma_wait3A_73 : memref<8x128xi32, #tpu.memory_space<vmem>>)
    %dma_wait3A_76 = arith.constant 1 : i32
    %dma_wait3A_77 = arith.constant 1 : i32
    %dma_wait3A_78 = arith.constant 0 : i32
    %dma_wait3A_79 = arith.constant 0 : i32
    %dma_wait3A_80 = arith.constant 0 : i32
    %dma_wait3A_81 = tpu.memref_slice %arg7[%dma_wait3A_76, %dma_wait3A_78, %dma_wait3A_79, %dma_wait3A_80] : memref<2x50x8x128xf32, #tpu.memory_space<vmem>> -> memref<1x50x8x128xf32, #tpu.memory_space<vmem>>
    %dma_wait3A_82 = tpu.memref_squeeze %dma_wait3A_81 : memref<1x50x8x128xf32, #tpu.memory_space<vmem>> -> memref<50x8x128xf32, #tpu.memory_space<vmem>>
    %dma_wait3A_83 = arith.constant 0 : i32
    %dma_wait3A_84 = arith.constant 0 : i32
    %dma_wait3A_85 = tpu.memref_slice %arg4[%dma_wait3A_83, %mul3A_2, %dma_wait3A_84] : memref<50x25600x128xf32, #tpu.memory_space<hbm>> -> memref<50x8x128xf32, #tpu.memory_space<hbm>>
    %dma_wait3A_86 = tpu.memref_slice %arg9[%dma_wait3A_77] : memref<2x!tpu.dma_semaphore, #tpu.memory_space<semaphore_mem>> -> memref<1x!tpu.dma_semaphore, #tpu.memory_space<semaphore_mem>>
    %dma_wait3A_87 = tpu.memref_squeeze %dma_wait3A_86 : memref<1x!tpu.dma_semaphore, #tpu.memory_space<semaphore_mem>> -> memref<!tpu.dma_semaphore, #tpu.memory_space<semaphore_mem>>
    %dma_wait3A_88 = arith.constant 0 : i32
    %dma_wait3A_89 = arith.constant 0 : i32
    %dma_wait3A_90 = tpu.memref_slice %arg4[%dma_wait3A_88, %mul3A_2, %dma_wait3A_89] : memref<50x25600x128xf32, #tpu.memory_space<hbm>> -> memref<50x8x128xf32, #tpu.memory_space<hbm>>
    %dma_wait3A_91 = arith.constant 0 : i32
    %dma_wait3A_92 = arith.constant 0 : i32
    %dma_wait3A_93 = arith.constant 0 : i32
    %dma_wait3A_94 = tpu.memref_slice %arg7[%dma_wait3A_76, %dma_wait3A_91, %dma_wait3A_92, %dma_wait3A_93] : memref<2x50x8x128xf32, #tpu.memory_space<vmem>> -> memref<1x50x8x128xf32, #tpu.memory_space<vmem>>
    %dma_wait3A_95 = tpu.memref_squeeze %dma_wait3A_94 : memref<1x50x8x128xf32, #tpu.memory_space<vmem>> -> memref<50x8x128xf32, #tpu.memory_space<vmem>>
    tpu.wait_dma2 semaphore(%dma_wait3A_87 : memref<!tpu.dma_semaphore, #tpu.memory_space<semaphore_mem>>) src(%dma_wait3A_95 : memref<50x8x128xf32, #tpu.memory_space<vmem>>) dst(%dma_wait3A_90 : memref<50x8x128xf32, #tpu.memory_space<hbm>>)
    %dma_wait3A_96 = arith.constant 1 : i32
    %dma_wait3A_97 = arith.constant 1 : i32
    %dma_wait3A_98 = arith.constant 0 : i32
    %dma_wait3A_99 = arith.constant 0 : i32
    %dma_wait3A_100 = tpu.memref_slice %arg6[%dma_wait3A_96, %dma_wait3A_98, %dma_wait3A_99] : memref<2x8x128xi32, #tpu.memory_space<vmem>> -> memref<1x8x128xi32, #tpu.memory_space<vmem>>
    %dma_wait3A_101 = tpu.memref_squeeze %dma_wait3A_100 : memref<1x8x128xi32, #tpu.memory_space<vmem>> -> memref<8x128xi32, #tpu.memory_space<vmem>>
    %dma_wait3A_102 = arith.constant 0 : i32
    %dma_wait3A_103 = tpu.memref_slice %arg2[%mul3A_2, %dma_wait3A_102] : memref<25600x128xi32, #tpu.memory_space<hbm>> -> memref<8x128xi32, #tpu.memory_space<hbm>>
    %dma_wait3A_104 = tpu.memref_slice %arg8[%dma_wait3A_97] : memref<2x!tpu.dma_semaphore, #tpu.memory_space<semaphore_mem>> -> memref<1x!tpu.dma_semaphore, #tpu.memory_space<semaphore_mem>>
    %dma_wait3A_105 = tpu.memref_squeeze %dma_wait3A_104 : memref<1x!tpu.dma_semaphore, #tpu.memory_space<semaphore_mem>> -> memref<!tpu.dma_semaphore, #tpu.memory_space<semaphore_mem>>
    %dma_wait3A_106 = arith.constant 0 : i32
    %dma_wait3A_107 = arith.constant 0 : i32
    %dma_wait3A_108 = tpu.memref_slice %arg6[%dma_wait3A_96, %dma_wait3A_106, %dma_wait3A_107] : memref<2x8x128xi32, #tpu.memory_space<vmem>> -> memref<1x8x128xi32, #tpu.memory_space<vmem>>
    %dma_wait3A_109 = tpu.memref_squeeze %dma_wait3A_108 : memref<1x8x128xi32, #tpu.memory_space<vmem>> -> memref<8x128xi32, #tpu.memory_space<vmem>>
    %dma_wait3A_110 = arith.constant 0 : i32
    %dma_wait3A_111 = tpu.memref_slice %arg2[%mul3A_2, %dma_wait3A_110] : memref<25600x128xi32, #tpu.memory_space<hbm>> -> memref<8x128xi32, #tpu.memory_space<hbm>>
    tpu.wait_dma2 semaphore(%dma_wait3A_105 : memref<!tpu.dma_semaphore, #tpu.memory_space<semaphore_mem>>) src(%dma_wait3A_111 : memref<8x128xi32, #tpu.memory_space<hbm>>) dst(%dma_wait3A_109 : memref<8x128xi32, #tpu.memory_space<vmem>>)
    return
  }
}

</mosaic_0001>

<sc_bundles>
// kernel: kernel.3.cloned.1.call-start
scs
__scs_entry_jumppad:
0x0: {  	(pc) =	sbr.rel $0x88, $3  }
0x1: {  	(tag) =	ssettag $0x0;
	lr =	simm.s32 $0x1  }
0x2: {  	[smem:$0x3F9F] =	sst lr;
	_ =	strace $0xD0000000  }
0x3: {  	_ = 	snop  }
0x4: {  	_ = 	snop  }
0x5: {  	_ = 	snop  }
0x6: {  	_ = 	snop  }
0x7: {  	_ = 	snop  }
__scs_overlays_trampoline_lowered:
0x8: {  	[smem:$0x3FAE] =	sst s0  }
0x9: {  	[smem:$0x3FAF] =	sst s1  }
0xa: {  	[smem:$0x3FB0] =	sst s2  }
0xb: {  	[smem:$0x3FB1] =	sst s3  }
0xc: {  	[smem:$0x3FB2] =	sst s4  }
0xd: {  	[smem:$0x3FB3] =	sst s5  }
0xe: {  	[smem:$0x3FB4] =	sst s6  }
0xf: {  	[smem:$0x3FB5] =	sst s7  }
0x10: {  	[smem:$0x3FB6] =	sst s8  }
0x11: {  	[smem:$0x3FB7] =	sst s9;
	s0 =	simm.s32 @!p0 $0x0  }
0x12: {  	s1 =	sld [smem:$0x3F9D];
	s0 =	simm.s32 @p0 $0x1  }
0x13: {  	[smem:$0x3FB8] =	sst s0;
	s0 =	simm.s32 @!p1 $0x0  }
0x14: {  	s2 =	sld [smem:$0x3F9C];
	s0 =	simm.s32 @p1 $0x1  }
0x15: {  	[smem:$0x3FB9] =	sst s0;
	s0 =	simm.s32 @!p2 $0x0  }
0x16: {  	s3 =	sld [smem:$0x3FDB];
	s0 =	simm.s32 @p2 $0x1  }
0x17: {  	s4 =	simm.s32 $0x1BF5;
	[smem:$0x3FBB] =	sst s0  }
0x18: {  	s0 =	sld [smem:$0x3F9E];
	_ =	swait.ge [sflag:s4], $0x0  }
0x19: {  	s7 =	sld [smem:$0x3F9F]  }
0x1a: {  	s8 =	sadd.s32 $0xFFFFE003, lr  }
0x1b: {  	s9 =	sadd.s32 $0xFFFFFEF7, lr;
	s5 =	simm.s32 $0xFFFFFFFF;
	p2 =	slt.u32 s8, $0xFFFFF086  }
0x1c: {  	p1 =	slt.u32 s9, $0xF7A;
	s5 =	simm.s32 @!p2 $0x0  }
0x1d: {  	s5 =	simm.s32 @p1 $0x1;
	p0 =	seq.s32 s7, s2  }
0x1e: {  	s7 =	smul.u32 @!p0 $0xF7A, s2;
	p2 =	seq.s32 @!p0 s5, $0x0  }
0x1f: {  	s9 =	smul.u32 $0xF7A, s1;
	s8 =	simm.s32 @!p0 $0x1BF5;
	p2 =	por !p2, p0  }
0x20: {  	[sflag:s8] =	ssyncset.s32 @!p0 $0xFFFFF086;
	s6 =	sadd.s32 @!p0 s3, s7;
	s7 =	simm.s32 @!p0 $0x108  }
0x21: {  	s3 =	sadd.s32 s3, s9;
	s6 =	sadd.s32 @!p0 $0x88, s6;
	s7 =	simm.s32 @p2 $0x1082  }
0x22: {  	[simem:s7], [sflag:s8] =	dma.local @!p0 [hbm:s6], $0xF7A  }
0x23: {  	s9 =	sor.u32 $0xD0000000, s2;
	s6 =	simm.s32 $0x108;
	_ =	swait.ge @!p0 [sflag:s8], $0x0  }
0x24: {  	s3 =	sadd.s32 $0x88, s3;
	s6 =	simm.s32 @!p1 $0x1082;
	[sflag:s4] =	ssyncset.s32 $0xFFFFF086  }
0x25: {  	[simem:s6], [sflag:s4] =	dma.local [hbm:s3], $0xF7A  }
0x26: {  	[smem:$0x3F9F] =	sst s1;
	(tag) =	ssettag s2;
	_ =	strace s9  }
0x27: {  	s1 =	sld [smem:$0x3FAF]  }
0x28: {  	s2 =	sld [smem:$0x3FB0]  }
0x29: {  	s4 =	sld [smem:$0x3FB2]  }
0x2a: {  	p0 =	seq.s32 s5, $0x0;
	s5 =	sld [smem:$0x3FB3]  }
0x2b: {  	s6 =	sld [smem:$0x3FB4]  }
0x2c: {  	s7 =	sld [smem:$0x3FB5]  }
0x2d: {  	s3 =	simm.s32 $0x108;
	s8 =	sld [smem:$0x3FB6]  }
0x2e: {  	s3 =	simm.s32 @!p0 $0x1082;
	s9 =	sld [smem:$0x3FB7]  }
0x2f: {  	lr =	sadd.s32 s0, s3;
	s0 =	sld [smem:$0x3FAE]  }
0x30: {  	s3 =	sld [smem:$0x3FB1]  }
0x31: {  	[smem:$0x3FBA] =	sst s10  }
0x32: {  	s10 =	sld [smem:$0x3FB8];
	_ =	sdelay $0x3  }
0x33: {  	p0 =	seq.s32 s10, $0x1;
	s10 =	sld [smem:$0x3FBA];
	_ =	sdelay $0x3  }
0x34: {  	[smem:$0x3FBA] =	sst s10  }
0x35: {  	s10 =	sld [smem:$0x3FB9];
	_ =	sdelay $0x3  }
0x36: {  	p1 =	seq.s32 s10, $0x1;
	s10 =	sld [smem:$0x3FBA];
	_ =	sdelay $0x3  }
0x37: {  	[smem:$0x3FBA] =	sst s10  }
0x38: {  	s10 =	sld [smem:$0x3FBB]  }
0x39: {  	_ = 	snop;
	(pc) =	sbr.ind lr, $3  }
0x3a: {  	_ = 	snop  }
0x3b: {  	_ = 	snop  }
0x3c: {  	p2 =	seq.s32 s10, $0x1;
	s10 =	sld [smem:$0x3FBA]  }
0x3d: {  	_ =	shalt  }
0x3e: {  	_ =	shalt  }
0x3f: {  	_ =	shalt  }
0x40: {  	_ =	shalt  }
0x41: {  	_ =	shalt  }
0x42: {  	_ =	shalt  }
0x43: {  	_ =	shalt  }
0x44: {  	_ =	shalt  }
0x45: {  	_ =	shalt  }
0x46: {  	_ =	shalt  }
0x47: {  	_ =	shalt  }
0x48: {  	_ =	shalt  }
0x49: {  	_ =	shalt  }
0x4a: {  	_ =	shalt  }
0x4b: {  	_ =	shalt  }
0x4c: {  	_ =	shalt  }
0x4d: {  	_ =	shalt  }
0x4e: {  	_ =	shalt  }
0x4f: {  	_ =	shalt  }
0x50: {  	_ =	shalt  }
0x51: {  	_ =	shalt  }
0x52: {  	_ =	shalt  }
0x53: {  	_ =	shalt  }
0x54: {  	_ =	shalt  }
0x55: {  	_ =	shalt  }
0x56: {  	_ =	shalt  }
0x57: {  	_ =	shalt  }
0x58: {  	_ =	shalt  }
0x59: {  	_ =	shalt  }
0x5a: {  	_ =	shalt  }
0x5b: {  	_ =	shalt  }
0x5c: {  	_ =	shalt  }
0x5d: {  	_ =	shalt  }
0x5e: {  	_ =	shalt  }
0x5f: {  	_ =	shalt  }
0x60: {  	_ =	shalt  }
0x61: {  	_ =	shalt  }
0x62: {  	_ =	shalt  }
0x63: {  	_ =	shalt  }
0x64: {  	_ =	shalt  }
0x65: {  	_ =	shalt  }
0x66: {  	_ =	shalt  }
0x67: {  	_ =	shalt  }
0x68: {  	_ =	shalt  }
0x69: {  	_ =	shalt  }
0x6a: {  	_ =	shalt  }
0x6b: {  	_ =	shalt  }
0x6c: {  	_ =	shalt  }
0x6d: {  	_ =	shalt  }
0x6e: {  	_ =	shalt  }
0x6f: {  	_ =	shalt  }
0x70: {  	_ =	shalt  }
0x71: {  	_ =	shalt  }
0x72: {  	_ =	shalt  }
0x73: {  	_ =	shalt  }
0x74: {  	_ =	shalt  }
0x75: {  	_ =	shalt  }
0x76: {  	_ =	shalt  }
0x77: {  	_ =	shalt  }
0x78: {  	_ =	shalt  }
0x79: {  	_ =	shalt  }
0x7a: {  	_ =	shalt  }
0x7b: {  	_ =	shalt  }
0x7c: {  	_ =	shalt  }
0x7d: {  	_ =	shalt  }
0x7e: {  	_ =	shalt  }
0x7f: {  	_ =	shalt  }
0x80: {  	_ =	shalt  }
0x81: {  	_ =	shalt  }
0x82: {  	_ =	shalt  }
0x83: {  	_ =	shalt  }
0x84: {  	_ =	shalt  }
0x85: {  	_ =	shalt  }
0x86: {  	_ =	shalt  }
0x87: {  	_ =	shalt  }
.Lfunc_end0:
.L_simem_size_0:
called_computation_lowered:
.L_overlay_start_0:
0x88: {  	s2 =	sld [smem:$0x3FD9]  }
0x89: {  	s3 =	sld [smem:$0x3FFE];
	_ =	sdelay $0x1  }
0x8a: {  	s1 =	srdreg.scid  }
0x8b: {  	s0 =	sand.u32 $0x1, s1  }
0x8c: {  	s17 =	sshll.u32 s0, $0xA;
	s2 =	sadd.s32 s3, s2  }
0x8d: {  	s2 =	sadd.s32 s2, s17  }
0x8e: {  	[smem:$0x3FC6] =	sst s2  }
0x8f: {  	_ = 	snop  }
0x90: {  	s2 =	sld [smem:$0x3FD0];
	(tm) =	ssettm $0x1  }
0x91: {  	s18 =	sld [smem:$0x3FFB];
	_ =	sdelay $0x3  }
0x92: {  	_ =	strace s18  }
0x93: {  	s3 =	sld [smem:$0x3FFC];
	_ =	sdelay $0x3  }
0x94: {  	_ =	strace s3  }
0x95: {  	s3 =	sld [smem:$0x3FFD];
	_ =	sdelay $0x3  }
0x96: {  	_ =	strace s3  }
0x97: {  	_ =	strace $0x8FFFFFFF  }
0x98: {  	s19 =	sld [smem:$0x3FDB];
	_ =	sdelay $0x1  }
0x99: {  	s4 =	simm.s32 $_scs_section_size  }
0x9a: {  	s5 =	simm.s32 $_size__tile_overlayer_lowered;
	s6 =	simm.s32 $_tile_overlayer_lowered  }
0x9b: {  	s22 =	simm.s32 $0x1BFF;
	s21 =	sshll.u32 s6, $0x1;
	s3 =	sadd.s32 s4, s19  }
0x9c: {  	s7 =	simm.s32 $0x0;
	s20 =	sshll.u32 s5, $0x1;
	s5 =	sadd.s32 s21, s3  }
0x9d: {  	[timem:s7], [sflag:s22] =	dma.local [hbm:s5], s20  }
0x9e: {  	_ =	swait.ge [sflag:s22], s20  }
0x9f: {  	s4 =	ssub.s32 $0x0, s20;
	[sflag:s22] =	ssyncset.done $0x0  }
0xa0: {  	[sflag:s22] =	ssyncadd.s32 s4;
	_ =	sdelay $0x1  }
0xa1: {  	s23 =	simm.s32 $0x1B8B  }
0xa2: {  	_ =	swait.ge [sflag:s23], $0x1  }
0xa3: {  	[sflag:s23] =	ssyncset.done $0x0  }
0xa4: {  	s25 =	simm.s32 $0x1B8E;
	s24 =	sld [smem:$0x3FFE];
	[sflag:s23] =	ssyncadd.s32 $0xFFFFFFFF  }
0xa5: {  	s26 =	simm.s32 $execute0_lowered;
	[smem:$0x3FD2] =	sst s25  }
0xa6: {  	s5 =	sshll.u32 s26, $0x1;
	_ =	strace $0x80000046;
	[dreg:$0x1] =	wrdreg $0xFFFFFFFF  }
0xa7: {  	s28 =	simm.s32 $_size_execute0_lowered;
	s3 =	sadd.s32 s3, s5;
	[dreg:$0x0] =	wrdreg $0x0  }
0xa8: {  	s5 =	sshll.u32 s28, $0x1;
	[dreg:$0x2] =	wrdreg s3  }
0xa9: {  	[dreg:$0x3] =	wrdreg s5  }
0xaa: {  	[dreg:$0x4] =	wrdreg $0xC0  }
0xab: {  	_ =	task [dreg:s7], $0x5FFFF  }
0xac: {  	[dreg:$0x1] =	wrdreg $0xFFFFFFFF  }
0xad: {  	[dreg:$0x0] =	wrdreg $0x60  }
0xae: {  	[dreg:$0x2] =	wrdreg s2  }
0xaf: {  	[dreg:$0x3] =	wrdreg s24  }
0xb0: {  	[dreg:$0x4] =	wrdreg $0x9  }
0xb1: {  	_ =	task.clear_ibuf [dreg:s7], $0x5FFFF;
	_ =	strace $0x90000046  }
0xb2: {  	s29 =	simm.s32 $0x9;
	_ =	strace $0x80000048  }
0xb3: {  	_ =	swait.ge [sflag:s29], $0x1  }
0xb4: {  	[sflag:s29] =	ssyncadd.s32 $0xFFFFFFFF  }
0xb5: {  	_ =	strace $0x90000048  }
0xb6: {  	_ =	sfence  }
0xb7: {  	s30 =	sld [smem:$0x0];
	_ =	sdelay $0x2  }
0xb8: {  	s31 =	sshll.u32 s1, $0xD;
	s1 =	sshrl.u32 s1, $0x2  }
0xb9: {  	s3 =	sand.u32 $0x4000, s31;
	s1 =	sadd.s32 s1, s30  }
0xba: {  	s0 =	sor.u32 s3, s0;
	s1 =	sshll.u32 s1, $0x11  }
0xbb: {  	s0 =	sor.u32 s1, s0  }
0xbc: {  	s0 =	sadd.s32 $0x8F2B, s0  }
0xbd: {  	[sflag:s0] =	ssyncadd.remote.s32 $0x1  }
0xbe: {  	_ =	sfence.sel $0xFFFF  }
0xbf: {  	[dreg:$0x0] =	wrdreg $0xFFFFFFFF;
	(pc) =	sbr.abs _section_cstart, $3  }
0xc0: {  	[dreg:$0x1] =	wrdreg $0xFFFFFFFF  }
0xc1: {  	_ =	task.clear_ibuf [dreg:s7], $0x2FFFF;
	_ =	strace $0x9FFFFFFF  }
0xc2: {  	(tm) =	ssettm $0x7FFFFFFF  }
0xc3: {  	_ =	shalt  }
tec
execute0_lowered:
.L_overlay_start_1:
0x0: {  	(tag) =	ssettag $0x1  }
0x1: {  	s2 =	rddreg [dreg:$0x0];
	s1 =	srdreg.scid  }
0x2: {  	s0 =	stileid.u32;
	s7 =	rddreg [dreg:$0x1];
	s3 =	simm.s32 $0x0  }
0x3: {  	s11 =	simm.s32 $0x5;
	s12 =	simm.s32 $0x1900;
	s13 =	simm.s32 $0x1D00  }
0x4: {  	s14 =	simm.s32 $0x400;
	s15 =	simm.s32 $0x320000;
	s16 =	simm.s32 $0x3  }
0x5: {  	s17 =	simm.s32 $0x1;
	s18 =	simm.s32 $0x4;
	s19 =	simm.s32 $0x2  }
0x6: {  	s5 =	sand.u32 $0x1, s1;
	s4 =	sshll.u32 s0, $0x1;
	s1 =	rddreg [dreg:$0x2]  }
0x7: {  	s20 =	simm.s32 $0x0;
	[smem:$0x7FF] =	sst s3;
	s6 =	sor.u32 s5, s4  }
0x8: {  	_ =	strace $0x80000047;
	s9 =	ssub.s32 $0x2, s5;
	s8 =	smul.u32 $0x3200, s6  }
0x9: {  	s4 =	sadd.s32 $0x400, s7;
	s10 =	sshrl.u32 s9, $0x1;
	s6 =	smul.u32 $0x64, s6  }
0xa: {  	s7 =	sadd.s32 $0x800, s7;
	s10 =	ssub.s32 s9, s10;
	s5 =	sadd.s32 s2, s8  }
0xb: {  	s9 =	sor.u32 $0x2, s6;
	s10 =	smax.u32 s10, $0x1;
	s8 =	sadd.s32 $0x80, s5  }
.LBB2_1:
0xc: {  	[tilespmem:s3], [sflag:$0x5] =	stream.linear.gather [hbm4b:s4+s3], $0x1900, $0x38;
	[tilespmem:$0x1B100] =	vst v63  }
0xd: {  	_ =	swait.ge [sflag:s11], $0x1900  }
0xe: {  	[sflag:s11] =	ssyncset.done $0x0  }
0xf: {  	[sflag:s11] =	ssyncadd.s32 $0xFFFFE700  }
0x10: {  	[tilespmem:s12], [sflag:$0x1] =	stream.linear.gather [hbm4b:s5+s3], $0x400, $0x38;
	[tilespmem:$0x1B100] =	vst v63  }
0x11: {  	s21 =	simm.s32 $0x0  }
0x12: {  	[tilespmem:s13], [sflag:$0x2] =	stream.linear.gather [hbm4b:s8+s3], $0x400, $0x38;
	[tilespmem:$0x1B100] =	vst v63  }
.LBB2_2:
0x13: {  	s24 =	sand.u32 $0x1, s21  }
0x14: {  	s22 =	sadd.s32 $0x1, s24;
	s25 =	smul.u32 $0x32000, s24  }
0x15: {  	_ =	swait.ge [sflag:s22], $0x400  }
0x16: {  	p0 =	slt.u32 s21, $0x2;
	[sflag:s22] =	ssyncset.done $0x0;
	s28 =	sshrl.u32 s25, $0x2  }
0x17: {  	s26 =	sadd.s32 @!p0 $0x3, s24;
	[sflag:s22] =	ssyncadd.s32 $0xFFFFFC00;
	s25 =	sadd.s32 $0x2900, s28  }
0x18: {  	s29 =	sadd.s32 $0x2D00, s28;
	_ =	swait.ge @!p0 [sflag:s26], $0xC800;
	v0 =	vmov s25  }
0x19: {  	s30 =	sadd.s32 $0x3100, s28;
	v15 =	vmov s29;
	[tilespmem:$0x1FCE0] =	vst v0  }
0x1a: {  	s23 =	sshll.u32 s24, $0xA;
	s31 =	sadd.s32 $0x3900, s28;
	v16 =	vmov s30;
	[tilespmem:$0x1FCF0] =	vst v15  }
0x1b: {  	s23 =	sor.u32 $0x1900, s23;
	v18 =	vmov s31;
	[tilespmem:$0x1FD00] =	vst v16  }
0x1c: {  	v62 =	vmov s23;
	s25 =	sadd.s32 $0x3500, s28;
	[tilespmem:$0x1FD20] =	vst v18  }
0x1d: {  	s30 =	sadd.s32 $0x3D00, s28;
	v17 =	vmov s25;
	[tilespmem:$0x1FFE0] =	vst v62  }
0x1e: {  	s31 =	sadd.s32 $0x4500, s28;
	v19 =	vmov s30;
	[tilespmem:$0x1FD10] =	vst v17  }
0x1f: {  	s25 =	sadd.s32 $0x4100, s28;
	v21 =	vmov s31;
	[tilespmem:$0x1FD30] =	vst v19  }
0x20: {  	s30 =	sadd.s32 $0x4900, s28;
	v20 =	vmov s25;
	[tilespmem:$0x1FD50] =	vst v21  }
0x21: {  	s31 =	sadd.s32 $0x5100, s28;
	v22 =	vmov s30;
	[tilespmem:$0x1FD40] =	vst v20  }
0x22: {  	s25 =	sadd.s32 $0x4D00, s28;
	v24 =	vmov s31;
	[tilespmem:$0x1FD60] =	vst v22  }
0x23: {  	s30 =	sadd.s32 $0x5500, s28;
	v23 =	vmov s25;
	[tilespmem:$0x1FD80] =	vst v24  }
0x24: {  	s31 =	sadd.s32 $0x5D00, s28;
	v25 =	vmov s30;
	[tilespmem:$0x1FD70] =	vst v23  }
0x25: {  	s25 =	sadd.s32 $0x5900, s28;
	v27 =	vmov s31;
	[tilespmem:$0x1FD90] =	vst v25  }
0x26: {  	s30 =	sadd.s32 $0x6100, s28;
	v26 =	vmov s25;
	[tilespmem:$0x1FDB0] =	vst v27  }
0x27: {  	s31 =	sadd.s32 $0x6900, s28;
	v28 =	vmov s30;
	[tilespmem:$0x1FDA0] =	vst v26  }
0x28: {  	s25 =	sadd.s32 $0x6500, s28;
	v30 =	vmov s31;
	[tilespmem:$0x1FDC0] =	vst v28  }
0x29: {  	s30 =	sadd.s32 $0x6D00, s28;
	v29 =	vmov s25;
	[tilespmem:$0x1FDE0] =	vst v30  }
0x2a: {  	s31 =	sadd.s32 $0x7500, s28;
	v31 =	vmov s30;
	[tilespmem:$0x1FDD0] =	vst v29  }
0x2b: {  	s25 =	sadd.s32 $0x7100, s28;
	v33 =	vmov s31;
	[tilespmem:$0x1FDF0] =	vst v31  }
0x2c: {  	s30 =	sadd.s32 $0x7900, s28;
	v32 =	vmov s25;
	[tilespmem:$0x1FE10] =	vst v33  }
0x2d: {  	s31 =	sadd.s32 $0x8100, s28;
	v34 =	vmov s30;
	[tilespmem:$0x1FE00] =	vst v32  }
0x2e: {  	s25 =	sadd.s32 $0x7D00, s28;
	v36 =	vmov s31;
	[tilespmem:$0x1FE20] =	vst v34  }
0x2f: {  	s30 =	sadd.s32 $0x8500, s28;
	v35 =	vmov s25;
	[tilespmem:$0x1FE40] =	vst v36  }
0x30: {  	s31 =	sadd.s32 $0x8D00, s28;
	v37 =	vmov s30;
	[tilespmem:$0x1FE30] =	vst v35  }
0x31: {  	s25 =	sadd.s32 $0x8900, s28;
	v39 =	vmov s31;
	[tilespmem:$0x1FE50] =	vst v37  }
0x32: {  	s30 =	sadd.s32 $0x9100, s28;
	v38 =	vmov s25;
	[tilespmem:$0x1FE70] =	vst v39  }
0x33: {  	s31 =	sadd.s32 $0x9900, s28;
	v40 =	vmov s30;
	[tilespmem:$0x1FE60] =	vst v38  }
0x34: {  	s25 =	sadd.s32 $0x9500, s28;
	v42 =	vmov s31;
	[tilespmem:$0x1FE80] =	vst v40  }
0x35: {  	s30 =	sadd.s32 $0x9D00, s28;
	v41 =	vmov s25;
	[tilespmem:$0x1FEA0] =	vst v42  }
0x36: {  	s31 =	sadd.s32 $0xA500, s28;
	v43 =	vmov s30;
	[tilespmem:$0x1FE90] =	vst v41  }
0x37: {  	s25 =	sadd.s32 $0xA100, s28;
	v45 =	vmov s31;
	[tilespmem:$0x1FEB0] =	vst v43  }
0x38: {  	s30 =	sadd.s32 $0xA900, s28;
	v44 =	vmov s25;
	[tilespmem:$0x1FED0] =	vst v45  }
0x39: {  	s31 =	sadd.s32 $0xB100, s28;
	v46 =	vmov s30;
	[tilespmem:$0x1FEC0] =	vst v44  }
0x3a: {  	s25 =	sadd.s32 $0xAD00, s28;
	v48 =	vmov s31;
	[tilespmem:$0x1FEE0] =	vst v46  }
0x3b: {  	s30 =	sadd.s32 $0xB500, s28;
	v47 =	vmov s25;
	[tilespmem:$0x1FF00] =	vst v48  }
0x3c: {  	s31 =	sadd.s32 $0xBD00, s28;
	v49 =	vmov s30;
	[tilespmem:$0x1FEF0] =	vst v47  }
0x3d: {  	s25 =	sadd.s32 $0xB900, s28;
	v51 =	vmov s31;
	[tilespmem:$0x1FF10] =	vst v49  }
0x3e: {  	s30 =	sadd.s32 $0xC100, s28;
	v50 =	vmov s25;
	[tilespmem:$0x1FF30] =	vst v51  }
0x3f: {  	s31 =	sadd.s32 $0xC900, s28;
	v52 =	vmov s30;
	[tilespmem:$0x1FF20] =	vst v50  }
0x40: {  	s25 =	sadd.s32 $0xC500, s28;
	v54 =	vmov s31;
	[tilespmem:$0x1FF40] =	vst v52  }
0x41: {  	s30 =	sadd.s32 $0xCD00, s28;
	v53 =	vmov s25;
	[tilespmem:$0x1FF60] =	vst v54  }
0x42: {  	s31 =	sadd.s32 $0xD500, s28;
	v55 =	vmov s30;
	[tilespmem:$0x1FF50] =	vst v53  }
0x43: {  	s25 =	sadd.s32 $0xD100, s28;
	v57 =	vmov s31;
	[tilespmem:$0x1FF70] =	vst v55  }
0x44: {  	s30 =	sadd.s32 $0xD900, s28;
	v56 =	vmov s25;
	[tilespmem:$0x1FF90] =	vst v57  }
0x45: {  	s31 =	sadd.s32 $0xE100, s28;
	v58 =	vmov s30;
	[tilespmem:$0x1FF80] =	vst v56  }
0x46: {  	s25 =	sadd.s32 $0xDD00, s28;
	v60 =	vmov s31;
	[tilespmem:$0x1FFA0] =	vst v58  }
0x47: {  	v59 =	vmov s25;
	[tilespmem:$0x1FFC0] =	vst v60;
	s25 =	sadd.s32 $0x2100, s28;
	s28 =	sadd.s32 $0xE500, s28  }
0x48: {  	[tilespmem:$0x1FFB0] =	vst v59;
	v61 =	vmov s28  }
0x49: {  	[sflag:s26] =	ssyncset.done @!p0 $0x0;
	v63 =	vmov s25;
	[tilespmem:$0x1FFD0] =	vst v61  }
0x4a: {  	[sflag:s26] =	ssyncadd.s32 @!p0 $0xFFFF3800;
	s26 =	simm.s32 $0x0;
	[tilespmem:$0x1FFF0] =	vst v63  }
.LBB2_3:
0x4b: {  	v0 =	vld [tilespmem:$0x1FFE0]  }
0x4c: {  	v5 =	vld [tilespmem:$0x1FFF0]  }
0x4d: {  	v11 =	vld [tilespmem:$0x1FCE0]  }
0x4e: {  	v6 =	vld [tilespmem:$0x1FCF0]  }
0x4f: {  	v7 =	vld [tilespmem:$0x1FD00]  }
0x50: {  	v14 =	vld [tilespmem:$0x1FD10]  }
0x51: {  	v18 =	vld [tilespmem:$0x1FD20]  }
0x52: {  	s28 =	sshll.u32 s26, $0x7;
	v39 =	vld [tilespmem:$0x1FD30]  }
0x53: {  	v57 =	vld.idx.msk [tilespmem:v0+s28+$0x0 ss:$0x1], $0xffff  }
0x54: {  	v49 =	vld [tilespmem:$0x1FD40]  }
0x55: {  	v56 =	vld.idx.msk [tilespmem:v0+s28+$0x10 ss:$0x1], $0xffff  }
0x56: {  	v55 =	vld.idx.msk [tilespmem:v0+s28+$0x20 ss:$0x1], $0xffff  }
0x57: {  	v54 =	vld.idx.msk [tilespmem:v0+s28+$0x30 ss:$0x1], $0xffff  }
0x58: {  	v53 =	vld.idx.msk [tilespmem:v0+s28+$0x40 ss:$0x1], $0xffff;
	v58 =	vadd.s32 $0x80, v57  }
0x59: {  	v52 =	vld.idx.msk [tilespmem:v0+s28+$0x50 ss:$0x1], $0xffff;
	v59 =	vadd.s32 $0x100, v57  }
0x5a: {  	v51 =	vld.idx.msk [tilespmem:v0+s28+$0x60 ss:$0x1], $0xffff;
	v60 =	vadd.s32 $0x180, v57  }
0x5b: {  	v50 =	vld.idx.msk [tilespmem:v0+s28+$0x70 ss:$0x1], $0xffff;
	v61 =	vadd.s32 $0x200, v57  }
0x5c: {  	v63 =	vadd.s32 $0x280, v57;
	v62 =	vld.idx.msk [tilespmem:v57+s3+$0x0], $0xffff  }
0x5d: {  	v42 =	vadd.s32 $0x300, v57;
	v58 =	vld.idx.msk [tilespmem:v58+s3+$0x0], $0xffff  }
0x5e: {  	v1 =	vadd.s32 $0x380, v57;
	v59 =	vld.idx.msk [tilespmem:v59+s3+$0x0], $0xffff  }
0x5f: {  	v2 =	vadd.s32 $0x400, v57;
	v60 =	vld.idx.msk [tilespmem:v60+s3+$0x0], $0xffff  }
0x60: {  	v3 =	vadd.s32 $0x480, v57;
	v61 =	vld.idx.msk [tilespmem:v61+s3+$0x0], $0xffff  }
0x61: {  	v63 =	vld.idx.msk [tilespmem:v63+s3+$0x0], $0xffff  }
0x62: {  	v0 =	vld.idx.msk [tilespmem:v42+s3+$0x0], $0xffff  }
0x63: {  	v1 =	vld.idx.msk [tilespmem:v1+s3+$0x0], $0xffff  }
0x64: {  	v2 =	vld.idx.msk [tilespmem:v2+s3+$0x0], $0xffff  }
0x65: {  	v3 =	vld.idx.msk [tilespmem:v3+s3+$0x0], $0xffff;
	[tilespmem:v5+s28+$0x0 ss:$0x1] =	vst.idx.msk $0xffff, v62  }
0x66: {  	v13 =	vld [tilespmem:$0x1FD50];
	[tilespmem:v5+s28+$0x400 ss:$0x1] =	vst.idx.msk $0xffff, v58  }
0x67: {  	[tilespmem:v11+s28+$0x0 ss:$0x1] =	vst.idx.msk $0xffff, v59  }
0x68: {  	[tilespmem:v6+s28+$0x0 ss:$0x1] =	vst.idx.msk $0xffff, v60  }
0x69: {  	[tilespmem:v7+s28+$0x0 ss:$0x1] =	vst.idx.msk $0xffff, v61  }
0x6a: {  	v4 =	vld [tilespmem:$0x1FD60];
	v43 =	vadd.s32 $0x500, v57;
	[tilespmem:v14+s28+$0x0 ss:$0x1] =	vst.idx.msk $0xffff, v63  }
0x6b: {  	v17 =	vld [tilespmem:$0x1FDB0];
	v44 =	vadd.s32 $0x580, v57;
	[tilespmem:v18+s28+$0x0 ss:$0x1] =	vst.idx.msk $0xffff, v0  }
0x6c: {  	v19 =	vld [tilespmem:$0x1FDC0];
	v8 =	vadd.s32 $0x800, v57;
	[tilespmem:v39+s28+$0x0 ss:$0x1] =	vst.idx.msk $0xffff, v1  }
0x6d: {  	v21 =	vld [tilespmem:$0x1FDD0];
	v9 =	vadd.s32 $0x880, v57;
	[tilespmem:v49+s28+$0x0 ss:$0x1] =	vst.idx.msk $0xffff, v2  }
0x6e: {  	v28 =	vld [tilespmem:$0x1FDE0];
	v10 =	vadd.s32 $0x900, v57;
	[tilespmem:v13+s28+$0x0 ss:$0x1] =	vst.idx.msk $0xffff, v3  }
0x6f: {  	v12 =	vadd.s32 $0x980, v57;
	v58 =	vld.idx.msk [tilespmem:v43+s3+$0x0], $0xffff  }
0x70: {  	v0 =	vld.idx.msk [tilespmem:v44+s3+$0x0], $0xffff  }
0x71: {  	v60 =	vld.idx.msk [tilespmem:v8+s3+$0x0], $0xffff  }
0x72: {  	v61 =	vld.idx.msk [tilespmem:v9+s3+$0x0], $0xffff  }
0x73: {  	v62 =	vld.idx.msk [tilespmem:v10+s3+$0x0], $0xffff  }
0x74: {  	v45 =	vadd.s32 $0x600, v57;
	v63 =	vld.idx.msk [tilespmem:v12+s3+$0x0], $0xffff  }
0x75: {  	v46 =	vadd.s32 $0x680, v57;
	v12 =	vld [tilespmem:$0x1FD70]  }
0x76: {  	v47 =	vadd.s32 $0x700, v57;
	v8 =	vld [tilespmem:$0x1FD80]  }
0x77: {  	v48 =	vadd.s32 $0x780, v57;
	v9 =	vld [tilespmem:$0x1FD90]  }
0x78: {  	v10 =	vld [tilespmem:$0x1FDA0]  }
0x79: {  	v1 =	vld.idx.msk [tilespmem:v45+s3+$0x0], $0xffff  }
0x7a: {  	v2 =	vld.idx.msk [tilespmem:v46+s3+$0x0], $0xffff  }
0x7b: {  	v3 =	vld.idx.msk [tilespmem:v47+s3+$0x0], $0xffff  }
0x7c: {  	v59 =	vld.idx.msk [tilespmem:v48+s3+$0x0], $0xffff;
	[tilespmem:v4+s28+$0x0 ss:$0x1] =	vst.idx.msk $0xffff, v58  }
0x7d: {  	v27 =	vld [tilespmem:$0x1FDF0];
	[tilespmem:v12+s28+$0x0 ss:$0x1] =	vst.idx.msk $0xffff, v0  }
0x7e: {  	[tilespmem:v8+s28+$0x0 ss:$0x1] =	vst.idx.msk $0xffff, v1  }
0x7f: {  	v20 =	vld [tilespmem:$0x1FE00];
	[tilespmem:v9+s28+$0x0 ss:$0x1] =	vst.idx.msk $0xffff, v2  }
0x80: {  	v22 =	vld [tilespmem:$0x1FE10];
	[tilespmem:v10+s28+$0x0 ss:$0x1] =	vst.idx.msk $0xffff, v3  }
0x81: {  	v24 =	vld [tilespmem:$0x1FE30];
	v15 =	vadd.s32 $0xA00, v57;
	[tilespmem:v17+s28+$0x0 ss:$0x1] =	vst.idx.msk $0xffff, v59  }
0x82: {  	v25 =	vld [tilespmem:$0x1FE40];
	v16 =	vadd.s32 $0xA80, v57;
	[tilespmem:v19+s28+$0x0 ss:$0x1] =	vst.idx.msk $0xffff, v60  }
0x83: {  	v29 =	vld [tilespmem:$0x1FE50];
	v23 =	vadd.s32 $0xB00, v57;
	[tilespmem:v21+s28+$0x0 ss:$0x1] =	vst.idx.msk $0xffff, v61  }
0x84: {  	v31 =	vld [tilespmem:$0x1FE60];
	v32 =	vadd.s32 $0xB80, v57;
	[tilespmem:v28+s28+$0x0 ss:$0x1] =	vst.idx.msk $0xffff, v62  }
0x85: {  	v30 =	vld [tilespmem:$0x1FE80];
	v33 =	vadd.s32 $0xC00, v57;
	[tilespmem:v27+s28+$0x0 ss:$0x1] =	vst.idx.msk $0xffff, v63  }
0x86: {  	v0 =	vld.idx.msk [tilespmem:v15+s3+$0x0], $0xffff  }
0x87: {  	v34 =	vadd.s32 $0xC80, v57;
	v1 =	vld.idx.msk [tilespmem:v16+s3+$0x0], $0xffff  }
0x88: {  	v35 =	vadd.s32 $0xD00, v57;
	v2 =	vld.idx.msk [tilespmem:v23+s3+$0x0], $0xffff  }
0x89: {  	v36 =	vadd.s32 $0xD80, v57;
	v3 =	vld.idx.msk [tilespmem:v32+s3+$0x0], $0xffff  }
0x8a: {  	v38 =	vadd.s32 $0xE80, v57;
	v58 =	vld.idx.msk [tilespmem:v33+s3+$0x0], $0xffff  }
0x8b: {  	v23 =	vld [tilespmem:$0x1FE20]  }
0x8c: {  	v37 =	vadd.s32 $0xE00, v57;
	v59 =	vld.idx.msk [tilespmem:v34+s3+$0x0], $0xffff  }
0x8d: {  	v60 =	vld.idx.msk [tilespmem:v35+s3+$0x0], $0xffff  }
0x8e: {  	v61 =	vld.idx.msk [tilespmem:v36+s3+$0x0], $0xffff  }
0x8f: {  	v63 =	vld.idx.msk [tilespmem:v38+s3+$0x0], $0xffff  }
0x90: {  	v38 =	vld [tilespmem:$0x1FE70]  }
0x91: {  	v62 =	vld.idx.msk [tilespmem:v37+s3+$0x0], $0xffff;
	[tilespmem:v20+s28+$0x0 ss:$0x1] =	vst.idx.msk $0xffff, v0  }
0x92: {  	v48 =	vld [tilespmem:$0x1FE90];
	[tilespmem:v22+s28+$0x0 ss:$0x1] =	vst.idx.msk $0xffff, v1  }
0x93: {  	[tilespmem:v23+s28+$0x0 ss:$0x1] =	vst.idx.msk $0xffff, v2  }
0x94: {  	[tilespmem:v24+s28+$0x0 ss:$0x1] =	vst.idx.msk $0xffff, v3  }
0x95: {  	v32 =	vld [tilespmem:$0x1FEB0];
	[tilespmem:v25+s28+$0x0 ss:$0x1] =	vst.idx.msk $0xffff, v58  }
0x96: {  	v40 =	vadd.s32 $0xF00, v57;
	v33 =	vld [tilespmem:$0x1FEC0];
	[tilespmem:v29+s28+$0x0 ss:$0x1] =	vst.idx.msk $0xffff, v59  }
0x97: {  	v41 =	vadd.s32 $0xF80, v57;
	v34 =	vld [tilespmem:$0x1FED0];
	[tilespmem:v31+s28+$0x0 ss:$0x1] =	vst.idx.msk $0xffff, v60  }
0x98: {  	v42 =	vadd.s32 $0x1000, v57;
	v35 =	vld [tilespmem:$0x1FEE0];
	[tilespmem:v38+s28+$0x0 ss:$0x1] =	vst.idx.msk $0xffff, v61  }
0x99: {  	v15 =	vadd.s32 $0x1300, v57;
	v36 =	vld [tilespmem:$0x1FF00];
	[tilespmem:v30+s28+$0x0 ss:$0x1] =	vst.idx.msk $0xffff, v62  }
0x9a: {  	v37 =	vld [tilespmem:$0x1FF20];
	[tilespmem:v48+s28+$0x0 ss:$0x1] =	vst.idx.msk $0xffff, v63  }
0x9b: {  	v43 =	vadd.s32 $0x1080, v57;
	v0 =	vld.idx.msk [tilespmem:v40+s3+$0x0], $0xffff  }
0x9c: {  	v44 =	vadd.s32 $0x1100, v57;
	v1 =	vld.idx.msk [tilespmem:v41+s3+$0x0], $0xffff  }
0x9d: {  	v45 =	vadd.s32 $0x1180, v57;
	v2 =	vld.idx.msk [tilespmem:v42+s3+$0x0], $0xffff  }
0x9e: {  	v46 =	vadd.s32 $0x1200, v57;
	v62 =	vld.idx.msk [tilespmem:v15+s3+$0x0], $0xffff  }
0x9f: {  	v15 =	vld [tilespmem:$0x1FEA0]  }
0xa0: {  	v47 =	vadd.s32 $0x1280, v57;
	v3 =	vld.idx.msk [tilespmem:v43+s3+$0x0], $0xffff  }
0xa1: {  	v58 =	vld.idx.msk [tilespmem:v44+s3+$0x0], $0xffff  }
0xa2: {  	v16 =	vadd.s32 $0x1380, v57;
	v59 =	vld.idx.msk [tilespmem:v45+s3+$0x0], $0xffff  }
0xa3: {  	v60 =	vld.idx.msk [tilespmem:v46+s3+$0x0], $0xffff  }
0xa4: {  	v40 =	vld [tilespmem:$0x1FEF0]  }
0xa5: {  	v61 =	vld.idx.msk [tilespmem:v47+s3+$0x0], $0xffff  }
0xa6: {  	v42 =	vld [tilespmem:$0x1FF10]  }
0xa7: {  	v63 =	vld.idx.msk [tilespmem:v16+s3+$0x0], $0xffff;
	[tilespmem:v15+s28+$0x0 ss:$0x1] =	vst.idx.msk $0xffff, v0  }
0xa8: {  	v41 =	vld [tilespmem:$0x1FF30];
	[tilespmem:v32+s28+$0x0 ss:$0x1] =	vst.idx.msk $0xffff, v1  }
0xa9: {  	[tilespmem:v33+s28+$0x0 ss:$0x1] =	vst.idx.msk $0xffff, v2  }
0xaa: {  	[tilespmem:v34+s28+$0x0 ss:$0x1] =	vst.idx.msk $0xffff, v3  }
0xab: {  	[tilespmem:v35+s28+$0x0 ss:$0x1] =	vst.idx.msk $0xffff, v58  }
0xac: {  	v26 =	vadd.s32 $0x1400, v57;
	[tilespmem:v40+s28+$0x0 ss:$0x1] =	vst.idx.msk $0xffff, v59  }
0xad: {  	v45 =	vadd.s32 $0x1480, v57;
	[tilespmem:v36+s28+$0x0 ss:$0x1] =	vst.idx.msk $0xffff, v60  }
0xae: {  	v46 =	vadd.s32 $0x1500, v57;
	[tilespmem:v42+s28+$0x0 ss:$0x1] =	vst.idx.msk $0xffff, v61  }
0xaf: {  	v47 =	vadd.s32 $0x1580, v57;
	[tilespmem:v37+s28+$0x0 ss:$0x1] =	vst.idx.msk $0xffff, v62  }
0xb0: {  	v16 =	vadd.s32 $0x1600, v57;
	[tilespmem:v41+s28+$0x0 ss:$0x1] =	vst.idx.msk $0xffff, v63  }
0xb1: {  	v0 =	vld.idx.msk [tilespmem:v26+s3+$0x0], $0xffff  }
0xb2: {  	v26 =	vadd.s32 $0x1680, v57;
	v1 =	vld.idx.msk [tilespmem:v45+s3+$0x0], $0xffff  }
0xb3: {  	v2 =	vld.idx.msk [tilespmem:v46+s3+$0x0], $0xffff  }
0xb4: {  	v3 =	vld.idx.msk [tilespmem:v47+s3+$0x0], $0xffff  }
0xb5: {  	v58 =	vld.idx.msk [tilespmem:v16+s3+$0x0], $0xffff  }
0xb6: {  	v16 =	vld [tilespmem:$0x1FF40]  }
0xb7: {  	v43 =	vadd.s32 $0x1700, v57;
	v59 =	vld.idx.msk [tilespmem:v26+s3+$0x0], $0xffff  }
0xb8: {  	v44 =	vadd.s32 $0x1780, v57;
	v26 =	vld [tilespmem:$0x1FF50]  }
0xb9: {  	v45 =	vadd.s32 $0x1800, v57;
	v46 =	vld [tilespmem:$0x1FF60]  }
0xba: {  	v57 =	vadd.s32 $0x1880, v57;
	v47 =	vld [tilespmem:$0x1FF70]  }
0xbb: {  	v63 =	vld [tilespmem:$0x1FF80]  }
0xbc: {  	v60 =	vld.idx.msk [tilespmem:v43+s3+$0x0], $0xffff  }
0xbd: {  	v61 =	vld.idx.msk [tilespmem:v44+s3+$0x0], $0xffff  }
0xbe: {  	v62 =	vld.idx.msk [tilespmem:v45+s3+$0x0], $0xffff  }
0xbf: {  	v57 =	vld.idx.msk [tilespmem:v57+s3+$0x0], $0xffff;
	[tilespmem:v16+s28+$0x0 ss:$0x1] =	vst.idx.msk $0xffff, v0  }
0xc0: {  	v43 =	vld [tilespmem:$0x1FF90];
	[tilespmem:v26+s28+$0x0 ss:$0x1] =	vst.idx.msk $0xffff, v1  }
0xc1: {  	v44 =	vld [tilespmem:$0x1FFA0];
	[tilespmem:v46+s28+$0x0 ss:$0x1] =	vst.idx.msk $0xffff, v2  }
0xc2: {  	v46 =	vld [tilespmem:$0x1FFB0];
	[tilespmem:v47+s28+$0x0 ss:$0x1] =	vst.idx.msk $0xffff, v3  }
0xc3: {  	[tilespmem:v63+s28+$0x0 ss:$0x1] =	vst.idx.msk $0xffff, v58;
	v63 =	vld [tilespmem:$0x1FFC0]  }
0xc4: {  	v47 =	vld [tilespmem:$0x1FFD0];
	_ =	sdelay $0x3  }
0xc5: {  	[tilespmem:v43+s28+$0x0 ss:$0x1] =	vst.idx.msk $0xffff, v59  }
0xc6: {  	v0 =	vadd.s32 $0x80, v56;
	[tilespmem:v44+s28+$0x0 ss:$0x1] =	vst.idx.msk $0xffff, v60  }
0xc7: {  	v1 =	vadd.s32 $0x100, v56;
	[tilespmem:v46+s28+$0x0 ss:$0x1] =	vst.idx.msk $0xffff, v61  }
0xc8: {  	v16 =	vadd.s32 $0x180, v56;
	[tilespmem:v63+s28+$0x0 ss:$0x1] =	vst.idx.msk $0xffff, v62  }
0xc9: {  	v45 =	vadd.s32 $0x200, v56;
	[tilespmem:v47+s28+$0x0 ss:$0x1] =	vst.idx.msk $0xffff, v57  }
0xca: {  	v58 =	vadd.s32 $0x280, v56;
	v57 =	vld.idx.msk [tilespmem:v56+s3+$0x0], $0xffff  }
0xcb: {  	v59 =	vadd.s32 $0x300, v56;
	v0 =	vld.idx.msk [tilespmem:v0+s3+$0x0], $0xffff  }
0xcc: {  	v60 =	vadd.s32 $0x380, v56;
	v1 =	vld.idx.msk [tilespmem:v1+s3+$0x0], $0xffff  }
0xcd: {  	v2 =	vld.idx.msk [tilespmem:v16+s3+$0x0], $0xffff;
	v16 =	vadd.s32 $0x400, v56  }
0xce: {  	v3 =	vld.idx.msk [tilespmem:v45+s3+$0x0], $0xffff;
	v45 =	vadd.s32 $0x480, v56  }
0xcf: {  	v58 =	vld.idx.msk [tilespmem:v58+s3+$0x0], $0xffff  }
0xd0: {  	v59 =	vld.idx.msk [tilespmem:v59+s3+$0x0], $0xffff  }
0xd1: {  	v60 =	vld.idx.msk [tilespmem:v60+s3+$0x0], $0xffff  }
0xd2: {  	v61 =	vld.idx.msk [tilespmem:v16+s3+$0x0], $0xffff  }
0xd3: {  	v62 =	vld.idx.msk [tilespmem:v45+s3+$0x0], $0xffff;
	[tilespmem:v5+s28+$0x10 ss:$0x1] =	vst.idx.msk $0xffff, v57  }
0xd4: {  	[tilespmem:v5+s28+$0x410 ss:$0x1] =	vst.idx.msk $0xffff, v0  }
0xd5: {  	[tilespmem:v11+s28+$0x10 ss:$0x1] =	vst.idx.msk $0xffff, v1  }
0xd6: {  	[tilespmem:v6+s28+$0x10 ss:$0x1] =	vst.idx.msk $0xffff, v2  }
0xd7: {  	[tilespmem:v7+s28+$0x10 ss:$0x1] =	vst.idx.msk $0xffff, v3  }
0xd8: {  	v16 =	vadd.s32 $0x500, v56;
	[tilespmem:v14+s28+$0x10 ss:$0x1] =	vst.idx.msk $0xffff, v58  }
0xd9: {  	v45 =	vadd.s32 $0x600, v56;
	[tilespmem:v18+s28+$0x10 ss:$0x1] =	vst.idx.msk $0xffff, v59  }
0xda: {  	v14 =	vadd.s32 $0x700, v56;
	[tilespmem:v39+s28+$0x10 ss:$0x1] =	vst.idx.msk $0xffff, v60  }
0xdb: {  	v18 =	vadd.s32 $0x580, v56;
	[tilespmem:v49+s28+$0x10 ss:$0x1] =	vst.idx.msk $0xffff, v61  }
0xdc: {  	v49 =	vadd.s32 $0x680, v56;
	[tilespmem:v13+s28+$0x10 ss:$0x1] =	vst.idx.msk $0xffff, v62  }
0xdd: {  	v39 =	vadd.s32 $0x880, v56;
	v0 =	vld.idx.msk [tilespmem:v16+s3+$0x0], $0xffff  }
0xde: {  	v16 =	vadd.s32 $0x780, v56;
	v2 =	vld.idx.msk [tilespmem:v45+s3+$0x0], $0xffff  }
0xdf: {  	v45 =	vadd.s32 $0x900, v56;
	v57 =	vld.idx.msk [tilespmem:v14+s3+$0x0], $0xffff  }
0xe0: {  	v1 =	vld.idx.msk [tilespmem:v18+s3+$0x0], $0xffff;
	v18 =	vadd.s32 $0x800, v56  }
0xe1: {  	v3 =	vld.idx.msk [tilespmem:v49+s3+$0x0], $0xffff;
	v49 =	vadd.s32 $0x980, v56  }
0xe2: {  	v60 =	vld.idx.msk [tilespmem:v39+s3+$0x0], $0xffff  }
0xe3: {  	v58 =	vld.idx.msk [tilespmem:v16+s3+$0x0], $0xffff  }
0xe4: {  	v61 =	vld.idx.msk [tilespmem:v45+s3+$0x0], $0xffff  }
0xe5: {  	v59 =	vld.idx.msk [tilespmem:v18+s3+$0x0], $0xffff  }
0xe6: {  	v62 =	vld.idx.msk [tilespmem:v49+s3+$0x0], $0xffff;
	[tilespmem:v4+s28+$0x10 ss:$0x1] =	vst.idx.msk $0xffff, v0  }
0xe7: {  	[tilespmem:v12+s28+$0x10 ss:$0x1] =	vst.idx.msk $0xffff, v1  }
0xe8: {  	[tilespmem:v8+s28+$0x10 ss:$0x1] =	vst.idx.msk $0xffff, v2  }
0xe9: {  	[tilespmem:v9+s28+$0x10 ss:$0x1] =	vst.idx.msk $0xffff, v3  }
0xea: {  	[tilespmem:v10+s28+$0x10 ss:$0x1] =	vst.idx.msk $0xffff, v57  }
0xeb: {  	v14 =	vmov v9;
	v9 =	vadd.s32 $0xA00, v56;
	[tilespmem:v17+s28+$0x10 ss:$0x1] =	vst.idx.msk $0xffff, v58  }
0xec: {  	v18 =	vmov v10;
	v10 =	vadd.s32 $0xA80, v56;
	[tilespmem:v19+s28+$0x10 ss:$0x1] =	vst.idx.msk $0xffff, v59  }
0xed: {  	v16 =	vadd.s32 $0xB00, v56;
	[tilespmem:v21+s28+$0x10 ss:$0x1] =	vst.idx.msk $0xffff, v60  }
0xee: {  	v49 =	vmov v17;
	v17 =	vadd.s32 $0xB80, v56;
	[tilespmem:v28+s28+$0x10 ss:$0x1] =	vst.idx.msk $0xffff, v61  }
0xef: {  	v39 =	vadd.s32 $0xC80, v56;
	[tilespmem:v27+s28+$0x10 ss:$0x1] =	vst.idx.msk $0xffff, v62  }
0xf0: {  	v45 =	vadd.s32 $0xD00, v56;
	v0 =	vld.idx.msk [tilespmem:v9+s3+$0x0], $0xffff  }
0xf1: {  	v13 =	vmov v8;
	v8 =	vadd.s32 $0xD80, v56;
	v1 =	vld.idx.msk [tilespmem:v10+s3+$0x0], $0xffff  }
0xf2: {  	v19 =	vmov v21;
	v21 =	vmov v28;
	v28 =	vadd.s32 $0xC00, v56;
	v2 =	vld.idx.msk [tilespmem:v16+s3+$0x0], $0xffff  }
0xf3: {  	v3 =	vld.idx.msk [tilespmem:v17+s3+$0x0], $0xffff;
	v9 =	vadd.s32 $0xE00, v56  }
0xf4: {  	v10 =	vadd.s32 $0xE80, v56;
	v58 =	vld.idx.msk [tilespmem:v39+s3+$0x0], $0xffff  }
0xf5: {  	v59 =	vld.idx.msk [tilespmem:v45+s3+$0x0], $0xffff  }
0xf6: {  	v60 =	vld.idx.msk [tilespmem:v8+s3+$0x0], $0xffff  }
0xf7: {  	v57 =	vld.idx.msk [tilespmem:v28+s3+$0x0], $0xffff  }
0xf8: {  	v61 =	vld.idx.msk [tilespmem:v9+s3+$0x0], $0xffff  }
0xf9: {  	v62 =	vld.idx.msk [tilespmem:v10+s3+$0x0], $0xffff;
	[tilespmem:v20+s28+$0x10 ss:$0x1] =	vst.idx.msk $0xffff, v0  }
0xfa: {  	[tilespmem:v22+s28+$0x10 ss:$0x1] =	vst.idx.msk $0xffff, v1  }
0xfb: {  	[tilespmem:v23+s28+$0x10 ss:$0x1] =	vst.idx.msk $0xffff, v2  }
0xfc: {  	[tilespmem:v24+s28+$0x10 ss:$0x1] =	vst.idx.msk $0xffff, v3  }
0xfd: {  	[tilespmem:v25+s28+$0x10 ss:$0x1] =	vst.idx.msk $0xffff, v57  }
0xfe: {  	v16 =	vadd.s32 $0xF00, v56;
	[tilespmem:v29+s28+$0x10 ss:$0x1] =	vst.idx.msk $0xffff, v58  }
0xff: {  	v17 =	vadd.s32 $0xF80, v56;
	[tilespmem:v31+s28+$0x10 ss:$0x1] =	vst.idx.msk $0xffff, v59  }
0x100: {  	v20 =	vadd.s32 $0x1000, v56;
	[tilespmem:v38+s28+$0x10 ss:$0x1] =	vst.idx.msk $0xffff, v60  }
0x101: {  	v28 =	vmov v22;
	v22 =	vadd.s32 $0x1080, v56;
	[tilespmem:v30+s28+$0x10 ss:$0x1] =	vst.idx.msk $0xffff, v61  }
0x102: {  	v23 =	vadd.s32 $0x1100, v56;
	[tilespmem:v48+s28+$0x10 ss:$0x1] =	vst.idx.msk $0xffff, v62  }
0x103: {  	v45 =	vadd.s32 $0x1200, v56;
	v0 =	vld.idx.msk [tilespmem:v16+s3+$0x0], $0xffff  }
0x104: {  	v8 =	vadd.s32 $0x1300, v56;
	v1 =	vld.idx.msk [tilespmem:v17+s3+$0x0], $0xffff  }
0x105: {  	v9 =	vadd.s32 $0x1380, v56;
	v2 =	vld.idx.msk [tilespmem:v20+s3+$0x0], $0xffff  }
0x106: {  	v27 =	vmov v29;
	v29 =	vmov v38;
	v38 =	vadd.s32 $0x1180, v56;
	v3 =	vld.idx.msk [tilespmem:v22+s3+$0x0], $0xffff  }
0x107: {  	v39 =	vmov v48;
	v48 =	vadd.s32 $0x1280, v56;
	v57 =	vld.idx.msk [tilespmem:v23+s3+$0x0], $0xffff  }
0x108: {  	v59 =	vld.idx.msk [tilespmem:v45+s3+$0x0], $0xffff  }
0x109: {  	v61 =	vld.idx.msk [tilespmem:v8+s3+$0x0], $0xffff  }
0x10a: {  	v62 =	vld.idx.msk [tilespmem:v9+s3+$0x0], $0xffff  }
0x10b: {  	v58 =	vld.idx.msk [tilespmem:v38+s3+$0x0], $0xffff  }
0x10c: {  	v60 =	vld.idx.msk [tilespmem:v48+s3+$0x0], $0xffff;
	[tilespmem:v15+s28+$0x10 ss:$0x1] =	vst.idx.msk $0xffff, v0  }
0x10d: {  	[tilespmem:v32+s28+$0x10 ss:$0x1] =	vst.idx.msk $0xffff, v1  }
0x10e: {  	[tilespmem:v33+s28+$0x10 ss:$0x1] =	vst.idx.msk $0xffff, v2  }
0x10f: {  	[tilespmem:v34+s28+$0x10 ss:$0x1] =	vst.idx.msk $0xffff, v3  }
0x110: {  	[tilespmem:v35+s28+$0x10 ss:$0x1] =	vst.idx.msk $0xffff, v57  }
0x111: {  	v10 =	vadd.s32 $0x1400, v56;
	[tilespmem:v40+s28+$0x10 ss:$0x1] =	vst.idx.msk $0xffff, v58  }
0x112: {  	v20 =	vadd.s32 $0x1480, v56;
	[tilespmem:v36+s28+$0x10 ss:$0x1] =	vst.idx.msk $0xffff, v59  }
0x113: {  	v16 =	vmov v40;
	v40 =	vadd.s32 $0x1600, v56;
	[tilespmem:v42+s28+$0x10 ss:$0x1] =	vst.idx.msk $0xffff, v60  }
0x114: {  	v48 =	vadd.s32 $0x1780, v56;
	[tilespmem:v37+s28+$0x10 ss:$0x1] =	vst.idx.msk $0xffff, v61  }
0x115: {  	[tilespmem:v41+s28+$0x10 ss:$0x1] =	vst.idx.msk $0xffff, v62  }
0x116: {  	v0 =	vld.idx.msk [tilespmem:v10+s3+$0x0], $0xffff  }
0x117: {  	v17 =	vmov v42;
	v42 =	vadd.s32 $0x1700, v56;
	v1 =	vld.idx.msk [tilespmem:v20+s3+$0x0], $0xffff  }
0x118: {  	v38 =	vmov v41;
	v41 =	vadd.s32 $0x1680, v56;
	v57 =	vld.idx.msk [tilespmem:v40+s3+$0x0], $0xffff  }
0x119: {  	v60 =	vld.idx.msk [tilespmem:v48+s3+$0x0], $0xffff  }
0x11a: {  	v48 =	vld [tilespmem:$0x1FF40]  }
0x11b: {  	v22 =	vadd.s32 $0x1500, v56;
	v40 =	vld [tilespmem:$0x1FF60]  }
0x11c: {  	v23 =	vadd.s32 $0x1580, v56;
	v59 =	vld.idx.msk [tilespmem:v42+s3+$0x0], $0xffff  }
0x11d: {  	v8 =	vadd.s32 $0x1800, v56;
	v58 =	vld.idx.msk [tilespmem:v41+s3+$0x0], $0xffff  }
0x11e: {  	v56 =	vadd.s32 $0x1880, v56;
	v41 =	vld [tilespmem:$0x1FF70]  }
0x11f: {  	v42 =	vld [tilespmem:$0x1FF80]  }
0x120: {  	v2 =	vld.idx.msk [tilespmem:v22+s3+$0x0], $0xffff  }
0x121: {  	v3 =	vld.idx.msk [tilespmem:v23+s3+$0x0], $0xffff  }
0x122: {  	v61 =	vld.idx.msk [tilespmem:v8+s3+$0x0], $0xffff  }
0x123: {  	v56 =	vld.idx.msk [tilespmem:v56+s3+$0x0], $0xffff;
	[tilespmem:v48+s28+$0x10 ss:$0x1] =	vst.idx.msk $0xffff, v0  }
0x124: {  	[tilespmem:v26+s28+$0x10 ss:$0x1] =	vst.idx.msk $0xffff, v1  }
0x125: {  	[tilespmem:v40+s28+$0x10 ss:$0x1] =	vst.idx.msk $0xffff, v2  }
0x126: {  	[tilespmem:v41+s28+$0x10 ss:$0x1] =	vst.idx.msk $0xffff, v3  }
0x127: {  	[tilespmem:v42+s28+$0x10 ss:$0x1] =	vst.idx.msk $0xffff, v57  }
0x128: {  	[tilespmem:v43+s28+$0x10 ss:$0x1] =	vst.idx.msk $0xffff, v58  }
0x129: {  	v9 =	vadd.s32 $0x80, v55;
	[tilespmem:v44+s28+$0x10 ss:$0x1] =	vst.idx.msk $0xffff, v59  }
0x12a: {  	v10 =	vadd.s32 $0x100, v55;
	[tilespmem:v46+s28+$0x10 ss:$0x1] =	vst.idx.msk $0xffff, v60  }
0x12b: {  	v45 =	vmov v15;
	v15 =	vadd.s32 $0x180, v55;
	[tilespmem:v63+s28+$0x10 ss:$0x1] =	vst.idx.msk $0xffff, v61  }
0x12c: {  	v20 =	vadd.s32 $0x200, v55;
	[tilespmem:v47+s28+$0x10 ss:$0x1] =	vst.idx.msk $0xffff, v56  }
0x12d: {  	v22 =	vadd.s32 $0x280, v55;
	v56 =	vld.idx.msk [tilespmem:v55+s3+$0x0], $0xffff  }
0x12e: {  	v23 =	vadd.s32 $0x300, v55;
	v0 =	vld.idx.msk [tilespmem:v9+s3+$0x0], $0xffff  }
0x12f: {  	v8 =	vadd.s32 $0x380, v55;
	v1 =	vld.idx.msk [tilespmem:v10+s3+$0x0], $0xffff  }
0x130: {  	v2 =	vld.idx.msk [tilespmem:v15+s3+$0x0], $0xffff  }
0x131: {  	v9 =	vadd.s32 $0x400, v55;
	v3 =	vld.idx.msk [tilespmem:v20+s3+$0x0], $0xffff  }
0x132: {  	v10 =	vadd.s32 $0x480, v55;
	v57 =	vld.idx.msk [tilespmem:v22+s3+$0x0], $0xffff  }
0x133: {  	v58 =	vld.idx.msk [tilespmem:v23+s3+$0x0], $0xffff  }
0x134: {  	v59 =	vld.idx.msk [tilespmem:v8+s3+$0x0], $0xffff  }
0x135: {  	v8 =	vld [tilespmem:$0x1FD10]  }
0x136: {  	v60 =	vld.idx.msk [tilespmem:v9+s3+$0x0], $0xffff  }
0x137: {  	v61 =	vld.idx.msk [tilespmem:v10+s3+$0x0], $0xffff  }
0x138: {  	[tilespmem:v5+s28+$0x20 ss:$0x1] =	vst.idx.msk $0xffff, v56;
	v9 =	vld [tilespmem:$0x1FD20]  }
0x139: {  	[tilespmem:v5+s28+$0x420 ss:$0x1] =	vst.idx.msk $0xffff, v0;
	v10 =	vld [tilespmem:$0x1FD30]  }
0x13a: {  	v5 =	vmov v11;
	[tilespmem:v11+s28+$0x20 ss:$0x1] =	vst.idx.msk $0xffff, v1;
	v11 =	vld [tilespmem:$0x1FD40]  }
0x13b: {  	v62 =	vld [tilespmem:$0x1FD50];
	_ =	sdelay $0x1  }
0x13c: {  	[tilespmem:v6+s28+$0x20 ss:$0x1] =	vst.idx.msk $0xffff, v2  }
0x13d: {  	[tilespmem:v7+s28+$0x20 ss:$0x1] =	vst.idx.msk $0xffff, v3  }
0x13e: {  	v0 =	vadd.s32 $0x500, v55;
	[tilespmem:v8+s28+$0x20 ss:$0x1] =	vst.idx.msk $0xffff, v57  }
0x13f: {  	v15 =	vadd.s32 $0x580, v55;
	[tilespmem:v9+s28+$0x20 ss:$0x1] =	vst.idx.msk $0xffff, v58  }
0x140: {  	v20 =	vadd.s32 $0x600, v55;
	[tilespmem:v10+s28+$0x20 ss:$0x1] =	vst.idx.msk $0xffff, v59  }
0x141: {  	v22 =	vadd.s32 $0x680, v55;
	[tilespmem:v11+s28+$0x20 ss:$0x1] =	vst.idx.msk $0xffff, v60  }
0x142: {  	v23 =	vadd.s32 $0x700, v55;
	[tilespmem:v62+s28+$0x20 ss:$0x1] =	vst.idx.msk $0xffff, v61  }
0x143: {  	v57 =	vadd.s32 $0x780, v55;
	v0 =	vld.idx.msk [tilespmem:v0+s3+$0x0], $0xffff  }
0x144: {  	v1 =	vld.idx.msk [tilespmem:v15+s3+$0x0], $0xffff;
	v15 =	vadd.s32 $0x800, v55  }
0x145: {  	v2 =	vld.idx.msk [tilespmem:v20+s3+$0x0], $0xffff;
	v20 =	vadd.s32 $0x880, v55  }
0x146: {  	v3 =	vld.idx.msk [tilespmem:v22+s3+$0x0], $0xffff;
	v22 =	vadd.s32 $0x900, v55  }
0x147: {  	v56 =	vld.idx.msk [tilespmem:v23+s3+$0x0], $0xffff;
	v23 =	vadd.s32 $0x980, v55  }
0x148: {  	v57 =	vld.idx.msk [tilespmem:v57+s3+$0x0], $0xffff  }
0x149: {  	v58 =	vld.idx.msk [tilespmem:v15+s3+$0x0], $0xffff  }
0x14a: {  	v59 =	vld.idx.msk [tilespmem:v20+s3+$0x0], $0xffff  }
0x14b: {  	v60 =	vld.idx.msk [tilespmem:v22+s3+$0x0], $0xffff  }
0x14c: {  	v61 =	vld.idx.msk [tilespmem:v23+s3+$0x0], $0xffff;
	[tilespmem:v4+s28+$0x20 ss:$0x1] =	vst.idx.msk $0xffff, v0  }
0x14d: {  	[tilespmem:v12+s28+$0x20 ss:$0x1] =	vst.idx.msk $0xffff, v1  }
0x14e: {  	[tilespmem:v13+s28+$0x20 ss:$0x1] =	vst.idx.msk $0xffff, v2  }
0x14f: {  	[tilespmem:v14+s28+$0x20 ss:$0x1] =	vst.idx.msk $0xffff, v3  }
0x150: {  	v15 =	vmov v18;
	[tilespmem:v18+s28+$0x20 ss:$0x1] =	vst.idx.msk $0xffff, v56;
	v18 =	vld [tilespmem:$0x1FDC0];
	_ =	sdelay $0x5  }
0x151: {  	v20 =	vld [tilespmem:$0x1FDF0]  }
0x152: {  	[tilespmem:v49+s28+$0x20 ss:$0x1] =	vst.idx.msk $0xffff, v57  }
0x153: {  	[tilespmem:v18+s28+$0x20 ss:$0x1] =	vst.idx.msk $0xffff, v58  }
0x154: {  	[tilespmem:v19+s28+$0x20 ss:$0x1] =	vst.idx.msk $0xffff, v59  }
0x155: {  	[tilespmem:v21+s28+$0x20 ss:$0x1] =	vst.idx.msk $0xffff, v60;
	v60 =	vadd.s32 $0xB80, v55  }
0x156: {  	v22 =	vadd.s32 $0xE00, v55;
	_ =	sdelay $0x1  }
0x157: {  	v0 =	vadd.s32 $0xA00, v55  }
0x158: {  	v1 =	vadd.s32 $0xA80, v55;
	[tilespmem:v20+s28+$0x20 ss:$0x1] =	vst.idx.msk $0xffff, v61  }
0x159: {  	v23 =	vadd.s32 $0xC00, v55;
	v3 =	vld.idx.msk [tilespmem:v60+s3+$0x0], $0xffff  }
0x15a: {  	v2 =	vadd.s32 $0xB00, v55;
	v60 =	vld.idx.msk [tilespmem:v22+s3+$0x0], $0xffff  }
0x15b: {  	v57 =	vadd.s32 $0xC80, v55;
	v22 =	vld [tilespmem:$0x1FE00]  }
0x15c: {  	v58 =	vadd.s32 $0xD00, v55;
	v0 =	vld.idx.msk [tilespmem:v0+s3+$0x0], $0xffff  }
0x15d: {  	v59 =	vadd.s32 $0xD80, v55;
	v1 =	vld.idx.msk [tilespmem:v1+s3+$0x0], $0xffff  }
0x15e: {  	v56 =	vld.idx.msk [tilespmem:v23+s3+$0x0], $0xffff;
	v23 =	vadd.s32 $0xE80, v55  }
0x15f: {  	v2 =	vld.idx.msk [tilespmem:v2+s3+$0x0], $0xffff  }
0x160: {  	v57 =	vld.idx.msk [tilespmem:v57+s3+$0x0], $0xffff  }
0x161: {  	v58 =	vld.idx.msk [tilespmem:v58+s3+$0x0], $0xffff  }
0x162: {  	v59 =	vld.idx.msk [tilespmem:v59+s3+$0x0], $0xffff  }
0x163: {  	v61 =	vld.idx.msk [tilespmem:v23+s3+$0x0], $0xffff;
	[tilespmem:v22+s28+$0x20 ss:$0x1] =	vst.idx.msk $0xffff, v0  }
0x164: {  	v23 =	vmov v28;
	[tilespmem:v28+s28+$0x20 ss:$0x1] =	vst.idx.msk $0xffff, v1;
	v28 =	vld [tilespmem:$0x1FE20];
	_ =	sdelay $0x7  }
0x165: {  	[tilespmem:v28+s28+$0x20 ss:$0x1] =	vst.idx.msk $0xffff, v2  }
0x166: {  	[tilespmem:v24+s28+$0x20 ss:$0x1] =	vst.idx.msk $0xffff, v3  }
0x167: {  	[tilespmem:v25+s28+$0x20 ss:$0x1] =	vst.idx.msk $0xffff, v56  }
0x168: {  	v0 =	vadd.s32 $0xF00, v55;
	[tilespmem:v27+s28+$0x20 ss:$0x1] =	vst.idx.msk $0xffff, v57  }
0x169: {  	v1 =	vadd.s32 $0xF80, v55;
	[tilespmem:v31+s28+$0x20 ss:$0x1] =	vst.idx.msk $0xffff, v58  }
0x16a: {  	v2 =	vadd.s32 $0x1000, v55;
	[tilespmem:v29+s28+$0x20 ss:$0x1] =	vst.idx.msk $0xffff, v59  }
0x16b: {  	[tilespmem:v30+s28+$0x20 ss:$0x1] =	vst.idx.msk $0xffff, v60;
	v60 =	vadd.s32 $0x1080, v55  }
0x16c: {  	[tilespmem:v39+s28+$0x20 ss:$0x1] =	vst.idx.msk $0xffff, v61;
	v39 =	vadd.s32 $0x1100, v55  }
0x16d: {  	v57 =	vadd.s32 $0x1180, v55;
	v0 =	vld.idx.msk [tilespmem:v0+s3+$0x0], $0xffff  }
0x16e: {  	v58 =	vadd.s32 $0x1200, v55;
	v1 =	vld.idx.msk [tilespmem:v1+s3+$0x0], $0xffff  }
0x16f: {  	v59 =	vadd.s32 $0x1280, v55;
	v2 =	vld.idx.msk [tilespmem:v2+s3+$0x0], $0xffff  }
0x170: {  	v3 =	vld.idx.msk [tilespmem:v60+s3+$0x0], $0xffff;
	v60 =	vadd.s32 $0x1300, v55  }
0x171: {  	v56 =	vld.idx.msk [tilespmem:v39+s3+$0x0], $0xffff;
	v39 =	vadd.s32 $0x1380, v55  }
0x172: {  	v57 =	vld.idx.msk [tilespmem:v57+s3+$0x0], $0xffff  }
0x173: {  	v58 =	vld.idx.msk [tilespmem:v58+s3+$0x0], $0xffff  }
0x174: {  	v59 =	vld.idx.msk [tilespmem:v59+s3+$0x0], $0xffff  }
0x175: {  	v60 =	vld.idx.msk [tilespmem:v60+s3+$0x0], $0xffff  }
0x176: {  	v61 =	vld.idx.msk [tilespmem:v39+s3+$0x0], $0xffff;
	[tilespmem:v45+s28+$0x20 ss:$0x1] =	vst.idx.msk $0xffff, v0  }
0x177: {  	[tilespmem:v32+s28+$0x20 ss:$0x1] =	vst.idx.msk $0xffff, v1  }
0x178: {  	[tilespmem:v33+s28+$0x20 ss:$0x1] =	vst.idx.msk $0xffff, v2  }
0x179: {  	[tilespmem:v34+s28+$0x20 ss:$0x1] =	vst.idx.msk $0xffff, v3  }
0x17a: {  	[tilespmem:v35+s28+$0x20 ss:$0x1] =	vst.idx.msk $0xffff, v56  }
0x17b: {  	v0 =	vadd.s32 $0x1400, v55;
	[tilespmem:v16+s28+$0x20 ss:$0x1] =	vst.idx.msk $0xffff, v57  }
0x17c: {  	v1 =	vadd.s32 $0x1480, v55;
	[tilespmem:v36+s28+$0x20 ss:$0x1] =	vst.idx.msk $0xffff, v58  }
0x17d: {  	v2 =	vadd.s32 $0x1500, v55;
	[tilespmem:v17+s28+$0x20 ss:$0x1] =	vst.idx.msk $0xffff, v59  }
0x17e: {  	v45 =	vmov v16;
	v16 =	vmov v17;
	v17 =	vadd.s32 $0x1580, v55;
	[tilespmem:v37+s28+$0x20 ss:$0x1] =	vst.idx.msk $0xffff, v60  }
0x17f: {  	v56 =	vadd.s32 $0x1600, v55;
	[tilespmem:v38+s28+$0x20 ss:$0x1] =	vst.idx.msk $0xffff, v61  }
0x180: {  	v57 =	vadd.s32 $0x1680, v55;
	v0 =	vld.idx.msk [tilespmem:v0+s3+$0x0], $0xffff  }
0x181: {  	v58 =	vadd.s32 $0x1700, v55;
	v1 =	vld.idx.msk [tilespmem:v1+s3+$0x0], $0xffff  }
0x182: {  	v39 =	vmov v38;
	v38 =	vadd.s32 $0x1780, v55;
	v2 =	vld.idx.msk [tilespmem:v2+s3+$0x0], $0xffff  }
0x183: {  	v3 =	vld.idx.msk [tilespmem:v17+s3+$0x0], $0xffff;
	v17 =	vadd.s32 $0x1800, v55  }
0x184: {  	v56 =	vld.idx.msk [tilespmem:v56+s3+$0x0], $0xffff;
	v55 =	vadd.s32 $0x1880, v55  }
0x185: {  	v57 =	vld.idx.msk [tilespmem:v57+s3+$0x0], $0xffff  }
0x186: {  	v58 =	vld.idx.msk [tilespmem:v58+s3+$0x0], $0xffff  }
0x187: {  	v59 =	vld.idx.msk [tilespmem:v38+s3+$0x0], $0xffff  }
0x188: {  	v60 =	vld.idx.msk [tilespmem:v17+s3+$0x0], $0xffff  }
0x189: {  	v55 =	vld.idx.msk [tilespmem:v55+s3+$0x0], $0xffff;
	[tilespmem:v48+s28+$0x20 ss:$0x1] =	vst.idx.msk $0xffff, v0  }
0x18a: {  	[tilespmem:v26+s28+$0x20 ss:$0x1] =	vst.idx.msk $0xffff, v1  }
0x18b: {  	[tilespmem:v40+s28+$0x20 ss:$0x1] =	vst.idx.msk $0xffff, v2  }
0x18c: {  	[tilespmem:v41+s28+$0x20 ss:$0x1] =	vst.idx.msk $0xffff, v3  }
0x18d: {  	[tilespmem:v42+s28+$0x20 ss:$0x1] =	vst.idx.msk $0xffff, v56  }
0x18e: {  	[tilespmem:v43+s28+$0x20 ss:$0x1] =	vst.idx.msk $0xffff, v57  }
0x18f: {  	v26 =	vadd.s32 $0x80, v54;
	[tilespmem:v44+s28+$0x20 ss:$0x1] =	vst.idx.msk $0xffff, v58  }
0x190: {  	v38 =	vadd.s32 $0x100, v54;
	[tilespmem:v46+s28+$0x20 ss:$0x1] =	vst.idx.msk $0xffff, v59  }
0x191: {  	v61 =	vadd.s32 $0x200, v54;
	[tilespmem:v63+s28+$0x20 ss:$0x1] =	vst.idx.msk $0xffff, v60  }
0x192: {  	v60 =	vadd.s32 $0x180, v54;
	[tilespmem:v47+s28+$0x20 ss:$0x1] =	vst.idx.msk $0xffff, v55  }
0x193: {  	v56 =	vadd.s32 $0x280, v54;
	v55 =	vld.idx.msk [tilespmem:v54+s3+$0x0], $0xffff  }
0x194: {  	v0 =	vld.idx.msk [tilespmem:v26+s3+$0x0], $0xffff;
	v26 =	vadd.s32 $0x400, v54  }
0x195: {  	v1 =	vld.idx.msk [tilespmem:v38+s3+$0x0], $0xffff  }
0x196: {  	v3 =	vld.idx.msk [tilespmem:v61+s3+$0x0], $0xffff  }
0x197: {  	v2 =	vld.idx.msk [tilespmem:v60+s3+$0x0], $0xffff  }
0x198: {  	v56 =	vld.idx.msk [tilespmem:v56+s3+$0x0], $0xffff  }
0x199: {  	v59 =	vld.idx.msk [tilespmem:v26+s3+$0x0], $0xffff  }
0x19a: {  	v26 =	vld [tilespmem:$0x1FFF0]  }
0x19b: {  	v57 =	vadd.s32 $0x300, v54  }
0x19c: {  	v17 =	vadd.s32 $0x380, v54  }
0x19d: {  	v38 =	vadd.s32 $0x480, v54;
	_ =	sdelay $0x2  }
0x19e: {  	v57 =	vld.idx.msk [tilespmem:v57+s3+$0x0], $0xffff  }
0x19f: {  	v58 =	vld.idx.msk [tilespmem:v17+s3+$0x0], $0xffff  }
0x1a0: {  	v60 =	vld.idx.msk [tilespmem:v38+s3+$0x0], $0xffff;
	[tilespmem:v26+s28+$0x30 ss:$0x1] =	vst.idx.msk $0xffff, v55  }
0x1a1: {  	[tilespmem:v26+s28+$0x430 ss:$0x1] =	vst.idx.msk $0xffff, v0  }
0x1a2: {  	[tilespmem:v5+s28+$0x30 ss:$0x1] =	vst.idx.msk $0xffff, v1  }
0x1a3: {  	[tilespmem:v6+s28+$0x30 ss:$0x1] =	vst.idx.msk $0xffff, v2  }
0x1a4: {  	[tilespmem:v7+s28+$0x30 ss:$0x1] =	vst.idx.msk $0xffff, v3  }
0x1a5: {  	v0 =	vadd.s32 $0x500, v54;
	[tilespmem:v8+s28+$0x30 ss:$0x1] =	vst.idx.msk $0xffff, v56  }
0x1a6: {  	v1 =	vadd.s32 $0x580, v54;
	[tilespmem:v9+s28+$0x30 ss:$0x1] =	vst.idx.msk $0xffff, v57  }
0x1a7: {  	v17 =	vadd.s32 $0x600, v54;
	[tilespmem:v10+s28+$0x30 ss:$0x1] =	vst.idx.msk $0xffff, v58  }
0x1a8: {  	v61 =	vadd.s32 $0x680, v54;
	[tilespmem:v11+s28+$0x30 ss:$0x1] =	vst.idx.msk $0xffff, v59  }
0x1a9: {  	v56 =	vadd.s32 $0x780, v54;
	[tilespmem:v62+s28+$0x30 ss:$0x1] =	vst.idx.msk $0xffff, v60  }
0x1aa: {  	v57 =	vadd.s32 $0x800, v54;
	v0 =	vld.idx.msk [tilespmem:v0+s3+$0x0], $0xffff  }
0x1ab: {  	v58 =	vadd.s32 $0x880, v54;
	v1 =	vld.idx.msk [tilespmem:v1+s3+$0x0], $0xffff  }
0x1ac: {  	v59 =	vadd.s32 $0x900, v54;
	v2 =	vld.idx.msk [tilespmem:v17+s3+$0x0], $0xffff  }
0x1ad: {  	v38 =	vmov v62;
	v62 =	vadd.s32 $0x700, v54;
	v3 =	vld.idx.msk [tilespmem:v61+s3+$0x0], $0xffff  }
0x1ae: {  	v17 =	vadd.s32 $0x980, v54;
	v56 =	vld.idx.msk [tilespmem:v56+s3+$0x0], $0xffff  }
0x1af: {  	v57 =	vld.idx.msk [tilespmem:v57+s3+$0x0], $0xffff  }
0x1b0: {  	v58 =	vld.idx.msk [tilespmem:v58+s3+$0x0], $0xffff  }
0x1b1: {  	v59 =	vld.idx.msk [tilespmem:v59+s3+$0x0], $0xffff  }
0x1b2: {  	v55 =	vld.idx.msk [tilespmem:v62+s3+$0x0], $0xffff  }
0x1b3: {  	v60 =	vld.idx.msk [tilespmem:v17+s3+$0x0], $0xffff;
	[tilespmem:v4+s28+$0x30 ss:$0x1] =	vst.idx.msk $0xffff, v0  }
0x1b4: {  	[tilespmem:v12+s28+$0x30 ss:$0x1] =	vst.idx.msk $0xffff, v1  }
0x1b5: {  	[tilespmem:v13+s28+$0x30 ss:$0x1] =	vst.idx.msk $0xffff, v2  }
0x1b6: {  	[tilespmem:v14+s28+$0x30 ss:$0x1] =	vst.idx.msk $0xffff, v3  }
0x1b7: {  	[tilespmem:v15+s28+$0x30 ss:$0x1] =	vst.idx.msk $0xffff, v55  }
0x1b8: {  	v0 =	vadd.s32 $0xA00, v54;
	[tilespmem:v49+s28+$0x30 ss:$0x1] =	vst.idx.msk $0xffff, v56  }
0x1b9: {  	v1 =	vadd.s32 $0xA80, v54;
	[tilespmem:v18+s28+$0x30 ss:$0x1] =	vst.idx.msk $0xffff, v57  }
0x1ba: {  	v2 =	vadd.s32 $0xB00, v54;
	[tilespmem:v19+s28+$0x30 ss:$0x1] =	vst.idx.msk $0xffff, v58  }
0x1bb: {  	v17 =	vmov v49;
	v49 =	vadd.s32 $0xB80, v54;
	[tilespmem:v21+s28+$0x30 ss:$0x1] =	vst.idx.msk $0xffff, v59  }
0x1bc: {  	v61 =	vmov v20;
	[tilespmem:v20+s28+$0x30 ss:$0x1] =	vst.idx.msk $0xffff, v60;
	v20 =	vadd.s32 $0xC00, v54  }
0x1bd: {  	v56 =	vadd.s32 $0xC80, v54;
	v0 =	vld.idx.msk [tilespmem:v0+s3+$0x0], $0xffff  }
0x1be: {  	v57 =	vadd.s32 $0xD00, v54;
	v1 =	vld.idx.msk [tilespmem:v1+s3+$0x0], $0xffff  }
0x1bf: {  	v58 =	vadd.s32 $0xD80, v54;
	v2 =	vld.idx.msk [tilespmem:v2+s3+$0x0], $0xffff  }
0x1c0: {  	v3 =	vld.idx.msk [tilespmem:v49+s3+$0x0], $0xffff;
	v49 =	vadd.s32 $0xE00, v54  }
0x1c1: {  	v55 =	vld.idx.msk [tilespmem:v20+s3+$0x0], $0xffff;
	v20 =	vadd.s32 $0xE80, v54  }
0x1c2: {  	v56 =	vld.idx.msk [tilespmem:v56+s3+$0x0], $0xffff  }
0x1c3: {  	v57 =	vld.idx.msk [tilespmem:v57+s3+$0x0], $0xffff  }
0x1c4: {  	v58 =	vld.idx.msk [tilespmem:v58+s3+$0x0], $0xffff  }
0x1c5: {  	v59 =	vld.idx.msk [tilespmem:v49+s3+$0x0], $0xffff  }
0x1c6: {  	v60 =	vld.idx.msk [tilespmem:v20+s3+$0x0], $0xffff;
	[tilespmem:v22+s28+$0x30 ss:$0x1] =	vst.idx.msk $0xffff, v0  }
0x1c7: {  	[tilespmem:v23+s28+$0x30 ss:$0x1] =	vst.idx.msk $0xffff, v1  }
0x1c8: {  	[tilespmem:v28+s28+$0x30 ss:$0x1] =	vst.idx.msk $0xffff, v2  }
0x1c9: {  	[tilespmem:v24+s28+$0x30 ss:$0x1] =	vst.idx.msk $0xffff, v3  }
0x1ca: {  	v62 =	vld [tilespmem:$0x1FE90];
	[tilespmem:v25+s28+$0x30 ss:$0x1] =	vst.idx.msk $0xffff, v55  }
0x1cb: {  	[tilespmem:v27+s28+$0x30 ss:$0x1] =	vst.idx.msk $0xffff, v56  }
0x1cc: {  	[tilespmem:v31+s28+$0x30 ss:$0x1] =	vst.idx.msk $0xffff, v57  }
0x1cd: {  	v20 =	vmov v22;
	[tilespmem:v29+s28+$0x30 ss:$0x1] =	vst.idx.msk $0xffff, v58  }
0x1ce: {  	v22 =	vmovc v23;
	v23 =	vmovc v28;
	v28 =	vmov v31;
	v31 =	vmov v30;
	[tilespmem:v30+s28+$0x30 ss:$0x1] =	vst.idx.msk $0xffff, v59;
	v30 =	vadd.s32 $0x1100, v54;
	_ =	sdelay $0x3  }
0x1cf: {  	[tilespmem:v62+s28+$0x30 ss:$0x1] =	vst.idx.msk $0xffff, v60  }
0x1d0: {  	v55 =	vld.idx.msk [tilespmem:v30+s3+$0x0], $0xffff;
	v30 =	vadd.s32 $0x1380, v54;
	_ =	sdelay $0x1  }
0x1d1: {  	v0 =	vadd.s32 $0xF00, v54  }
0x1d2: {  	v1 =	vadd.s32 $0xF80, v54  }
0x1d3: {  	v49 =	vadd.s32 $0x1080, v54  }
0x1d4: {  	v2 =	vadd.s32 $0x1000, v54;
	v60 =	vld.idx.msk [tilespmem:v30+s3+$0x0], $0xffff  }
0x1d5: {  	v56 =	vadd.s32 $0x1180, v54;
	v30 =	vld [tilespmem:$0x1FEA0]  }
0x1d6: {  	v57 =	vadd.s32 $0x1200, v54;
	v0 =	vld.idx.msk [tilespmem:v0+s3+$0x0], $0xffff  }
0x1d7: {  	v58 =	vadd.s32 $0x1280, v54;
	v1 =	vld.idx.msk [tilespmem:v1+s3+$0x0], $0xffff  }
0x1d8: {  	v3 =	vld.idx.msk [tilespmem:v49+s3+$0x0], $0xffff;
	v49 =	vadd.s32 $0x1300, v54  }
0x1d9: {  	v2 =	vld.idx.msk [tilespmem:v2+s3+$0x0], $0xffff  }
0x1da: {  	v56 =	vld.idx.msk [tilespmem:v56+s3+$0x0], $0xffff  }
0x1db: {  	v57 =	vld.idx.msk [tilespmem:v57+s3+$0x0], $0xffff  }
0x1dc: {  	v58 =	vld.idx.msk [tilespmem:v58+s3+$0x0], $0xffff  }
0x1dd: {  	v59 =	vld.idx.msk [tilespmem:v49+s3+$0x0], $0xffff;
	[tilespmem:v30+s28+$0x30 ss:$0x1] =	vst.idx.msk $0xffff, v0  }
0x1de: {  	[tilespmem:v32+s28+$0x30 ss:$0x1] =	vst.idx.msk $0xffff, v1  }
0x1df: {  	[tilespmem:v33+s28+$0x30 ss:$0x1] =	vst.idx.msk $0xffff, v2  }
0x1e0: {  	[tilespmem:v34+s28+$0x30 ss:$0x1] =	vst.idx.msk $0xffff, v3  }
0x1e1: {  	[tilespmem:v35+s28+$0x30 ss:$0x1] =	vst.idx.msk $0xffff, v55  }
0x1e2: {  	[tilespmem:v45+s28+$0x30 ss:$0x1] =	vst.idx.msk $0xffff, v56  }
0x1e3: {  	[tilespmem:v36+s28+$0x30 ss:$0x1] =	vst.idx.msk $0xffff, v57;
	v36 =	vadd.s32 $0x1500, v54;
	_ =	sdelay $0x1  }
0x1e4: {  	[tilespmem:v16+s28+$0x30 ss:$0x1] =	vst.idx.msk $0xffff, v58  }
0x1e5: {  	[tilespmem:v37+s28+$0x30 ss:$0x1] =	vst.idx.msk $0xffff, v59  }
0x1e6: {  	v0 =	vadd.s32 $0x1400, v54;
	[tilespmem:v39+s28+$0x30 ss:$0x1] =	vst.idx.msk $0xffff, v60  }
0x1e7: {  	v2 =	vld.idx.msk [tilespmem:v36+s3+$0x0], $0xffff;
	v36 =	vadd.s32 $0x1780, v54;
	_ =	sdelay $0x1  }
0x1e8: {  	v49 =	vadd.s32 $0x1580, v54  }
0x1e9: {  	v1 =	vadd.s32 $0x1480, v54  }
0x1ea: {  	v55 =	vadd.s32 $0x1600, v54;
	v0 =	vld.idx.msk [tilespmem:v0+s3+$0x0], $0xffff  }
0x1eb: {  	v56 =	vadd.s32 $0x1680, v54;
	v58 =	vld.idx.msk [tilespmem:v36+s3+$0x0], $0xffff  }
0x1ec: {  	v60 =	vadd.s32 $0x1700, v54;
	v36 =	vld [tilespmem:$0x1FF50]  }
0x1ed: {  	v3 =	vld.idx.msk [tilespmem:v49+s3+$0x0], $0xffff;
	v49 =	vadd.s32 $0x1800, v54  }
0x1ee: {  	v1 =	vld.idx.msk [tilespmem:v1+s3+$0x0], $0xffff;
	v54 =	vadd.s32 $0x1880, v54  }
0x1ef: {  	v55 =	vld.idx.msk [tilespmem:v55+s3+$0x0], $0xffff  }
0x1f0: {  	v56 =	vld.idx.msk [tilespmem:v56+s3+$0x0], $0xffff  }
0x1f1: {  	v57 =	vld.idx.msk [tilespmem:v60+s3+$0x0], $0xffff  }
0x1f2: {  	v59 =	vld.idx.msk [tilespmem:v49+s3+$0x0], $0xffff  }
0x1f3: {  	v54 =	vld.idx.msk [tilespmem:v54+s3+$0x0], $0xffff;
	[tilespmem:v48+s28+$0x30 ss:$0x1] =	vst.idx.msk $0xffff, v0  }
0x1f4: {  	[tilespmem:v36+s28+$0x30 ss:$0x1] =	vst.idx.msk $0xffff, v1  }
0x1f5: {  	[tilespmem:v40+s28+$0x30 ss:$0x1] =	vst.idx.msk $0xffff, v2  }
0x1f6: {  	[tilespmem:v41+s28+$0x30 ss:$0x1] =	vst.idx.msk $0xffff, v3  }
0x1f7: {  	[tilespmem:v42+s28+$0x30 ss:$0x1] =	vst.idx.msk $0xffff, v55  }
0x1f8: {  	[tilespmem:v43+s28+$0x30 ss:$0x1] =	vst.idx.msk $0xffff, v56  }
0x1f9: {  	v1 =	vadd.s32 $0x100, v53;
	[tilespmem:v44+s28+$0x30 ss:$0x1] =	vst.idx.msk $0xffff, v57  }
0x1fa: {  	v60 =	vadd.s32 $0x180, v53;
	[tilespmem:v46+s28+$0x30 ss:$0x1] =	vst.idx.msk $0xffff, v58  }
0x1fb: {  	v49 =	vadd.s32 $0x200, v53;
	[tilespmem:v63+s28+$0x30 ss:$0x1] =	vst.idx.msk $0xffff, v59  }
0x1fc: {  	v57 =	vadd.s32 $0x80, v53;
	[tilespmem:v47+s28+$0x30 ss:$0x1] =	vst.idx.msk $0xffff, v54  }
0x1fd: {  	v55 =	vadd.s32 $0x280, v53;
	v54 =	vld.idx.msk [tilespmem:v53+s3+$0x0], $0xffff  }
0x1fe: {  	v56 =	vadd.s32 $0x300, v53;
	v1 =	vld.idx.msk [tilespmem:v1+s3+$0x0], $0xffff  }
0x1ff: {  	v2 =	vld.idx.msk [tilespmem:v60+s3+$0x0], $0xffff;
	v60 =	vadd.s32 $0x400, v53  }
0x200: {  	v3 =	vld.idx.msk [tilespmem:v49+s3+$0x0], $0xffff;
	v49 =	vadd.s32 $0x480, v53  }
0x201: {  	v0 =	vld.idx.msk [tilespmem:v57+s3+$0x0], $0xffff;
	v57 =	vadd.s32 $0x380, v53  }
0x202: {  	v55 =	vld.idx.msk [tilespmem:v55+s3+$0x0], $0xffff  }
0x203: {  	v56 =	vld.idx.msk [tilespmem:v56+s3+$0x0], $0xffff  }
0x204: {  	v58 =	vld.idx.msk [tilespmem:v60+s3+$0x0], $0xffff  }
0x205: {  	v59 =	vld.idx.msk [tilespmem:v49+s3+$0x0], $0xffff  }
0x206: {  	v57 =	vld.idx.msk [tilespmem:v57+s3+$0x0], $0xffff;
	[tilespmem:v26+s28+$0x40 ss:$0x1] =	vst.idx.msk $0xffff, v54  }
0x207: {  	[tilespmem:v26+s28+$0x440 ss:$0x1] =	vst.idx.msk $0xffff, v0  }
0x208: {  	[tilespmem:v5+s28+$0x40 ss:$0x1] =	vst.idx.msk $0xffff, v1  }
0x209: {  	[tilespmem:v6+s28+$0x40 ss:$0x1] =	vst.idx.msk $0xffff, v2  }
0x20a: {  	[tilespmem:v7+s28+$0x40 ss:$0x1] =	vst.idx.msk $0xffff, v3  }
0x20b: {  	v0 =	vadd.s32 $0x500, v53;
	[tilespmem:v8+s28+$0x40 ss:$0x1] =	vst.idx.msk $0xffff, v55  }
0x20c: {  	v1 =	vadd.s32 $0x580, v53;
	[tilespmem:v9+s28+$0x40 ss:$0x1] =	vst.idx.msk $0xffff, v56  }
0x20d: {  	v2 =	vadd.s32 $0x600, v53;
	[tilespmem:v10+s28+$0x40 ss:$0x1] =	vst.idx.msk $0xffff, v57  }
0x20e: {  	v60 =	vadd.s32 $0x680, v53;
	[tilespmem:v11+s28+$0x40 ss:$0x1] =	vst.idx.msk $0xffff, v58  }
0x20f: {  	v49 =	vmovc v26;
	v26 =	vmov v5;
	v5 =	vmov v38;
	[tilespmem:v38+s28+$0x40 ss:$0x1] =	vst.idx.msk $0xffff, v59;
	v38 =	vadd.s32 $0x700, v53  }
0x210: {  	v55 =	vadd.s32 $0x780, v53;
	v0 =	vld.idx.msk [tilespmem:v0+s3+$0x0], $0xffff  }
0x211: {  	v56 =	vadd.s32 $0x800, v53;
	v1 =	vld.idx.msk [tilespmem:v1+s3+$0x0], $0xffff  }
0x212: {  	v57 =	vadd.s32 $0x880, v53;
	v2 =	vld.idx.msk [tilespmem:v2+s3+$0x0], $0xffff  }
0x213: {  	v3 =	vld.idx.msk [tilespmem:v60+s3+$0x0], $0xffff;
	v60 =	vadd.s32 $0x900, v53  }
0x214: {  	v54 =	vld.idx.msk [tilespmem:v38+s3+$0x0], $0xffff;
	v38 =	vadd.s32 $0x980, v53  }
0x215: {  	v55 =	vld.idx.msk [tilespmem:v55+s3+$0x0], $0xffff  }
0x216: {  	v56 =	vld.idx.msk [tilespmem:v56+s3+$0x0], $0xffff  }
0x217: {  	v57 =	vld.idx.msk [tilespmem:v57+s3+$0x0], $0xffff  }
0x218: {  	v58 =	vld.idx.msk [tilespmem:v60+s3+$0x0], $0xffff  }
0x219: {  	v59 =	vld.idx.msk [tilespmem:v38+s3+$0x0], $0xffff;
	[tilespmem:v4+s28+$0x40 ss:$0x1] =	vst.idx.msk $0xffff, v0  }
0x21a: {  	[tilespmem:v12+s28+$0x40 ss:$0x1] =	vst.idx.msk $0xffff, v1  }
0x21b: {  	[tilespmem:v13+s28+$0x40 ss:$0x1] =	vst.idx.msk $0xffff, v2  }
0x21c: {  	[tilespmem:v14+s28+$0x40 ss:$0x1] =	vst.idx.msk $0xffff, v3  }
0x21d: {  	[tilespmem:v15+s28+$0x40 ss:$0x1] =	vst.idx.msk $0xffff, v54  }
0x21e: {  	v0 =	vadd.s32 $0xA00, v53;
	[tilespmem:v17+s28+$0x40 ss:$0x1] =	vst.idx.msk $0xffff, v55  }
0x21f: {  	v1 =	vadd.s32 $0xA80, v53;
	[tilespmem:v18+s28+$0x40 ss:$0x1] =	vst.idx.msk $0xffff, v56  }
0x220: {  	v2 =	vadd.s32 $0xB00, v53;
	[tilespmem:v19+s28+$0x40 ss:$0x1] =	vst.idx.msk $0xffff, v57  }
0x221: {  	v60 =	vadd.s32 $0xB80, v53;
	[tilespmem:v21+s28+$0x40 ss:$0x1] =	vst.idx.msk $0xffff, v58  }
0x222: {  	v38 =	vmov v17;
	v17 =	vmov v61;
	[tilespmem:v61+s28+$0x40 ss:$0x1] =	vst.idx.msk $0xffff, v59;
	v61 =	vadd.s32 $0xC00, v53  }
0x223: {  	v55 =	vadd.s32 $0xC80, v53;
	v0 =	vld.idx.msk [tilespmem:v0+s3+$0x0], $0xffff  }
0x224: {  	v56 =	vadd.s32 $0xD00, v53;
	v1 =	vld.idx.msk [tilespmem:v1+s3+$0x0], $0xffff  }
0x225: {  	v57 =	vadd.s32 $0xD80, v53;
	v2 =	vld.idx.msk [tilespmem:v2+s3+$0x0], $0xffff  }
0x226: {  	v3 =	vld.idx.msk [tilespmem:v60+s3+$0x0], $0xffff;
	v60 =	vadd.s32 $0xE00, v53  }
0x227: {  	v54 =	vld.idx.msk [tilespmem:v61+s3+$0x0], $0xffff;
	v61 =	vadd.s32 $0xE80, v53  }
0x228: {  	v55 =	vld.idx.msk [tilespmem:v55+s3+$0x0], $0xffff  }
0x229: {  	v56 =	vld.idx.msk [tilespmem:v56+s3+$0x0], $0xffff  }
0x22a: {  	v57 =	vld.idx.msk [tilespmem:v57+s3+$0x0], $0xffff  }
0x22b: {  	v58 =	vld.idx.msk [tilespmem:v60+s3+$0x0], $0xffff  }
0x22c: {  	v59 =	vld.idx.msk [tilespmem:v61+s3+$0x0], $0xffff;
	[tilespmem:v20+s28+$0x40 ss:$0x1] =	vst.idx.msk $0xffff, v0  }
0x22d: {  	[tilespmem:v22+s28+$0x40 ss:$0x1] =	vst.idx.msk $0xffff, v1  }
0x22e: {  	[tilespmem:v23+s28+$0x40 ss:$0x1] =	vst.idx.msk $0xffff, v2  }
0x22f: {  	[tilespmem:v24+s28+$0x40 ss:$0x1] =	vst.idx.msk $0xffff, v3  }
0x230: {  	[tilespmem:v25+s28+$0x40 ss:$0x1] =	vst.idx.msk $0xffff, v54  }
0x231: {  	v0 =	vadd.s32 $0xF00, v53;
	[tilespmem:v27+s28+$0x40 ss:$0x1] =	vst.idx.msk $0xffff, v55  }
0x232: {  	v1 =	vadd.s32 $0xF80, v53;
	[tilespmem:v28+s28+$0x40 ss:$0x1] =	vst.idx.msk $0xffff, v56  }
0x233: {  	v61 =	vadd.s32 $0x1100, v53;
	[tilespmem:v29+s28+$0x40 ss:$0x1] =	vst.idx.msk $0xffff, v57  }
0x234: {  	v2 =	vadd.s32 $0x1000, v53;
	[tilespmem:v31+s28+$0x40 ss:$0x1] =	vst.idx.msk $0xffff, v58  }
0x235: {  	v60 =	vadd.s32 $0x1080, v53;
	[tilespmem:v62+s28+$0x40 ss:$0x1] =	vst.idx.msk $0xffff, v59  }
0x236: {  	v55 =	vadd.s32 $0x1180, v53;
	v0 =	vld.idx.msk [tilespmem:v0+s3+$0x0], $0xffff  }
0x237: {  	v56 =	vadd.s32 $0x1200, v53;
	v1 =	vld.idx.msk [tilespmem:v1+s3+$0x0], $0xffff  }
0x238: {  	v54 =	vld.idx.msk [tilespmem:v61+s3+$0x0], $0xffff;
	v61 =	vadd.s32 $0x1380, v53  }
0x239: {  	v2 =	vld.idx.msk [tilespmem:v2+s3+$0x0], $0xffff  }
0x23a: {  	v57 =	vadd.s32 $0x1280, v53;
	v3 =	vld.idx.msk [tilespmem:v60+s3+$0x0], $0xffff  }
0x23b: {  	v60 =	vadd.s32 $0x1300, v53;
	v55 =	vld.idx.msk [tilespmem:v55+s3+$0x0], $0xffff  }
0x23c: {  	v56 =	vld.idx.msk [tilespmem:v56+s3+$0x0], $0xffff  }
0x23d: {  	v59 =	vld.idx.msk [tilespmem:v61+s3+$0x0], $0xffff  }
0x23e: {  	v61 =	vld [tilespmem:$0x1FF00]  }
0x23f: {  	v57 =	vld.idx.msk [tilespmem:v57+s3+$0x0], $0xffff  }
0x240: {  	v58 =	vld.idx.msk [tilespmem:v60+s3+$0x0], $0xffff;
	[tilespmem:v30+s28+$0x40 ss:$0x1] =	vst.idx.msk $0xffff, v0  }
0x241: {  	[tilespmem:v32+s28+$0x40 ss:$0x1] =	vst.idx.msk $0xffff, v1  }
0x242: {  	[tilespmem:v33+s28+$0x40 ss:$0x1] =	vst.idx.msk $0xffff, v2  }
0x243: {  	[tilespmem:v34+s28+$0x40 ss:$0x1] =	vst.idx.msk $0xffff, v3  }
0x244: {  	[tilespmem:v35+s28+$0x40 ss:$0x1] =	vst.idx.msk $0xffff, v54  }
0x245: {  	v0 =	vadd.s32 $0x1400, v53;
	[tilespmem:v45+s28+$0x40 ss:$0x1] =	vst.idx.msk $0xffff, v55  }
0x246: {  	v1 =	vadd.s32 $0x1480, v53;
	[tilespmem:v61+s28+$0x40 ss:$0x1] =	vst.idx.msk $0xffff, v56  }
0x247: {  	v2 =	vadd.s32 $0x1500, v53;
	[tilespmem:v16+s28+$0x40 ss:$0x1] =	vst.idx.msk $0xffff, v57  }
0x248: {  	v60 =	vmov v45;
	v45 =	vadd.s32 $0x1580, v53;
	[tilespmem:v37+s28+$0x40 ss:$0x1] =	vst.idx.msk $0xffff, v58  }
0x249: {  	v54 =	vadd.s32 $0x1600, v53;
	[tilespmem:v39+s28+$0x40 ss:$0x1] =	vst.idx.msk $0xffff, v59  }
0x24a: {  	v55 =	vadd.s32 $0x1680, v53;
	v0 =	vld.idx.msk [tilespmem:v0+s3+$0x0], $0xffff  }
0x24b: {  	v56 =	vadd.s32 $0x1700, v53;
	v1 =	vld.idx.msk [tilespmem:v1+s3+$0x0], $0xffff  }
0x24c: {  	v57 =	vadd.s32 $0x1780, v53;
	v2 =	vld.idx.msk [tilespmem:v2+s3+$0x0], $0xffff  }
0x24d: {  	v3 =	vld.idx.msk [tilespmem:v45+s3+$0x0], $0xffff;
	v45 =	vadd.s32 $0x1800, v53  }
0x24e: {  	v54 =	vld.idx.msk [tilespmem:v54+s3+$0x0], $0xffff;
	v53 =	vadd.s32 $0x1880, v53  }
0x24f: {  	v55 =	vld.idx.msk [tilespmem:v55+s3+$0x0], $0xffff  }
0x250: {  	v56 =	vld.idx.msk [tilespmem:v56+s3+$0x0], $0xffff  }
0x251: {  	v57 =	vld.idx.msk [tilespmem:v57+s3+$0x0], $0xffff  }
0x252: {  	v58 =	vld.idx.msk [tilespmem:v45+s3+$0x0], $0xffff  }
0x253: {  	v53 =	vld.idx.msk [tilespmem:v53+s3+$0x0], $0xffff;
	[tilespmem:v48+s28+$0x40 ss:$0x1] =	vst.idx.msk $0xffff, v0  }
0x254: {  	[tilespmem:v36+s28+$0x40 ss:$0x1] =	vst.idx.msk $0xffff, v1  }
0x255: {  	[tilespmem:v40+s28+$0x40 ss:$0x1] =	vst.idx.msk $0xffff, v2  }
0x256: {  	[tilespmem:v41+s28+$0x40 ss:$0x1] =	vst.idx.msk $0xffff, v3  }
0x257: {  	[tilespmem:v42+s28+$0x40 ss:$0x1] =	vst.idx.msk $0xffff, v54  }
0x258: {  	[tilespmem:v43+s28+$0x40 ss:$0x1] =	vst.idx.msk $0xffff, v55  }
0x259: {  	v0 =	vadd.s32 $0x80, v52;
	[tilespmem:v44+s28+$0x40 ss:$0x1] =	vst.idx.msk $0xffff, v56  }
0x25a: {  	v59 =	vadd.s32 $0x100, v52;
	[tilespmem:v46+s28+$0x40 ss:$0x1] =	vst.idx.msk $0xffff, v57  }
0x25b: {  	v2 =	vadd.s32 $0x180, v52;
	[tilespmem:v63+s28+$0x40 ss:$0x1] =	vst.idx.msk $0xffff, v58  }
0x25c: {  	v45 =	vadd.s32 $0x200, v52;
	[tilespmem:v47+s28+$0x40 ss:$0x1] =	vst.idx.msk $0xffff, v53  }
0x25d: {  	v54 =	vadd.s32 $0x280, v52;
	v53 =	vld.idx.msk [tilespmem:v52+s3+$0x0], $0xffff  }
0x25e: {  	v55 =	vadd.s32 $0x300, v52;
	v0 =	vld.idx.msk [tilespmem:v0+s3+$0x0], $0xffff  }
0x25f: {  	v56 =	vadd.s32 $0x380, v52;
	v1 =	vld.idx.msk [tilespmem:v59+s3+$0x0], $0xffff  }
0x260: {  	v57 =	vadd.s32 $0x400, v52;
	v2 =	vld.idx.msk [tilespmem:v2+s3+$0x0], $0xffff  }
0x261: {  	v3 =	vld.idx.msk [tilespmem:v45+s3+$0x0], $0xffff;
	v45 =	vadd.s32 $0x480, v52  }
0x262: {  	v54 =	vld.idx.msk [tilespmem:v54+s3+$0x0], $0xffff  }
0x263: {  	v55 =	vld.idx.msk [tilespmem:v55+s3+$0x0], $0xffff  }
0x264: {  	v56 =	vld.idx.msk [tilespmem:v56+s3+$0x0], $0xffff  }
0x265: {  	v57 =	vld.idx.msk [tilespmem:v57+s3+$0x0], $0xffff  }
0x266: {  	v58 =	vld.idx.msk [tilespmem:v45+s3+$0x0], $0xffff;
	[tilespmem:v49+s28+$0x50 ss:$0x1] =	vst.idx.msk $0xffff, v53  }
0x267: {  	[tilespmem:v49+s28+$0x450 ss:$0x1] =	vst.idx.msk $0xffff, v0  }
0x268: {  	[tilespmem:v26+s28+$0x50 ss:$0x1] =	vst.idx.msk $0xffff, v1  }
0x269: {  	[tilespmem:v6+s28+$0x50 ss:$0x1] =	vst.idx.msk $0xffff, v2  }
0x26a: {  	[tilespmem:v7+s28+$0x50 ss:$0x1] =	vst.idx.msk $0xffff, v3  }
0x26b: {  	v0 =	vadd.s32 $0x500, v52;
	[tilespmem:v8+s28+$0x50 ss:$0x1] =	vst.idx.msk $0xffff, v54  }
0x26c: {  	v1 =	vadd.s32 $0x580, v52;
	[tilespmem:v9+s28+$0x50 ss:$0x1] =	vst.idx.msk $0xffff, v55  }
0x26d: {  	v59 =	vadd.s32 $0x600, v52;
	[tilespmem:v10+s28+$0x50 ss:$0x1] =	vst.idx.msk $0xffff, v56  }
0x26e: {  	v3 =	vadd.s32 $0x680, v52;
	[tilespmem:v11+s28+$0x50 ss:$0x1] =	vst.idx.msk $0xffff, v57  }
0x26f: {  	v45 =	vadd.s32 $0x700, v52;
	[tilespmem:v5+s28+$0x50 ss:$0x1] =	vst.idx.msk $0xffff, v58  }
0x270: {  	v54 =	vadd.s32 $0x780, v52;
	v0 =	vld.idx.msk [tilespmem:v0+s3+$0x0], $0xffff  }
0x271: {  	v55 =	vadd.s32 $0x800, v52;
	v1 =	vld.idx.msk [tilespmem:v1+s3+$0x0], $0xffff  }
0x272: {  	v56 =	vadd.s32 $0x880, v52;
	v2 =	vld.idx.msk [tilespmem:v59+s3+$0x0], $0xffff  }
0x273: {  	v57 =	vadd.s32 $0x900, v52;
	v3 =	vld.idx.msk [tilespmem:v3+s3+$0x0], $0xffff  }
0x274: {  	v53 =	vld.idx.msk [tilespmem:v45+s3+$0x0], $0xffff;
	v45 =	vadd.s32 $0x980, v52  }
0x275: {  	v54 =	vld.idx.msk [tilespmem:v54+s3+$0x0], $0xffff  }
0x276: {  	v55 =	vld.idx.msk [tilespmem:v55+s3+$0x0], $0xffff  }
0x277: {  	v56 =	vld.idx.msk [tilespmem:v56+s3+$0x0], $0xffff  }
0x278: {  	v57 =	vld.idx.msk [tilespmem:v57+s3+$0x0], $0xffff  }
0x279: {  	v58 =	vld.idx.msk [tilespmem:v45+s3+$0x0], $0xffff;
	[tilespmem:v4+s28+$0x50 ss:$0x1] =	vst.idx.msk $0xffff, v0  }
0x27a: {  	[tilespmem:v12+s28+$0x50 ss:$0x1] =	vst.idx.msk $0xffff, v1  }
0x27b: {  	[tilespmem:v13+s28+$0x50 ss:$0x1] =	vst.idx.msk $0xffff, v2  }
0x27c: {  	[tilespmem:v14+s28+$0x50 ss:$0x1] =	vst.idx.msk $0xffff, v3  }
0x27d: {  	[tilespmem:v15+s28+$0x50 ss:$0x1] =	vst.idx.msk $0xffff, v53  }
0x27e: {  	v0 =	vadd.s32 $0xA00, v52;
	[tilespmem:v38+s28+$0x50 ss:$0x1] =	vst.idx.msk $0xffff, v54  }
0x27f: {  	v1 =	vadd.s32 $0xA80, v52;
	[tilespmem:v18+s28+$0x50 ss:$0x1] =	vst.idx.msk $0xffff, v55  }
0x280: {  	v59 =	vadd.s32 $0xB00, v52;
	[tilespmem:v19+s28+$0x50 ss:$0x1] =	vst.idx.msk $0xffff, v56  }
0x281: {  	v3 =	vadd.s32 $0xB80, v52;
	[tilespmem:v21+s28+$0x50 ss:$0x1] =	vst.idx.msk $0xffff, v57  }
0x282: {  	v45 =	vadd.s32 $0xC00, v52;
	[tilespmem:v17+s28+$0x50 ss:$0x1] =	vst.idx.msk $0xffff, v58  }
0x283: {  	v54 =	vadd.s32 $0xC80, v52;
	v0 =	vld.idx.msk [tilespmem:v0+s3+$0x0], $0xffff  }
0x284: {  	v55 =	vadd.s32 $0xD00, v52;
	v1 =	vld.idx.msk [tilespmem:v1+s3+$0x0], $0xffff  }
0x285: {  	v56 =	vadd.s32 $0xD80, v52;
	v2 =	vld.idx.msk [tilespmem:v59+s3+$0x0], $0xffff  }
0x286: {  	v57 =	vadd.s32 $0xE00, v52;
	v3 =	vld.idx.msk [tilespmem:v3+s3+$0x0], $0xffff  }
0x287: {  	v53 =	vld.idx.msk [tilespmem:v45+s3+$0x0], $0xffff;
	v45 =	vadd.s32 $0xE80, v52  }
0x288: {  	v54 =	vld.idx.msk [tilespmem:v54+s3+$0x0], $0xffff  }
0x289: {  	v55 =	vld.idx.msk [tilespmem:v55+s3+$0x0], $0xffff  }
0x28a: {  	v56 =	vld.idx.msk [tilespmem:v56+s3+$0x0], $0xffff  }
0x28b: {  	v57 =	vld.idx.msk [tilespmem:v57+s3+$0x0], $0xffff  }
0x28c: {  	v58 =	vld.idx.msk [tilespmem:v45+s3+$0x0], $0xffff;
	[tilespmem:v20+s28+$0x50 ss:$0x1] =	vst.idx.msk $0xffff, v0  }
0x28d: {  	[tilespmem:v22+s28+$0x50 ss:$0x1] =	vst.idx.msk $0xffff, v1  }
0x28e: {  	[tilespmem:v23+s28+$0x50 ss:$0x1] =	vst.idx.msk $0xffff, v2  }
0x28f: {  	[tilespmem:v24+s28+$0x50 ss:$0x1] =	vst.idx.msk $0xffff, v3  }
0x290: {  	[tilespmem:v25+s28+$0x50 ss:$0x1] =	vst.idx.msk $0xffff, v53  }
0x291: {  	v0 =	vadd.s32 $0xF00, v52;
	[tilespmem:v27+s28+$0x50 ss:$0x1] =	vst.idx.msk $0xffff, v54  }
0x292: {  	v1 =	vadd.s32 $0xF80, v52;
	[tilespmem:v28+s28+$0x50 ss:$0x1] =	vst.idx.msk $0xffff, v55  }
0x293: {  	v59 =	vadd.s32 $0x1000, v52;
	[tilespmem:v29+s28+$0x50 ss:$0x1] =	vst.idx.msk $0xffff, v56  }
0x294: {  	v3 =	vadd.s32 $0x1080, v52;
	[tilespmem:v31+s28+$0x50 ss:$0x1] =	vst.idx.msk $0xffff, v57  }
0x295: {  	v45 =	vadd.s32 $0x1100, v52;
	[tilespmem:v62+s28+$0x50 ss:$0x1] =	vst.idx.msk $0xffff, v58  }
0x296: {  	v54 =	vadd.s32 $0x1180, v52;
	v0 =	vld.idx.msk [tilespmem:v0+s3+$0x0], $0xffff  }
0x297: {  	v55 =	vadd.s32 $0x1200, v52;
	v1 =	vld.idx.msk [tilespmem:v1+s3+$0x0], $0xffff  }
0x298: {  	v56 =	vadd.s32 $0x1280, v52;
	v2 =	vld.idx.msk [tilespmem:v59+s3+$0x0], $0xffff  }
0x299: {  	v57 =	vadd.s32 $0x1300, v52;
	v3 =	vld.idx.msk [tilespmem:v3+s3+$0x0], $0xffff  }
0x29a: {  	v53 =	vld.idx.msk [tilespmem:v45+s3+$0x0], $0xffff;
	v45 =	vadd.s32 $0x1380, v52  }
0x29b: {  	v54 =	vld.idx.msk [tilespmem:v54+s3+$0x0], $0xffff  }
0x29c: {  	v55 =	vld.idx.msk [tilespmem:v55+s3+$0x0], $0xffff  }
0x29d: {  	v56 =	vld.idx.msk [tilespmem:v56+s3+$0x0], $0xffff  }
0x29e: {  	v57 =	vld.idx.msk [tilespmem:v57+s3+$0x0], $0xffff  }
0x29f: {  	v58 =	vld.idx.msk [tilespmem:v45+s3+$0x0], $0xffff;
	[tilespmem:v30+s28+$0x50 ss:$0x1] =	vst.idx.msk $0xffff, v0  }
0x2a0: {  	[tilespmem:v32+s28+$0x50 ss:$0x1] =	vst.idx.msk $0xffff, v1  }
0x2a1: {  	[tilespmem:v33+s28+$0x50 ss:$0x1] =	vst.idx.msk $0xffff, v2  }
0x2a2: {  	[tilespmem:v34+s28+$0x50 ss:$0x1] =	vst.idx.msk $0xffff, v3  }
0x2a3: {  	[tilespmem:v35+s28+$0x50 ss:$0x1] =	vst.idx.msk $0xffff, v53  }
0x2a4: {  	v0 =	vadd.s32 $0x1400, v52;
	[tilespmem:v60+s28+$0x50 ss:$0x1] =	vst.idx.msk $0xffff, v54  }
0x2a5: {  	v1 =	vadd.s32 $0x1480, v52;
	[tilespmem:v61+s28+$0x50 ss:$0x1] =	vst.idx.msk $0xffff, v55  }
0x2a6: {  	v59 =	vadd.s32 $0x1500, v52;
	[tilespmem:v16+s28+$0x50 ss:$0x1] =	vst.idx.msk $0xffff, v56  }
0x2a7: {  	v45 =	vadd.s32 $0x1580, v52;
	[tilespmem:v37+s28+$0x50 ss:$0x1] =	vst.idx.msk $0xffff, v57  }
0x2a8: {  	v53 =	vadd.s32 $0x1600, v52;
	[tilespmem:v39+s28+$0x50 ss:$0x1] =	vst.idx.msk $0xffff, v58  }
0x2a9: {  	v54 =	vadd.s32 $0x1680, v52;
	v0 =	vld.idx.msk [tilespmem:v0+s3+$0x0], $0xffff  }
0x2aa: {  	v55 =	vadd.s32 $0x1700, v52;
	v1 =	vld.idx.msk [tilespmem:v1+s3+$0x0], $0xffff  }
0x2ab: {  	v56 =	vadd.s32 $0x1780, v52;
	v2 =	vld.idx.msk [tilespmem:v59+s3+$0x0], $0xffff  }
0x2ac: {  	v3 =	vld.idx.msk [tilespmem:v45+s3+$0x0], $0xffff;
	v45 =	vadd.s32 $0x1800, v52  }
0x2ad: {  	v53 =	vld.idx.msk [tilespmem:v53+s3+$0x0], $0xffff;
	v52 =	vadd.s32 $0x1880, v52  }
0x2ae: {  	v54 =	vld.idx.msk [tilespmem:v54+s3+$0x0], $0xffff  }
0x2af: {  	v55 =	vld.idx.msk [tilespmem:v55+s3+$0x0], $0xffff  }
0x2b0: {  	v56 =	vld.idx.msk [tilespmem:v56+s3+$0x0], $0xffff  }
0x2b1: {  	v57 =	vld.idx.msk [tilespmem:v45+s3+$0x0], $0xffff  }
0x2b2: {  	v52 =	vld.idx.msk [tilespmem:v52+s3+$0x0], $0xffff;
	[tilespmem:v48+s28+$0x50 ss:$0x1] =	vst.idx.msk $0xffff, v0  }
0x2b3: {  	[tilespmem:v36+s28+$0x50 ss:$0x1] =	vst.idx.msk $0xffff, v1  }
0x2b4: {  	[tilespmem:v40+s28+$0x50 ss:$0x1] =	vst.idx.msk $0xffff, v2  }
0x2b5: {  	[tilespmem:v41+s28+$0x50 ss:$0x1] =	vst.idx.msk $0xffff, v3  }
0x2b6: {  	[tilespmem:v42+s28+$0x50 ss:$0x1] =	vst.idx.msk $0xffff, v53  }
0x2b7: {  	[tilespmem:v43+s28+$0x50 ss:$0x1] =	vst.idx.msk $0xffff, v54  }
0x2b8: {  	v0 =	vadd.s32 $0x80, v51;
	[tilespmem:v44+s28+$0x50 ss:$0x1] =	vst.idx.msk $0xffff, v55  }
0x2b9: {  	v58 =	vadd.s32 $0x100, v51;
	[tilespmem:v46+s28+$0x50 ss:$0x1] =	vst.idx.msk $0xffff, v56  }
0x2ba: {  	v59 =	vadd.s32 $0x180, v51;
	[tilespmem:v63+s28+$0x50 ss:$0x1] =	vst.idx.msk $0xffff, v57  }
0x2bb: {  	v45 =	vadd.s32 $0x200, v51;
	[tilespmem:v47+s28+$0x50 ss:$0x1] =	vst.idx.msk $0xffff, v52  }
0x2bc: {  	v53 =	vadd.s32 $0x280, v51;
	v52 =	vld.idx.msk [tilespmem:v51+s3+$0x0], $0xffff  }
0x2bd: {  	v54 =	vadd.s32 $0x300, v51;
	v0 =	vld.idx.msk [tilespmem:v0+s3+$0x0], $0xffff  }
0x2be: {  	v55 =	vadd.s32 $0x380, v51;
	v1 =	vld.idx.msk [tilespmem:v58+s3+$0x0], $0xffff  }
0x2bf: {  	v56 =	vadd.s32 $0x400, v51;
	v2 =	vld.idx.msk [tilespmem:v59+s3+$0x0], $0xffff  }
0x2c0: {  	v3 =	vld.idx.msk [tilespmem:v45+s3+$0x0], $0xffff;
	v45 =	vadd.s32 $0x480, v51  }
0x2c1: {  	v53 =	vld.idx.msk [tilespmem:v53+s3+$0x0], $0xffff  }
0x2c2: {  	v54 =	vld.idx.msk [tilespmem:v54+s3+$0x0], $0xffff  }
0x2c3: {  	v55 =	vld.idx.msk [tilespmem:v55+s3+$0x0], $0xffff  }
0x2c4: {  	v56 =	vld.idx.msk [tilespmem:v56+s3+$0x0], $0xffff  }
0x2c5: {  	v57 =	vld.idx.msk [tilespmem:v45+s3+$0x0], $0xffff;
	[tilespmem:v49+s28+$0x60 ss:$0x1] =	vst.idx.msk $0xffff, v52  }
0x2c6: {  	[tilespmem:v49+s28+$0x460 ss:$0x1] =	vst.idx.msk $0xffff, v0  }
0x2c7: {  	[tilespmem:v26+s28+$0x60 ss:$0x1] =	vst.idx.msk $0xffff, v1  }
0x2c8: {  	[tilespmem:v6+s28+$0x60 ss:$0x1] =	vst.idx.msk $0xffff, v2  }
0x2c9: {  	[tilespmem:v7+s28+$0x60 ss:$0x1] =	vst.idx.msk $0xffff, v3  }
0x2ca: {  	v0 =	vadd.s32 $0x500, v51;
	[tilespmem:v8+s28+$0x60 ss:$0x1] =	vst.idx.msk $0xffff, v53  }
0x2cb: {  	v1 =	vadd.s32 $0x580, v51;
	[tilespmem:v9+s28+$0x60 ss:$0x1] =	vst.idx.msk $0xffff, v54  }
0x2cc: {  	v58 =	vadd.s32 $0x600, v51;
	[tilespmem:v10+s28+$0x60 ss:$0x1] =	vst.idx.msk $0xffff, v55  }
0x2cd: {  	v59 =	vadd.s32 $0x680, v51;
	[tilespmem:v11+s28+$0x60 ss:$0x1] =	vst.idx.msk $0xffff, v56  }
0x2ce: {  	v45 =	vadd.s32 $0x700, v51;
	[tilespmem:v5+s28+$0x60 ss:$0x1] =	vst.idx.msk $0xffff, v57  }
0x2cf: {  	v53 =	vadd.s32 $0x780, v51;
	v0 =	vld.idx.msk [tilespmem:v0+s3+$0x0], $0xffff  }
0x2d0: {  	v54 =	vadd.s32 $0x800, v51;
	v1 =	vld.idx.msk [tilespmem:v1+s3+$0x0], $0xffff  }
0x2d1: {  	v55 =	vadd.s32 $0x880, v51;
	v2 =	vld.idx.msk [tilespmem:v58+s3+$0x0], $0xffff  }
0x2d2: {  	v56 =	vadd.s32 $0x900, v51;
	v3 =	vld.idx.msk [tilespmem:v59+s3+$0x0], $0xffff  }
0x2d3: {  	v52 =	vld.idx.msk [tilespmem:v45+s3+$0x0], $0xffff;
	v45 =	vadd.s32 $0x980, v51  }
0x2d4: {  	v53 =	vld.idx.msk [tilespmem:v53+s3+$0x0], $0xffff  }
0x2d5: {  	v54 =	vld.idx.msk [tilespmem:v54+s3+$0x0], $0xffff  }
0x2d6: {  	v55 =	vld.idx.msk [tilespmem:v55+s3+$0x0], $0xffff  }
0x2d7: {  	v56 =	vld.idx.msk [tilespmem:v56+s3+$0x0], $0xffff  }
0x2d8: {  	v57 =	vld.idx.msk [tilespmem:v45+s3+$0x0], $0xffff;
	[tilespmem:v4+s28+$0x60 ss:$0x1] =	vst.idx.msk $0xffff, v0  }
0x2d9: {  	[tilespmem:v12+s28+$0x60 ss:$0x1] =	vst.idx.msk $0xffff, v1  }
0x2da: {  	[tilespmem:v13+s28+$0x60 ss:$0x1] =	vst.idx.msk $0xffff, v2  }
0x2db: {  	[tilespmem:v14+s28+$0x60 ss:$0x1] =	vst.idx.msk $0xffff, v3  }
0x2dc: {  	[tilespmem:v15+s28+$0x60 ss:$0x1] =	vst.idx.msk $0xffff, v52  }
0x2dd: {  	v0 =	vadd.s32 $0xA00, v51;
	[tilespmem:v38+s28+$0x60 ss:$0x1] =	vst.idx.msk $0xffff, v53  }
0x2de: {  	v1 =	vadd.s32 $0xA80, v51;
	[tilespmem:v18+s28+$0x60 ss:$0x1] =	vst.idx.msk $0xffff, v54  }
0x2df: {  	v58 =	vadd.s32 $0xB00, v51;
	[tilespmem:v19+s28+$0x60 ss:$0x1] =	vst.idx.msk $0xffff, v55  }
0x2e0: {  	v59 =	vadd.s32 $0xB80, v51;
	[tilespmem:v21+s28+$0x60 ss:$0x1] =	vst.idx.msk $0xffff, v56  }
0x2e1: {  	v45 =	vadd.s32 $0xC00, v51;
	[tilespmem:v17+s28+$0x60 ss:$0x1] =	vst.idx.msk $0xffff, v57  }
0x2e2: {  	v53 =	vadd.s32 $0xC80, v51;
	v0 =	vld.idx.msk [tilespmem:v0+s3+$0x0], $0xffff  }
0x2e3: {  	v54 =	vadd.s32 $0xD00, v51;
	v1 =	vld.idx.msk [tilespmem:v1+s3+$0x0], $0xffff  }
0x2e4: {  	v55 =	vadd.s32 $0xD80, v51;
	v2 =	vld.idx.msk [tilespmem:v58+s3+$0x0], $0xffff  }
0x2e5: {  	v56 =	vadd.s32 $0xE00, v51;
	v3 =	vld.idx.msk [tilespmem:v59+s3+$0x0], $0xffff  }
0x2e6: {  	v52 =	vld.idx.msk [tilespmem:v45+s3+$0x0], $0xffff;
	v45 =	vadd.s32 $0xE80, v51  }
0x2e7: {  	v53 =	vld.idx.msk [tilespmem:v53+s3+$0x0], $0xffff  }
0x2e8: {  	v54 =	vld.idx.msk [tilespmem:v54+s3+$0x0], $0xffff  }
0x2e9: {  	v55 =	vld.idx.msk [tilespmem:v55+s3+$0x0], $0xffff  }
0x2ea: {  	v56 =	vld.idx.msk [tilespmem:v56+s3+$0x0], $0xffff  }
0x2eb: {  	v57 =	vld.idx.msk [tilespmem:v45+s3+$0x0], $0xffff;
	[tilespmem:v20+s28+$0x60 ss:$0x1] =	vst.idx.msk $0xffff, v0  }
0x2ec: {  	[tilespmem:v22+s28+$0x60 ss:$0x1] =	vst.idx.msk $0xffff, v1  }
0x2ed: {  	[tilespmem:v23+s28+$0x60 ss:$0x1] =	vst.idx.msk $0xffff, v2  }
0x2ee: {  	[tilespmem:v24+s28+$0x60 ss:$0x1] =	vst.idx.msk $0xffff, v3  }
0x2ef: {  	[tilespmem:v25+s28+$0x60 ss:$0x1] =	vst.idx.msk $0xffff, v52  }
0x2f0: {  	v0 =	vadd.s32 $0xF00, v51;
	[tilespmem:v27+s28+$0x60 ss:$0x1] =	vst.idx.msk $0xffff, v53  }
0x2f1: {  	v1 =	vadd.s32 $0xF80, v51;
	[tilespmem:v28+s28+$0x60 ss:$0x1] =	vst.idx.msk $0xffff, v54  }
0x2f2: {  	v58 =	vadd.s32 $0x1000, v51;
	[tilespmem:v29+s28+$0x60 ss:$0x1] =	vst.idx.msk $0xffff, v55  }
0x2f3: {  	v59 =	vadd.s32 $0x1080, v51;
	[tilespmem:v31+s28+$0x60 ss:$0x1] =	vst.idx.msk $0xffff, v56  }
0x2f4: {  	v45 =	vadd.s32 $0x1100, v51;
	[tilespmem:v62+s28+$0x60 ss:$0x1] =	vst.idx.msk $0xffff, v57  }
0x2f5: {  	v53 =	vadd.s32 $0x1180, v51;
	v0 =	vld.idx.msk [tilespmem:v0+s3+$0x0], $0xffff  }
0x2f6: {  	v54 =	vadd.s32 $0x1200, v51;
	v1 =	vld.idx.msk [tilespmem:v1+s3+$0x0], $0xffff  }
0x2f7: {  	v55 =	vadd.s32 $0x1280, v51;
	v2 =	vld.idx.msk [tilespmem:v58+s3+$0x0], $0xffff  }
0x2f8: {  	v56 =	vadd.s32 $0x1300, v51;
	v3 =	vld.idx.msk [tilespmem:v59+s3+$0x0], $0xffff  }
0x2f9: {  	v52 =	vld.idx.msk [tilespmem:v45+s3+$0x0], $0xffff;
	v45 =	vadd.s32 $0x1380, v51  }
0x2fa: {  	v53 =	vld.idx.msk [tilespmem:v53+s3+$0x0], $0xffff  }
0x2fb: {  	v54 =	vld.idx.msk [tilespmem:v54+s3+$0x0], $0xffff  }
0x2fc: {  	v55 =	vld.idx.msk [tilespmem:v55+s3+$0x0], $0xffff  }
0x2fd: {  	v56 =	vld.idx.msk [tilespmem:v56+s3+$0x0], $0xffff  }
0x2fe: {  	v57 =	vld.idx.msk [tilespmem:v45+s3+$0x0], $0xffff;
	[tilespmem:v30+s28+$0x60 ss:$0x1] =	vst.idx.msk $0xffff, v0  }
0x2ff: {  	[tilespmem:v32+s28+$0x60 ss:$0x1] =	vst.idx.msk $0xffff, v1  }
0x300: {  	[tilespmem:v33+s28+$0x60 ss:$0x1] =	vst.idx.msk $0xffff, v2  }
0x301: {  	[tilespmem:v34+s28+$0x60 ss:$0x1] =	vst.idx.msk $0xffff, v3  }
0x302: {  	[tilespmem:v35+s28+$0x60 ss:$0x1] =	vst.idx.msk $0xffff, v52  }
0x303: {  	v0 =	vadd.s32 $0x1400, v51;
	[tilespmem:v60+s28+$0x60 ss:$0x1] =	vst.idx.msk $0xffff, v53  }
0x304: {  	v45 =	vadd.s32 $0x1480, v51;
	[tilespmem:v61+s28+$0x60 ss:$0x1] =	vst.idx.msk $0xffff, v54  }
0x305: {  	v58 =	vadd.s32 $0x1500, v51;
	[tilespmem:v16+s28+$0x60 ss:$0x1] =	vst.idx.msk $0xffff, v55  }
0x306: {  	v59 =	vadd.s32 $0x1580, v51;
	[tilespmem:v37+s28+$0x60 ss:$0x1] =	vst.idx.msk $0xffff, v56  }
0x307: {  	v52 =	vadd.s32 $0x1600, v51;
	[tilespmem:v39+s28+$0x60 ss:$0x1] =	vst.idx.msk $0xffff, v57  }
0x308: {  	v53 =	vadd.s32 $0x1680, v51;
	v0 =	vld.idx.msk [tilespmem:v0+s3+$0x0], $0xffff  }
0x309: {  	v54 =	vadd.s32 $0x1700, v51;
	v1 =	vld.idx.msk [tilespmem:v45+s3+$0x0], $0xffff  }
0x30a: {  	v55 =	vadd.s32 $0x1780, v51;
	v2 =	vld.idx.msk [tilespmem:v58+s3+$0x0], $0xffff  }
0x30b: {  	v3 =	vld.idx.msk [tilespmem:v59+s3+$0x0], $0xffff;
	v45 =	vadd.s32 $0x1800, v51  }
0x30c: {  	v52 =	vld.idx.msk [tilespmem:v52+s3+$0x0], $0xffff;
	v51 =	vadd.s32 $0x1880, v51  }
0x30d: {  	v53 =	vld.idx.msk [tilespmem:v53+s3+$0x0], $0xffff  }
0x30e: {  	v54 =	vld.idx.msk [tilespmem:v54+s3+$0x0], $0xffff  }
0x30f: {  	v55 =	vld.idx.msk [tilespmem:v55+s3+$0x0], $0xffff  }
0x310: {  	v56 =	vld.idx.msk [tilespmem:v45+s3+$0x0], $0xffff  }
0x311: {  	v51 =	vld.idx.msk [tilespmem:v51+s3+$0x0], $0xffff;
	[tilespmem:v48+s28+$0x60 ss:$0x1] =	vst.idx.msk $0xffff, v0  }
0x312: {  	[tilespmem:v36+s28+$0x60 ss:$0x1] =	vst.idx.msk $0xffff, v1  }
0x313: {  	[tilespmem:v40+s28+$0x60 ss:$0x1] =	vst.idx.msk $0xffff, v2  }
0x314: {  	[tilespmem:v41+s28+$0x60 ss:$0x1] =	vst.idx.msk $0xffff, v3  }
0x315: {  	[tilespmem:v42+s28+$0x60 ss:$0x1] =	vst.idx.msk $0xffff, v52  }
0x316: {  	[tilespmem:v43+s28+$0x60 ss:$0x1] =	vst.idx.msk $0xffff, v53  }
0x317: {  	v45 =	vadd.s32 $0x80, v50;
	[tilespmem:v44+s28+$0x60 ss:$0x1] =	vst.idx.msk $0xffff, v54  }
0x318: {  	v57 =	vadd.s32 $0x100, v50;
	[tilespmem:v46+s28+$0x60 ss:$0x1] =	vst.idx.msk $0xffff, v55  }
0x319: {  	v58 =	vadd.s32 $0x180, v50;
	[tilespmem:v63+s28+$0x60 ss:$0x1] =	vst.idx.msk $0xffff, v56  }
0x31a: {  	v59 =	vadd.s32 $0x200, v50;
	[tilespmem:v47+s28+$0x60 ss:$0x1] =	vst.idx.msk $0xffff, v51  }
0x31b: {  	v52 =	vadd.s32 $0x280, v50;
	v51 =	vld.idx.msk [tilespmem:v50+s3+$0x0], $0xffff  }
0x31c: {  	v53 =	vadd.s32 $0x300, v50;
	v0 =	vld.idx.msk [tilespmem:v45+s3+$0x0], $0xffff  }
0x31d: {  	v54 =	vadd.s32 $0x380, v50;
	v1 =	vld.idx.msk [tilespmem:v57+s3+$0x0], $0xffff  }
0x31e: {  	v55 =	vadd.s32 $0x400, v50;
	v2 =	vld.idx.msk [tilespmem:v58+s3+$0x0], $0xffff  }
0x31f: {  	v3 =	vld.idx.msk [tilespmem:v59+s3+$0x0], $0xffff;
	v45 =	vadd.s32 $0x480, v50  }
0x320: {  	v52 =	vld.idx.msk [tilespmem:v52+s3+$0x0], $0xffff  }
0x321: {  	v53 =	vld.idx.msk [tilespmem:v53+s3+$0x0], $0xffff  }
0x322: {  	v54 =	vld.idx.msk [tilespmem:v54+s3+$0x0], $0xffff  }
0x323: {  	v55 =	vld.idx.msk [tilespmem:v55+s3+$0x0], $0xffff  }
0x324: {  	v56 =	vld.idx.msk [tilespmem:v45+s3+$0x0], $0xffff;
	[tilespmem:v49+s28+$0x70 ss:$0x1] =	vst.idx.msk $0xffff, v51  }
0x325: {  	[tilespmem:v49+s28+$0x470 ss:$0x1] =	vst.idx.msk $0xffff, v0  }
0x326: {  	[tilespmem:v26+s28+$0x70 ss:$0x1] =	vst.idx.msk $0xffff, v1  }
0x327: {  	[tilespmem:v6+s28+$0x70 ss:$0x1] =	vst.idx.msk $0xffff, v2  }
0x328: {  	[tilespmem:v7+s28+$0x70 ss:$0x1] =	vst.idx.msk $0xffff, v3  }
0x329: {  	v7 =	vadd.s32 $0x500, v50;
	[tilespmem:v8+s28+$0x70 ss:$0x1] =	vst.idx.msk $0xffff, v52  }
0x32a: {  	v8 =	vadd.s32 $0x580, v50;
	[tilespmem:v9+s28+$0x70 ss:$0x1] =	vst.idx.msk $0xffff, v53  }
0x32b: {  	v26 =	vadd.s32 $0x780, v50;
	[tilespmem:v10+s28+$0x70 ss:$0x1] =	vst.idx.msk $0xffff, v54  }
0x32c: {  	v45 =	vadd.s32 $0x800, v50;
	[tilespmem:v11+s28+$0x70 ss:$0x1] =	vst.idx.msk $0xffff, v55  }
0x32d: {  	v6 =	vadd.s32 $0x880, v50;
	[tilespmem:v5+s28+$0x70 ss:$0x1] =	vst.idx.msk $0xffff, v56  }
0x32e: {  	v9 =	vadd.s32 $0x600, v50;
	v0 =	vld.idx.msk [tilespmem:v7+s3+$0x0], $0xffff  }
0x32f: {  	v10 =	vadd.s32 $0x680, v50;
	v1 =	vld.idx.msk [tilespmem:v8+s3+$0x0], $0xffff  }
0x330: {  	v11 =	vadd.s32 $0x700, v50;
	v52 =	vld.idx.msk [tilespmem:v26+s3+$0x0], $0xffff  }
0x331: {  	v7 =	vadd.s32 $0x900, v50;
	v53 =	vld.idx.msk [tilespmem:v45+s3+$0x0], $0xffff  }
0x332: {  	v8 =	vadd.s32 $0x980, v50;
	v54 =	vld.idx.msk [tilespmem:v6+s3+$0x0], $0xffff  }
0x333: {  	v2 =	vld.idx.msk [tilespmem:v9+s3+$0x0], $0xffff  }
0x334: {  	v3 =	vld.idx.msk [tilespmem:v10+s3+$0x0], $0xffff  }
0x335: {  	v51 =	vld.idx.msk [tilespmem:v11+s3+$0x0], $0xffff  }
0x336: {  	v55 =	vld.idx.msk [tilespmem:v7+s3+$0x0], $0xffff  }
0x337: {  	v56 =	vld.idx.msk [tilespmem:v8+s3+$0x0], $0xffff;
	[tilespmem:v4+s28+$0x70 ss:$0x1] =	vst.idx.msk $0xffff, v0  }
0x338: {  	[tilespmem:v12+s28+$0x70 ss:$0x1] =	vst.idx.msk $0xffff, v1  }
0x339: {  	[tilespmem:v13+s28+$0x70 ss:$0x1] =	vst.idx.msk $0xffff, v2  }
0x33a: {  	[tilespmem:v14+s28+$0x70 ss:$0x1] =	vst.idx.msk $0xffff, v3  }
0x33b: {  	[tilespmem:v15+s28+$0x70 ss:$0x1] =	vst.idx.msk $0xffff, v51  }
0x33c: {  	v9 =	vadd.s32 $0xA00, v50;
	[tilespmem:v38+s28+$0x70 ss:$0x1] =	vst.idx.msk $0xffff, v52  }
0x33d: {  	v10 =	vadd.s32 $0xA80, v50;
	[tilespmem:v18+s28+$0x70 ss:$0x1] =	vst.idx.msk $0xffff, v53  }
0x33e: {  	v11 =	vadd.s32 $0xB00, v50;
	[tilespmem:v19+s28+$0x70 ss:$0x1] =	vst.idx.msk $0xffff, v54  }
0x33f: {  	v12 =	vadd.s32 $0xB80, v50;
	[tilespmem:v21+s28+$0x70 ss:$0x1] =	vst.idx.msk $0xffff, v55  }
0x340: {  	v13 =	vadd.s32 $0xC00, v50;
	[tilespmem:v17+s28+$0x70 ss:$0x1] =	vst.idx.msk $0xffff, v56  }
0x341: {  	v14 =	vadd.s32 $0xC80, v50;
	v0 =	vld.idx.msk [tilespmem:v9+s3+$0x0], $0xffff  }
0x342: {  	v15 =	vadd.s32 $0xD00, v50;
	v1 =	vld.idx.msk [tilespmem:v10+s3+$0x0], $0xffff  }
0x343: {  	v18 =	vadd.s32 $0xE00, v50;
	v2 =	vld.idx.msk [tilespmem:v11+s3+$0x0], $0xffff  }
0x344: {  	v19 =	vadd.s32 $0xE80, v50;
	v3 =	vld.idx.msk [tilespmem:v12+s3+$0x0], $0xffff  }
0x345: {  	v17 =	vadd.s32 $0xD80, v50;
	v51 =	vld.idx.msk [tilespmem:v13+s3+$0x0], $0xffff  }
0x346: {  	v52 =	vld.idx.msk [tilespmem:v14+s3+$0x0], $0xffff  }
0x347: {  	v53 =	vld.idx.msk [tilespmem:v15+s3+$0x0], $0xffff  }
0x348: {  	v55 =	vld.idx.msk [tilespmem:v18+s3+$0x0], $0xffff  }
0x349: {  	v56 =	vld.idx.msk [tilespmem:v19+s3+$0x0], $0xffff  }
0x34a: {  	v54 =	vld.idx.msk [tilespmem:v17+s3+$0x0], $0xffff;
	[tilespmem:v20+s28+$0x70 ss:$0x1] =	vst.idx.msk $0xffff, v0  }
0x34b: {  	[tilespmem:v22+s28+$0x70 ss:$0x1] =	vst.idx.msk $0xffff, v1  }
0x34c: {  	[tilespmem:v23+s28+$0x70 ss:$0x1] =	vst.idx.msk $0xffff, v2  }
0x34d: {  	[tilespmem:v24+s28+$0x70 ss:$0x1] =	vst.idx.msk $0xffff, v3  }
0x34e: {  	[tilespmem:v25+s28+$0x70 ss:$0x1] =	vst.idx.msk $0xffff, v51  }
0x34f: {  	v21 =	vadd.s32 $0xF00, v50;
	[tilespmem:v27+s28+$0x70 ss:$0x1] =	vst.idx.msk $0xffff, v52  }
0x350: {  	v22 =	vadd.s32 $0xF80, v50;
	[tilespmem:v28+s28+$0x70 ss:$0x1] =	vst.idx.msk $0xffff, v53  }
0x351: {  	v23 =	vadd.s32 $0x1000, v50;
	[tilespmem:v29+s28+$0x70 ss:$0x1] =	vst.idx.msk $0xffff, v54  }
0x352: {  	v24 =	vadd.s32 $0x1080, v50;
	[tilespmem:v31+s28+$0x70 ss:$0x1] =	vst.idx.msk $0xffff, v55  }
0x353: {  	v25 =	vadd.s32 $0x1100, v50;
	[tilespmem:v62+s28+$0x70 ss:$0x1] =	vst.idx.msk $0xffff, v56  }
0x354: {  	v26 =	vadd.s32 $0x1180, v50;
	v0 =	vld.idx.msk [tilespmem:v21+s3+$0x0], $0xffff  }
0x355: {  	v27 =	vadd.s32 $0x1200, v50;
	v1 =	vld.idx.msk [tilespmem:v22+s3+$0x0], $0xffff  }
0x356: {  	v28 =	vadd.s32 $0x1280, v50;
	v2 =	vld.idx.msk [tilespmem:v23+s3+$0x0], $0xffff  }
0x357: {  	v29 =	vadd.s32 $0x1300, v50;
	v3 =	vld.idx.msk [tilespmem:v24+s3+$0x0], $0xffff  }
0x358: {  	v31 =	vadd.s32 $0x1380, v50;
	v51 =	vld.idx.msk [tilespmem:v25+s3+$0x0], $0xffff  }
0x359: {  	v52 =	vld.idx.msk [tilespmem:v26+s3+$0x0], $0xffff  }
0x35a: {  	v53 =	vld.idx.msk [tilespmem:v27+s3+$0x0], $0xffff  }
0x35b: {  	v54 =	vld.idx.msk [tilespmem:v28+s3+$0x0], $0xffff  }
0x35c: {  	v55 =	vld.idx.msk [tilespmem:v29+s3+$0x0], $0xffff  }
0x35d: {  	v56 =	vld.idx.msk [tilespmem:v31+s3+$0x0], $0xffff;
	[tilespmem:v30+s28+$0x70 ss:$0x1] =	vst.idx.msk $0xffff, v0  }
0x35e: {  	[tilespmem:v32+s28+$0x70 ss:$0x1] =	vst.idx.msk $0xffff, v1  }
0x35f: {  	[tilespmem:v33+s28+$0x70 ss:$0x1] =	vst.idx.msk $0xffff, v2  }
0x360: {  	[tilespmem:v34+s28+$0x70 ss:$0x1] =	vst.idx.msk $0xffff, v3  }
0x361: {  	[tilespmem:v35+s28+$0x70 ss:$0x1] =	vst.idx.msk $0xffff, v51  }
0x362: {  	v35 =	vadd.s32 $0x1400, v50;
	[tilespmem:v60+s28+$0x70 ss:$0x1] =	vst.idx.msk $0xffff, v52  }
0x363: {  	v38 =	vadd.s32 $0x1480, v50;
	[tilespmem:v61+s28+$0x70 ss:$0x1] =	vst.idx.msk $0xffff, v53  }
0x364: {  	v45 =	vadd.s32 $0x1500, v50;
	[tilespmem:v16+s28+$0x70 ss:$0x1] =	vst.idx.msk $0xffff, v54  }
0x365: {  	v57 =	vadd.s32 $0x1580, v50;
	[tilespmem:v37+s28+$0x70 ss:$0x1] =	vst.idx.msk $0xffff, v55  }
0x366: {  	v58 =	vadd.s32 $0x1600, v50;
	[tilespmem:v39+s28+$0x70 ss:$0x1] =	vst.idx.msk $0xffff, v56  }
0x367: {  	v59 =	vadd.s32 $0x1680, v50;
	v0 =	vld.idx.msk [tilespmem:v35+s3+$0x0], $0xffff  }
0x368: {  	v60 =	vadd.s32 $0x1700, v50;
	v1 =	vld.idx.msk [tilespmem:v38+s3+$0x0], $0xffff  }
0x369: {  	v62 =	vadd.s32 $0x1800, v50;
	v2 =	vld.idx.msk [tilespmem:v45+s3+$0x0], $0xffff  }
0x36a: {  	v61 =	vadd.s32 $0x1780, v50;
	v3 =	vld.idx.msk [tilespmem:v57+s3+$0x0], $0xffff  }
0x36b: {  	v50 =	vadd.s32 $0x1880, v50;
	v51 =	vld.idx.msk [tilespmem:v58+s3+$0x0], $0xffff  }
0x36c: {  	v52 =	vld.idx.msk [tilespmem:v59+s3+$0x0], $0xffff  }
0x36d: {  	v53 =	vld.idx.msk [tilespmem:v60+s3+$0x0], $0xffff  }
0x36e: {  	v55 =	vld.idx.msk [tilespmem:v62+s3+$0x0], $0xffff  }
0x36f: {  	v54 =	vld.idx.msk [tilespmem:v61+s3+$0x0], $0xffff  }
0x370: {  	v50 =	vld.idx.msk [tilespmem:v50+s3+$0x0], $0xffff;
	[tilespmem:v48+s28+$0x70 ss:$0x1] =	vst.idx.msk $0xffff, v0  }
0x371: {  	[tilespmem:v36+s28+$0x70 ss:$0x1] =	vst.idx.msk $0xffff, v1  }
0x372: {  	[tilespmem:v40+s28+$0x70 ss:$0x1] =	vst.idx.msk $0xffff, v2  }
0x373: {  	[tilespmem:v41+s28+$0x70 ss:$0x1] =	vst.idx.msk $0xffff, v3  }
0x374: {  	p0 =	sne.s32 s26, $0x7;
	[tilespmem:v42+s28+$0x70 ss:$0x1] =	vst.idx.msk $0xffff, v51  }
.Ltmp0:
0x375: {  	[tilespmem:v43+s28+$0x70 ss:$0x1] =	vst.idx.msk $0xffff, v52;
	(pc) =	sbr.rel @p0 .LBB2_3-.Ltmp0, $4  }
0x376: {  	[tilespmem:v44+s28+$0x70 ss:$0x1] =	vst.idx.msk $0xffff, v53  }
0x377: {  	[tilespmem:v46+s28+$0x70 ss:$0x1] =	vst.idx.msk $0xffff, v54  }
0x378: {  	[tilespmem:v63+s28+$0x70 ss:$0x1] =	vst.idx.msk $0xffff, v55  }
0x379: {  	s26 =	sadd.s32 $0x1, s26;
	[tilespmem:v47+s28+$0x70 ss:$0x1] =	vst.idx.msk $0xffff, v50  }
0x37a: {  	s26 =	sadd.s32 s6, s21;
	s24 =	sadd.s32 $0x3, s24;
	p0 =	slt.s32 s21, $0x61  }
0x37b: {  	s31 =	sadd.s32 $0x1, s21;
	s26 =	sshll.u32 s26, $0x7;
	s21 =	simm.s32 @!p0 $0x61  }
0x37c: {  	p0 =	sne.s32 s31, $0x64;
	s26 =	sadd.s32 s7, s26;
	s21 =	sadd.s32 s21, s9  }
0x37d: {  	[hbm4b:s26+s14] =	stream.strided.scatter [tilespmem:s25], [sflag:s24], $0xC800, s15, s14, $0x38;
	[tilespmem:$0x1B100] =	vst v63  }
.Ltmp1:
0x37e: {  	s21 =	sshll.u32 s21, $0x7;
	(pc) =	sbr.rel @p0 .LBB2_2-.Ltmp1, $4  }
0x37f: {  	s21 =	sand.u32 $0x1FFFFF80, s21  }
0x380: {  	s21 =	sadd.s32 s2, s21  }
0x381: {  	[tilespmem:s23], [sflag:s22] =	stream.linear.gather [hbm4b:s21+s3], $0x400, $0x38;
	[tilespmem:$0x1B100] =	vst v63  }
0x382: {  	s21 =	smov.u32 s31  }
0x383: {  	_ =	swait.ge [sflag:s16], $0xC800  }
0x384: {  	[sflag:s16] =	ssyncset.done $0x0  }
0x385: {  	[sflag:s16] =	ssyncadd.s32 $0xFFFF3800  }
0x386: {  	_ =	swait.ge [sflag:s17], $0x400  }
0x387: {  	[sflag:s17] =	ssyncset.done $0x0  }
0x388: {  	s20 =	sadd.s32 $0x1, s20;
	[sflag:s17] =	ssyncadd.s32 $0xFFFFFC00  }
0x389: {  	p0 =	sne.s32 s20, s10;
	_ =	swait.ge [sflag:s18], $0xC800  }
.Ltmp2:
0x38a: {  	[sflag:s18] =	ssyncset.done $0x0;
	(pc) =	sbr.rel @p0 .LBB2_1-.Ltmp2, $4  }
0x38b: {  	[sflag:s18] =	ssyncadd.s32 $0xFFFF3800  }
0x38c: {  	_ =	swait.ge [sflag:s19], $0x400  }
0x38d: {  	[sflag:s19] =	ssyncset.done $0x0  }
0x38e: {  	[sflag:s19] =	ssyncadd.s32 $0xFFFFFC00  }
0x38f: {  	_ =	sfence.sel $0x180000  }
0x390: {  	[bflag:$0x0] =	sbarrier.arrive $0xFFFF  }
0x391: {  	p0 =	sne.s32 s0, $0x0;
	_ =	strace $0x90000047  }
0x392: {  	s0 =	sadd.s32 @!p0 $0x100000, s1;
	[bflag:$0x2] =	sbarrier.arrive $0xFFFF  }
0x393: {  	[sflag:s0] =	ssyncadd.tile.s32 @!p0 $0x1;
	_ =	shalt  }
.Lfunc_end2:
_tile_overlayer_lowered:
.L_overlay_start_2:
0x394: {  	(tag) =	ssettag $0x2  }
0x395: {  	s0 =	rddreg [dreg:$0x0];
	s2 =	stileid.u32  }
0x396: {  	s1 =	rddreg [dreg:$0x1];
	p0 =	sne.s32 s2, $0x0  }
0x397: {  	s3 =	rddreg [dreg:$0x2];
	[bflag:$0x3] =	sbarrier.arrive $0xFFFF;
	s2 =	simm.s32 @!p0 $0x1C06  }
0x398: {  	[timem:s3], [sflag:s2] =	dma.local @!p0 [hbm:s0], s1  }
0x399: {  	s0 =	simm.s32 @!p0 $0x6  }
0x39a: {  	_ =	swait.ge @!p0 [sflag:s0], s1  }
0x39b: {  	s1 =	ssub.s32 @!p0 $0x0, s1;
	[sflag:s0] =	ssyncset.done @!p0 $0x0  }
0x39c: {  	[sflag:s0] =	ssyncadd.s32 @!p0 s1  }
0x39d: {  	[bflag:$0x3] =	sbarrier.arrive $0xFFFF  }
0x39e: {  	_ =	shalt  }

</sc_bundles>
